<compile_context>
chip_gen: v7x
topology: tpu7x:2x2x1
jax: 0.10.2.dev20260603
libtpu: 0.0.44.dev20260713+nightly
codegen_flags: <defaults>
</compile_context>

<pallas_src>
import functools

import jax
import jax.numpy as jnp
from jax import lax
from jax.experimental import pallas as pl
from jax.experimental.pallas import tpu as pltpu
from jax.experimental.pallas import tpu_sc as plsc

N = 10000
D = 128
NPAD = 10112
NCORES = 2
NSUB = 16
NW = NCORES * NSUB
E_REAL = 320000 + N
B = 96
CHUNKS = 108
PER_W = CHUNKS * B
EPAD = PER_W * NW
DROWS = 160
ROWS_PER_TILE = NPAD // NSUB
RB = 1264
NB = NPAD // RB


def _edge_pass_body(heads, xl_hbm, xr_hbm, src_hbm, dst_hbm, att_hbm,
                    feat_hbm, den_hbm,
                    att_v, srcv, dstv, xlv, xrv, zv,
                    den_tile, idxA, idxB, acc, den_sh, sem1, sem2):
  c = lax.axis_index("c")
  s = lax.axis_index("s")
  wid = c * NSUB + s

  zero16 = jnp.zeros((16,), jnp.float32)
  lane = lax.iota(jnp.int32, 16)

  for i in range(8):
    for k in range(D // 16):
      zv[i, pl.ds(k * 16, 16)] = zero16
  base_r = s * ROWS_PER_TILE

  def zacc(j, _):
    pltpu.sync_copy(zv, acc.at[pl.ds(base_r + j * 8, 8)])
    return 0

  lax.fori_loop(0, ROWS_PER_TILE // 8, zacc, 0)

  def zden(r, _):
    for k in range(D // 16):
      den_tile[r, pl.ds(k * 16, 16)] = zero16
    return 0

  lax.fori_loop(0, DROWS, zden, 0)

  @pl.when(s == 0)
  def _():
    def zdsh(j, _):
      pltpu.sync_copy(zv, den_sh.at[pl.ds(j * 8, 8)])
      return 0
    lax.fori_loop(0, DROWS // 8, zdsh, 0)

  def ziota(j, _):
    idxA[pl.ds(j * 16, 16)] = lane + j * 16
    return 0

  lax.fori_loop(0, 8, ziota, 0)
  for j in range(2):
    idxB[pl.ds(j * 16, 16)] = lane + 128 + j * 16

  pltpu.sync_copy(att_hbm, att_v)
  plsc.subcore_barrier()

  def compute_half(lo):
    xl_b, xr_b = xlv, xrv

    @plsc.parallel_loop(lo, lo + B, unroll=4)
    def edge(e):
      xk = []
      t = []
      for k in range(8):
        xlk = xl_b[e, pl.ds(k * 16, 16)]
        a = xlk + xr_b[e, pl.ds(k * 16, 16)]
        l = jnp.maximum(a, 0.2 * a)
        xk.append(xlk)
        t.append(l * att_v[pl.ds(k * 16, 16)])
      if heads == 2:
        r0 = (t[0] + t[1]) + (t[2] + t[3])
        r1 = (t[4] + t[5]) + (t[6] + t[7])
        w0 = jnp.exp(jnp.full((16,), jnp.sum(r0), jnp.float32))
        w1 = jnp.exp(jnp.full((16,), jnp.sum(r1), jnp.float32))
        for k in range(4):
          xl_b[e, pl.ds(k * 16, 16)] = xk[k] * w0
        for k in range(4, 8):
          xl_b[e, pl.ds(k * 16, 16)] = xk[k] * w1
        denv = jnp.where(lane == 0, w0, jnp.where(lane == 1, w1, 0.0))
      else:
        r0 = ((t[0] + t[1]) + (t[2] + t[3])) + ((t[4] + t[5]) + (t[6] + t[7]))
        w0 = jnp.exp(jnp.full((16,), jnp.sum(r0), jnp.float32))
        for k in range(8):
          xl_b[e, pl.ds(k * 16, 16)] = xk[k] * w0
        denv = jnp.where(lane == 0, w0, 0.0)
      xr_b[e, pl.ds(0, 16)] = denv

  def scatter_and_den():
    pltpu.sync_copy(xlv, acc.at[dstv], add=True)

    def denupd(j, _):
      ids = lane + j * 16
      dvec = dstv[pl.ds(j * 16, 16)]
      f0 = dvec * 2
      w0v = plsc.load_gather(xrv, [ids, jnp.zeros((16,), jnp.int32)])
      plsc.addupdate_scatter(
          den_tile, [lax.shift_right_logical(f0, 7), f0 & 127], w0v)
      if heads == 2:
        f1 = f0 + 1
        w1v = plsc.load_gather(xrv, [ids, jnp.ones((16,), jnp.int32)])
        plsc.addupdate_scatter(
            den_tile, [lax.shift_right_logical(f1, 7), f1 & 127], w1v)
      return 0

    lax.fori_loop(0, B // 16, denupd, 0)

  def chunk(g, _):
    base = wid * PER_W + g * B
    c1 = pltpu.async_copy(src_hbm.at[pl.ds(base, B)], srcv, sem1)
    c2 = pltpu.async_copy(dst_hbm.at[pl.ds(base, B)], dstv, sem2)
    c1.wait()
    c3 = pltpu.async_copy(xl_hbm.at[srcv], xlv, sem1)
    c2.wait()
    c4 = pltpu.async_copy(xr_hbm.at[dstv], xrv, sem2)
    c3.wait()
    c4.wait()
    compute_half(0)
    scatter_and_den()
    return 0

  lax.fori_loop(0, CHUNKS, chunk, 0)

  plsc.subcore_barrier()
  pltpu.sync_copy(den_tile.at[pl.ds(0, 128)], den_sh.at[idxA], add=True)
  pltpu.sync_copy(den_tile.at[pl.ds(128, 32)], den_sh.at[idxB], add=True)
  plsc.subcore_barrier()

  pltpu.sync_copy(acc.at[pl.ds(base_r, ROWS_PER_TILE)],
                  feat_hbm.at[c, pl.ds(base_r, ROWS_PER_TILE)])

  @pl.when(s < DROWS // 16)
  def _():
    pltpu.sync_copy(den_sh.at[pl.ds(s * 16, 16)],
                    den_hbm.at[c, pl.ds(s * 16, 16)])


def _make_edge_pass(heads):
  mesh = plsc.VectorSubcoreMesh(core_axis_name="c", subcore_axis_name="s")
  return pl.kernel(
      functools.partial(_edge_pass_body, heads),
      out_type=(
          jax.ShapeDtypeStruct((NCORES, NPAD, D), jnp.float32),
          jax.ShapeDtypeStruct((NCORES, DROWS, D), jnp.float32),
      ),
      mesh=mesh,
      compiler_params=pltpu.CompilerParams(needs_layout_passes=False),
      scratch_types=[
          pltpu.VMEM((D,), jnp.float32),
          pltpu.VMEM((B,), jnp.int32),
          pltpu.VMEM((B,), jnp.int32),
          pltpu.VMEM((B, D), jnp.float32),
          pltpu.VMEM((B, D), jnp.float32),
          pltpu.VMEM((8, D), jnp.float32),
          pltpu.VMEM((DROWS, D), jnp.float32),
          pltpu.VMEM((128,), jnp.int32),
          pltpu.VMEM((32,), jnp.int32),
          pltpu.VMEM_SHARED((NPAD, D), jnp.float32),
          pltpu.VMEM_SHARED((DROWS, D), jnp.float32),
          pltpu.SemaphoreType.DMA,
          pltpu.SemaphoreType.DMA,
      ],
      name=f"gat_edge_pass_h{heads}",
  )


_edge_pass_h2 = _make_edge_pass(2)
_edge_pass_h1 = _make_edge_pass(1)


def _proj_body(x_ref, wl_ref, wr_ref, xl_ref, xr_ref):
  xb = x_ref[...]
  xl_ref[...] = jnp.dot(xb, wl_ref[...], preferred_element_type=jnp.float32)
  xr_ref[...] = jnp.dot(xb, wr_ref[...], preferred_element_type=jnp.float32)


_proj = pl.pallas_call(
    _proj_body,
    grid=(NB,),
    in_specs=[
        pl.BlockSpec((RB, D), lambda i: (i, 0)),
        pl.BlockSpec((D, D), lambda i: (0, 0)),
        pl.BlockSpec((D, D), lambda i: (0, 0)),
    ],
    out_specs=[
        pl.BlockSpec((RB, D), lambda i: (i, 0)),
        pl.BlockSpec((RB, D), lambda i: (i, 0)),
    ],
    out_shape=[
        jax.ShapeDtypeStruct((NPAD, D), jnp.float32),
        jax.ShapeDtypeStruct((NPAD, D), jnp.float32),
    ],
)


def _mid_body(feat_ref, den_ref, b1_ref, g1_ref, be1_ref, wl2_ref, wr2_ref,
              xl2_ref, xr2_ref):
  raw = feat_ref[0] + feat_ref[1]
  den = den_ref[0] + den_ref[1]
  denb = jnp.concatenate(
      [jnp.broadcast_to(den[:, 0:1], (RB, 64)),
       jnp.broadcast_to(den[:, 1:2], (RB, 64))], axis=1)
  out = raw / (denb + 1e-16) + b1_ref[...]
  m = jnp.mean(out, axis=1, keepdims=True)
  v = jnp.mean((out - m) ** 2, axis=1, keepdims=True)
  h = (out - m) / jnp.sqrt(v + 1e-5) * g1_ref[...] + be1_ref[...]
  h = jnp.where(h > 0, h, jnp.exp(h) - 1.0)
  xl2_ref[...] = jnp.dot(h, wl2_ref[...], preferred_element_type=jnp.float32)
  xr2_ref[...] = jnp.dot(h, wr2_ref[...], preferred_element_type=jnp.float32)


_mid = pl.pallas_call(
    _mid_body,
    grid=(NB,),
    in_specs=[
        pl.BlockSpec((NCORES, RB, D), lambda i: (0, i, 0)),
        pl.BlockSpec((NCORES, RB, 2), lambda i: (0, i, 0)),
        pl.BlockSpec((1, D), lambda i: (0, 0)),
        pl.BlockSpec((1, D), lambda i: (0, 0)),
        pl.BlockSpec((1, D), lambda i: (0, 0)),
        pl.BlockSpec((D, D), lambda i: (0, 0)),
        pl.BlockSpec((D, D), lambda i: (0, 0)),
    ],
    out_specs=[
        pl.BlockSpec((RB, D), lambda i: (i, 0)),
        pl.BlockSpec((RB, D), lambda i: (i, 0)),
    ],
    out_shape=[
        jax.ShapeDtypeStruct((NPAD, D), jnp.float32),
        jax.ShapeDtypeStruct((NPAD, D), jnp.float32),
    ],
)


def _fin_body(feat_ref, den_ref, b2_ref, node_ref, graph_ref):
  i = pl.program_id(0)
  raw = feat_ref[0] + feat_ref[1]
  den = den_ref[0][:, 0:1] + den_ref[1][:, 0:1]
  node = raw / (den + 1e-16) + b2_ref[...]
  node_ref[...] = node
  rows = i * RB + lax.broadcasted_iota(jnp.int32, (RB, 1), 0)
  blksum = jnp.sum(jnp.where(rows < N, node, 0.0), axis=0, keepdims=True)
  tot = jnp.where(i == 0, 0.0, graph_ref[...]) + blksum
  graph_ref[...] = jnp.where(i == NB - 1, tot * (1.0 / N), tot)


_fin = pl.pallas_call(
    _fin_body,
    grid=(NB,),
    in_specs=[
        pl.BlockSpec((NCORES, RB, D), lambda i: (0, i, 0)),
        pl.BlockSpec((NCORES, RB, 2), lambda i: (0, i, 0)),
        pl.BlockSpec((1, D), lambda i: (0, 0)),
    ],
    out_specs=[
        pl.BlockSpec((RB, D), lambda i: (i, 0)),
        pl.BlockSpec((1, D), lambda i: (0, 0)),
    ],
    out_shape=[
        jax.ShapeDtypeStruct((NPAD, D), jnp.float32),
        jax.ShapeDtypeStruct((1, D), jnp.float32),
    ],
)


def _den_nodes(den_raw):
  return den_raw.reshape(NCORES, DROWS * D)[:, :2 * NPAD].reshape(
      NCORES, NPAD, 2)


def kernel(x, edge_index, Wl1, Wr1, att1, b1, g1, be1, Wl2, Wr2, att2, b2):
  f32 = jnp.float32
  x_pad = jnp.zeros((NPAD, D), f32).at[:N].set(x)
  loops = jnp.arange(N, dtype=edge_index.dtype)
  fill = jnp.full((EPAD - E_REAL,), N, dtype=edge_index.dtype)
  src = jnp.concatenate([edge_index[0], loops, fill])
  dst = jnp.concatenate([edge_index[1], loops, fill])

  xl1, xr1 = _proj(x_pad, Wl1, Wr1)
  feat1, den1 = _edge_pass_h2(xl1, xr1, src, dst, att1.reshape(D))
  xl2, xr2 = _mid(feat1, _den_nodes(den1), b1.reshape(1, D), g1.reshape(1, D),
                  be1.reshape(1, D), Wl2, Wr2)
  feat2, den2 = _edge_pass_h1(xl2, xr2, src, dst, att2.reshape(D))
  node_pad, graph = _fin(feat2, _den_nodes(den2), b2.reshape(1, D))
  return node_pad[:N], graph

# --- scband reference (transcript-rebuilt; emitter-appended) ---
"""Pipeline reference for scband-dagtask-encoder-26431228740058 (READ-ONLY COPY).

The authoritative reference and input builder live on the scoring server;
editing this copy changes nothing except your own understanding.
"""

import jax, jax.numpy as jnp
import numpy as np

N_NODES = 10000
N_EDGES = 320000
D_IN = 128
HID = 64
HEADS = 2
D_OUT = 128


def setup_inputs(seed: int = 0) -> dict:
    key = jax.random.key(seed)
    ks = jax.random.split(key, 12)
    inp = {}
    inp["x"] = jax.random.normal(ks[0], (N_NODES, D_IN), dtype=jnp.float32)
    inp["edge_index"] = jax.random.randint(ks[1], (2, N_EDGES), 0, N_NODES, dtype=jnp.int32)
    # Layer 1: GATv2Conv(128 -> 64, heads=2, concat=True)
    s1 = 1.0 / np.sqrt(D_IN)
    inp["Wl1"] = jax.random.normal(ks[2], (D_IN, HEADS * HID), dtype=jnp.float32) * s1
    inp["Wr1"] = jax.random.normal(ks[3], (D_IN, HEADS * HID), dtype=jnp.float32) * s1
    inp["att1"] = jax.random.normal(ks[4], (HEADS, HID), dtype=jnp.float32) * (1.0 / np.sqrt(HID))
    inp["b1"] = jnp.zeros((HEADS * HID,), dtype=jnp.float32)
    # LayerNorm(128)
    inp["g1"] = jnp.ones((HEADS * HID,), dtype=jnp.float32)
    inp["be1"] = jnp.zeros((HEADS * HID,), dtype=jnp.float32)
    # Layer 2: GATv2Conv(128 -> 128, heads=1, concat=False)
    s2 = 1.0 / np.sqrt(HEADS * HID)
    inp["Wl2"] = jax.random.normal(ks[5], (HEADS * HID, D_OUT), dtype=jnp.float32) * s2
    inp["Wr2"] = jax.random.normal(ks[6], (HEADS * HID, D_OUT), dtype=jnp.float32) * s2
    inp["att2"] = jax.random.normal(ks[7], (1, D_OUT), dtype=jnp.float32) * (1.0 / np.sqrt(D_OUT))
    inp["b2"] = jnp.zeros((D_OUT,), dtype=jnp.float32)
    return inp


def _layer_norm(x, g, b, eps=1e-5):
    m = x.mean(axis=-1, keepdims=True)
    v = ((x - m) ** 2).mean(axis=-1, keepdims=True)
    return (x - m) / jnp.sqrt(v + eps) * g + b


def _gatv2_layer(x, src, dst, Wl, Wr, att, bias, heads, out_ch, concat, num_nodes):
    xl = (x @ Wl).reshape(num_nodes, heads, out_ch)
    xr = (x @ Wr).reshape(num_nodes, heads, out_ch)
    e = jax.nn.leaky_relu(xl[src] + xr[dst], negative_slope=0.2)  # [E,H,C]
    logits = (e * att[None, :, :]).sum(axis=-1)  # [E,H]
    m = jax.ops.segment_max(logits, dst, num_segments=num_nodes)
    exp = jnp.exp(logits - m[dst])
    den = jax.ops.segment_sum(exp, dst, num_segments=num_nodes)
    alpha = exp / (den[dst] + 1e-16)  # [E,H]
    out = jax.ops.segment_sum(xl[src] * alpha[..., None], dst, num_segments=num_nodes)
    if concat:
        out = out.reshape(num_nodes, heads * out_ch)
    else:
        out = out.mean(axis=1)
    return out + bias


def reference(x, edge_index, Wl1, Wr1, att1, b1, g1, be1, Wl2, Wr2, att2, b2):
    n = x.shape[0]
    loops = jnp.arange(n, dtype=edge_index.dtype)
    src = jnp.concatenate([edge_index[0], loops])  # PyG GATv2Conv add_self_loops=True
    dst = jnp.concatenate([edge_index[1], loops])
    h = _gatv2_layer(x, src, dst, Wl1, Wr1, att1, b1, HEADS, HID, True, n)
    h = _layer_norm(h, g1, be1)
    h = jax.nn.elu(h)
    # F.dropout(p=0.2) is identity in eval mode
    node_emb = _gatv2_layer(h, src, dst, Wl2, Wr2, att2, b2, 1, D_OUT, False, n)
    graph_emb = node_emb.mean(axis=0, keepdims=True)  # batch=None path
    return (node_emb, graph_emb)

if __name__ == "__main__":
    import jax
    _d = setup_inputs()
    print(jax.jit(kernel)(*tuple(_d.values())))

</pallas_src>

<mosaic_0001>
#map = affine_map<(d0, d1) -> (0, 0)>
#map1 = affine_map<(d0, d1) -> (0)>
#map2 = affine_map<(d0, d1) -> (0, 0, 0)>
module attributes {stable_mosaic.version = 14 : i64} {
  func.func @gat_edge_pass_h2(%arg0: i32, %arg1: i32, %arg2: memref<10112x128xf32, #tpu.memory_space<hbm>>, %arg3: memref<10112x128xf32, #tpu.memory_space<hbm>>, %arg4: memref<331776xi32, #tpu.memory_space<hbm>>, %arg5: memref<331776xi32, #tpu.memory_space<hbm>>, %arg6: memref<128xf32, #tpu.memory_space<hbm>>, %arg7: memref<2x10112x128xf32, #tpu.memory_space<hbm>>, %arg8: memref<2x160x128xf32, #tpu.memory_space<hbm>>, %arg9: memref<128xf32, #tpu.memory_space<vmem>>, %arg10: memref<96xi32, #tpu.memory_space<vmem>>, %arg11: memref<96xi32, #tpu.memory_space<vmem>>, %arg12: memref<96x128xf32, #tpu.memory_space<vmem>>, %arg13: memref<96x128xf32, #tpu.memory_space<vmem>>, %arg14: memref<8x128xf32, #tpu.memory_space<vmem>>, %arg15: memref<160x128xf32, #tpu.memory_space<vmem>>, %arg16: memref<128xi32, #tpu.memory_space<vmem>>, %arg17: memref<32xi32, #tpu.memory_space<vmem>>, %arg18: memref<10112x128xf32, #tpu.memory_space<vmem_shared>>, %arg19: memref<160x128xf32, #tpu.memory_space<vmem_shared>>, %arg20: memref<!tpu.dma_semaphore, #tpu.memory_space<semaphore_mem>>, %arg21: memref<!tpu.dma_semaphore, #tpu.memory_space<semaphore_mem>>) attributes {dimension_semantics = [#tpu.dimension_semantics<core_parallel>, #tpu.dimension_semantics<subcore_parallel>], iteration_bounds = array<i64: 2, 16>, scalar_prefetch = 0 : i64, scratch_operands = 13 : i64, tpu.core_type = #tpu.core_type<sc_vector_subcore>, window_params = [{transform_indices = #map}, {transform_indices = #map}, {transform_indices = #map1}, {transform_indices = #map1}, {transform_indices = #map1}, {transform_indices = #map2}, {transform_indices = #map2}]} {
    %mul3A = arith.constant 16 : i32
    %mul3A_0 = arith.muli %arg0, %mul3A : i32
    %add3A = arith.addi %mul3A_0, %arg1 : i32
    %broadcast_in_dim3A = arith.constant 0.000000e+00 : f32
    %broadcast_in_dim3A_1 = vector.broadcast %broadcast_in_dim3A : f32 to vector<16xf32>
    %iota3A = tpu.iota {dimensions = array<i32: 0>} : vector<16xi32>
    %swap3A = arith.constant 0 : i32
    %swap3A_2 = arith.index_cast %swap3A : i32 to index
    %swap3A_3 = arith.constant 0 : index
    %swap3A_4 = tpu.vector_load %arg14[%swap3A_2, %swap3A_3] {strides = array<i32>} : memref<8x128xf32, #tpu.memory_space<vmem>>, vector<16xf32>,
    tpu.vector_store %arg14[%swap3A_2, %swap3A_3], %broadcast_in_dim3A_1 {strides = array<i32>} : memref<8x128xf32, #tpu.memory_space<vmem>>, vector<16xf32>,
    %swap3A_5 = arith.constant 0 : i32
    %swap3A_6 = arith.index_cast %swap3A_5 : i32 to index
    %swap3A_7 = arith.constant 16 : index
    %swap3A_8 = tpu.vector_load %arg14[%swap3A_6, %swap3A_7] {strides = array<i32>} : memref<8x128xf32, #tpu.memory_space<vmem>>, vector<16xf32>,
    tpu.vector_store %arg14[%swap3A_6, %swap3A_7], %broadcast_in_dim3A_1 {strides = array<i32>} : memref<8x128xf32, #tpu.memory_space<vmem>>, vector<16xf32>,
    %swap3A_9 = arith.constant 0 : i32
    %swap3A_10 = arith.index_cast %swap3A_9 : i32 to index
    %swap3A_11 = arith.constant 32 : index
    %swap3A_12 = tpu.vector_load %arg14[%swap3A_10, %swap3A_11] {strides = array<i32>} : memref<8x128xf32, #tpu.memory_space<vmem>>, vector<16xf32>,
    tpu.vector_store %arg14[%swap3A_10, %swap3A_11], %broadcast_in_dim3A_1 {strides = array<i32>} : memref<8x128xf32, #tpu.memory_space<vmem>>, vector<16xf32>,
    %swap3A_13 = arith.constant 0 : i32
    %swap3A_14 = arith.index_cast %swap3A_13 : i32 to index
    %swap3A_15 = arith.constant 48 : index
    %swap3A_16 = tpu.vector_load %arg14[%swap3A_14, %swap3A_15] {strides = array<i32>} : memref<8x128xf32, #tpu.memory_space<vmem>>, vector<16xf32>,
    tpu.vector_store %arg14[%swap3A_14, %swap3A_15], %broadcast_in_dim3A_1 {strides = array<i32>} : memref<8x128xf32, #tpu.memory_space<vmem>>, vector<16xf32>,
    %swap3A_17 = arith.constant 0 : i32
    %swap3A_18 = arith.index_cast %swap3A_17 : i32 to index
    %swap3A_19 = arith.constant 64 : index
    %swap3A_20 = tpu.vector_load %arg14[%swap3A_18, %swap3A_19] {strides = array<i32>} : memref<8x128xf32, #tpu.memory_space<vmem>>, vector<16xf32>,
    tpu.vector_store %arg14[%swap3A_18, %swap3A_19], %broadcast_in_dim3A_1 {strides = array<i32>} : memref<8x128xf32, #tpu.memory_space<vmem>>, vector<16xf32>,
    %swap3A_21 = arith.constant 0 : i32
    %swap3A_22 = arith.index_cast %swap3A_21 : i32 to index
    %swap3A_23 = arith.constant 80 : index
    %swap3A_24 = tpu.vector_load %arg14[%swap3A_22, %swap3A_23] {strides = array<i32>} : memref<8x128xf32, #tpu.memory_space<vmem>>, vector<16xf32>,
    tpu.vector_store %arg14[%swap3A_22, %swap3A_23], %broadcast_in_dim3A_1 {strides = array<i32>} : memref<8x128xf32, #tpu.memory_space<vmem>>, vector<16xf32>,
    %swap3A_25 = arith.constant 0 : i32
    %swap3A_26 = arith.index_cast %swap3A_25 : i32 to index
    %swap3A_27 = arith.constant 96 : index
    %swap3A_28 = tpu.vector_load %arg14[%swap3A_26, %swap3A_27] {strides = array<i32>} : memref<8x128xf32, #tpu.memory_space<vmem>>, vector<16xf32>,
    tpu.vector_store %arg14[%swap3A_26, %swap3A_27], %broadcast_in_dim3A_1 {strides = array<i32>} : memref<8x128xf32, #tpu.memory_space<vmem>>, vector<16xf32>,
    %swap3A_29 = arith.constant 0 : i32
    %swap3A_30 = arith.index_cast %swap3A_29 : i32 to index
    %swap3A_31 = arith.constant 112 : index
    %swap3A_32 = tpu.vector_load %arg14[%swap3A_30, %swap3A_31] {strides = array<i32>} : memref<8x128xf32, #tpu.memory_space<vmem>>, vector<16xf32>,
    tpu.vector_store %arg14[%swap3A_30, %swap3A_31], %broadcast_in_dim3A_1 {strides = array<i32>} : memref<8x128xf32, #tpu.memory_space<vmem>>, vector<16xf32>,
    %swap3A_33 = arith.constant 1 : i32
    %swap3A_34 = arith.index_cast %swap3A_33 : i32 to index
    %swap3A_35 = arith.constant 0 : index
    %swap3A_36 = tpu.vector_load %arg14[%swap3A_34, %swap3A_35] {strides = array<i32>} : memref<8x128xf32, #tpu.memory_space<vmem>>, vector<16xf32>,
    tpu.vector_store %arg14[%swap3A_34, %swap3A_35], %broadcast_in_dim3A_1 {strides = array<i32>} : memref<8x128xf32, #tpu.memory_space<vmem>>, vector<16xf32>,
    %swap3A_37 = arith.constant 1 : i32
    %swap3A_38 = arith.index_cast %swap3A_37 : i32 to index
    %swap3A_39 = arith.constant 16 : index
    %swap3A_40 = tpu.vector_load %arg14[%swap3A_38, %swap3A_39] {strides = array<i32>} : memref<8x128xf32, #tpu.memory_space<vmem>>, vector<16xf32>,
    tpu.vector_store %arg14[%swap3A_38, %swap3A_39], %broadcast_in_dim3A_1 {strides = array<i32>} : memref<8x128xf32, #tpu.memory_space<vmem>>, vector<16xf32>,
    %swap3A_41 = arith.constant 1 : i32
    %swap3A_42 = arith.index_cast %swap3A_41 : i32 to index
    %swap3A_43 = arith.constant 32 : index
    %swap3A_44 = tpu.vector_load %arg14[%swap3A_42, %swap3A_43] {strides = array<i32>} : memref<8x128xf32, #tpu.memory_space<vmem>>, vector<16xf32>,
    tpu.vector_store %arg14[%swap3A_42, %swap3A_43], %broadcast_in_dim3A_1 {strides = array<i32>} : memref<8x128xf32, #tpu.memory_space<vmem>>, vector<16xf32>,
    %swap3A_45 = arith.constant 1 : i32
    %swap3A_46 = arith.index_cast %swap3A_45 : i32 to index
    %swap3A_47 = arith.constant 48 : index
    %swap3A_48 = tpu.vector_load %arg14[%swap3A_46, %swap3A_47] {strides = array<i32>} : memref<8x128xf32, #tpu.memory_space<vmem>>, vector<16xf32>,
    tpu.vector_store %arg14[%swap3A_46, %swap3A_47], %broadcast_in_dim3A_1 {strides = array<i32>} : memref<8x128xf32, #tpu.memory_space<vmem>>, vector<16xf32>,
    %swap3A_49 = arith.constant 1 : i32
    %swap3A_50 = arith.index_cast %swap3A_49 : i32 to index
    %swap3A_51 = arith.constant 64 : index
    %swap3A_52 = tpu.vector_load %arg14[%swap3A_50, %swap3A_51] {strides = array<i32>} : memref<8x128xf32, #tpu.memory_space<vmem>>, vector<16xf32>,
    tpu.vector_store %arg14[%swap3A_50, %swap3A_51], %broadcast_in_dim3A_1 {strides = array<i32>} : memref<8x128xf32, #tpu.memory_space<vmem>>, vector<16xf32>,
    %swap3A_53 = arith.constant 1 : i32
    %swap3A_54 = arith.index_cast %swap3A_53 : i32 to index
    %swap3A_55 = arith.constant 80 : index
    %swap3A_56 = tpu.vector_load %arg14[%swap3A_54, %swap3A_55] {strides = array<i32>} : memref<8x128xf32, #tpu.memory_space<vmem>>, vector<16xf32>,
    tpu.vector_store %arg14[%swap3A_54, %swap3A_55], %broadcast_in_dim3A_1 {strides = array<i32>} : memref<8x128xf32, #tpu.memory_space<vmem>>, vector<16xf32>,
    %swap3A_57 = arith.constant 1 : i32
    %swap3A_58 = arith.index_cast %swap3A_57 : i32 to index
    %swap3A_59 = arith.constant 96 : index
    %swap3A_60 = tpu.vector_load %arg14[%swap3A_58, %swap3A_59] {strides = array<i32>} : memref<8x128xf32, #tpu.memory_space<vmem>>, vector<16xf32>,
    tpu.vector_store %arg14[%swap3A_58, %swap3A_59], %broadcast_in_dim3A_1 {strides = array<i32>} : memref<8x128xf32, #tpu.memory_space<vmem>>, vector<16xf32>,
    %swap3A_61 = arith.constant 1 : i32
    %swap3A_62 = arith.index_cast %swap3A_61 : i32 to index
    %swap3A_63 = arith.constant 112 : index
    %swap3A_64 = tpu.vector_load %arg14[%swap3A_62, %swap3A_63] {strides = array<i32>} : memref<8x128xf32, #tpu.memory_space<vmem>>, vector<16xf32>,
    tpu.vector_store %arg14[%swap3A_62, %swap3A_63], %broadcast_in_dim3A_1 {strides = array<i32>} : memref<8x128xf32, #tpu.memory_space<vmem>>, vector<16xf32>,
    %swap3A_65 = arith.constant 2 : i32
    %swap3A_66 = arith.index_cast %swap3A_65 : i32 to index
    %swap3A_67 = arith.constant 0 : index
    %swap3A_68 = tpu.vector_load %arg14[%swap3A_66, %swap3A_67] {strides = array<i32>} : memref<8x128xf32, #tpu.memory_space<vmem>>, vector<16xf32>,
    tpu.vector_store %arg14[%swap3A_66, %swap3A_67], %broadcast_in_dim3A_1 {strides = array<i32>} : memref<8x128xf32, #tpu.memory_space<vmem>>, vector<16xf32>,
    %swap3A_69 = arith.constant 2 : i32
    %swap3A_70 = arith.index_cast %swap3A_69 : i32 to index
    %swap3A_71 = arith.constant 16 : index
    %swap3A_72 = tpu.vector_load %arg14[%swap3A_70, %swap3A_71] {strides = array<i32>} : memref<8x128xf32, #tpu.memory_space<vmem>>, vector<16xf32>,
    tpu.vector_store %arg14[%swap3A_70, %swap3A_71], %broadcast_in_dim3A_1 {strides = array<i32>} : memref<8x128xf32, #tpu.memory_space<vmem>>, vector<16xf32>,
    %swap3A_73 = arith.constant 2 : i32
    %swap3A_74 = arith.index_cast %swap3A_73 : i32 to index
    %swap3A_75 = arith.constant 32 : index
    %swap3A_76 = tpu.vector_load %arg14[%swap3A_74, %swap3A_75] {strides = array<i32>} : memref<8x128xf32, #tpu.memory_space<vmem>>, vector<16xf32>,
    tpu.vector_store %arg14[%swap3A_74, %swap3A_75], %broadcast_in_dim3A_1 {strides = array<i32>} : memref<8x128xf32, #tpu.memory_space<vmem>>, vector<16xf32>,
    %swap3A_77 = arith.constant 2 : i32
    %swap3A_78 = arith.index_cast %swap3A_77 : i32 to index
    %swap3A_79 = arith.constant 48 : index
    %swap3A_80 = tpu.vector_load %arg14[%swap3A_78, %swap3A_79] {strides = array<i32>} : memref<8x128xf32, #tpu.memory_space<vmem>>, vector<16xf32>,
    tpu.vector_store %arg14[%swap3A_78, %swap3A_79], %broadcast_in_dim3A_1 {strides = array<i32>} : memref<8x128xf32, #tpu.memory_space<vmem>>, vector<16xf32>,
    %swap3A_81 = arith.constant 2 : i32
    %swap3A_82 = arith.index_cast %swap3A_81 : i32 to index
    %swap3A_83 = arith.constant 64 : index
    %swap3A_84 = tpu.vector_load %arg14[%swap3A_82, %swap3A_83] {strides = array<i32>} : memref<8x128xf32, #tpu.memory_space<vmem>>, vector<16xf32>,
    tpu.vector_store %arg14[%swap3A_82, %swap3A_83], %broadcast_in_dim3A_1 {strides = array<i32>} : memref<8x128xf32, #tpu.memory_space<vmem>>, vector<16xf32>,
    %swap3A_85 = arith.constant 2 : i32
    %swap3A_86 = arith.index_cast %swap3A_85 : i32 to index
    %swap3A_87 = arith.constant 80 : index
    %swap3A_88 = tpu.vector_load %arg14[%swap3A_86, %swap3A_87] {strides = array<i32>} : memref<8x128xf32, #tpu.memory_space<vmem>>, vector<16xf32>,
    tpu.vector_store %arg14[%swap3A_86, %swap3A_87], %broadcast_in_dim3A_1 {strides = array<i32>} : memref<8x128xf32, #tpu.memory_space<vmem>>, vector<16xf32>,
    %swap3A_89 = arith.constant 2 : i32
    %swap3A_90 = arith.index_cast %swap3A_89 : i32 to index
    %swap3A_91 = arith.constant 96 : index
    %swap3A_92 = tpu.vector_load %arg14[%swap3A_90, %swap3A_91] {strides = array<i32>} : memref<8x128xf32, #tpu.memory_space<vmem>>, vector<16xf32>,
    tpu.vector_store %arg14[%swap3A_90, %swap3A_91], %broadcast_in_dim3A_1 {strides = array<i32>} : memref<8x128xf32, #tpu.memory_space<vmem>>, vector<16xf32>,
    %swap3A_93 = arith.constant 2 : i32
    %swap3A_94 = arith.index_cast %swap3A_93 : i32 to index
    %swap3A_95 = arith.constant 112 : index
    %swap3A_96 = tpu.vector_load %arg14[%swap3A_94, %swap3A_95] {strides = array<i32>} : memref<8x128xf32, #tpu.memory_space<vmem>>, vector<16xf32>,
    tpu.vector_store %arg14[%swap3A_94, %swap3A_95], %broadcast_in_dim3A_1 {strides = array<i32>} : memref<8x128xf32, #tpu.memory_space<vmem>>, vector<16xf32>,
    %swap3A_97 = arith.constant 3 : i32
    %swap3A_98 = arith.index_cast %swap3A_97 : i32 to index
    %swap3A_99 = arith.constant 0 : index
    %swap3A_100 = tpu.vector_load %arg14[%swap3A_98, %swap3A_99] {strides = array<i32>} : memref<8x128xf32, #tpu.memory_space<vmem>>, vector<16xf32>,
    tpu.vector_store %arg14[%swap3A_98, %swap3A_99], %broadcast_in_dim3A_1 {strides = array<i32>} : memref<8x128xf32, #tpu.memory_space<vmem>>, vector<16xf32>,
    %swap3A_101 = arith.constant 3 : i32
    %swap3A_102 = arith.index_cast %swap3A_101 : i32 to index
    %swap3A_103 = arith.constant 16 : index
    %swap3A_104 = tpu.vector_load %arg14[%swap3A_102, %swap3A_103] {strides = array<i32>} : memref<8x128xf32, #tpu.memory_space<vmem>>, vector<16xf32>,
    tpu.vector_store %arg14[%swap3A_102, %swap3A_103], %broadcast_in_dim3A_1 {strides = array<i32>} : memref<8x128xf32, #tpu.memory_space<vmem>>, vector<16xf32>,
    %swap3A_105 = arith.constant 3 : i32
    %swap3A_106 = arith.index_cast %swap3A_105 : i32 to index
    %swap3A_107 = arith.constant 32 : index
    %swap3A_108 = tpu.vector_load %arg14[%swap3A_106, %swap3A_107] {strides = array<i32>} : memref<8x128xf32, #tpu.memory_space<vmem>>, vector<16xf32>,
    tpu.vector_store %arg14[%swap3A_106, %swap3A_107], %broadcast_in_dim3A_1 {strides = array<i32>} : memref<8x128xf32, #tpu.memory_space<vmem>>, vector<16xf32>,
    %swap3A_109 = arith.constant 3 : i32
    %swap3A_110 = arith.index_cast %swap3A_109 : i32 to index
    %swap3A_111 = arith.constant 48 : index
    %swap3A_112 = tpu.vector_load %arg14[%swap3A_110, %swap3A_111] {strides = array<i32>} : memref<8x128xf32, #tpu.memory_space<vmem>>, vector<16xf32>,
    tpu.vector_store %arg14[%swap3A_110, %swap3A_111], %broadcast_in_dim3A_1 {strides = array<i32>} : memref<8x128xf32, #tpu.memory_space<vmem>>, vector<16xf32>,
    %swap3A_113 = arith.constant 3 : i32
    %swap3A_114 = arith.index_cast %swap3A_113 : i32 to index
    %swap3A_115 = arith.constant 64 : index
    %swap3A_116 = tpu.vector_load %arg14[%swap3A_114, %swap3A_115] {strides = array<i32>} : memref<8x128xf32, #tpu.memory_space<vmem>>, vector<16xf32>,
    tpu.vector_store %arg14[%swap3A_114, %swap3A_115], %broadcast_in_dim3A_1 {strides = array<i32>} : memref<8x128xf32, #tpu.memory_space<vmem>>, vector<16xf32>,
    %swap3A_117 = arith.constant 3 : i32
    %swap3A_118 = arith.index_cast %swap3A_117 : i32 to index
    %swap3A_119 = arith.constant 80 : index
    %swap3A_120 = tpu.vector_load %arg14[%swap3A_118, %swap3A_119] {strides = array<i32>} : memref<8x128xf32, #tpu.memory_space<vmem>>, vector<16xf32>,
    tpu.vector_store %arg14[%swap3A_118, %swap3A_119], %broadcast_in_dim3A_1 {strides = array<i32>} : memref<8x128xf32, #tpu.memory_space<vmem>>, vector<16xf32>,
    %swap3A_121 = arith.constant 3 : i32
    %swap3A_122 = arith.index_cast %swap3A_121 : i32 to index
    %swap3A_123 = arith.constant 96 : index
    %swap3A_124 = tpu.vector_load %arg14[%swap3A_122, %swap3A_123] {strides = array<i32>} : memref<8x128xf32, #tpu.memory_space<vmem>>, vector<16xf32>,
    tpu.vector_store %arg14[%swap3A_122, %swap3A_123], %broadcast_in_dim3A_1 {strides = array<i32>} : memref<8x128xf32, #tpu.memory_space<vmem>>, vector<16xf32>,
    %swap3A_125 = arith.constant 3 : i32
    %swap3A_126 = arith.index_cast %swap3A_125 : i32 to index
    %swap3A_127 = arith.constant 112 : index
    %swap3A_128 = tpu.vector_load %arg14[%swap3A_126, %swap3A_127] {strides = array<i32>} : memref<8x128xf32, #tpu.memory_space<vmem>>, vector<16xf32>,
    tpu.vector_store %arg14[%swap3A_126, %swap3A_127], %broadcast_in_dim3A_1 {strides = array<i32>} : memref<8x128xf32, #tpu.memory_space<vmem>>, vector<16xf32>,
    %swap3A_129 = arith.constant 4 : i32
    %swap3A_130 = arith.index_cast %swap3A_129 : i32 to index
    %swap3A_131 = arith.constant 0 : index
    %swap3A_132 = tpu.vector_load %arg14[%swap3A_130, %swap3A_131] {strides = array<i32>} : memref<8x128xf32, #tpu.memory_space<vmem>>, vector<16xf32>,
    tpu.vector_store %arg14[%swap3A_130, %swap3A_131], %broadcast_in_dim3A_1 {strides = array<i32>} : memref<8x128xf32, #tpu.memory_space<vmem>>, vector<16xf32>,
    %swap3A_133 = arith.constant 4 : i32
    %swap3A_134 = arith.index_cast %swap3A_133 : i32 to index
    %swap3A_135 = arith.constant 16 : index
    %swap3A_136 = tpu.vector_load %arg14[%swap3A_134, %swap3A_135] {strides = array<i32>} : memref<8x128xf32, #tpu.memory_space<vmem>>, vector<16xf32>,
    tpu.vector_store %arg14[%swap3A_134, %swap3A_135], %broadcast_in_dim3A_1 {strides = array<i32>} : memref<8x128xf32, #tpu.memory_space<vmem>>, vector<16xf32>,
    %swap3A_137 = arith.constant 4 : i32
    %swap3A_138 = arith.index_cast %swap3A_137 : i32 to index
    %swap3A_139 = arith.constant 32 : index
    %swap3A_140 = tpu.vector_load %arg14[%swap3A_138, %swap3A_139] {strides = array<i32>} : memref<8x128xf32, #tpu.memory_space<vmem>>, vector<16xf32>,
    tpu.vector_store %arg14[%swap3A_138, %swap3A_139], %broadcast_in_dim3A_1 {strides = array<i32>} : memref<8x128xf32, #tpu.memory_space<vmem>>, vector<16xf32>,
    %swap3A_141 = arith.constant 4 : i32
    %swap3A_142 = arith.index_cast %swap3A_141 : i32 to index
    %swap3A_143 = arith.constant 48 : index
    %swap3A_144 = tpu.vector_load %arg14[%swap3A_142, %swap3A_143] {strides = array<i32>} : memref<8x128xf32, #tpu.memory_space<vmem>>, vector<16xf32>,
    tpu.vector_store %arg14[%swap3A_142, %swap3A_143], %broadcast_in_dim3A_1 {strides = array<i32>} : memref<8x128xf32, #tpu.memory_space<vmem>>, vector<16xf32>,
    %swap3A_145 = arith.constant 4 : i32
    %swap3A_146 = arith.index_cast %swap3A_145 : i32 to index
    %swap3A_147 = arith.constant 64 : index
    %swap3A_148 = tpu.vector_load %arg14[%swap3A_146, %swap3A_147] {strides = array<i32>} : memref<8x128xf32, #tpu.memory_space<vmem>>, vector<16xf32>,
    tpu.vector_store %arg14[%swap3A_146, %swap3A_147], %broadcast_in_dim3A_1 {strides = array<i32>} : memref<8x128xf32, #tpu.memory_space<vmem>>, vector<16xf32>,
    %swap3A_149 = arith.constant 4 : i32
    %swap3A_150 = arith.index_cast %swap3A_149 : i32 to index
    %swap3A_151 = arith.constant 80 : index
    %swap3A_152 = tpu.vector_load %arg14[%swap3A_150, %swap3A_151] {strides = array<i32>} : memref<8x128xf32, #tpu.memory_space<vmem>>, vector<16xf32>,
    tpu.vector_store %arg14[%swap3A_150, %swap3A_151], %broadcast_in_dim3A_1 {strides = array<i32>} : memref<8x128xf32, #tpu.memory_space<vmem>>, vector<16xf32>,
    %swap3A_153 = arith.constant 4 : i32
    %swap3A_154 = arith.index_cast %swap3A_153 : i32 to index
    %swap3A_155 = arith.constant 96 : index
    %swap3A_156 = tpu.vector_load %arg14[%swap3A_154, %swap3A_155] {strides = array<i32>} : memref<8x128xf32, #tpu.memory_space<vmem>>, vector<16xf32>,
    tpu.vector_store %arg14[%swap3A_154, %swap3A_155], %broadcast_in_dim3A_1 {strides = array<i32>} : memref<8x128xf32, #tpu.memory_space<vmem>>, vector<16xf32>,
    %swap3A_157 = arith.constant 4 : i32
    %swap3A_158 = arith.index_cast %swap3A_157 : i32 to index
    %swap3A_159 = arith.constant 112 : index
    %swap3A_160 = tpu.vector_load %arg14[%swap3A_158, %swap3A_159] {strides = array<i32>} : memref<8x128xf32, #tpu.memory_space<vmem>>, vector<16xf32>,
    tpu.vector_store %arg14[%swap3A_158, %swap3A_159], %broadcast_in_dim3A_1 {strides = array<i32>} : memref<8x128xf32, #tpu.memory_space<vmem>>, vector<16xf32>,
    %swap3A_161 = arith.constant 5 : i32
    %swap3A_162 = arith.index_cast %swap3A_161 : i32 to index
    %swap3A_163 = arith.constant 0 : index
    %swap3A_164 = tpu.vector_load %arg14[%swap3A_162, %swap3A_163] {strides = array<i32>} : memref<8x128xf32, #tpu.memory_space<vmem>>, vector<16xf32>,
    tpu.vector_store %arg14[%swap3A_162, %swap3A_163], %broadcast_in_dim3A_1 {strides = array<i32>} : memref<8x128xf32, #tpu.memory_space<vmem>>, vector<16xf32>,
    %swap3A_165 = arith.constant 5 : i32
    %swap3A_166 = arith.index_cast %swap3A_165 : i32 to index
    %swap3A_167 = arith.constant 16 : index
    %swap3A_168 = tpu.vector_load %arg14[%swap3A_166, %swap3A_167] {strides = array<i32>} : memref<8x128xf32, #tpu.memory_space<vmem>>, vector<16xf32>,
    tpu.vector_store %arg14[%swap3A_166, %swap3A_167], %broadcast_in_dim3A_1 {strides = array<i32>} : memref<8x128xf32, #tpu.memory_space<vmem>>, vector<16xf32>,
    %swap3A_169 = arith.constant 5 : i32
    %swap3A_170 = arith.index_cast %swap3A_169 : i32 to index
    %swap3A_171 = arith.constant 32 : index
    %swap3A_172 = tpu.vector_load %arg14[%swap3A_170, %swap3A_171] {strides = array<i32>} : memref<8x128xf32, #tpu.memory_space<vmem>>, vector<16xf32>,
    tpu.vector_store %arg14[%swap3A_170, %swap3A_171], %broadcast_in_dim3A_1 {strides = array<i32>} : memref<8x128xf32, #tpu.memory_space<vmem>>, vector<16xf32>,
    %swap3A_173 = arith.constant 5 : i32
    %swap3A_174 = arith.index_cast %swap3A_173 : i32 to index
    %swap3A_175 = arith.constant 48 : index
    %swap3A_176 = tpu.vector_load %arg14[%swap3A_174, %swap3A_175] {strides = array<i32>} : memref<8x128xf32, #tpu.memory_space<vmem>>, vector<16xf32>,
    tpu.vector_store %arg14[%swap3A_174, %swap3A_175], %broadcast_in_dim3A_1 {strides = array<i32>} : memref<8x128xf32, #tpu.memory_space<vmem>>, vector<16xf32>,
    %swap3A_177 = arith.constant 5 : i32
    %swap3A_178 = arith.index_cast %swap3A_177 : i32 to index
    %swap3A_179 = arith.constant 64 : index
    %swap3A_180 = tpu.vector_load %arg14[%swap3A_178, %swap3A_179] {strides = array<i32>} : memref<8x128xf32, #tpu.memory_space<vmem>>, vector<16xf32>,
    tpu.vector_store %arg14[%swap3A_178, %swap3A_179], %broadcast_in_dim3A_1 {strides = array<i32>} : memref<8x128xf32, #tpu.memory_space<vmem>>, vector<16xf32>,
    %swap3A_181 = arith.constant 5 : i32
    %swap3A_182 = arith.index_cast %swap3A_181 : i32 to index
    %swap3A_183 = arith.constant 80 : index
    %swap3A_184 = tpu.vector_load %arg14[%swap3A_182, %swap3A_183] {strides = array<i32>} : memref<8x128xf32, #tpu.memory_space<vmem>>, vector<16xf32>,
    tpu.vector_store %arg14[%swap3A_182, %swap3A_183], %broadcast_in_dim3A_1 {strides = array<i32>} : memref<8x128xf32, #tpu.memory_space<vmem>>, vector<16xf32>,
    %swap3A_185 = arith.constant 5 : i32
    %swap3A_186 = arith.index_cast %swap3A_185 : i32 to index
    %swap3A_187 = arith.constant 96 : index
    %swap3A_188 = tpu.vector_load %arg14[%swap3A_186, %swap3A_187] {strides = array<i32>} : memref<8x128xf32, #tpu.memory_space<vmem>>, vector<16xf32>,
    tpu.vector_store %arg14[%swap3A_186, %swap3A_187], %broadcast_in_dim3A_1 {strides = array<i32>} : memref<8x128xf32, #tpu.memory_space<vmem>>, vector<16xf32>,
    %swap3A_189 = arith.constant 5 : i32
    %swap3A_190 = arith.index_cast %swap3A_189 : i32 to index
    %swap3A_191 = arith.constant 112 : index
    %swap3A_192 = tpu.vector_load %arg14[%swap3A_190, %swap3A_191] {strides = array<i32>} : memref<8x128xf32, #tpu.memory_space<vmem>>, vector<16xf32>,
    tpu.vector_store %arg14[%swap3A_190, %swap3A_191], %broadcast_in_dim3A_1 {strides = array<i32>} : memref<8x128xf32, #tpu.memory_space<vmem>>, vector<16xf32>,
    %swap3A_193 = arith.constant 6 : i32
    %swap3A_194 = arith.index_cast %swap3A_193 : i32 to index
    %swap3A_195 = arith.constant 0 : index
    %swap3A_196 = tpu.vector_load %arg14[%swap3A_194, %swap3A_195] {strides = array<i32>} : memref<8x128xf32, #tpu.memory_space<vmem>>, vector<16xf32>,
    tpu.vector_store %arg14[%swap3A_194, %swap3A_195], %broadcast_in_dim3A_1 {strides = array<i32>} : memref<8x128xf32, #tpu.memory_space<vmem>>, vector<16xf32>,
    %swap3A_197 = arith.constant 6 : i32
    %swap3A_198 = arith.index_cast %swap3A_197 : i32 to index
    %swap3A_199 = arith.constant 16 : index
    %swap3A_200 = tpu.vector_load %arg14[%swap3A_198, %swap3A_199] {strides = array<i32>} : memref<8x128xf32, #tpu.memory_space<vmem>>, vector<16xf32>,
    tpu.vector_store %arg14[%swap3A_198, %swap3A_199], %broadcast_in_dim3A_1 {strides = array<i32>} : memref<8x128xf32, #tpu.memory_space<vmem>>, vector<16xf32>,
    %swap3A_201 = arith.constant 6 : i32
    %swap3A_202 = arith.index_cast %swap3A_201 : i32 to index
    %swap3A_203 = arith.constant 32 : index
    %swap3A_204 = tpu.vector_load %arg14[%swap3A_202, %swap3A_203] {strides = array<i32>} : memref<8x128xf32, #tpu.memory_space<vmem>>, vector<16xf32>,
    tpu.vector_store %arg14[%swap3A_202, %swap3A_203], %broadcast_in_dim3A_1 {strides = array<i32>} : memref<8x128xf32, #tpu.memory_space<vmem>>, vector<16xf32>,
    %swap3A_205 = arith.constant 6 : i32
    %swap3A_206 = arith.index_cast %swap3A_205 : i32 to index
    %swap3A_207 = arith.constant 48 : index
    %swap3A_208 = tpu.vector_load %arg14[%swap3A_206, %swap3A_207] {strides = array<i32>} : memref<8x128xf32, #tpu.memory_space<vmem>>, vector<16xf32>,
    tpu.vector_store %arg14[%swap3A_206, %swap3A_207], %broadcast_in_dim3A_1 {strides = array<i32>} : memref<8x128xf32, #tpu.memory_space<vmem>>, vector<16xf32>,
    %swap3A_209 = arith.constant 6 : i32
    %swap3A_210 = arith.index_cast %swap3A_209 : i32 to index
    %swap3A_211 = arith.constant 64 : index
    %swap3A_212 = tpu.vector_load %arg14[%swap3A_210, %swap3A_211] {strides = array<i32>} : memref<8x128xf32, #tpu.memory_space<vmem>>, vector<16xf32>,
    tpu.vector_store %arg14[%swap3A_210, %swap3A_211], %broadcast_in_dim3A_1 {strides = array<i32>} : memref<8x128xf32, #tpu.memory_space<vmem>>, vector<16xf32>,
    %swap3A_213 = arith.constant 6 : i32
    %swap3A_214 = arith.index_cast %swap3A_213 : i32 to index
    %swap3A_215 = arith.constant 80 : index
    %swap3A_216 = tpu.vector_load %arg14[%swap3A_214, %swap3A_215] {strides = array<i32>} : memref<8x128xf32, #tpu.memory_space<vmem>>, vector<16xf32>,
    tpu.vector_store %arg14[%swap3A_214, %swap3A_215], %broadcast_in_dim3A_1 {strides = array<i32>} : memref<8x128xf32, #tpu.memory_space<vmem>>, vector<16xf32>,
    %swap3A_217 = arith.constant 6 : i32
    %swap3A_218 = arith.index_cast %swap3A_217 : i32 to index
    %swap3A_219 = arith.constant 96 : index
    %swap3A_220 = tpu.vector_load %arg14[%swap3A_218, %swap3A_219] {strides = array<i32>} : memref<8x128xf32, #tpu.memory_space<vmem>>, vector<16xf32>,
    tpu.vector_store %arg14[%swap3A_218, %swap3A_219], %broadcast_in_dim3A_1 {strides = array<i32>} : memref<8x128xf32, #tpu.memory_space<vmem>>, vector<16xf32>,
    %swap3A_221 = arith.constant 6 : i32
    %swap3A_222 = arith.index_cast %swap3A_221 : i32 to index
    %swap3A_223 = arith.constant 112 : index
    %swap3A_224 = tpu.vector_load %arg14[%swap3A_222, %swap3A_223] {strides = array<i32>} : memref<8x128xf32, #tpu.memory_space<vmem>>, vector<16xf32>,
    tpu.vector_store %arg14[%swap3A_222, %swap3A_223], %broadcast_in_dim3A_1 {strides = array<i32>} : memref<8x128xf32, #tpu.memory_space<vmem>>, vector<16xf32>,
    %swap3A_225 = arith.constant 7 : i32
    %swap3A_226 = arith.index_cast %swap3A_225 : i32 to index
    %swap3A_227 = arith.constant 0 : index
    %swap3A_228 = tpu.vector_load %arg14[%swap3A_226, %swap3A_227] {strides = array<i32>} : memref<8x128xf32, #tpu.memory_space<vmem>>, vector<16xf32>,
    tpu.vector_store %arg14[%swap3A_226, %swap3A_227], %broadcast_in_dim3A_1 {strides = array<i32>} : memref<8x128xf32, #tpu.memory_space<vmem>>, vector<16xf32>,
    %swap3A_229 = arith.constant 7 : i32
    %swap3A_230 = arith.index_cast %swap3A_229 : i32 to index
    %swap3A_231 = arith.constant 16 : index
    %swap3A_232 = tpu.vector_load %arg14[%swap3A_230, %swap3A_231] {strides = array<i32>} : memref<8x128xf32, #tpu.memory_space<vmem>>, vector<16xf32>,
    tpu.vector_store %arg14[%swap3A_230, %swap3A_231], %broadcast_in_dim3A_1 {strides = array<i32>} : memref<8x128xf32, #tpu.memory_space<vmem>>, vector<16xf32>,
    %swap3A_233 = arith.constant 7 : i32
    %swap3A_234 = arith.index_cast %swap3A_233 : i32 to index
    %swap3A_235 = arith.constant 32 : index
    %swap3A_236 = tpu.vector_load %arg14[%swap3A_234, %swap3A_235] {strides = array<i32>} : memref<8x128xf32, #tpu.memory_space<vmem>>, vector<16xf32>,
    tpu.vector_store %arg14[%swap3A_234, %swap3A_235], %broadcast_in_dim3A_1 {strides = array<i32>} : memref<8x128xf32, #tpu.memory_space<vmem>>, vector<16xf32>,
    %swap3A_237 = arith.constant 7 : i32
    %swap3A_238 = arith.index_cast %swap3A_237 : i32 to index
    %swap3A_239 = arith.constant 48 : index
    %swap3A_240 = tpu.vector_load %arg14[%swap3A_238, %swap3A_239] {strides = array<i32>} : memref<8x128xf32, #tpu.memory_space<vmem>>, vector<16xf32>,
    tpu.vector_store %arg14[%swap3A_238, %swap3A_239], %broadcast_in_dim3A_1 {strides = array<i32>} : memref<8x128xf32, #tpu.memory_space<vmem>>, vector<16xf32>,
    %swap3A_241 = arith.constant 7 : i32
    %swap3A_242 = arith.index_cast %swap3A_241 : i32 to index
    %swap3A_243 = arith.constant 64 : index
    %swap3A_244 = tpu.vector_load %arg14[%swap3A_242, %swap3A_243] {strides = array<i32>} : memref<8x128xf32, #tpu.memory_space<vmem>>, vector<16xf32>,
    tpu.vector_store %arg14[%swap3A_242, %swap3A_243], %broadcast_in_dim3A_1 {strides = array<i32>} : memref<8x128xf32, #tpu.memory_space<vmem>>, vector<16xf32>,
    %swap3A_245 = arith.constant 7 : i32
    %swap3A_246 = arith.index_cast %swap3A_245 : i32 to index
    %swap3A_247 = arith.constant 80 : index
    %swap3A_248 = tpu.vector_load %arg14[%swap3A_246, %swap3A_247] {strides = array<i32>} : memref<8x128xf32, #tpu.memory_space<vmem>>, vector<16xf32>,
    tpu.vector_store %arg14[%swap3A_246, %swap3A_247], %broadcast_in_dim3A_1 {strides = array<i32>} : memref<8x128xf32, #tpu.memory_space<vmem>>, vector<16xf32>,
    %swap3A_249 = arith.constant 7 : i32
    %swap3A_250 = arith.index_cast %swap3A_249 : i32 to index
    %swap3A_251 = arith.constant 96 : index
    %swap3A_252 = tpu.vector_load %arg14[%swap3A_250, %swap3A_251] {strides = array<i32>} : memref<8x128xf32, #tpu.memory_space<vmem>>, vector<16xf32>,
    tpu.vector_store %arg14[%swap3A_250, %swap3A_251], %broadcast_in_dim3A_1 {strides = array<i32>} : memref<8x128xf32, #tpu.memory_space<vmem>>, vector<16xf32>,
    %swap3A_253 = arith.constant 7 : i32
    %swap3A_254 = arith.index_cast %swap3A_253 : i32 to index
    %swap3A_255 = arith.constant 112 : index
    %swap3A_256 = tpu.vector_load %arg14[%swap3A_254, %swap3A_255] {strides = array<i32>} : memref<8x128xf32, #tpu.memory_space<vmem>>, vector<16xf32>,
    tpu.vector_store %arg14[%swap3A_254, %swap3A_255], %broadcast_in_dim3A_1 {strides = array<i32>} : memref<8x128xf32, #tpu.memory_space<vmem>>, vector<16xf32>,
    %mul3A_257 = arith.constant 632 : i32
    %mul3A_258 = arith.muli %arg1, %mul3A_257 : i32
    %scan3A = arith.constant 0 : i32
    %scan3A_259 = arith.constant 0 : i32
    %scan3A_260 = arith.constant 79 : i32
    %scan3A_261 = arith.addi %scan3A_259, %scan3A_260 : i32
    %scan3A_262 = arith.constant 1 : i32
    %scan3A_263 = scf.for %scan3A_310 = %scan3A_259 to %scan3A_261 step %scan3A_262 iter_args(%scan3A_311 = %scan3A) -> (i32)  : i32 {
      %mul3A_312 = arith.constant 8 : i32
      %mul3A_313 = arith.muli %scan3A_310, %mul3A_312 : i32
      %add3A_314 = arith.addi %mul3A_258, %mul3A_313 : i32
      "tpu.region"() ({
        %run_scoped3A = tpu.sem_alloc : memref<!tpu.dma_semaphore, #tpu.memory_space<semaphore_mem>>
        %dma_start3A = arith.constant 0 : i32
        %dma_start3A_316 = tpu.memref_slice %arg18[%add3A_314, %dma_start3A] : memref<10112x128xf32, #tpu.memory_space<vmem_shared>> -> memref<8x128xf32, #tpu.memory_space<vmem_shared>>
        %dma_start3A_317 = arith.constant 0 : i32
        %dma_start3A_318 = tpu.memref_slice %arg18[%add3A_314, %dma_start3A_317] : memref<10112x128xf32, #tpu.memory_space<vmem_shared>> -> memref<8x128xf32, #tpu.memory_space<vmem_shared>>
        tpu.enqueue_dma source(%arg14 : memref<8x128xf32, #tpu.memory_space<vmem>>) target(%dma_start3A_318 : memref<8x128xf32, #tpu.memory_space<vmem_shared>>) target_semaphore(%run_scoped3A : memref<!tpu.dma_semaphore, #tpu.memory_space<semaphore_mem>>)
        %dma_wait3A = arith.constant 0 : i32
        %dma_wait3A_319 = tpu.memref_slice %arg18[%add3A_314, %dma_wait3A] : memref<10112x128xf32, #tpu.memory_space<vmem_shared>> -> memref<8x128xf32, #tpu.memory_space<vmem_shared>>
        %dma_wait3A_320 = arith.constant 0 : i32
        %dma_wait3A_321 = tpu.memref_slice %arg18[%add3A_314, %dma_wait3A_320] : memref<10112x128xf32, #tpu.memory_space<vmem_shared>> -> memref<8x128xf32, #tpu.memory_space<vmem_shared>>
        tpu.wait_dma2 semaphore(%run_scoped3A : memref<!tpu.dma_semaphore, #tpu.memory_space<semaphore_mem>>) src(%arg14 : memref<8x128xf32, #tpu.memory_space<vmem>>) dst(%dma_wait3A_321 : memref<8x128xf32, #tpu.memory_space<vmem_shared>>)
        tpu.yield
      }) : () -> ()
      %scan3A_315 = arith.constant 0 : i32
      scf.yield %scan3A_315 : i32
    }
    %scan3A_264 = arith.constant 79 : i32
    %scan3A_265 = arith.constant 0 : i32
    %scan3A_266 = arith.constant 0 : i32
    %scan3A_267 = arith.constant 160 : i32
    %scan3A_268 = arith.addi %scan3A_266, %scan3A_267 : i32
    %scan3A_269 = arith.constant 1 : i32
    %scan3A_270 = scf.for %scan3A_310 = %scan3A_266 to %scan3A_268 step %scan3A_269 iter_args(%scan3A_311 = %scan3A_265) -> (i32)  : i32 {
      %swap3A_312 = arith.index_cast %scan3A_310 : i32 to index
      %swap3A_313 = arith.constant 0 : index
      %swap3A_314 = tpu.vector_load %arg15[%swap3A_312, %swap3A_313] {strides = array<i32>} : memref<160x128xf32, #tpu.memory_space<vmem>>, vector<16xf32>,
      tpu.vector_store %arg15[%swap3A_312, %swap3A_313], %broadcast_in_dim3A_1 {strides = array<i32>} : memref<160x128xf32, #tpu.memory_space<vmem>>, vector<16xf32>,
      %swap3A_315 = arith.index_cast %scan3A_310 : i32 to index
      %swap3A_316 = arith.constant 16 : index
      %swap3A_317 = tpu.vector_load %arg15[%swap3A_315, %swap3A_316] {strides = array<i32>} : memref<160x128xf32, #tpu.memory_space<vmem>>, vector<16xf32>,
      tpu.vector_store %arg15[%swap3A_315, %swap3A_316], %broadcast_in_dim3A_1 {strides = array<i32>} : memref<160x128xf32, #tpu.memory_space<vmem>>, vector<16xf32>,
      %swap3A_318 = arith.index_cast %scan3A_310 : i32 to index
      %swap3A_319 = arith.constant 32 : index
      %swap3A_320 = tpu.vector_load %arg15[%swap3A_318, %swap3A_319] {strides = array<i32>} : memref<160x128xf32, #tpu.memory_space<vmem>>, vector<16xf32>,
      tpu.vector_store %arg15[%swap3A_318, %swap3A_319], %broadcast_in_dim3A_1 {strides = array<i32>} : memref<160x128xf32, #tpu.memory_space<vmem>>, vector<16xf32>,
      %swap3A_321 = arith.index_cast %scan3A_310 : i32 to index
      %swap3A_322 = arith.constant 48 : index
      %swap3A_323 = tpu.vector_load %arg15[%swap3A_321, %swap3A_322] {strides = array<i32>} : memref<160x128xf32, #tpu.memory_space<vmem>>, vector<16xf32>,
      tpu.vector_store %arg15[%swap3A_321, %swap3A_322], %broadcast_in_dim3A_1 {strides = array<i32>} : memref<160x128xf32, #tpu.memory_space<vmem>>, vector<16xf32>,
      %swap3A_324 = arith.index_cast %scan3A_310 : i32 to index
      %swap3A_325 = arith.constant 64 : index
      %swap3A_326 = tpu.vector_load %arg15[%swap3A_324, %swap3A_325] {strides = array<i32>} : memref<160x128xf32, #tpu.memory_space<vmem>>, vector<16xf32>,
      tpu.vector_store %arg15[%swap3A_324, %swap3A_325], %broadcast_in_dim3A_1 {strides = array<i32>} : memref<160x128xf32, #tpu.memory_space<vmem>>, vector<16xf32>,
      %swap3A_327 = arith.index_cast %scan3A_310 : i32 to index
      %swap3A_328 = arith.constant 80 : index
      %swap3A_329 = tpu.vector_load %arg15[%swap3A_327, %swap3A_328] {strides = array<i32>} : memref<160x128xf32, #tpu.memory_space<vmem>>, vector<16xf32>,
      tpu.vector_store %arg15[%swap3A_327, %swap3A_328], %broadcast_in_dim3A_1 {strides = array<i32>} : memref<160x128xf32, #tpu.memory_space<vmem>>, vector<16xf32>,
      %swap3A_330 = arith.index_cast %scan3A_310 : i32 to index
      %swap3A_331 = arith.constant 96 : index
      %swap3A_332 = tpu.vector_load %arg15[%swap3A_330, %swap3A_331] {strides = array<i32>} : memref<160x128xf32, #tpu.memory_space<vmem>>, vector<16xf32>,
      tpu.vector_store %arg15[%swap3A_330, %swap3A_331], %broadcast_in_dim3A_1 {strides = array<i32>} : memref<160x128xf32, #tpu.memory_space<vmem>>, vector<16xf32>,
      %swap3A_333 = arith.index_cast %scan3A_310 : i32 to index
      %swap3A_334 = arith.constant 112 : index
      %swap3A_335 = tpu.vector_load %arg15[%swap3A_333, %swap3A_334] {strides = array<i32>} : memref<160x128xf32, #tpu.memory_space<vmem>>, vector<16xf32>,
      tpu.vector_store %arg15[%swap3A_333, %swap3A_334], %broadcast_in_dim3A_1 {strides = array<i32>} : memref<160x128xf32, #tpu.memory_space<vmem>>, vector<16xf32>,
      %scan3A_336 = arith.constant 0 : i32
      scf.yield %scan3A_336 : i32
    }
    %scan3A_271 = arith.constant 160 : i32
    %eq3A = arith.constant 0 : i32
    %eq3A_272 = arith.cmpi eq, %arg1, %eq3A : i32
    %convert_element_type3A = arith.extui %eq3A_272 : i1 to i32
    %cond3A = arith.constant 0 : i32
    %cond3A_273 = arith.cmpi ne, %convert_element_type3A, %cond3A : i32
    scf.if %cond3A_273 {
      %scan3A_310 = arith.constant 0 : i32
      %scan3A_311 = arith.constant 0 : i32
      %scan3A_312 = arith.constant 20 : i32
      %scan3A_313 = arith.addi %scan3A_311, %scan3A_312 : i32
      %scan3A_314 = arith.constant 1 : i32
      %scan3A_315 = scf.for %scan3A_317 = %scan3A_311 to %scan3A_313 step %scan3A_314 iter_args(%scan3A_318 = %scan3A_310) -> (i32)  : i32 {
        %mul3A_319 = arith.constant 8 : i32
        %mul3A_320 = arith.muli %scan3A_317, %mul3A_319 : i32
        "tpu.region"() ({
          %run_scoped3A = tpu.sem_alloc : memref<!tpu.dma_semaphore, #tpu.memory_space<semaphore_mem>>
          %dma_start3A = arith.constant 0 : i32
          %dma_start3A_322 = tpu.memref_slice %arg19[%mul3A_320, %dma_start3A] : memref<160x128xf32, #tpu.memory_space<vmem_shared>> -> memref<8x128xf32, #tpu.memory_space<vmem_shared>>
          %dma_start3A_323 = arith.constant 0 : i32
          %dma_start3A_324 = tpu.memref_slice %arg19[%mul3A_320, %dma_start3A_323] : memref<160x128xf32, #tpu.memory_space<vmem_shared>> -> memref<8x128xf32, #tpu.memory_space<vmem_shared>>
          tpu.enqueue_dma source(%arg14 : memref<8x128xf32, #tpu.memory_space<vmem>>) target(%dma_start3A_324 : memref<8x128xf32, #tpu.memory_space<vmem_shared>>) target_semaphore(%run_scoped3A : memref<!tpu.dma_semaphore, #tpu.memory_space<semaphore_mem>>)
          %dma_wait3A = arith.constant 0 : i32
          %dma_wait3A_325 = tpu.memref_slice %arg19[%mul3A_320, %dma_wait3A] : memref<160x128xf32, #tpu.memory_space<vmem_shared>> -> memref<8x128xf32, #tpu.memory_space<vmem_shared>>
          %dma_wait3A_326 = arith.constant 0 : i32
          %dma_wait3A_327 = tpu.memref_slice %arg19[%mul3A_320, %dma_wait3A_326] : memref<160x128xf32, #tpu.memory_space<vmem_shared>> -> memref<8x128xf32, #tpu.memory_space<vmem_shared>>
          tpu.wait_dma2 semaphore(%run_scoped3A : memref<!tpu.dma_semaphore, #tpu.memory_space<semaphore_mem>>) src(%arg14 : memref<8x128xf32, #tpu.memory_space<vmem>>) dst(%dma_wait3A_327 : memref<8x128xf32, #tpu.memory_space<vmem_shared>>)
          tpu.yield
        }) : () -> ()
        %scan3A_321 = arith.constant 0 : i32
        scf.yield %scan3A_321 : i32
      }
      %scan3A_316 = arith.constant 20 : i32
    } else {
    }
    %scan3A_274 = arith.constant 0 : i32
    %scan3A_275 = arith.constant 0 : i32
    %scan3A_276 = arith.constant 8 : i32
    %scan3A_277 = arith.addi %scan3A_275, %scan3A_276 : i32
    %scan3A_278 = arith.constant 1 : i32
    %scan3A_279 = scf.for %scan3A_310 = %scan3A_275 to %scan3A_277 step %scan3A_278 iter_args(%scan3A_311 = %scan3A_274) -> (i32)  : i32 {
      %mul3A_312 = arith.constant 16 : i32
      %mul3A_313 = arith.muli %scan3A_310, %mul3A_312 : i32
      %add3A_314 = vector.broadcast %mul3A_313 : i32 to vector<16xi32>
      %add3A_315 = arith.addi %iota3A, %add3A_314 : vector<16xi32>
      %mul3A_316 = arith.constant 16 : i32
      %mul3A_317 = arith.muli %scan3A_310, %mul3A_316 : i32
      %swap3A_318 = arith.index_cast %mul3A_317 : i32 to index
      %swap3A_319 = tpu.vector_load %arg16[%swap3A_318] {strides = array<i32>} : memref<128xi32, #tpu.memory_space<vmem>>, vector<16xi32>,
      tpu.vector_store %arg16[%swap3A_318], %add3A_315 {strides = array<i32>} : memref<128xi32, #tpu.memory_space<vmem>>, vector<16xi32>,
      %scan3A_320 = arith.constant 0 : i32
      scf.yield %scan3A_320 : i32
    }
    %scan3A_280 = arith.constant 8 : i32
    %add3A_281 = arith.constant 128 : i32
    %add3A_282 = vector.broadcast %add3A_281 : i32 to vector<16xi32>
    %add3A_283 = arith.addi %iota3A, %add3A_282 : vector<16xi32>
    %add3A_284 = arith.constant 0 : i32
    %add3A_285 = vector.broadcast %add3A_284 : i32 to vector<16xi32>
    %add3A_286 = arith.addi %add3A_283, %add3A_285 : vector<16xi32>
    %swap3A_287 = arith.constant 0 : index
    %swap3A_288 = tpu.vector_load %arg17[%swap3A_287] {strides = array<i32>} : memref<32xi32, #tpu.memory_space<vmem>>, vector<16xi32>,
    tpu.vector_store %arg17[%swap3A_287], %add3A_286 {strides = array<i32>} : memref<32xi32, #tpu.memory_space<vmem>>, vector<16xi32>,
    %add3A_289 = arith.constant 128 : i32
    %add3A_290 = vector.broadcast %add3A_289 : i32 to vector<16xi32>
    %add3A_291 = arith.addi %iota3A, %add3A_290 : vector<16xi32>
    %add3A_292 = arith.constant 16 : i32
    %add3A_293 = vector.broadcast %add3A_292 : i32 to vector<16xi32>
    %add3A_294 = arith.addi %add3A_291, %add3A_293 : vector<16xi32>
    %swap3A_295 = arith.constant 16 : index
    %swap3A_296 = tpu.vector_load %arg17[%swap3A_295] {strides = array<i32>} : memref<32xi32, #tpu.memory_space<vmem>>, vector<16xi32>,
    tpu.vector_store %arg17[%swap3A_295], %add3A_294 {strides = array<i32>} : memref<32xi32, #tpu.memory_space<vmem>>, vector<16xi32>,
    "tpu.region"() ({
      %run_scoped3A = tpu.sem_alloc : memref<!tpu.dma_semaphore, #tpu.memory_space<semaphore_mem>>
      tpu.enqueue_dma source(%arg6 : memref<128xf32, #tpu.memory_space<hbm>>) target(%arg9 : memref<128xf32, #tpu.memory_space<vmem>>) target_semaphore(%run_scoped3A : memref<!tpu.dma_semaphore, #tpu.memory_space<semaphore_mem>>)
      tpu.wait_dma2 semaphore(%run_scoped3A : memref<!tpu.dma_semaphore, #tpu.memory_space<semaphore_mem>>) src(%arg6 : memref<128xf32, #tpu.memory_space<hbm>>) dst(%arg9 : memref<128xf32, #tpu.memory_space<vmem>>)
      tpu.yield
    }) : () -> ()
    %barrier3A = arith.constant 0 : index
    tpu.barrier barrier_id(%barrier3A)
    %scan3A_297 = arith.constant 0 : i32
    %scan3A_298 = arith.constant 0 : i32
    %scan3A_299 = arith.constant 108 : i32
    %scan3A_300 = arith.addi %scan3A_298, %scan3A_299 : i32
    %scan3A_301 = arith.constant 1 : i32
    %scan3A_302 = scf.for %scan3A_310 = %scan3A_298 to %scan3A_300 step %scan3A_301 iter_args(%scan3A_311 = %scan3A_297) -> (i32)  : i32 {
      %mul3A_312 = arith.constant 10368 : i32
      %mul3A_313 = arith.muli %add3A, %mul3A_312 : i32
      %mul3A_314 = arith.constant 96 : i32
      %mul3A_315 = arith.muli %scan3A_310, %mul3A_314 : i32
      %add3A_316 = arith.addi %mul3A_313, %mul3A_315 : i32
      %dma_start3A = tpu.memref_slice %arg4[%add3A_316] : memref<331776xi32, #tpu.memory_space<hbm>> -> memref<96xi32, #tpu.memory_space<hbm>>
      %dma_start3A_317 = tpu.memref_slice %arg4[%add3A_316] : memref<331776xi32, #tpu.memory_space<hbm>> -> memref<96xi32, #tpu.memory_space<hbm>>
      tpu.enqueue_dma source(%dma_start3A_317 : memref<96xi32, #tpu.memory_space<hbm>>) target(%arg10 : memref<96xi32, #tpu.memory_space<vmem>>) target_semaphore(%arg20 : memref<!tpu.dma_semaphore, #tpu.memory_space<semaphore_mem>>)
      %dma_start3A_318 = tpu.memref_slice %arg5[%add3A_316] : memref<331776xi32, #tpu.memory_space<hbm>> -> memref<96xi32, #tpu.memory_space<hbm>>
      %dma_start3A_319 = tpu.memref_slice %arg5[%add3A_316] : memref<331776xi32, #tpu.memory_space<hbm>> -> memref<96xi32, #tpu.memory_space<hbm>>
      tpu.enqueue_dma source(%dma_start3A_319 : memref<96xi32, #tpu.memory_space<hbm>>) target(%arg11 : memref<96xi32, #tpu.memory_space<vmem>>) target_semaphore(%arg21 : memref<!tpu.dma_semaphore, #tpu.memory_space<semaphore_mem>>)
      %dma_wait3A = tpu.memref_slice %arg4[%add3A_316] : memref<331776xi32, #tpu.memory_space<hbm>> -> memref<96xi32, #tpu.memory_space<hbm>>
      %dma_wait3A_320 = tpu.memref_slice %arg4[%add3A_316] : memref<331776xi32, #tpu.memory_space<hbm>> -> memref<96xi32, #tpu.memory_space<hbm>>
      tpu.wait_dma2 semaphore(%arg20 : memref<!tpu.dma_semaphore, #tpu.memory_space<semaphore_mem>>) src(%dma_wait3A_320 : memref<96xi32, #tpu.memory_space<hbm>>) dst(%arg10 : memref<96xi32, #tpu.memory_space<vmem>>)
      %dma_start3A_321 = arith.constant 0 : i32
      %dma_start3A_322 = arith.constant 0 : i32
      %dma_start3A_323 = tpu.memref_slice %arg2[%dma_start3A_321, %dma_start3A_322] : memref<10112x128xf32, #tpu.memory_space<hbm>> -> memref<10112x128xf32, #tpu.memory_space<hbm>>
      tpu.enqueue_indirect_dma source(%dma_start3A_323 : memref<10112x128xf32, #tpu.memory_space<hbm>>) target(%arg12 : memref<96x128xf32, #tpu.memory_space<vmem>>) offsets(%arg10 : memref<96xi32, #tpu.memory_space<vmem>>) semaphore(%arg20 : memref<!tpu.dma_semaphore, #tpu.memory_space<semaphore_mem>>)
      %dma_wait3A_324 = tpu.memref_slice %arg5[%add3A_316] : memref<331776xi32, #tpu.memory_space<hbm>> -> memref<96xi32, #tpu.memory_space<hbm>>
      %dma_wait3A_325 = tpu.memref_slice %arg5[%add3A_316] : memref<331776xi32, #tpu.memory_space<hbm>> -> memref<96xi32, #tpu.memory_space<hbm>>
      tpu.wait_dma2 semaphore(%arg21 : memref<!tpu.dma_semaphore, #tpu.memory_space<semaphore_mem>>) src(%dma_wait3A_325 : memref<96xi32, #tpu.memory_space<hbm>>) dst(%arg11 : memref<96xi32, #tpu.memory_space<vmem>>)
      %dma_start3A_326 = arith.constant 0 : i32
      %dma_start3A_327 = arith.constant 0 : i32
      %dma_start3A_328 = tpu.memref_slice %arg3[%dma_start3A_326, %dma_start3A_327] : memref<10112x128xf32, #tpu.memory_space<hbm>> -> memref<10112x128xf32, #tpu.memory_space<hbm>>
      tpu.enqueue_indirect_dma source(%dma_start3A_328 : memref<10112x128xf32, #tpu.memory_space<hbm>>) target(%arg13 : memref<96x128xf32, #tpu.memory_space<vmem>>) offsets(%arg11 : memref<96xi32, #tpu.memory_space<vmem>>) semaphore(%arg21 : memref<!tpu.dma_semaphore, #tpu.memory_space<semaphore_mem>>)
      %dma_wait3A_329 = arith.constant 0 : i32
      %dma_wait3A_330 = arith.constant 0 : i32
      %dma_wait3A_331 = tpu.memref_slice %arg2[%dma_wait3A_329, %dma_wait3A_330] : memref<10112x128xf32, #tpu.memory_space<hbm>> -> memref<10112x128xf32, #tpu.memory_space<hbm>>
      tpu.wait_indirect_dma semaphore(%arg20 : memref<!tpu.dma_semaphore, #tpu.memory_space<semaphore_mem>>) src(%dma_wait3A_331 : memref<10112x128xf32, #tpu.memory_space<hbm>>) dst(%arg12 : memref<96x128xf32, #tpu.memory_space<vmem>>)
      %dma_wait3A_332 = arith.constant 0 : i32
      %dma_wait3A_333 = arith.constant 0 : i32
      %dma_wait3A_334 = tpu.memref_slice %arg3[%dma_wait3A_332, %dma_wait3A_333] : memref<10112x128xf32, #tpu.memory_space<hbm>> -> memref<10112x128xf32, #tpu.memory_space<hbm>>
      tpu.wait_indirect_dma semaphore(%arg21 : memref<!tpu.dma_semaphore, #tpu.memory_space<semaphore_mem>>) src(%dma_wait3A_334 : memref<10112x128xf32, #tpu.memory_space<hbm>>) dst(%arg13 : memref<96x128xf32, #tpu.memory_space<vmem>>)
      %parallel_loop3A = arith.constant 0 : i32
      %parallel_loop3A_335 = arith.constant 96 : i32
      %parallel_loop3A_336 = arith.constant 1 : i32
      scf.for %parallel_loop3A_345 = %parallel_loop3A to %parallel_loop3A_335 step %parallel_loop3A_336  : i32 {
        %parallel_loop3A_346 = arith.index_cast %parallel_loop3A_345 : i32 to index
        %parallel_loop3A_347 = arith.constant 0 : index
        %parallel_loop3A_348 = tpu.vector_load %arg12[%parallel_loop3A_346, %parallel_loop3A_347] {strides = array<i32>} : memref<96x128xf32, #tpu.memory_space<vmem>>, vector<16xf32>,
        %parallel_loop3A_349 = arith.index_cast %parallel_loop3A_345 : i32 to index
        %parallel_loop3A_350 = arith.constant 0 : index
        %parallel_loop3A_351 = tpu.vector_load %arg13[%parallel_loop3A_349, %parallel_loop3A_350] {strides = array<i32>} : memref<96x128xf32, #tpu.memory_space<vmem>>, vector<16xf32>,
        %parallel_loop3A_352 = arith.addf %parallel_loop3A_348, %parallel_loop3A_351 : vector<16xf32>
        %parallel_loop3A_353 = arith.constant 2.000000e-01 : f32
        %parallel_loop3A_354 = vector.broadcast %parallel_loop3A_353 : f32 to vector<16xf32>
        %parallel_loop3A_355 = arith.mulf %parallel_loop3A_354, %parallel_loop3A_352 : vector<16xf32>
        %parallel_loop3A_356 = arith.maximumf %parallel_loop3A_352, %parallel_loop3A_355 : vector<16xf32>
        %parallel_loop3A_357 = arith.constant 0 : index
        %parallel_loop3A_358 = tpu.vector_load %arg9[%parallel_loop3A_357] {strides = array<i32>} : memref<128xf32, #tpu.memory_space<vmem>>, vector<16xf32>,
        %parallel_loop3A_359 = arith.mulf %parallel_loop3A_356, %parallel_loop3A_358 : vector<16xf32>
        %parallel_loop3A_360 = arith.index_cast %parallel_loop3A_345 : i32 to index
        %parallel_loop3A_361 = arith.constant 16 : index
        %parallel_loop3A_362 = tpu.vector_load %arg12[%parallel_loop3A_360, %parallel_loop3A_361] {strides = array<i32>} : memref<96x128xf32, #tpu.memory_space<vmem>>, vector<16xf32>,
        %parallel_loop3A_363 = arith.index_cast %parallel_loop3A_345 : i32 to index
        %parallel_loop3A_364 = arith.constant 16 : index
        %parallel_loop3A_365 = tpu.vector_load %arg13[%parallel_loop3A_363, %parallel_loop3A_364] {strides = array<i32>} : memref<96x128xf32, #tpu.memory_space<vmem>>, vector<16xf32>,
        %parallel_loop3A_366 = arith.addf %parallel_loop3A_362, %parallel_loop3A_365 : vector<16xf32>
        %parallel_loop3A_367 = arith.constant 2.000000e-01 : f32
        %parallel_loop3A_368 = vector.broadcast %parallel_loop3A_367 : f32 to vector<16xf32>
        %parallel_loop3A_369 = arith.mulf %parallel_loop3A_368, %parallel_loop3A_366 : vector<16xf32>
        %parallel_loop3A_370 = arith.maximumf %parallel_loop3A_366, %parallel_loop3A_369 : vector<16xf32>
        %parallel_loop3A_371 = arith.constant 16 : index
        %parallel_loop3A_372 = tpu.vector_load %arg9[%parallel_loop3A_371] {strides = array<i32>} : memref<128xf32, #tpu.memory_space<vmem>>, vector<16xf32>,
        %parallel_loop3A_373 = arith.mulf %parallel_loop3A_370, %parallel_loop3A_372 : vector<16xf32>
        %parallel_loop3A_374 = arith.index_cast %parallel_loop3A_345 : i32 to index
        %parallel_loop3A_375 = arith.constant 32 : index
        %parallel_loop3A_376 = tpu.vector_load %arg12[%parallel_loop3A_374, %parallel_loop3A_375] {strides = array<i32>} : memref<96x128xf32, #tpu.memory_space<vmem>>, vector<16xf32>,
        %parallel_loop3A_377 = arith.index_cast %parallel_loop3A_345 : i32 to index
        %parallel_loop3A_378 = arith.constant 32 : index
        %parallel_loop3A_379 = tpu.vector_load %arg13[%parallel_loop3A_377, %parallel_loop3A_378] {strides = array<i32>} : memref<96x128xf32, #tpu.memory_space<vmem>>, vector<16xf32>,
        %parallel_loop3A_380 = arith.addf %parallel_loop3A_376, %parallel_loop3A_379 : vector<16xf32>
        %parallel_loop3A_381 = arith.constant 2.000000e-01 : f32
        %parallel_loop3A_382 = vector.broadcast %parallel_loop3A_381 : f32 to vector<16xf32>
        %parallel_loop3A_383 = arith.mulf %parallel_loop3A_382, %parallel_loop3A_380 : vector<16xf32>
        %parallel_loop3A_384 = arith.maximumf %parallel_loop3A_380, %parallel_loop3A_383 : vector<16xf32>
        %parallel_loop3A_385 = arith.constant 32 : index
        %parallel_loop3A_386 = tpu.vector_load %arg9[%parallel_loop3A_385] {strides = array<i32>} : memref<128xf32, #tpu.memory_space<vmem>>, vector<16xf32>,
        %parallel_loop3A_387 = arith.mulf %parallel_loop3A_384, %parallel_loop3A_386 : vector<16xf32>
        %parallel_loop3A_388 = arith.index_cast %parallel_loop3A_345 : i32 to index
        %parallel_loop3A_389 = arith.constant 48 : index
        %parallel_loop3A_390 = tpu.vector_load %arg12[%parallel_loop3A_388, %parallel_loop3A_389] {strides = array<i32>} : memref<96x128xf32, #tpu.memory_space<vmem>>, vector<16xf32>,
        %parallel_loop3A_391 = arith.index_cast %parallel_loop3A_345 : i32 to index
        %parallel_loop3A_392 = arith.constant 48 : index
        %parallel_loop3A_393 = tpu.vector_load %arg13[%parallel_loop3A_391, %parallel_loop3A_392] {strides = array<i32>} : memref<96x128xf32, #tpu.memory_space<vmem>>, vector<16xf32>,
        %parallel_loop3A_394 = arith.addf %parallel_loop3A_390, %parallel_loop3A_393 : vector<16xf32>
        %parallel_loop3A_395 = arith.constant 2.000000e-01 : f32
        %parallel_loop3A_396 = vector.broadcast %parallel_loop3A_395 : f32 to vector<16xf32>
        %parallel_loop3A_397 = arith.mulf %parallel_loop3A_396, %parallel_loop3A_394 : vector<16xf32>
        %parallel_loop3A_398 = arith.maximumf %parallel_loop3A_394, %parallel_loop3A_397 : vector<16xf32>
        %parallel_loop3A_399 = arith.constant 48 : index
        %parallel_loop3A_400 = tpu.vector_load %arg9[%parallel_loop3A_399] {strides = array<i32>} : memref<128xf32, #tpu.memory_space<vmem>>, vector<16xf32>,
        %parallel_loop3A_401 = arith.mulf %parallel_loop3A_398, %parallel_loop3A_400 : vector<16xf32>
        %parallel_loop3A_402 = arith.index_cast %parallel_loop3A_345 : i32 to index
        %parallel_loop3A_403 = arith.constant 64 : index
        %parallel_loop3A_404 = tpu.vector_load %arg12[%parallel_loop3A_402, %parallel_loop3A_403] {strides = array<i32>} : memref<96x128xf32, #tpu.memory_space<vmem>>, vector<16xf32>,
        %parallel_loop3A_405 = arith.index_cast %parallel_loop3A_345 : i32 to index
        %parallel_loop3A_406 = arith.constant 64 : index
        %parallel_loop3A_407 = tpu.vector_load %arg13[%parallel_loop3A_405, %parallel_loop3A_406] {strides = array<i32>} : memref<96x128xf32, #tpu.memory_space<vmem>>, vector<16xf32>,
        %parallel_loop3A_408 = arith.addf %parallel_loop3A_404, %parallel_loop3A_407 : vector<16xf32>
        %parallel_loop3A_409 = arith.constant 2.000000e-01 : f32
        %parallel_loop3A_410 = vector.broadcast %parallel_loop3A_409 : f32 to vector<16xf32>
        %parallel_loop3A_411 = arith.mulf %parallel_loop3A_410, %parallel_loop3A_408 : vector<16xf32>
        %parallel_loop3A_412 = arith.maximumf %parallel_loop3A_408, %parallel_loop3A_411 : vector<16xf32>
        %parallel_loop3A_413 = arith.constant 64 : index
        %parallel_loop3A_414 = tpu.vector_load %arg9[%parallel_loop3A_413] {strides = array<i32>} : memref<128xf32, #tpu.memory_space<vmem>>, vector<16xf32>,
        %parallel_loop3A_415 = arith.mulf %parallel_loop3A_412, %parallel_loop3A_414 : vector<16xf32>
        %parallel_loop3A_416 = arith.index_cast %parallel_loop3A_345 : i32 to index
        %parallel_loop3A_417 = arith.constant 80 : index
        %parallel_loop3A_418 = tpu.vector_load %arg12[%parallel_loop3A_416, %parallel_loop3A_417] {strides = array<i32>} : memref<96x128xf32, #tpu.memory_space<vmem>>, vector<16xf32>,
        %parallel_loop3A_419 = arith.index_cast %parallel_loop3A_345 : i32 to index
        %parallel_loop3A_420 = arith.constant 80 : index
        %parallel_loop3A_421 = tpu.vector_load %arg13[%parallel_loop3A_419, %parallel_loop3A_420] {strides = array<i32>} : memref<96x128xf32, #tpu.memory_space<vmem>>, vector<16xf32>,
        %parallel_loop3A_422 = arith.addf %parallel_loop3A_418, %parallel_loop3A_421 : vector<16xf32>
        %parallel_loop3A_423 = arith.constant 2.000000e-01 : f32
        %parallel_loop3A_424 = vector.broadcast %parallel_loop3A_423 : f32 to vector<16xf32>
        %parallel_loop3A_425 = arith.mulf %parallel_loop3A_424, %parallel_loop3A_422 : vector<16xf32>
        %parallel_loop3A_426 = arith.maximumf %parallel_loop3A_422, %parallel_loop3A_425 : vector<16xf32>
        %parallel_loop3A_427 = arith.constant 80 : index
        %parallel_loop3A_428 = tpu.vector_load %arg9[%parallel_loop3A_427] {strides = array<i32>} : memref<128xf32, #tpu.memory_space<vmem>>, vector<16xf32>,
        %parallel_loop3A_429 = arith.mulf %parallel_loop3A_426, %parallel_loop3A_428 : vector<16xf32>
        %parallel_loop3A_430 = arith.index_cast %parallel_loop3A_345 : i32 to index
        %parallel_loop3A_431 = arith.constant 96 : index
        %parallel_loop3A_432 = tpu.vector_load %arg12[%parallel_loop3A_430, %parallel_loop3A_431] {strides = array<i32>} : memref<96x128xf32, #tpu.memory_space<vmem>>, vector<16xf32>,
        %parallel_loop3A_433 = arith.index_cast %parallel_loop3A_345 : i32 to index
        %parallel_loop3A_434 = arith.constant 96 : index
        %parallel_loop3A_435 = tpu.vector_load %arg13[%parallel_loop3A_433, %parallel_loop3A_434] {strides = array<i32>} : memref<96x128xf32, #tpu.memory_space<vmem>>, vector<16xf32>,
        %parallel_loop3A_436 = arith.addf %parallel_loop3A_432, %parallel_loop3A_435 : vector<16xf32>
        %parallel_loop3A_437 = arith.constant 2.000000e-01 : f32
        %parallel_loop3A_438 = vector.broadcast %parallel_loop3A_437 : f32 to vector<16xf32>
        %parallel_loop3A_439 = arith.mulf %parallel_loop3A_438, %parallel_loop3A_436 : vector<16xf32>
        %parallel_loop3A_440 = arith.maximumf %parallel_loop3A_436, %parallel_loop3A_439 : vector<16xf32>
        %parallel_loop3A_441 = arith.constant 96 : index
        %parallel_loop3A_442 = tpu.vector_load %arg9[%parallel_loop3A_441] {strides = array<i32>} : memref<128xf32, #tpu.memory_space<vmem>>, vector<16xf32>,
        %parallel_loop3A_443 = arith.mulf %parallel_loop3A_440, %parallel_loop3A_442 : vector<16xf32>
        %parallel_loop3A_444 = arith.index_cast %parallel_loop3A_345 : i32 to index
        %parallel_loop3A_445 = arith.constant 112 : index
        %parallel_loop3A_446 = tpu.vector_load %arg12[%parallel_loop3A_444, %parallel_loop3A_445] {strides = array<i32>} : memref<96x128xf32, #tpu.memory_space<vmem>>, vector<16xf32>,
        %parallel_loop3A_447 = arith.index_cast %parallel_loop3A_345 : i32 to index
        %parallel_loop3A_448 = arith.constant 112 : index
        %parallel_loop3A_449 = tpu.vector_load %arg13[%parallel_loop3A_447, %parallel_loop3A_448] {strides = array<i32>} : memref<96x128xf32, #tpu.memory_space<vmem>>, vector<16xf32>,
        %parallel_loop3A_450 = arith.addf %parallel_loop3A_446, %parallel_loop3A_449 : vector<16xf32>
        %parallel_loop3A_451 = arith.constant 2.000000e-01 : f32
        %parallel_loop3A_452 = vector.broadcast %parallel_loop3A_451 : f32 to vector<16xf32>
        %parallel_loop3A_453 = arith.mulf %parallel_loop3A_452, %parallel_loop3A_450 : vector<16xf32>
        %parallel_loop3A_454 = arith.maximumf %parallel_loop3A_450, %parallel_loop3A_453 : vector<16xf32>
        %parallel_loop3A_455 = arith.constant 112 : index
        %parallel_loop3A_456 = tpu.vector_load %arg9[%parallel_loop3A_455] {strides = array<i32>} : memref<128xf32, #tpu.memory_space<vmem>>, vector<16xf32>,
        %parallel_loop3A_457 = arith.mulf %parallel_loop3A_454, %parallel_loop3A_456 : vector<16xf32>
        %parallel_loop3A_458 = arith.addf %parallel_loop3A_359, %parallel_loop3A_373 : vector<16xf32>
        %parallel_loop3A_459 = arith.addf %parallel_loop3A_387, %parallel_loop3A_401 : vector<16xf32>
        %parallel_loop3A_460 = arith.addf %parallel_loop3A_458, %parallel_loop3A_459 : vector<16xf32>
        %parallel_loop3A_461 = arith.addf %parallel_loop3A_415, %parallel_loop3A_429 : vector<16xf32>
        %parallel_loop3A_462 = arith.addf %parallel_loop3A_443, %parallel_loop3A_457 : vector<16xf32>
        %parallel_loop3A_463 = arith.addf %parallel_loop3A_461, %parallel_loop3A_462 : vector<16xf32>
        %parallel_loop3A_464 = arith.constant true
        %parallel_loop3A_465 = vector.broadcast %parallel_loop3A_464 : i1 to vector<16xi1>
        %parallel_loop3A_466 = tpu.scan <sum>, %parallel_loop3A_460 masked %parallel_loop3A_465 : vector<16xf32>, vector<16xi1> -> vector<16xf32>
        %parallel_loop3A_467 = vector.extract %parallel_loop3A_466[15] : f32 from vector<16xf32>
        %parallel_loop3A_468 = vector.broadcast %parallel_loop3A_467 : f32 to vector<16xf32>
        %parallel_loop3A_469 = math.exp %parallel_loop3A_468 : vector<16xf32>
        %parallel_loop3A_470 = arith.constant true
        %parallel_loop3A_471 = vector.broadcast %parallel_loop3A_470 : i1 to vector<16xi1>
        %parallel_loop3A_472 = tpu.scan <sum>, %parallel_loop3A_463 masked %parallel_loop3A_471 : vector<16xf32>, vector<16xi1> -> vector<16xf32>
        %parallel_loop3A_473 = vector.extract %parallel_loop3A_472[15] : f32 from vector<16xf32>
        %parallel_loop3A_474 = vector.broadcast %parallel_loop3A_473 : f32 to vector<16xf32>
        %parallel_loop3A_475 = math.exp %parallel_loop3A_474 : vector<16xf32>
        %parallel_loop3A_476 = arith.mulf %parallel_loop3A_348, %parallel_loop3A_469 : vector<16xf32>
        %parallel_loop3A_477 = arith.index_cast %parallel_loop3A_345 : i32 to index
        %parallel_loop3A_478 = arith.constant 0 : index
        %parallel_loop3A_479 = tpu.vector_load %arg12[%parallel_loop3A_477, %parallel_loop3A_478] {strides = array<i32>} : memref<96x128xf32, #tpu.memory_space<vmem>>, vector<16xf32>,
        tpu.vector_store %arg12[%parallel_loop3A_477, %parallel_loop3A_478], %parallel_loop3A_476 {strides = array<i32>} : memref<96x128xf32, #tpu.memory_space<vmem>>, vector<16xf32>,
        %parallel_loop3A_480 = arith.mulf %parallel_loop3A_362, %parallel_loop3A_469 : vector<16xf32>
        %parallel_loop3A_481 = arith.index_cast %parallel_loop3A_345 : i32 to index
        %parallel_loop3A_482 = arith.constant 16 : index
        %parallel_loop3A_483 = tpu.vector_load %arg12[%parallel_loop3A_481, %parallel_loop3A_482] {strides = array<i32>} : memref<96x128xf32, #tpu.memory_space<vmem>>, vector<16xf32>,
        tpu.vector_store %arg12[%parallel_loop3A_481, %parallel_loop3A_482], %parallel_loop3A_480 {strides = array<i32>} : memref<96x128xf32, #tpu.memory_space<vmem>>, vector<16xf32>,
        %parallel_loop3A_484 = arith.mulf %parallel_loop3A_376, %parallel_loop3A_469 : vector<16xf32>
        %parallel_loop3A_485 = arith.index_cast %parallel_loop3A_345 : i32 to index
        %parallel_loop3A_486 = arith.constant 32 : index
        %parallel_loop3A_487 = tpu.vector_load %arg12[%parallel_loop3A_485, %parallel_loop3A_486] {strides = array<i32>} : memref<96x128xf32, #tpu.memory_space<vmem>>, vector<16xf32>,
        tpu.vector_store %arg12[%parallel_loop3A_485, %parallel_loop3A_486], %parallel_loop3A_484 {strides = array<i32>} : memref<96x128xf32, #tpu.memory_space<vmem>>, vector<16xf32>,
        %parallel_loop3A_488 = arith.mulf %parallel_loop3A_390, %parallel_loop3A_469 : vector<16xf32>
        %parallel_loop3A_489 = arith.index_cast %parallel_loop3A_345 : i32 to index
        %parallel_loop3A_490 = arith.constant 48 : index
        %parallel_loop3A_491 = tpu.vector_load %arg12[%parallel_loop3A_489, %parallel_loop3A_490] {strides = array<i32>} : memref<96x128xf32, #tpu.memory_space<vmem>>, vector<16xf32>,
        tpu.vector_store %arg12[%parallel_loop3A_489, %parallel_loop3A_490], %parallel_loop3A_488 {strides = array<i32>} : memref<96x128xf32, #tpu.memory_space<vmem>>, vector<16xf32>,
        %parallel_loop3A_492 = arith.mulf %parallel_loop3A_404, %parallel_loop3A_475 : vector<16xf32>
        %parallel_loop3A_493 = arith.index_cast %parallel_loop3A_345 : i32 to index
        %parallel_loop3A_494 = arith.constant 64 : index
        %parallel_loop3A_495 = tpu.vector_load %arg12[%parallel_loop3A_493, %parallel_loop3A_494] {strides = array<i32>} : memref<96x128xf32, #tpu.memory_space<vmem>>, vector<16xf32>,
        tpu.vector_store %arg12[%parallel_loop3A_493, %parallel_loop3A_494], %parallel_loop3A_492 {strides = array<i32>} : memref<96x128xf32, #tpu.memory_space<vmem>>, vector<16xf32>,
        %parallel_loop3A_496 = arith.mulf %parallel_loop3A_418, %parallel_loop3A_475 : vector<16xf32>
        %parallel_loop3A_497 = arith.index_cast %parallel_loop3A_345 : i32 to index
        %parallel_loop3A_498 = arith.constant 80 : index
        %parallel_loop3A_499 = tpu.vector_load %arg12[%parallel_loop3A_497, %parallel_loop3A_498] {strides = array<i32>} : memref<96x128xf32, #tpu.memory_space<vmem>>, vector<16xf32>,
        tpu.vector_store %arg12[%parallel_loop3A_497, %parallel_loop3A_498], %parallel_loop3A_496 {strides = array<i32>} : memref<96x128xf32, #tpu.memory_space<vmem>>, vector<16xf32>,
        %parallel_loop3A_500 = arith.mulf %parallel_loop3A_432, %parallel_loop3A_475 : vector<16xf32>
        %parallel_loop3A_501 = arith.index_cast %parallel_loop3A_345 : i32 to index
        %parallel_loop3A_502 = arith.constant 96 : index
        %parallel_loop3A_503 = tpu.vector_load %arg12[%parallel_loop3A_501, %parallel_loop3A_502] {strides = array<i32>} : memref<96x128xf32, #tpu.memory_space<vmem>>, vector<16xf32>,
        tpu.vector_store %arg12[%parallel_loop3A_501, %parallel_loop3A_502], %parallel_loop3A_500 {strides = array<i32>} : memref<96x128xf32, #tpu.memory_space<vmem>>, vector<16xf32>,
        %parallel_loop3A_504 = arith.mulf %parallel_loop3A_446, %parallel_loop3A_475 : vector<16xf32>
        %parallel_loop3A_505 = arith.index_cast %parallel_loop3A_345 : i32 to index
        %parallel_loop3A_506 = arith.constant 112 : index
        %parallel_loop3A_507 = tpu.vector_load %arg12[%parallel_loop3A_505, %parallel_loop3A_506] {strides = array<i32>} : memref<96x128xf32, #tpu.memory_space<vmem>>, vector<16xf32>,
        tpu.vector_store %arg12[%parallel_loop3A_505, %parallel_loop3A_506], %parallel_loop3A_504 {strides = array<i32>} : memref<96x128xf32, #tpu.memory_space<vmem>>, vector<16xf32>,
        %parallel_loop3A_508 = arith.constant 0 : i32
        %parallel_loop3A_509 = vector.broadcast %parallel_loop3A_508 : i32 to vector<16xi32>
        %parallel_loop3A_510 = arith.cmpi eq, %iota3A, %parallel_loop3A_509 : vector<16xi32>
        %parallel_loop3A_511 = arith.constant 1 : i32
        %parallel_loop3A_512 = vector.broadcast %parallel_loop3A_511 : i32 to vector<16xi32>
        %parallel_loop3A_513 = arith.cmpi eq, %iota3A, %parallel_loop3A_512 : vector<16xi32>
        %parallel_loop3A_514 = arith.constant 0.000000e+00 : f32
        %parallel_loop3A_515 = vector.broadcast %parallel_loop3A_514 : f32 to vector<16xf32>
        %parallel_loop3A_516 = arith.select %parallel_loop3A_513, %parallel_loop3A_475, %parallel_loop3A_515 : vector<16xi1>, vector<16xf32>
        %parallel_loop3A_517 = arith.select %parallel_loop3A_510, %parallel_loop3A_469, %parallel_loop3A_516 : vector<16xi1>, vector<16xf32>
        %parallel_loop3A_518 = arith.index_cast %parallel_loop3A_345 : i32 to index
        %parallel_loop3A_519 = arith.constant 0 : index
        %parallel_loop3A_520 = tpu.vector_load %arg13[%parallel_loop3A_518, %parallel_loop3A_519] {strides = array<i32>} : memref<96x128xf32, #tpu.memory_space<vmem>>, vector<16xf32>,
        tpu.vector_store %arg13[%parallel_loop3A_518, %parallel_loop3A_519], %parallel_loop3A_517 {strides = array<i32>} : memref<96x128xf32, #tpu.memory_space<vmem>>, vector<16xf32>,
      } {sc.loop_unroll_factor = 4 : i64, sc.parallel_access}
      "tpu.region"() ({
        %run_scoped3A = tpu.sem_alloc : memref<!tpu.dma_semaphore, #tpu.memory_space<semaphore_mem>>
        %dma_start3A_345 = arith.constant 0 : i32
        %dma_start3A_346 = arith.constant 0 : i32
        %dma_start3A_347 = tpu.memref_slice %arg18[%dma_start3A_345, %dma_start3A_346] : memref<10112x128xf32, #tpu.memory_space<vmem_shared>> -> memref<10112x128xf32, #tpu.memory_space<vmem_shared>>
        tpu.enqueue_indirect_dma source(%arg12 : memref<96x128xf32, #tpu.memory_space<vmem>>) target(%dma_start3A_347 : memref<10112x128xf32, #tpu.memory_space<vmem_shared>>) offsets(%arg11 : memref<96xi32, #tpu.memory_space<vmem>>) semaphore(%run_scoped3A : memref<!tpu.dma_semaphore, #tpu.memory_space<semaphore_mem>>) {add = true}
        %dma_wait3A_348 = arith.constant 0 : i32
        %dma_wait3A_349 = arith.constant 0 : i32
        %dma_wait3A_350 = tpu.memref_slice %arg18[%dma_wait3A_348, %dma_wait3A_349] : memref<10112x128xf32, #tpu.memory_space<vmem_shared>> -> memref<10112x128xf32, #tpu.memory_space<vmem_shared>>
        tpu.wait_indirect_dma semaphore(%run_scoped3A : memref<!tpu.dma_semaphore, #tpu.memory_space<semaphore_mem>>) src(%arg12 : memref<96x128xf32, #tpu.memory_space<vmem>>) dst(%dma_wait3A_350 : memref<10112x128xf32, #tpu.memory_space<vmem_shared>>)
        tpu.yield
      }) : () -> ()
      %scan3A_337 = arith.constant 0 : i32
      %scan3A_338 = arith.constant 0 : i32
      %scan3A_339 = arith.constant 6 : i32
      %scan3A_340 = arith.addi %scan3A_338, %scan3A_339 : i32
      %scan3A_341 = arith.constant 1 : i32
      %scan3A_342 = scf.for %scan3A_345 = %scan3A_338 to %scan3A_340 step %scan3A_341 iter_args(%scan3A_346 = %scan3A_337) -> (i32)  : i32 {
        %mul3A_347 = arith.constant 16 : i32
        %mul3A_348 = arith.muli %scan3A_345, %mul3A_347 : i32
        %add3A_349 = vector.broadcast %mul3A_348 : i32 to vector<16xi32>
        %add3A_350 = arith.addi %iota3A, %add3A_349 : vector<16xi32>
        %mul3A_351 = arith.constant 16 : i32
        %mul3A_352 = arith.muli %scan3A_345, %mul3A_351 : i32
        %get3A = arith.index_cast %mul3A_352 : i32 to index
        %get3A_353 = tpu.vector_load %arg11[%get3A] {strides = array<i32>} : memref<96xi32, #tpu.memory_space<vmem>>, vector<16xi32>,
        %mul3A_354 = arith.constant 2 : i32
        %mul3A_355 = vector.broadcast %mul3A_354 : i32 to vector<16xi32>
        %mul3A_356 = arith.muli %get3A_353, %mul3A_355 : vector<16xi32>
        %broadcast_in_dim3A_357 = arith.constant 0 : i32
        %broadcast_in_dim3A_358 = vector.broadcast %broadcast_in_dim3A_357 : i32 to vector<16xi32>
        %gather3A = tpu.vector_load_idx %arg13[%add3A_350, %broadcast_in_dim3A_358] : memref<96x128xf32, #tpu.memory_space<vmem>>[vector<16xi32>, vector<16xi32>], vector<16xf32>,
        %shift_right_logical3A = arith.constant 7 : i32
        %shift_right_logical3A_359 = vector.broadcast %shift_right_logical3A : i32 to vector<16xi32>
        %shift_right_logical3A_360 = arith.shrui %mul3A_356, %shift_right_logical3A_359 : vector<16xi32>
        %and3A = arith.constant 127 : i32
        %and3A_361 = vector.broadcast %and3A : i32 to vector<16xi32>
        %and3A_362 = arith.andi %mul3A_356, %and3A_361 : vector<16xi32>
        tpu.vector_store_idx %arg15[%shift_right_logical3A_360, %and3A_362], %gather3A {add = true} : memref<160x128xf32, #tpu.memory_space<vmem>>[vector<16xi32>, vector<16xi32>], vector<16xf32>,
        %add3A_363 = arith.constant 1 : i32
        %add3A_364 = vector.broadcast %add3A_363 : i32 to vector<16xi32>
        %add3A_365 = arith.addi %mul3A_356, %add3A_364 : vector<16xi32>
        %broadcast_in_dim3A_366 = arith.constant 1 : i32
        %broadcast_in_dim3A_367 = vector.broadcast %broadcast_in_dim3A_366 : i32 to vector<16xi32>
        %gather3A_368 = tpu.vector_load_idx %arg13[%add3A_350, %broadcast_in_dim3A_367] : memref<96x128xf32, #tpu.memory_space<vmem>>[vector<16xi32>, vector<16xi32>], vector<16xf32>,
        %shift_right_logical3A_369 = arith.constant 7 : i32
        %shift_right_logical3A_370 = vector.broadcast %shift_right_logical3A_369 : i32 to vector<16xi32>
        %shift_right_logical3A_371 = arith.shrui %add3A_365, %shift_right_logical3A_370 : vector<16xi32>
        %and3A_372 = arith.constant 127 : i32
        %and3A_373 = vector.broadcast %and3A_372 : i32 to vector<16xi32>
        %and3A_374 = arith.andi %add3A_365, %and3A_373 : vector<16xi32>
        tpu.vector_store_idx %arg15[%shift_right_logical3A_371, %and3A_374], %gather3A_368 {add = true} : memref<160x128xf32, #tpu.memory_space<vmem>>[vector<16xi32>, vector<16xi32>], vector<16xf32>,
        %scan3A_375 = arith.constant 0 : i32
        scf.yield %scan3A_375 : i32
      }
      %scan3A_343 = arith.constant 6 : i32
      %scan3A_344 = arith.constant 0 : i32
      scf.yield %scan3A_344 : i32
    }
    %scan3A_303 = arith.constant 108 : i32
    %barrier3A_304 = arith.constant 0 : index
    tpu.barrier barrier_id(%barrier3A_304)
    "tpu.region"() ({
      %run_scoped3A = tpu.sem_alloc : memref<!tpu.dma_semaphore, #tpu.memory_space<semaphore_mem>>
      %dma_start3A = arith.constant 0 : i32
      %dma_start3A_310 = arith.constant 0 : i32
      %dma_start3A_311 = tpu.memref_slice %arg15[%dma_start3A, %dma_start3A_310] : memref<160x128xf32, #tpu.memory_space<vmem>> -> memref<128x128xf32, #tpu.memory_space<vmem>>
      %dma_start3A_312 = arith.constant 0 : i32
      %dma_start3A_313 = arith.constant 0 : i32
      %dma_start3A_314 = tpu.memref_slice %arg19[%dma_start3A_312, %dma_start3A_313] : memref<160x128xf32, #tpu.memory_space<vmem_shared>> -> memref<160x128xf32, #tpu.memory_space<vmem_shared>>
      tpu.enqueue_indirect_dma source(%dma_start3A_311 : memref<128x128xf32, #tpu.memory_space<vmem>>) target(%dma_start3A_314 : memref<160x128xf32, #tpu.memory_space<vmem_shared>>) offsets(%arg16 : memref<128xi32, #tpu.memory_space<vmem>>) semaphore(%run_scoped3A : memref<!tpu.dma_semaphore, #tpu.memory_space<semaphore_mem>>) {add = true}
      %dma_wait3A = arith.constant 0 : i32
      %dma_wait3A_315 = arith.constant 0 : i32
      %dma_wait3A_316 = tpu.memref_slice %arg15[%dma_wait3A, %dma_wait3A_315] : memref<160x128xf32, #tpu.memory_space<vmem>> -> memref<128x128xf32, #tpu.memory_space<vmem>>
      %dma_wait3A_317 = arith.constant 0 : i32
      %dma_wait3A_318 = arith.constant 0 : i32
      %dma_wait3A_319 = tpu.memref_slice %arg19[%dma_wait3A_317, %dma_wait3A_318] : memref<160x128xf32, #tpu.memory_space<vmem_shared>> -> memref<160x128xf32, #tpu.memory_space<vmem_shared>>
      tpu.wait_indirect_dma semaphore(%run_scoped3A : memref<!tpu.dma_semaphore, #tpu.memory_space<semaphore_mem>>) src(%dma_wait3A_316 : memref<128x128xf32, #tpu.memory_space<vmem>>) dst(%dma_wait3A_319 : memref<160x128xf32, #tpu.memory_space<vmem_shared>>)
      tpu.yield
    }) : () -> ()
    "tpu.region"() ({
      %run_scoped3A = tpu.sem_alloc : memref<!tpu.dma_semaphore, #tpu.memory_space<semaphore_mem>>
      %dma_start3A = arith.constant 128 : i32
      %dma_start3A_310 = arith.constant 0 : i32
      %dma_start3A_311 = tpu.memref_slice %arg15[%dma_start3A, %dma_start3A_310] : memref<160x128xf32, #tpu.memory_space<vmem>> -> memref<32x128xf32, #tpu.memory_space<vmem>>
      %dma_start3A_312 = arith.constant 0 : i32
      %dma_start3A_313 = arith.constant 0 : i32
      %dma_start3A_314 = tpu.memref_slice %arg19[%dma_start3A_312, %dma_start3A_313] : memref<160x128xf32, #tpu.memory_space<vmem_shared>> -> memref<160x128xf32, #tpu.memory_space<vmem_shared>>
      tpu.enqueue_indirect_dma source(%dma_start3A_311 : memref<32x128xf32, #tpu.memory_space<vmem>>) target(%dma_start3A_314 : memref<160x128xf32, #tpu.memory_space<vmem_shared>>) offsets(%arg17 : memref<32xi32, #tpu.memory_space<vmem>>) semaphore(%run_scoped3A : memref<!tpu.dma_semaphore, #tpu.memory_space<semaphore_mem>>) {add = true}
      %dma_wait3A = arith.constant 128 : i32
      %dma_wait3A_315 = arith.constant 0 : i32
      %dma_wait3A_316 = tpu.memref_slice %arg15[%dma_wait3A, %dma_wait3A_315] : memref<160x128xf32, #tpu.memory_space<vmem>> -> memref<32x128xf32, #tpu.memory_space<vmem>>
      %dma_wait3A_317 = arith.constant 0 : i32
      %dma_wait3A_318 = arith.constant 0 : i32
      %dma_wait3A_319 = tpu.memref_slice %arg19[%dma_wait3A_317, %dma_wait3A_318] : memref<160x128xf32, #tpu.memory_space<vmem_shared>> -> memref<160x128xf32, #tpu.memory_space<vmem_shared>>
      tpu.wait_indirect_dma semaphore(%run_scoped3A : memref<!tpu.dma_semaphore, #tpu.memory_space<semaphore_mem>>) src(%dma_wait3A_316 : memref<32x128xf32, #tpu.memory_space<vmem>>) dst(%dma_wait3A_319 : memref<160x128xf32, #tpu.memory_space<vmem_shared>>)
      tpu.yield
    }) : () -> ()
    %barrier3A_305 = arith.constant 0 : index
    tpu.barrier barrier_id(%barrier3A_305)
    "tpu.region"() ({
      %run_scoped3A = tpu.sem_alloc : memref<!tpu.dma_semaphore, #tpu.memory_space<semaphore_mem>>
      %dma_start3A = arith.constant 0 : i32
      %dma_start3A_310 = tpu.memref_slice %arg7[%arg0, %mul3A_258, %dma_start3A] : memref<2x10112x128xf32, #tpu.memory_space<hbm>> -> memref<1x632x128xf32, #tpu.memory_space<hbm>>
      %dma_start3A_311 = tpu.memref_squeeze %dma_start3A_310 : memref<1x632x128xf32, #tpu.memory_space<hbm>> -> memref<632x128xf32, #tpu.memory_space<hbm>>
      %dma_start3A_312 = arith.constant 0 : i32
      %dma_start3A_313 = tpu.memref_slice %arg18[%mul3A_258, %dma_start3A_312] : memref<10112x128xf32, #tpu.memory_space<vmem_shared>> -> memref<632x128xf32, #tpu.memory_space<vmem_shared>>
      tpu.enqueue_dma source(%dma_start3A_313 : memref<632x128xf32, #tpu.memory_space<vmem_shared>>) target(%dma_start3A_311 : memref<632x128xf32, #tpu.memory_space<hbm>>) target_semaphore(%run_scoped3A : memref<!tpu.dma_semaphore, #tpu.memory_space<semaphore_mem>>)
      %dma_wait3A = arith.constant 0 : i32
      %dma_wait3A_314 = tpu.memref_slice %arg7[%arg0, %mul3A_258, %dma_wait3A] : memref<2x10112x128xf32, #tpu.memory_space<hbm>> -> memref<1x632x128xf32, #tpu.memory_space<hbm>>
      %dma_wait3A_315 = tpu.memref_squeeze %dma_wait3A_314 : memref<1x632x128xf32, #tpu.memory_space<hbm>> -> memref<632x128xf32, #tpu.memory_space<hbm>>
      %dma_wait3A_316 = arith.constant 0 : i32
      %dma_wait3A_317 = tpu.memref_slice %arg18[%mul3A_258, %dma_wait3A_316] : memref<10112x128xf32, #tpu.memory_space<vmem_shared>> -> memref<632x128xf32, #tpu.memory_space<vmem_shared>>
      tpu.wait_dma2 semaphore(%run_scoped3A : memref<!tpu.dma_semaphore, #tpu.memory_space<semaphore_mem>>) src(%dma_wait3A_317 : memref<632x128xf32, #tpu.memory_space<vmem_shared>>) dst(%dma_wait3A_315 : memref<632x128xf32, #tpu.memory_space<hbm>>)
      tpu.yield
    }) : () -> ()
    %lt3A = arith.constant 10 : i32
    %lt3A_306 = arith.cmpi slt, %arg1, %lt3A : i32
    %convert_element_type3A_307 = arith.extui %lt3A_306 : i1 to i32
    %cond3A_308 = arith.constant 0 : i32
    %cond3A_309 = arith.cmpi ne, %convert_element_type3A_307, %cond3A_308 : i32
    scf.if %cond3A_309 {
      %mul3A_310 = arith.constant 16 : i32
      %mul3A_311 = arith.muli %arg1, %mul3A_310 : i32
      %mul3A_312 = arith.constant 16 : i32
      %mul3A_313 = arith.muli %arg1, %mul3A_312 : i32
      "tpu.region"() ({
        %run_scoped3A = tpu.sem_alloc : memref<!tpu.dma_semaphore, #tpu.memory_space<semaphore_mem>>
        %dma_start3A = arith.constant 0 : i32
        %dma_start3A_314 = tpu.memref_slice %arg8[%arg0, %mul3A_313, %dma_start3A] : memref<2x160x128xf32, #tpu.memory_space<hbm>> -> memref<1x16x128xf32, #tpu.memory_space<hbm>>
        %dma_start3A_315 = tpu.memref_squeeze %dma_start3A_314 : memref<1x16x128xf32, #tpu.memory_space<hbm>> -> memref<16x128xf32, #tpu.memory_space<hbm>>
        %dma_start3A_316 = arith.constant 0 : i32
        %dma_start3A_317 = tpu.memref_slice %arg19[%mul3A_311, %dma_start3A_316] : memref<160x128xf32, #tpu.memory_space<vmem_shared>> -> memref<16x128xf32, #tpu.memory_space<vmem_shared>>
        tpu.enqueue_dma source(%dma_start3A_317 : memref<16x128xf32, #tpu.memory_space<vmem_shared>>) target(%dma_start3A_315 : memref<16x128xf32, #tpu.memory_space<hbm>>) target_semaphore(%run_scoped3A : memref<!tpu.dma_semaphore, #tpu.memory_space<semaphore_mem>>)
        %dma_wait3A = arith.constant 0 : i32
        %dma_wait3A_318 = tpu.memref_slice %arg8[%arg0, %mul3A_313, %dma_wait3A] : memref<2x160x128xf32, #tpu.memory_space<hbm>> -> memref<1x16x128xf32, #tpu.memory_space<hbm>>
        %dma_wait3A_319 = tpu.memref_squeeze %dma_wait3A_318 : memref<1x16x128xf32, #tpu.memory_space<hbm>> -> memref<16x128xf32, #tpu.memory_space<hbm>>
        %dma_wait3A_320 = arith.constant 0 : i32
        %dma_wait3A_321 = tpu.memref_slice %arg19[%mul3A_311, %dma_wait3A_320] : memref<160x128xf32, #tpu.memory_space<vmem_shared>> -> memref<16x128xf32, #tpu.memory_space<vmem_shared>>
        tpu.wait_dma2 semaphore(%run_scoped3A : memref<!tpu.dma_semaphore, #tpu.memory_space<semaphore_mem>>) src(%dma_wait3A_321 : memref<16x128xf32, #tpu.memory_space<vmem_shared>>) dst(%dma_wait3A_319 : memref<16x128xf32, #tpu.memory_space<hbm>>)
        tpu.yield
      }) : () -> ()
    } else {
    }
    return
  }
}

#map = affine_map<(d0, d1) -> (0, 0)>
#map1 = affine_map<(d0, d1) -> (0)>
#map2 = affine_map<(d0, d1) -> (0, 0, 0)>
module attributes {stable_mosaic.version = 14 : i64} {
  func.func @gat_edge_pass_h1(%arg0: i32, %arg1: i32, %arg2: memref<10112x128xf32, #tpu.memory_space<hbm>>, %arg3: memref<10112x128xf32, #tpu.memory_space<hbm>>, %arg4: memref<331776xi32, #tpu.memory_space<hbm>>, %arg5: memref<331776xi32, #tpu.memory_space<hbm>>, %arg6: memref<128xf32, #tpu.memory_space<hbm>>, %arg7: memref<2x10112x128xf32, #tpu.memory_space<hbm>>, %arg8: memref<2x160x128xf32, #tpu.memory_space<hbm>>, %arg9: memref<128xf32, #tpu.memory_space<vmem>>, %arg10: memref<96xi32, #tpu.memory_space<vmem>>, %arg11: memref<96xi32, #tpu.memory_space<vmem>>, %arg12: memref<96x128xf32, #tpu.memory_space<vmem>>, %arg13: memref<96x128xf32, #tpu.memory_space<vmem>>, %arg14: memref<8x128xf32, #tpu.memory_space<vmem>>, %arg15: memref<160x128xf32, #tpu.memory_space<vmem>>, %arg16: memref<128xi32, #tpu.memory_space<vmem>>, %arg17: memref<32xi32, #tpu.memory_space<vmem>>, %arg18: memref<10112x128xf32, #tpu.memory_space<vmem_shared>>, %arg19: memref<160x128xf32, #tpu.memory_space<vmem_shared>>, %arg20: memref<!tpu.dma_semaphore, #tpu.memory_space<semaphore_mem>>, %arg21: memref<!tpu.dma_semaphore, #tpu.memory_space<semaphore_mem>>) attributes {dimension_semantics = [#tpu.dimension_semantics<core_parallel>, #tpu.dimension_semantics<subcore_parallel>], iteration_bounds = array<i64: 2, 16>, scalar_prefetch = 0 : i64, scratch_operands = 13 : i64, tpu.core_type = #tpu.core_type<sc_vector_subcore>, window_params = [{transform_indices = #map}, {transform_indices = #map}, {transform_indices = #map1}, {transform_indices = #map1}, {transform_indices = #map1}, {transform_indices = #map2}, {transform_indices = #map2}]} {
    %mul3A = arith.constant 16 : i32
    %mul3A_0 = arith.muli %arg0, %mul3A : i32
    %add3A = arith.addi %mul3A_0, %arg1 : i32
    %broadcast_in_dim3A = arith.constant 0.000000e+00 : f32
    %broadcast_in_dim3A_1 = vector.broadcast %broadcast_in_dim3A : f32 to vector<16xf32>
    %iota3A = tpu.iota {dimensions = array<i32: 0>} : vector<16xi32>
    %swap3A = arith.constant 0 : i32
    %swap3A_2 = arith.index_cast %swap3A : i32 to index
    %swap3A_3 = arith.constant 0 : index
    %swap3A_4 = tpu.vector_load %arg14[%swap3A_2, %swap3A_3] {strides = array<i32>} : memref<8x128xf32, #tpu.memory_space<vmem>>, vector<16xf32>,
    tpu.vector_store %arg14[%swap3A_2, %swap3A_3], %broadcast_in_dim3A_1 {strides = array<i32>} : memref<8x128xf32, #tpu.memory_space<vmem>>, vector<16xf32>,
    %swap3A_5 = arith.constant 0 : i32
    %swap3A_6 = arith.index_cast %swap3A_5 : i32 to index
    %swap3A_7 = arith.constant 16 : index
    %swap3A_8 = tpu.vector_load %arg14[%swap3A_6, %swap3A_7] {strides = array<i32>} : memref<8x128xf32, #tpu.memory_space<vmem>>, vector<16xf32>,
    tpu.vector_store %arg14[%swap3A_6, %swap3A_7], %broadcast_in_dim3A_1 {strides = array<i32>} : memref<8x128xf32, #tpu.memory_space<vmem>>, vector<16xf32>,
    %swap3A_9 = arith.constant 0 : i32
    %swap3A_10 = arith.index_cast %swap3A_9 : i32 to index
    %swap3A_11 = arith.constant 32 : index
    %swap3A_12 = tpu.vector_load %arg14[%swap3A_10, %swap3A_11] {strides = array<i32>} : memref<8x128xf32, #tpu.memory_space<vmem>>, vector<16xf32>,
    tpu.vector_store %arg14[%swap3A_10, %swap3A_11], %broadcast_in_dim3A_1 {strides = array<i32>} : memref<8x128xf32, #tpu.memory_space<vmem>>, vector<16xf32>,
    %swap3A_13 = arith.constant 0 : i32
    %swap3A_14 = arith.index_cast %swap3A_13 : i32 to index
    %swap3A_15 = arith.constant 48 : index
    %swap3A_16 = tpu.vector_load %arg14[%swap3A_14, %swap3A_15] {strides = array<i32>} : memref<8x128xf32, #tpu.memory_space<vmem>>, vector<16xf32>,
    tpu.vector_store %arg14[%swap3A_14, %swap3A_15], %broadcast_in_dim3A_1 {strides = array<i32>} : memref<8x128xf32, #tpu.memory_space<vmem>>, vector<16xf32>,
    %swap3A_17 = arith.constant 0 : i32
    %swap3A_18 = arith.index_cast %swap3A_17 : i32 to index
    %swap3A_19 = arith.constant 64 : index
    %swap3A_20 = tpu.vector_load %arg14[%swap3A_18, %swap3A_19] {strides = array<i32>} : memref<8x128xf32, #tpu.memory_space<vmem>>, vector<16xf32>,
    tpu.vector_store %arg14[%swap3A_18, %swap3A_19], %broadcast_in_dim3A_1 {strides = array<i32>} : memref<8x128xf32, #tpu.memory_space<vmem>>, vector<16xf32>,
    %swap3A_21 = arith.constant 0 : i32
    %swap3A_22 = arith.index_cast %swap3A_21 : i32 to index
    %swap3A_23 = arith.constant 80 : index
    %swap3A_24 = tpu.vector_load %arg14[%swap3A_22, %swap3A_23] {strides = array<i32>} : memref<8x128xf32, #tpu.memory_space<vmem>>, vector<16xf32>,
    tpu.vector_store %arg14[%swap3A_22, %swap3A_23], %broadcast_in_dim3A_1 {strides = array<i32>} : memref<8x128xf32, #tpu.memory_space<vmem>>, vector<16xf32>,
    %swap3A_25 = arith.constant 0 : i32
    %swap3A_26 = arith.index_cast %swap3A_25 : i32 to index
    %swap3A_27 = arith.constant 96 : index
    %swap3A_28 = tpu.vector_load %arg14[%swap3A_26, %swap3A_27] {strides = array<i32>} : memref<8x128xf32, #tpu.memory_space<vmem>>, vector<16xf32>,
    tpu.vector_store %arg14[%swap3A_26, %swap3A_27], %broadcast_in_dim3A_1 {strides = array<i32>} : memref<8x128xf32, #tpu.memory_space<vmem>>, vector<16xf32>,
    %swap3A_29 = arith.constant 0 : i32
    %swap3A_30 = arith.index_cast %swap3A_29 : i32 to index
    %swap3A_31 = arith.constant 112 : index
    %swap3A_32 = tpu.vector_load %arg14[%swap3A_30, %swap3A_31] {strides = array<i32>} : memref<8x128xf32, #tpu.memory_space<vmem>>, vector<16xf32>,
    tpu.vector_store %arg14[%swap3A_30, %swap3A_31], %broadcast_in_dim3A_1 {strides = array<i32>} : memref<8x128xf32, #tpu.memory_space<vmem>>, vector<16xf32>,
    %swap3A_33 = arith.constant 1 : i32
    %swap3A_34 = arith.index_cast %swap3A_33 : i32 to index
    %swap3A_35 = arith.constant 0 : index
    %swap3A_36 = tpu.vector_load %arg14[%swap3A_34, %swap3A_35] {strides = array<i32>} : memref<8x128xf32, #tpu.memory_space<vmem>>, vector<16xf32>,
    tpu.vector_store %arg14[%swap3A_34, %swap3A_35], %broadcast_in_dim3A_1 {strides = array<i32>} : memref<8x128xf32, #tpu.memory_space<vmem>>, vector<16xf32>,
    %swap3A_37 = arith.constant 1 : i32
    %swap3A_38 = arith.index_cast %swap3A_37 : i32 to index
    %swap3A_39 = arith.constant 16 : index
    %swap3A_40 = tpu.vector_load %arg14[%swap3A_38, %swap3A_39] {strides = array<i32>} : memref<8x128xf32, #tpu.memory_space<vmem>>, vector<16xf32>,
    tpu.vector_store %arg14[%swap3A_38, %swap3A_39], %broadcast_in_dim3A_1 {strides = array<i32>} : memref<8x128xf32, #tpu.memory_space<vmem>>, vector<16xf32>,
    %swap3A_41 = arith.constant 1 : i32
    %swap3A_42 = arith.index_cast %swap3A_41 : i32 to index
    %swap3A_43 = arith.constant 32 : index
    %swap3A_44 = tpu.vector_load %arg14[%swap3A_42, %swap3A_43] {strides = array<i32>} : memref<8x128xf32, #tpu.memory_space<vmem>>, vector<16xf32>,
    tpu.vector_store %arg14[%swap3A_42, %swap3A_43], %broadcast_in_dim3A_1 {strides = array<i32>} : memref<8x128xf32, #tpu.memory_space<vmem>>, vector<16xf32>,
    %swap3A_45 = arith.constant 1 : i32
    %swap3A_46 = arith.index_cast %swap3A_45 : i32 to index
    %swap3A_47 = arith.constant 48 : index
    %swap3A_48 = tpu.vector_load %arg14[%swap3A_46, %swap3A_47] {strides = array<i32>} : memref<8x128xf32, #tpu.memory_space<vmem>>, vector<16xf32>,
    tpu.vector_store %arg14[%swap3A_46, %swap3A_47], %broadcast_in_dim3A_1 {strides = array<i32>} : memref<8x128xf32, #tpu.memory_space<vmem>>, vector<16xf32>,
    %swap3A_49 = arith.constant 1 : i32
    %swap3A_50 = arith.index_cast %swap3A_49 : i32 to index
    %swap3A_51 = arith.constant 64 : index
    %swap3A_52 = tpu.vector_load %arg14[%swap3A_50, %swap3A_51] {strides = array<i32>} : memref<8x128xf32, #tpu.memory_space<vmem>>, vector<16xf32>,
    tpu.vector_store %arg14[%swap3A_50, %swap3A_51], %broadcast_in_dim3A_1 {strides = array<i32>} : memref<8x128xf32, #tpu.memory_space<vmem>>, vector<16xf32>,
    %swap3A_53 = arith.constant 1 : i32
    %swap3A_54 = arith.index_cast %swap3A_53 : i32 to index
    %swap3A_55 = arith.constant 80 : index
    %swap3A_56 = tpu.vector_load %arg14[%swap3A_54, %swap3A_55] {strides = array<i32>} : memref<8x128xf32, #tpu.memory_space<vmem>>, vector<16xf32>,
    tpu.vector_store %arg14[%swap3A_54, %swap3A_55], %broadcast_in_dim3A_1 {strides = array<i32>} : memref<8x128xf32, #tpu.memory_space<vmem>>, vector<16xf32>,
    %swap3A_57 = arith.constant 1 : i32
    %swap3A_58 = arith.index_cast %swap3A_57 : i32 to index
    %swap3A_59 = arith.constant 96 : index
    %swap3A_60 = tpu.vector_load %arg14[%swap3A_58, %swap3A_59] {strides = array<i32>} : memref<8x128xf32, #tpu.memory_space<vmem>>, vector<16xf32>,
    tpu.vector_store %arg14[%swap3A_58, %swap3A_59], %broadcast_in_dim3A_1 {strides = array<i32>} : memref<8x128xf32, #tpu.memory_space<vmem>>, vector<16xf32>,
    %swap3A_61 = arith.constant 1 : i32
    %swap3A_62 = arith.index_cast %swap3A_61 : i32 to index
    %swap3A_63 = arith.constant 112 : index
    %swap3A_64 = tpu.vector_load %arg14[%swap3A_62, %swap3A_63] {strides = array<i32>} : memref<8x128xf32, #tpu.memory_space<vmem>>, vector<16xf32>,
    tpu.vector_store %arg14[%swap3A_62, %swap3A_63], %broadcast_in_dim3A_1 {strides = array<i32>} : memref<8x128xf32, #tpu.memory_space<vmem>>, vector<16xf32>,
    %swap3A_65 = arith.constant 2 : i32
    %swap3A_66 = arith.index_cast %swap3A_65 : i32 to index
    %swap3A_67 = arith.constant 0 : index
    %swap3A_68 = tpu.vector_load %arg14[%swap3A_66, %swap3A_67] {strides = array<i32>} : memref<8x128xf32, #tpu.memory_space<vmem>>, vector<16xf32>,
    tpu.vector_store %arg14[%swap3A_66, %swap3A_67], %broadcast_in_dim3A_1 {strides = array<i32>} : memref<8x128xf32, #tpu.memory_space<vmem>>, vector<16xf32>,
    %swap3A_69 = arith.constant 2 : i32
    %swap3A_70 = arith.index_cast %swap3A_69 : i32 to index
    %swap3A_71 = arith.constant 16 : index
    %swap3A_72 = tpu.vector_load %arg14[%swap3A_70, %swap3A_71] {strides = array<i32>} : memref<8x128xf32, #tpu.memory_space<vmem>>, vector<16xf32>,
    tpu.vector_store %arg14[%swap3A_70, %swap3A_71], %broadcast_in_dim3A_1 {strides = array<i32>} : memref<8x128xf32, #tpu.memory_space<vmem>>, vector<16xf32>,
    %swap3A_73 = arith.constant 2 : i32
    %swap3A_74 = arith.index_cast %swap3A_73 : i32 to index
    %swap3A_75 = arith.constant 32 : index
    %swap3A_76 = tpu.vector_load %arg14[%swap3A_74, %swap3A_75] {strides = array<i32>} : memref<8x128xf32, #tpu.memory_space<vmem>>, vector<16xf32>,
    tpu.vector_store %arg14[%swap3A_74, %swap3A_75], %broadcast_in_dim3A_1 {strides = array<i32>} : memref<8x128xf32, #tpu.memory_space<vmem>>, vector<16xf32>,
    %swap3A_77 = arith.constant 2 : i32
    %swap3A_78 = arith.index_cast %swap3A_77 : i32 to index
    %swap3A_79 = arith.constant 48 : index
    %swap3A_80 = tpu.vector_load %arg14[%swap3A_78, %swap3A_79] {strides = array<i32>} : memref<8x128xf32, #tpu.memory_space<vmem>>, vector<16xf32>,
    tpu.vector_store %arg14[%swap3A_78, %swap3A_79], %broadcast_in_dim3A_1 {strides = array<i32>} : memref<8x128xf32, #tpu.memory_space<vmem>>, vector<16xf32>,
    %swap3A_81 = arith.constant 2 : i32
    %swap3A_82 = arith.index_cast %swap3A_81 : i32 to index
    %swap3A_83 = arith.constant 64 : index
    %swap3A_84 = tpu.vector_load %arg14[%swap3A_82, %swap3A_83] {strides = array<i32>} : memref<8x128xf32, #tpu.memory_space<vmem>>, vector<16xf32>,
    tpu.vector_store %arg14[%swap3A_82, %swap3A_83], %broadcast_in_dim3A_1 {strides = array<i32>} : memref<8x128xf32, #tpu.memory_space<vmem>>, vector<16xf32>,
    %swap3A_85 = arith.constant 2 : i32
    %swap3A_86 = arith.index_cast %swap3A_85 : i32 to index
    %swap3A_87 = arith.constant 80 : index
    %swap3A_88 = tpu.vector_load %arg14[%swap3A_86, %swap3A_87] {strides = array<i32>} : memref<8x128xf32, #tpu.memory_space<vmem>>, vector<16xf32>,
    tpu.vector_store %arg14[%swap3A_86, %swap3A_87], %broadcast_in_dim3A_1 {strides = array<i32>} : memref<8x128xf32, #tpu.memory_space<vmem>>, vector<16xf32>,
    %swap3A_89 = arith.constant 2 : i32
    %swap3A_90 = arith.index_cast %swap3A_89 : i32 to index
    %swap3A_91 = arith.constant 96 : index
    %swap3A_92 = tpu.vector_load %arg14[%swap3A_90, %swap3A_91] {strides = array<i32>} : memref<8x128xf32, #tpu.memory_space<vmem>>, vector<16xf32>,
    tpu.vector_store %arg14[%swap3A_90, %swap3A_91], %broadcast_in_dim3A_1 {strides = array<i32>} : memref<8x128xf32, #tpu.memory_space<vmem>>, vector<16xf32>,
    %swap3A_93 = arith.constant 2 : i32
    %swap3A_94 = arith.index_cast %swap3A_93 : i32 to index
    %swap3A_95 = arith.constant 112 : index
    %swap3A_96 = tpu.vector_load %arg14[%swap3A_94, %swap3A_95] {strides = array<i32>} : memref<8x128xf32, #tpu.memory_space<vmem>>, vector<16xf32>,
    tpu.vector_store %arg14[%swap3A_94, %swap3A_95], %broadcast_in_dim3A_1 {strides = array<i32>} : memref<8x128xf32, #tpu.memory_space<vmem>>, vector<16xf32>,
    %swap3A_97 = arith.constant 3 : i32
    %swap3A_98 = arith.index_cast %swap3A_97 : i32 to index
    %swap3A_99 = arith.constant 0 : index
    %swap3A_100 = tpu.vector_load %arg14[%swap3A_98, %swap3A_99] {strides = array<i32>} : memref<8x128xf32, #tpu.memory_space<vmem>>, vector<16xf32>,
    tpu.vector_store %arg14[%swap3A_98, %swap3A_99], %broadcast_in_dim3A_1 {strides = array<i32>} : memref<8x128xf32, #tpu.memory_space<vmem>>, vector<16xf32>,
    %swap3A_101 = arith.constant 3 : i32
    %swap3A_102 = arith.index_cast %swap3A_101 : i32 to index
    %swap3A_103 = arith.constant 16 : index
    %swap3A_104 = tpu.vector_load %arg14[%swap3A_102, %swap3A_103] {strides = array<i32>} : memref<8x128xf32, #tpu.memory_space<vmem>>, vector<16xf32>,
    tpu.vector_store %arg14[%swap3A_102, %swap3A_103], %broadcast_in_dim3A_1 {strides = array<i32>} : memref<8x128xf32, #tpu.memory_space<vmem>>, vector<16xf32>,
    %swap3A_105 = arith.constant 3 : i32
    %swap3A_106 = arith.index_cast %swap3A_105 : i32 to index
    %swap3A_107 = arith.constant 32 : index
    %swap3A_108 = tpu.vector_load %arg14[%swap3A_106, %swap3A_107] {strides = array<i32>} : memref<8x128xf32, #tpu.memory_space<vmem>>, vector<16xf32>,
    tpu.vector_store %arg14[%swap3A_106, %swap3A_107], %broadcast_in_dim3A_1 {strides = array<i32>} : memref<8x128xf32, #tpu.memory_space<vmem>>, vector<16xf32>,
    %swap3A_109 = arith.constant 3 : i32
    %swap3A_110 = arith.index_cast %swap3A_109 : i32 to index
    %swap3A_111 = arith.constant 48 : index
    %swap3A_112 = tpu.vector_load %arg14[%swap3A_110, %swap3A_111] {strides = array<i32>} : memref<8x128xf32, #tpu.memory_space<vmem>>, vector<16xf32>,
    tpu.vector_store %arg14[%swap3A_110, %swap3A_111], %broadcast_in_dim3A_1 {strides = array<i32>} : memref<8x128xf32, #tpu.memory_space<vmem>>, vector<16xf32>,
    %swap3A_113 = arith.constant 3 : i32
    %swap3A_114 = arith.index_cast %swap3A_113 : i32 to index
    %swap3A_115 = arith.constant 64 : index
    %swap3A_116 = tpu.vector_load %arg14[%swap3A_114, %swap3A_115] {strides = array<i32>} : memref<8x128xf32, #tpu.memory_space<vmem>>, vector<16xf32>,
    tpu.vector_store %arg14[%swap3A_114, %swap3A_115], %broadcast_in_dim3A_1 {strides = array<i32>} : memref<8x128xf32, #tpu.memory_space<vmem>>, vector<16xf32>,
    %swap3A_117 = arith.constant 3 : i32
    %swap3A_118 = arith.index_cast %swap3A_117 : i32 to index
    %swap3A_119 = arith.constant 80 : index
    %swap3A_120 = tpu.vector_load %arg14[%swap3A_118, %swap3A_119] {strides = array<i32>} : memref<8x128xf32, #tpu.memory_space<vmem>>, vector<16xf32>,
    tpu.vector_store %arg14[%swap3A_118, %swap3A_119], %broadcast_in_dim3A_1 {strides = array<i32>} : memref<8x128xf32, #tpu.memory_space<vmem>>, vector<16xf32>,
    %swap3A_121 = arith.constant 3 : i32
    %swap3A_122 = arith.index_cast %swap3A_121 : i32 to index
    %swap3A_123 = arith.constant 96 : index
    %swap3A_124 = tpu.vector_load %arg14[%swap3A_122, %swap3A_123] {strides = array<i32>} : memref<8x128xf32, #tpu.memory_space<vmem>>, vector<16xf32>,
    tpu.vector_store %arg14[%swap3A_122, %swap3A_123], %broadcast_in_dim3A_1 {strides = array<i32>} : memref<8x128xf32, #tpu.memory_space<vmem>>, vector<16xf32>,
    %swap3A_125 = arith.constant 3 : i32
    %swap3A_126 = arith.index_cast %swap3A_125 : i32 to index
    %swap3A_127 = arith.constant 112 : index
    %swap3A_128 = tpu.vector_load %arg14[%swap3A_126, %swap3A_127] {strides = array<i32>} : memref<8x128xf32, #tpu.memory_space<vmem>>, vector<16xf32>,
    tpu.vector_store %arg14[%swap3A_126, %swap3A_127], %broadcast_in_dim3A_1 {strides = array<i32>} : memref<8x128xf32, #tpu.memory_space<vmem>>, vector<16xf32>,
    %swap3A_129 = arith.constant 4 : i32
    %swap3A_130 = arith.index_cast %swap3A_129 : i32 to index
    %swap3A_131 = arith.constant 0 : index
    %swap3A_132 = tpu.vector_load %arg14[%swap3A_130, %swap3A_131] {strides = array<i32>} : memref<8x128xf32, #tpu.memory_space<vmem>>, vector<16xf32>,
    tpu.vector_store %arg14[%swap3A_130, %swap3A_131], %broadcast_in_dim3A_1 {strides = array<i32>} : memref<8x128xf32, #tpu.memory_space<vmem>>, vector<16xf32>,
    %swap3A_133 = arith.constant 4 : i32
    %swap3A_134 = arith.index_cast %swap3A_133 : i32 to index
    %swap3A_135 = arith.constant 16 : index
    %swap3A_136 = tpu.vector_load %arg14[%swap3A_134, %swap3A_135] {strides = array<i32>} : memref<8x128xf32, #tpu.memory_space<vmem>>, vector<16xf32>,
    tpu.vector_store %arg14[%swap3A_134, %swap3A_135], %broadcast_in_dim3A_1 {strides = array<i32>} : memref<8x128xf32, #tpu.memory_space<vmem>>, vector<16xf32>,
    %swap3A_137 = arith.constant 4 : i32
    %swap3A_138 = arith.index_cast %swap3A_137 : i32 to index
    %swap3A_139 = arith.constant 32 : index
    %swap3A_140 = tpu.vector_load %arg14[%swap3A_138, %swap3A_139] {strides = array<i32>} : memref<8x128xf32, #tpu.memory_space<vmem>>, vector<16xf32>,
    tpu.vector_store %arg14[%swap3A_138, %swap3A_139], %broadcast_in_dim3A_1 {strides = array<i32>} : memref<8x128xf32, #tpu.memory_space<vmem>>, vector<16xf32>,
    %swap3A_141 = arith.constant 4 : i32
    %swap3A_142 = arith.index_cast %swap3A_141 : i32 to index
    %swap3A_143 = arith.constant 48 : index
    %swap3A_144 = tpu.vector_load %arg14[%swap3A_142, %swap3A_143] {strides = array<i32>} : memref<8x128xf32, #tpu.memory_space<vmem>>, vector<16xf32>,
    tpu.vector_store %arg14[%swap3A_142, %swap3A_143], %broadcast_in_dim3A_1 {strides = array<i32>} : memref<8x128xf32, #tpu.memory_space<vmem>>, vector<16xf32>,
    %swap3A_145 = arith.constant 4 : i32
    %swap3A_146 = arith.index_cast %swap3A_145 : i32 to index
    %swap3A_147 = arith.constant 64 : index
    %swap3A_148 = tpu.vector_load %arg14[%swap3A_146, %swap3A_147] {strides = array<i32>} : memref<8x128xf32, #tpu.memory_space<vmem>>, vector<16xf32>,
    tpu.vector_store %arg14[%swap3A_146, %swap3A_147], %broadcast_in_dim3A_1 {strides = array<i32>} : memref<8x128xf32, #tpu.memory_space<vmem>>, vector<16xf32>,
    %swap3A_149 = arith.constant 4 : i32
    %swap3A_150 = arith.index_cast %swap3A_149 : i32 to index
    %swap3A_151 = arith.constant 80 : index
    %swap3A_152 = tpu.vector_load %arg14[%swap3A_150, %swap3A_151] {strides = array<i32>} : memref<8x128xf32, #tpu.memory_space<vmem>>, vector<16xf32>,
    tpu.vector_store %arg14[%swap3A_150, %swap3A_151], %broadcast_in_dim3A_1 {strides = array<i32>} : memref<8x128xf32, #tpu.memory_space<vmem>>, vector<16xf32>,
    %swap3A_153 = arith.constant 4 : i32
    %swap3A_154 = arith.index_cast %swap3A_153 : i32 to index
    %swap3A_155 = arith.constant 96 : index
    %swap3A_156 = tpu.vector_load %arg14[%swap3A_154, %swap3A_155] {strides = array<i32>} : memref<8x128xf32, #tpu.memory_space<vmem>>, vector<16xf32>,
    tpu.vector_store %arg14[%swap3A_154, %swap3A_155], %broadcast_in_dim3A_1 {strides = array<i32>} : memref<8x128xf32, #tpu.memory_space<vmem>>, vector<16xf32>,
    %swap3A_157 = arith.constant 4 : i32
    %swap3A_158 = arith.index_cast %swap3A_157 : i32 to index
    %swap3A_159 = arith.constant 112 : index
    %swap3A_160 = tpu.vector_load %arg14[%swap3A_158, %swap3A_159] {strides = array<i32>} : memref<8x128xf32, #tpu.memory_space<vmem>>, vector<16xf32>,
    tpu.vector_store %arg14[%swap3A_158, %swap3A_159], %broadcast_in_dim3A_1 {strides = array<i32>} : memref<8x128xf32, #tpu.memory_space<vmem>>, vector<16xf32>,
    %swap3A_161 = arith.constant 5 : i32
    %swap3A_162 = arith.index_cast %swap3A_161 : i32 to index
    %swap3A_163 = arith.constant 0 : index
    %swap3A_164 = tpu.vector_load %arg14[%swap3A_162, %swap3A_163] {strides = array<i32>} : memref<8x128xf32, #tpu.memory_space<vmem>>, vector<16xf32>,
    tpu.vector_store %arg14[%swap3A_162, %swap3A_163], %broadcast_in_dim3A_1 {strides = array<i32>} : memref<8x128xf32, #tpu.memory_space<vmem>>, vector<16xf32>,
    %swap3A_165 = arith.constant 5 : i32
    %swap3A_166 = arith.index_cast %swap3A_165 : i32 to index
    %swap3A_167 = arith.constant 16 : index
    %swap3A_168 = tpu.vector_load %arg14[%swap3A_166, %swap3A_167] {strides = array<i32>} : memref<8x128xf32, #tpu.memory_space<vmem>>, vector<16xf32>,
    tpu.vector_store %arg14[%swap3A_166, %swap3A_167], %broadcast_in_dim3A_1 {strides = array<i32>} : memref<8x128xf32, #tpu.memory_space<vmem>>, vector<16xf32>,
    %swap3A_169 = arith.constant 5 : i32
    %swap3A_170 = arith.index_cast %swap3A_169 : i32 to index
    %swap3A_171 = arith.constant 32 : index
    %swap3A_172 = tpu.vector_load %arg14[%swap3A_170, %swap3A_171] {strides = array<i32>} : memref<8x128xf32, #tpu.memory_space<vmem>>, vector<16xf32>,
    tpu.vector_store %arg14[%swap3A_170, %swap3A_171], %broadcast_in_dim3A_1 {strides = array<i32>} : memref<8x128xf32, #tpu.memory_space<vmem>>, vector<16xf32>,
    %swap3A_173 = arith.constant 5 : i32
    %swap3A_174 = arith.index_cast %swap3A_173 : i32 to index
    %swap3A_175 = arith.constant 48 : index
    %swap3A_176 = tpu.vector_load %arg14[%swap3A_174, %swap3A_175] {strides = array<i32>} : memref<8x128xf32, #tpu.memory_space<vmem>>, vector<16xf32>,
    tpu.vector_store %arg14[%swap3A_174, %swap3A_175], %broadcast_in_dim3A_1 {strides = array<i32>} : memref<8x128xf32, #tpu.memory_space<vmem>>, vector<16xf32>,
    %swap3A_177 = arith.constant 5 : i32
    %swap3A_178 = arith.index_cast %swap3A_177 : i32 to index
    %swap3A_179 = arith.constant 64 : index
    %swap3A_180 = tpu.vector_load %arg14[%swap3A_178, %swap3A_179] {strides = array<i32>} : memref<8x128xf32, #tpu.memory_space<vmem>>, vector<16xf32>,
    tpu.vector_store %arg14[%swap3A_178, %swap3A_179], %broadcast_in_dim3A_1 {strides = array<i32>} : memref<8x128xf32, #tpu.memory_space<vmem>>, vector<16xf32>,
    %swap3A_181 = arith.constant 5 : i32
    %swap3A_182 = arith.index_cast %swap3A_181 : i32 to index
    %swap3A_183 = arith.constant 80 : index
    %swap3A_184 = tpu.vector_load %arg14[%swap3A_182, %swap3A_183] {strides = array<i32>} : memref<8x128xf32, #tpu.memory_space<vmem>>, vector<16xf32>,
    tpu.vector_store %arg14[%swap3A_182, %swap3A_183], %broadcast_in_dim3A_1 {strides = array<i32>} : memref<8x128xf32, #tpu.memory_space<vmem>>, vector<16xf32>,
    %swap3A_185 = arith.constant 5 : i32
    %swap3A_186 = arith.index_cast %swap3A_185 : i32 to index
    %swap3A_187 = arith.constant 96 : index
    %swap3A_188 = tpu.vector_load %arg14[%swap3A_186, %swap3A_187] {strides = array<i32>} : memref<8x128xf32, #tpu.memory_space<vmem>>, vector<16xf32>,
    tpu.vector_store %arg14[%swap3A_186, %swap3A_187], %broadcast_in_dim3A_1 {strides = array<i32>} : memref<8x128xf32, #tpu.memory_space<vmem>>, vector<16xf32>,
    %swap3A_189 = arith.constant 5 : i32
    %swap3A_190 = arith.index_cast %swap3A_189 : i32 to index
    %swap3A_191 = arith.constant 112 : index
    %swap3A_192 = tpu.vector_load %arg14[%swap3A_190, %swap3A_191] {strides = array<i32>} : memref<8x128xf32, #tpu.memory_space<vmem>>, vector<16xf32>,
    tpu.vector_store %arg14[%swap3A_190, %swap3A_191], %broadcast_in_dim3A_1 {strides = array<i32>} : memref<8x128xf32, #tpu.memory_space<vmem>>, vector<16xf32>,
    %swap3A_193 = arith.constant 6 : i32
    %swap3A_194 = arith.index_cast %swap3A_193 : i32 to index
    %swap3A_195 = arith.constant 0 : index
    %swap3A_196 = tpu.vector_load %arg14[%swap3A_194, %swap3A_195] {strides = array<i32>} : memref<8x128xf32, #tpu.memory_space<vmem>>, vector<16xf32>,
    tpu.vector_store %arg14[%swap3A_194, %swap3A_195], %broadcast_in_dim3A_1 {strides = array<i32>} : memref<8x128xf32, #tpu.memory_space<vmem>>, vector<16xf32>,
    %swap3A_197 = arith.constant 6 : i32
    %swap3A_198 = arith.index_cast %swap3A_197 : i32 to index
    %swap3A_199 = arith.constant 16 : index
    %swap3A_200 = tpu.vector_load %arg14[%swap3A_198, %swap3A_199] {strides = array<i32>} : memref<8x128xf32, #tpu.memory_space<vmem>>, vector<16xf32>,
    tpu.vector_store %arg14[%swap3A_198, %swap3A_199], %broadcast_in_dim3A_1 {strides = array<i32>} : memref<8x128xf32, #tpu.memory_space<vmem>>, vector<16xf32>,
    %swap3A_201 = arith.constant 6 : i32
    %swap3A_202 = arith.index_cast %swap3A_201 : i32 to index
    %swap3A_203 = arith.constant 32 : index
    %swap3A_204 = tpu.vector_load %arg14[%swap3A_202, %swap3A_203] {strides = array<i32>} : memref<8x128xf32, #tpu.memory_space<vmem>>, vector<16xf32>,
    tpu.vector_store %arg14[%swap3A_202, %swap3A_203], %broadcast_in_dim3A_1 {strides = array<i32>} : memref<8x128xf32, #tpu.memory_space<vmem>>, vector<16xf32>,
    %swap3A_205 = arith.constant 6 : i32
    %swap3A_206 = arith.index_cast %swap3A_205 : i32 to index
    %swap3A_207 = arith.constant 48 : index
    %swap3A_208 = tpu.vector_load %arg14[%swap3A_206, %swap3A_207] {strides = array<i32>} : memref<8x128xf32, #tpu.memory_space<vmem>>, vector<16xf32>,
    tpu.vector_store %arg14[%swap3A_206, %swap3A_207], %broadcast_in_dim3A_1 {strides = array<i32>} : memref<8x128xf32, #tpu.memory_space<vmem>>, vector<16xf32>,
    %swap3A_209 = arith.constant 6 : i32
    %swap3A_210 = arith.index_cast %swap3A_209 : i32 to index
    %swap3A_211 = arith.constant 64 : index
    %swap3A_212 = tpu.vector_load %arg14[%swap3A_210, %swap3A_211] {strides = array<i32>} : memref<8x128xf32, #tpu.memory_space<vmem>>, vector<16xf32>,
    tpu.vector_store %arg14[%swap3A_210, %swap3A_211], %broadcast_in_dim3A_1 {strides = array<i32>} : memref<8x128xf32, #tpu.memory_space<vmem>>, vector<16xf32>,
    %swap3A_213 = arith.constant 6 : i32
    %swap3A_214 = arith.index_cast %swap3A_213 : i32 to index
    %swap3A_215 = arith.constant 80 : index
    %swap3A_216 = tpu.vector_load %arg14[%swap3A_214, %swap3A_215] {strides = array<i32>} : memref<8x128xf32, #tpu.memory_space<vmem>>, vector<16xf32>,
    tpu.vector_store %arg14[%swap3A_214, %swap3A_215], %broadcast_in_dim3A_1 {strides = array<i32>} : memref<8x128xf32, #tpu.memory_space<vmem>>, vector<16xf32>,
    %swap3A_217 = arith.constant 6 : i32
    %swap3A_218 = arith.index_cast %swap3A_217 : i32 to index
    %swap3A_219 = arith.constant 96 : index
    %swap3A_220 = tpu.vector_load %arg14[%swap3A_218, %swap3A_219] {strides = array<i32>} : memref<8x128xf32, #tpu.memory_space<vmem>>, vector<16xf32>,
    tpu.vector_store %arg14[%swap3A_218, %swap3A_219], %broadcast_in_dim3A_1 {strides = array<i32>} : memref<8x128xf32, #tpu.memory_space<vmem>>, vector<16xf32>,
    %swap3A_221 = arith.constant 6 : i32
    %swap3A_222 = arith.index_cast %swap3A_221 : i32 to index
    %swap3A_223 = arith.constant 112 : index
    %swap3A_224 = tpu.vector_load %arg14[%swap3A_222, %swap3A_223] {strides = array<i32>} : memref<8x128xf32, #tpu.memory_space<vmem>>, vector<16xf32>,
    tpu.vector_store %arg14[%swap3A_222, %swap3A_223], %broadcast_in_dim3A_1 {strides = array<i32>} : memref<8x128xf32, #tpu.memory_space<vmem>>, vector<16xf32>,
    %swap3A_225 = arith.constant 7 : i32
    %swap3A_226 = arith.index_cast %swap3A_225 : i32 to index
    %swap3A_227 = arith.constant 0 : index
    %swap3A_228 = tpu.vector_load %arg14[%swap3A_226, %swap3A_227] {strides = array<i32>} : memref<8x128xf32, #tpu.memory_space<vmem>>, vector<16xf32>,
    tpu.vector_store %arg14[%swap3A_226, %swap3A_227], %broadcast_in_dim3A_1 {strides = array<i32>} : memref<8x128xf32, #tpu.memory_space<vmem>>, vector<16xf32>,
    %swap3A_229 = arith.constant 7 : i32
    %swap3A_230 = arith.index_cast %swap3A_229 : i32 to index
    %swap3A_231 = arith.constant 16 : index
    %swap3A_232 = tpu.vector_load %arg14[%swap3A_230, %swap3A_231] {strides = array<i32>} : memref<8x128xf32, #tpu.memory_space<vmem>>, vector<16xf32>,
    tpu.vector_store %arg14[%swap3A_230, %swap3A_231], %broadcast_in_dim3A_1 {strides = array<i32>} : memref<8x128xf32, #tpu.memory_space<vmem>>, vector<16xf32>,
    %swap3A_233 = arith.constant 7 : i32
    %swap3A_234 = arith.index_cast %swap3A_233 : i32 to index
    %swap3A_235 = arith.constant 32 : index
    %swap3A_236 = tpu.vector_load %arg14[%swap3A_234, %swap3A_235] {strides = array<i32>} : memref<8x128xf32, #tpu.memory_space<vmem>>, vector<16xf32>,
    tpu.vector_store %arg14[%swap3A_234, %swap3A_235], %broadcast_in_dim3A_1 {strides = array<i32>} : memref<8x128xf32, #tpu.memory_space<vmem>>, vector<16xf32>,
    %swap3A_237 = arith.constant 7 : i32
    %swap3A_238 = arith.index_cast %swap3A_237 : i32 to index
    %swap3A_239 = arith.constant 48 : index
    %swap3A_240 = tpu.vector_load %arg14[%swap3A_238, %swap3A_239] {strides = array<i32>} : memref<8x128xf32, #tpu.memory_space<vmem>>, vector<16xf32>,
    tpu.vector_store %arg14[%swap3A_238, %swap3A_239], %broadcast_in_dim3A_1 {strides = array<i32>} : memref<8x128xf32, #tpu.memory_space<vmem>>, vector<16xf32>,
    %swap3A_241 = arith.constant 7 : i32
    %swap3A_242 = arith.index_cast %swap3A_241 : i32 to index
    %swap3A_243 = arith.constant 64 : index
    %swap3A_244 = tpu.vector_load %arg14[%swap3A_242, %swap3A_243] {strides = array<i32>} : memref<8x128xf32, #tpu.memory_space<vmem>>, vector<16xf32>,
    tpu.vector_store %arg14[%swap3A_242, %swap3A_243], %broadcast_in_dim3A_1 {strides = array<i32>} : memref<8x128xf32, #tpu.memory_space<vmem>>, vector<16xf32>,
    %swap3A_245 = arith.constant 7 : i32
    %swap3A_246 = arith.index_cast %swap3A_245 : i32 to index
    %swap3A_247 = arith.constant 80 : index
    %swap3A_248 = tpu.vector_load %arg14[%swap3A_246, %swap3A_247] {strides = array<i32>} : memref<8x128xf32, #tpu.memory_space<vmem>>, vector<16xf32>,
    tpu.vector_store %arg14[%swap3A_246, %swap3A_247], %broadcast_in_dim3A_1 {strides = array<i32>} : memref<8x128xf32, #tpu.memory_space<vmem>>, vector<16xf32>,
    %swap3A_249 = arith.constant 7 : i32
    %swap3A_250 = arith.index_cast %swap3A_249 : i32 to index
    %swap3A_251 = arith.constant 96 : index
    %swap3A_252 = tpu.vector_load %arg14[%swap3A_250, %swap3A_251] {strides = array<i32>} : memref<8x128xf32, #tpu.memory_space<vmem>>, vector<16xf32>,
    tpu.vector_store %arg14[%swap3A_250, %swap3A_251], %broadcast_in_dim3A_1 {strides = array<i32>} : memref<8x128xf32, #tpu.memory_space<vmem>>, vector<16xf32>,
    %swap3A_253 = arith.constant 7 : i32
    %swap3A_254 = arith.index_cast %swap3A_253 : i32 to index
    %swap3A_255 = arith.constant 112 : index
    %swap3A_256 = tpu.vector_load %arg14[%swap3A_254, %swap3A_255] {strides = array<i32>} : memref<8x128xf32, #tpu.memory_space<vmem>>, vector<16xf32>,
    tpu.vector_store %arg14[%swap3A_254, %swap3A_255], %broadcast_in_dim3A_1 {strides = array<i32>} : memref<8x128xf32, #tpu.memory_space<vmem>>, vector<16xf32>,
    %mul3A_257 = arith.constant 632 : i32
    %mul3A_258 = arith.muli %arg1, %mul3A_257 : i32
    %scan3A = arith.constant 0 : i32
    %scan3A_259 = arith.constant 0 : i32
    %scan3A_260 = arith.constant 79 : i32
    %scan3A_261 = arith.addi %scan3A_259, %scan3A_260 : i32
    %scan3A_262 = arith.constant 1 : i32
    %scan3A_263 = scf.for %scan3A_310 = %scan3A_259 to %scan3A_261 step %scan3A_262 iter_args(%scan3A_311 = %scan3A) -> (i32)  : i32 {
      %mul3A_312 = arith.constant 8 : i32
      %mul3A_313 = arith.muli %scan3A_310, %mul3A_312 : i32
      %add3A_314 = arith.addi %mul3A_258, %mul3A_313 : i32
      "tpu.region"() ({
        %run_scoped3A = tpu.sem_alloc : memref<!tpu.dma_semaphore, #tpu.memory_space<semaphore_mem>>
        %dma_start3A = arith.constant 0 : i32
        %dma_start3A_316 = tpu.memref_slice %arg18[%add3A_314, %dma_start3A] : memref<10112x128xf32, #tpu.memory_space<vmem_shared>> -> memref<8x128xf32, #tpu.memory_space<vmem_shared>>
        %dma_start3A_317 = arith.constant 0 : i32
        %dma_start3A_318 = tpu.memref_slice %arg18[%add3A_314, %dma_start3A_317] : memref<10112x128xf32, #tpu.memory_space<vmem_shared>> -> memref<8x128xf32, #tpu.memory_space<vmem_shared>>
        tpu.enqueue_dma source(%arg14 : memref<8x128xf32, #tpu.memory_space<vmem>>) target(%dma_start3A_318 : memref<8x128xf32, #tpu.memory_space<vmem_shared>>) target_semaphore(%run_scoped3A : memref<!tpu.dma_semaphore, #tpu.memory_space<semaphore_mem>>)
        %dma_wait3A = arith.constant 0 : i32
        %dma_wait3A_319 = tpu.memref_slice %arg18[%add3A_314, %dma_wait3A] : memref<10112x128xf32, #tpu.memory_space<vmem_shared>> -> memref<8x128xf32, #tpu.memory_space<vmem_shared>>
        %dma_wait3A_320 = arith.constant 0 : i32
        %dma_wait3A_321 = tpu.memref_slice %arg18[%add3A_314, %dma_wait3A_320] : memref<10112x128xf32, #tpu.memory_space<vmem_shared>> -> memref<8x128xf32, #tpu.memory_space<vmem_shared>>
        tpu.wait_dma2 semaphore(%run_scoped3A : memref<!tpu.dma_semaphore, #tpu.memory_space<semaphore_mem>>) src(%arg14 : memref<8x128xf32, #tpu.memory_space<vmem>>) dst(%dma_wait3A_321 : memref<8x128xf32, #tpu.memory_space<vmem_shared>>)
        tpu.yield
      }) : () -> ()
      %scan3A_315 = arith.constant 0 : i32
      scf.yield %scan3A_315 : i32
    }
    %scan3A_264 = arith.constant 79 : i32
    %scan3A_265 = arith.constant 0 : i32
    %scan3A_266 = arith.constant 0 : i32
    %scan3A_267 = arith.constant 160 : i32
    %scan3A_268 = arith.addi %scan3A_266, %scan3A_267 : i32
    %scan3A_269 = arith.constant 1 : i32
    %scan3A_270 = scf.for %scan3A_310 = %scan3A_266 to %scan3A_268 step %scan3A_269 iter_args(%scan3A_311 = %scan3A_265) -> (i32)  : i32 {
      %swap3A_312 = arith.index_cast %scan3A_310 : i32 to index
      %swap3A_313 = arith.constant 0 : index
      %swap3A_314 = tpu.vector_load %arg15[%swap3A_312, %swap3A_313] {strides = array<i32>} : memref<160x128xf32, #tpu.memory_space<vmem>>, vector<16xf32>,
      tpu.vector_store %arg15[%swap3A_312, %swap3A_313], %broadcast_in_dim3A_1 {strides = array<i32>} : memref<160x128xf32, #tpu.memory_space<vmem>>, vector<16xf32>,
      %swap3A_315 = arith.index_cast %scan3A_310 : i32 to index
      %swap3A_316 = arith.constant 16 : index
      %swap3A_317 = tpu.vector_load %arg15[%swap3A_315, %swap3A_316] {strides = array<i32>} : memref<160x128xf32, #tpu.memory_space<vmem>>, vector<16xf32>,
      tpu.vector_store %arg15[%swap3A_315, %swap3A_316], %broadcast_in_dim3A_1 {strides = array<i32>} : memref<160x128xf32, #tpu.memory_space<vmem>>, vector<16xf32>,
      %swap3A_318 = arith.index_cast %scan3A_310 : i32 to index
      %swap3A_319 = arith.constant 32 : index
      %swap3A_320 = tpu.vector_load %arg15[%swap3A_318, %swap3A_319] {strides = array<i32>} : memref<160x128xf32, #tpu.memory_space<vmem>>, vector<16xf32>,
      tpu.vector_store %arg15[%swap3A_318, %swap3A_319], %broadcast_in_dim3A_1 {strides = array<i32>} : memref<160x128xf32, #tpu.memory_space<vmem>>, vector<16xf32>,
      %swap3A_321 = arith.index_cast %scan3A_310 : i32 to index
      %swap3A_322 = arith.constant 48 : index
      %swap3A_323 = tpu.vector_load %arg15[%swap3A_321, %swap3A_322] {strides = array<i32>} : memref<160x128xf32, #tpu.memory_space<vmem>>, vector<16xf32>,
      tpu.vector_store %arg15[%swap3A_321, %swap3A_322], %broadcast_in_dim3A_1 {strides = array<i32>} : memref<160x128xf32, #tpu.memory_space<vmem>>, vector<16xf32>,
      %swap3A_324 = arith.index_cast %scan3A_310 : i32 to index
      %swap3A_325 = arith.constant 64 : index
      %swap3A_326 = tpu.vector_load %arg15[%swap3A_324, %swap3A_325] {strides = array<i32>} : memref<160x128xf32, #tpu.memory_space<vmem>>, vector<16xf32>,
      tpu.vector_store %arg15[%swap3A_324, %swap3A_325], %broadcast_in_dim3A_1 {strides = array<i32>} : memref<160x128xf32, #tpu.memory_space<vmem>>, vector<16xf32>,
      %swap3A_327 = arith.index_cast %scan3A_310 : i32 to index
      %swap3A_328 = arith.constant 80 : index
      %swap3A_329 = tpu.vector_load %arg15[%swap3A_327, %swap3A_328] {strides = array<i32>} : memref<160x128xf32, #tpu.memory_space<vmem>>, vector<16xf32>,
      tpu.vector_store %arg15[%swap3A_327, %swap3A_328], %broadcast_in_dim3A_1 {strides = array<i32>} : memref<160x128xf32, #tpu.memory_space<vmem>>, vector<16xf32>,
      %swap3A_330 = arith.index_cast %scan3A_310 : i32 to index
      %swap3A_331 = arith.constant 96 : index
      %swap3A_332 = tpu.vector_load %arg15[%swap3A_330, %swap3A_331] {strides = array<i32>} : memref<160x128xf32, #tpu.memory_space<vmem>>, vector<16xf32>,
      tpu.vector_store %arg15[%swap3A_330, %swap3A_331], %broadcast_in_dim3A_1 {strides = array<i32>} : memref<160x128xf32, #tpu.memory_space<vmem>>, vector<16xf32>,
      %swap3A_333 = arith.index_cast %scan3A_310 : i32 to index
      %swap3A_334 = arith.constant 112 : index
      %swap3A_335 = tpu.vector_load %arg15[%swap3A_333, %swap3A_334] {strides = array<i32>} : memref<160x128xf32, #tpu.memory_space<vmem>>, vector<16xf32>,
      tpu.vector_store %arg15[%swap3A_333, %swap3A_334], %broadcast_in_dim3A_1 {strides = array<i32>} : memref<160x128xf32, #tpu.memory_space<vmem>>, vector<16xf32>,
      %scan3A_336 = arith.constant 0 : i32
      scf.yield %scan3A_336 : i32
    }
    %scan3A_271 = arith.constant 160 : i32
    %eq3A = arith.constant 0 : i32
    %eq3A_272 = arith.cmpi eq, %arg1, %eq3A : i32
    %convert_element_type3A = arith.extui %eq3A_272 : i1 to i32
    %cond3A = arith.constant 0 : i32
    %cond3A_273 = arith.cmpi ne, %convert_element_type3A, %cond3A : i32
    scf.if %cond3A_273 {
      %scan3A_310 = arith.constant 0 : i32
      %scan3A_311 = arith.constant 0 : i32
      %scan3A_312 = arith.constant 20 : i32
      %scan3A_313 = arith.addi %scan3A_311, %scan3A_312 : i32
      %scan3A_314 = arith.constant 1 : i32
      %scan3A_315 = scf.for %scan3A_317 = %scan3A_311 to %scan3A_313 step %scan3A_314 iter_args(%scan3A_318 = %scan3A_310) -> (i32)  : i32 {
        %mul3A_319 = arith.constant 8 : i32
        %mul3A_320 = arith.muli %scan3A_317, %mul3A_319 : i32
        "tpu.region"() ({
          %run_scoped3A = tpu.sem_alloc : memref<!tpu.dma_semaphore, #tpu.memory_space<semaphore_mem>>
          %dma_start3A = arith.constant 0 : i32
          %dma_start3A_322 = tpu.memref_slice %arg19[%mul3A_320, %dma_start3A] : memref<160x128xf32, #tpu.memory_space<vmem_shared>> -> memref<8x128xf32, #tpu.memory_space<vmem_shared>>
          %dma_start3A_323 = arith.constant 0 : i32
          %dma_start3A_324 = tpu.memref_slice %arg19[%mul3A_320, %dma_start3A_323] : memref<160x128xf32, #tpu.memory_space<vmem_shared>> -> memref<8x128xf32, #tpu.memory_space<vmem_shared>>
          tpu.enqueue_dma source(%arg14 : memref<8x128xf32, #tpu.memory_space<vmem>>) target(%dma_start3A_324 : memref<8x128xf32, #tpu.memory_space<vmem_shared>>) target_semaphore(%run_scoped3A : memref<!tpu.dma_semaphore, #tpu.memory_space<semaphore_mem>>)
          %dma_wait3A = arith.constant 0 : i32
          %dma_wait3A_325 = tpu.memref_slice %arg19[%mul3A_320, %dma_wait3A] : memref<160x128xf32, #tpu.memory_space<vmem_shared>> -> memref<8x128xf32, #tpu.memory_space<vmem_shared>>
          %dma_wait3A_326 = arith.constant 0 : i32
          %dma_wait3A_327 = tpu.memref_slice %arg19[%mul3A_320, %dma_wait3A_326] : memref<160x128xf32, #tpu.memory_space<vmem_shared>> -> memref<8x128xf32, #tpu.memory_space<vmem_shared>>
          tpu.wait_dma2 semaphore(%run_scoped3A : memref<!tpu.dma_semaphore, #tpu.memory_space<semaphore_mem>>) src(%arg14 : memref<8x128xf32, #tpu.memory_space<vmem>>) dst(%dma_wait3A_327 : memref<8x128xf32, #tpu.memory_space<vmem_shared>>)
          tpu.yield
        }) : () -> ()
        %scan3A_321 = arith.constant 0 : i32
        scf.yield %scan3A_321 : i32
      }
      %scan3A_316 = arith.constant 20 : i32
    } else {
    }
    %scan3A_274 = arith.constant 0 : i32
    %scan3A_275 = arith.constant 0 : i32
    %scan3A_276 = arith.constant 8 : i32
    %scan3A_277 = arith.addi %scan3A_275, %scan3A_276 : i32
    %scan3A_278 = arith.constant 1 : i32
    %scan3A_279 = scf.for %scan3A_310 = %scan3A_275 to %scan3A_277 step %scan3A_278 iter_args(%scan3A_311 = %scan3A_274) -> (i32)  : i32 {
      %mul3A_312 = arith.constant 16 : i32
      %mul3A_313 = arith.muli %scan3A_310, %mul3A_312 : i32
      %add3A_314 = vector.broadcast %mul3A_313 : i32 to vector<16xi32>
      %add3A_315 = arith.addi %iota3A, %add3A_314 : vector<16xi32>
      %mul3A_316 = arith.constant 16 : i32
      %mul3A_317 = arith.muli %scan3A_310, %mul3A_316 : i32
      %swap3A_318 = arith.index_cast %mul3A_317 : i32 to index
      %swap3A_319 = tpu.vector_load %arg16[%swap3A_318] {strides = array<i32>} : memref<128xi32, #tpu.memory_space<vmem>>, vector<16xi32>,
      tpu.vector_store %arg16[%swap3A_318], %add3A_315 {strides = array<i32>} : memref<128xi32, #tpu.memory_space<vmem>>, vector<16xi32>,
      %scan3A_320 = arith.constant 0 : i32
      scf.yield %scan3A_320 : i32
    }
    %scan3A_280 = arith.constant 8 : i32
    %add3A_281 = arith.constant 128 : i32
    %add3A_282 = vector.broadcast %add3A_281 : i32 to vector<16xi32>
    %add3A_283 = arith.addi %iota3A, %add3A_282 : vector<16xi32>
    %add3A_284 = arith.constant 0 : i32
    %add3A_285 = vector.broadcast %add3A_284 : i32 to vector<16xi32>
    %add3A_286 = arith.addi %add3A_283, %add3A_285 : vector<16xi32>
    %swap3A_287 = arith.constant 0 : index
    %swap3A_288 = tpu.vector_load %arg17[%swap3A_287] {strides = array<i32>} : memref<32xi32, #tpu.memory_space<vmem>>, vector<16xi32>,
    tpu.vector_store %arg17[%swap3A_287], %add3A_286 {strides = array<i32>} : memref<32xi32, #tpu.memory_space<vmem>>, vector<16xi32>,
    %add3A_289 = arith.constant 128 : i32
    %add3A_290 = vector.broadcast %add3A_289 : i32 to vector<16xi32>
    %add3A_291 = arith.addi %iota3A, %add3A_290 : vector<16xi32>
    %add3A_292 = arith.constant 16 : i32
    %add3A_293 = vector.broadcast %add3A_292 : i32 to vector<16xi32>
    %add3A_294 = arith.addi %add3A_291, %add3A_293 : vector<16xi32>
    %swap3A_295 = arith.constant 16 : index
    %swap3A_296 = tpu.vector_load %arg17[%swap3A_295] {strides = array<i32>} : memref<32xi32, #tpu.memory_space<vmem>>, vector<16xi32>,
    tpu.vector_store %arg17[%swap3A_295], %add3A_294 {strides = array<i32>} : memref<32xi32, #tpu.memory_space<vmem>>, vector<16xi32>,
    "tpu.region"() ({
      %run_scoped3A = tpu.sem_alloc : memref<!tpu.dma_semaphore, #tpu.memory_space<semaphore_mem>>
      tpu.enqueue_dma source(%arg6 : memref<128xf32, #tpu.memory_space<hbm>>) target(%arg9 : memref<128xf32, #tpu.memory_space<vmem>>) target_semaphore(%run_scoped3A : memref<!tpu.dma_semaphore, #tpu.memory_space<semaphore_mem>>)
      tpu.wait_dma2 semaphore(%run_scoped3A : memref<!tpu.dma_semaphore, #tpu.memory_space<semaphore_mem>>) src(%arg6 : memref<128xf32, #tpu.memory_space<hbm>>) dst(%arg9 : memref<128xf32, #tpu.memory_space<vmem>>)
      tpu.yield
    }) : () -> ()
    %barrier3A = arith.constant 0 : index
    tpu.barrier barrier_id(%barrier3A)
    %scan3A_297 = arith.constant 0 : i32
    %scan3A_298 = arith.constant 0 : i32
    %scan3A_299 = arith.constant 108 : i32
    %scan3A_300 = arith.addi %scan3A_298, %scan3A_299 : i32
    %scan3A_301 = arith.constant 1 : i32
    %scan3A_302 = scf.for %scan3A_310 = %scan3A_298 to %scan3A_300 step %scan3A_301 iter_args(%scan3A_311 = %scan3A_297) -> (i32)  : i32 {
      %mul3A_312 = arith.constant 10368 : i32
      %mul3A_313 = arith.muli %add3A, %mul3A_312 : i32
      %mul3A_314 = arith.constant 96 : i32
      %mul3A_315 = arith.muli %scan3A_310, %mul3A_314 : i32
      %add3A_316 = arith.addi %mul3A_313, %mul3A_315 : i32
      %dma_start3A = tpu.memref_slice %arg4[%add3A_316] : memref<331776xi32, #tpu.memory_space<hbm>> -> memref<96xi32, #tpu.memory_space<hbm>>
      %dma_start3A_317 = tpu.memref_slice %arg4[%add3A_316] : memref<331776xi32, #tpu.memory_space<hbm>> -> memref<96xi32, #tpu.memory_space<hbm>>
      tpu.enqueue_dma source(%dma_start3A_317 : memref<96xi32, #tpu.memory_space<hbm>>) target(%arg10 : memref<96xi32, #tpu.memory_space<vmem>>) target_semaphore(%arg20 : memref<!tpu.dma_semaphore, #tpu.memory_space<semaphore_mem>>)
      %dma_start3A_318 = tpu.memref_slice %arg5[%add3A_316] : memref<331776xi32, #tpu.memory_space<hbm>> -> memref<96xi32, #tpu.memory_space<hbm>>
      %dma_start3A_319 = tpu.memref_slice %arg5[%add3A_316] : memref<331776xi32, #tpu.memory_space<hbm>> -> memref<96xi32, #tpu.memory_space<hbm>>
      tpu.enqueue_dma source(%dma_start3A_319 : memref<96xi32, #tpu.memory_space<hbm>>) target(%arg11 : memref<96xi32, #tpu.memory_space<vmem>>) target_semaphore(%arg21 : memref<!tpu.dma_semaphore, #tpu.memory_space<semaphore_mem>>)
      %dma_wait3A = tpu.memref_slice %arg4[%add3A_316] : memref<331776xi32, #tpu.memory_space<hbm>> -> memref<96xi32, #tpu.memory_space<hbm>>
      %dma_wait3A_320 = tpu.memref_slice %arg4[%add3A_316] : memref<331776xi32, #tpu.memory_space<hbm>> -> memref<96xi32, #tpu.memory_space<hbm>>
      tpu.wait_dma2 semaphore(%arg20 : memref<!tpu.dma_semaphore, #tpu.memory_space<semaphore_mem>>) src(%dma_wait3A_320 : memref<96xi32, #tpu.memory_space<hbm>>) dst(%arg10 : memref<96xi32, #tpu.memory_space<vmem>>)
      %dma_start3A_321 = arith.constant 0 : i32
      %dma_start3A_322 = arith.constant 0 : i32
      %dma_start3A_323 = tpu.memref_slice %arg2[%dma_start3A_321, %dma_start3A_322] : memref<10112x128xf32, #tpu.memory_space<hbm>> -> memref<10112x128xf32, #tpu.memory_space<hbm>>
      tpu.enqueue_indirect_dma source(%dma_start3A_323 : memref<10112x128xf32, #tpu.memory_space<hbm>>) target(%arg12 : memref<96x128xf32, #tpu.memory_space<vmem>>) offsets(%arg10 : memref<96xi32, #tpu.memory_space<vmem>>) semaphore(%arg20 : memref<!tpu.dma_semaphore, #tpu.memory_space<semaphore_mem>>)
      %dma_wait3A_324 = tpu.memref_slice %arg5[%add3A_316] : memref<331776xi32, #tpu.memory_space<hbm>> -> memref<96xi32, #tpu.memory_space<hbm>>
      %dma_wait3A_325 = tpu.memref_slice %arg5[%add3A_316] : memref<331776xi32, #tpu.memory_space<hbm>> -> memref<96xi32, #tpu.memory_space<hbm>>
      tpu.wait_dma2 semaphore(%arg21 : memref<!tpu.dma_semaphore, #tpu.memory_space<semaphore_mem>>) src(%dma_wait3A_325 : memref<96xi32, #tpu.memory_space<hbm>>) dst(%arg11 : memref<96xi32, #tpu.memory_space<vmem>>)
      %dma_start3A_326 = arith.constant 0 : i32
      %dma_start3A_327 = arith.constant 0 : i32
      %dma_start3A_328 = tpu.memref_slice %arg3[%dma_start3A_326, %dma_start3A_327] : memref<10112x128xf32, #tpu.memory_space<hbm>> -> memref<10112x128xf32, #tpu.memory_space<hbm>>
      tpu.enqueue_indirect_dma source(%dma_start3A_328 : memref<10112x128xf32, #tpu.memory_space<hbm>>) target(%arg13 : memref<96x128xf32, #tpu.memory_space<vmem>>) offsets(%arg11 : memref<96xi32, #tpu.memory_space<vmem>>) semaphore(%arg21 : memref<!tpu.dma_semaphore, #tpu.memory_space<semaphore_mem>>)
      %dma_wait3A_329 = arith.constant 0 : i32
      %dma_wait3A_330 = arith.constant 0 : i32
      %dma_wait3A_331 = tpu.memref_slice %arg2[%dma_wait3A_329, %dma_wait3A_330] : memref<10112x128xf32, #tpu.memory_space<hbm>> -> memref<10112x128xf32, #tpu.memory_space<hbm>>
      tpu.wait_indirect_dma semaphore(%arg20 : memref<!tpu.dma_semaphore, #tpu.memory_space<semaphore_mem>>) src(%dma_wait3A_331 : memref<10112x128xf32, #tpu.memory_space<hbm>>) dst(%arg12 : memref<96x128xf32, #tpu.memory_space<vmem>>)
      %dma_wait3A_332 = arith.constant 0 : i32
      %dma_wait3A_333 = arith.constant 0 : i32
      %dma_wait3A_334 = tpu.memref_slice %arg3[%dma_wait3A_332, %dma_wait3A_333] : memref<10112x128xf32, #tpu.memory_space<hbm>> -> memref<10112x128xf32, #tpu.memory_space<hbm>>
      tpu.wait_indirect_dma semaphore(%arg21 : memref<!tpu.dma_semaphore, #tpu.memory_space<semaphore_mem>>) src(%dma_wait3A_334 : memref<10112x128xf32, #tpu.memory_space<hbm>>) dst(%arg13 : memref<96x128xf32, #tpu.memory_space<vmem>>)
      %parallel_loop3A = arith.constant 0 : i32
      %parallel_loop3A_335 = arith.constant 96 : i32
      %parallel_loop3A_336 = arith.constant 1 : i32
      scf.for %parallel_loop3A_345 = %parallel_loop3A to %parallel_loop3A_335 step %parallel_loop3A_336  : i32 {
        %parallel_loop3A_346 = arith.index_cast %parallel_loop3A_345 : i32 to index
        %parallel_loop3A_347 = arith.constant 0 : index
        %parallel_loop3A_348 = tpu.vector_load %arg12[%parallel_loop3A_346, %parallel_loop3A_347] {strides = array<i32>} : memref<96x128xf32, #tpu.memory_space<vmem>>, vector<16xf32>,
        %parallel_loop3A_349 = arith.index_cast %parallel_loop3A_345 : i32 to index
        %parallel_loop3A_350 = arith.constant 0 : index
        %parallel_loop3A_351 = tpu.vector_load %arg13[%parallel_loop3A_349, %parallel_loop3A_350] {strides = array<i32>} : memref<96x128xf32, #tpu.memory_space<vmem>>, vector<16xf32>,
        %parallel_loop3A_352 = arith.addf %parallel_loop3A_348, %parallel_loop3A_351 : vector<16xf32>
        %parallel_loop3A_353 = arith.constant 2.000000e-01 : f32
        %parallel_loop3A_354 = vector.broadcast %parallel_loop3A_353 : f32 to vector<16xf32>
        %parallel_loop3A_355 = arith.mulf %parallel_loop3A_354, %parallel_loop3A_352 : vector<16xf32>
        %parallel_loop3A_356 = arith.maximumf %parallel_loop3A_352, %parallel_loop3A_355 : vector<16xf32>
        %parallel_loop3A_357 = arith.constant 0 : index
        %parallel_loop3A_358 = tpu.vector_load %arg9[%parallel_loop3A_357] {strides = array<i32>} : memref<128xf32, #tpu.memory_space<vmem>>, vector<16xf32>,
        %parallel_loop3A_359 = arith.mulf %parallel_loop3A_356, %parallel_loop3A_358 : vector<16xf32>
        %parallel_loop3A_360 = arith.index_cast %parallel_loop3A_345 : i32 to index
        %parallel_loop3A_361 = arith.constant 16 : index
        %parallel_loop3A_362 = tpu.vector_load %arg12[%parallel_loop3A_360, %parallel_loop3A_361] {strides = array<i32>} : memref<96x128xf32, #tpu.memory_space<vmem>>, vector<16xf32>,
        %parallel_loop3A_363 = arith.index_cast %parallel_loop3A_345 : i32 to index
        %parallel_loop3A_364 = arith.constant 16 : index
        %parallel_loop3A_365 = tpu.vector_load %arg13[%parallel_loop3A_363, %parallel_loop3A_364] {strides = array<i32>} : memref<96x128xf32, #tpu.memory_space<vmem>>, vector<16xf32>,
        %parallel_loop3A_366 = arith.addf %parallel_loop3A_362, %parallel_loop3A_365 : vector<16xf32>
        %parallel_loop3A_367 = arith.constant 2.000000e-01 : f32
        %parallel_loop3A_368 = vector.broadcast %parallel_loop3A_367 : f32 to vector<16xf32>
        %parallel_loop3A_369 = arith.mulf %parallel_loop3A_368, %parallel_loop3A_366 : vector<16xf32>
        %parallel_loop3A_370 = arith.maximumf %parallel_loop3A_366, %parallel_loop3A_369 : vector<16xf32>
        %parallel_loop3A_371 = arith.constant 16 : index
        %parallel_loop3A_372 = tpu.vector_load %arg9[%parallel_loop3A_371] {strides = array<i32>} : memref<128xf32, #tpu.memory_space<vmem>>, vector<16xf32>,
        %parallel_loop3A_373 = arith.mulf %parallel_loop3A_370, %parallel_loop3A_372 : vector<16xf32>
        %parallel_loop3A_374 = arith.index_cast %parallel_loop3A_345 : i32 to index
        %parallel_loop3A_375 = arith.constant 32 : index
        %parallel_loop3A_376 = tpu.vector_load %arg12[%parallel_loop3A_374, %parallel_loop3A_375] {strides = array<i32>} : memref<96x128xf32, #tpu.memory_space<vmem>>, vector<16xf32>,
        %parallel_loop3A_377 = arith.index_cast %parallel_loop3A_345 : i32 to index
        %parallel_loop3A_378 = arith.constant 32 : index
        %parallel_loop3A_379 = tpu.vector_load %arg13[%parallel_loop3A_377, %parallel_loop3A_378] {strides = array<i32>} : memref<96x128xf32, #tpu.memory_space<vmem>>, vector<16xf32>,
        %parallel_loop3A_380 = arith.addf %parallel_loop3A_376, %parallel_loop3A_379 : vector<16xf32>
        %parallel_loop3A_381 = arith.constant 2.000000e-01 : f32
        %parallel_loop3A_382 = vector.broadcast %parallel_loop3A_381 : f32 to vector<16xf32>
        %parallel_loop3A_383 = arith.mulf %parallel_loop3A_382, %parallel_loop3A_380 : vector<16xf32>
        %parallel_loop3A_384 = arith.maximumf %parallel_loop3A_380, %parallel_loop3A_383 : vector<16xf32>
        %parallel_loop3A_385 = arith.constant 32 : index
        %parallel_loop3A_386 = tpu.vector_load %arg9[%parallel_loop3A_385] {strides = array<i32>} : memref<128xf32, #tpu.memory_space<vmem>>, vector<16xf32>,
        %parallel_loop3A_387 = arith.mulf %parallel_loop3A_384, %parallel_loop3A_386 : vector<16xf32>
        %parallel_loop3A_388 = arith.index_cast %parallel_loop3A_345 : i32 to index
        %parallel_loop3A_389 = arith.constant 48 : index
        %parallel_loop3A_390 = tpu.vector_load %arg12[%parallel_loop3A_388, %parallel_loop3A_389] {strides = array<i32>} : memref<96x128xf32, #tpu.memory_space<vmem>>, vector<16xf32>,
        %parallel_loop3A_391 = arith.index_cast %parallel_loop3A_345 : i32 to index
        %parallel_loop3A_392 = arith.constant 48 : index
        %parallel_loop3A_393 = tpu.vector_load %arg13[%parallel_loop3A_391, %parallel_loop3A_392] {strides = array<i32>} : memref<96x128xf32, #tpu.memory_space<vmem>>, vector<16xf32>,
        %parallel_loop3A_394 = arith.addf %parallel_loop3A_390, %parallel_loop3A_393 : vector<16xf32>
        %parallel_loop3A_395 = arith.constant 2.000000e-01 : f32
        %parallel_loop3A_396 = vector.broadcast %parallel_loop3A_395 : f32 to vector<16xf32>
        %parallel_loop3A_397 = arith.mulf %parallel_loop3A_396, %parallel_loop3A_394 : vector<16xf32>
        %parallel_loop3A_398 = arith.maximumf %parallel_loop3A_394, %parallel_loop3A_397 : vector<16xf32>
        %parallel_loop3A_399 = arith.constant 48 : index
        %parallel_loop3A_400 = tpu.vector_load %arg9[%parallel_loop3A_399] {strides = array<i32>} : memref<128xf32, #tpu.memory_space<vmem>>, vector<16xf32>,
        %parallel_loop3A_401 = arith.mulf %parallel_loop3A_398, %parallel_loop3A_400 : vector<16xf32>
        %parallel_loop3A_402 = arith.index_cast %parallel_loop3A_345 : i32 to index
        %parallel_loop3A_403 = arith.constant 64 : index
        %parallel_loop3A_404 = tpu.vector_load %arg12[%parallel_loop3A_402, %parallel_loop3A_403] {strides = array<i32>} : memref<96x128xf32, #tpu.memory_space<vmem>>, vector<16xf32>,
        %parallel_loop3A_405 = arith.index_cast %parallel_loop3A_345 : i32 to index
        %parallel_loop3A_406 = arith.constant 64 : index
        %parallel_loop3A_407 = tpu.vector_load %arg13[%parallel_loop3A_405, %parallel_loop3A_406] {strides = array<i32>} : memref<96x128xf32, #tpu.memory_space<vmem>>, vector<16xf32>,
        %parallel_loop3A_408 = arith.addf %parallel_loop3A_404, %parallel_loop3A_407 : vector<16xf32>
        %parallel_loop3A_409 = arith.constant 2.000000e-01 : f32
        %parallel_loop3A_410 = vector.broadcast %parallel_loop3A_409 : f32 to vector<16xf32>
        %parallel_loop3A_411 = arith.mulf %parallel_loop3A_410, %parallel_loop3A_408 : vector<16xf32>
        %parallel_loop3A_412 = arith.maximumf %parallel_loop3A_408, %parallel_loop3A_411 : vector<16xf32>
        %parallel_loop3A_413 = arith.constant 64 : index
        %parallel_loop3A_414 = tpu.vector_load %arg9[%parallel_loop3A_413] {strides = array<i32>} : memref<128xf32, #tpu.memory_space<vmem>>, vector<16xf32>,
        %parallel_loop3A_415 = arith.mulf %parallel_loop3A_412, %parallel_loop3A_414 : vector<16xf32>
        %parallel_loop3A_416 = arith.index_cast %parallel_loop3A_345 : i32 to index
        %parallel_loop3A_417 = arith.constant 80 : index
        %parallel_loop3A_418 = tpu.vector_load %arg12[%parallel_loop3A_416, %parallel_loop3A_417] {strides = array<i32>} : memref<96x128xf32, #tpu.memory_space<vmem>>, vector<16xf32>,
        %parallel_loop3A_419 = arith.index_cast %parallel_loop3A_345 : i32 to index
        %parallel_loop3A_420 = arith.constant 80 : index
        %parallel_loop3A_421 = tpu.vector_load %arg13[%parallel_loop3A_419, %parallel_loop3A_420] {strides = array<i32>} : memref<96x128xf32, #tpu.memory_space<vmem>>, vector<16xf32>,
        %parallel_loop3A_422 = arith.addf %parallel_loop3A_418, %parallel_loop3A_421 : vector<16xf32>
        %parallel_loop3A_423 = arith.constant 2.000000e-01 : f32
        %parallel_loop3A_424 = vector.broadcast %parallel_loop3A_423 : f32 to vector<16xf32>
        %parallel_loop3A_425 = arith.mulf %parallel_loop3A_424, %parallel_loop3A_422 : vector<16xf32>
        %parallel_loop3A_426 = arith.maximumf %parallel_loop3A_422, %parallel_loop3A_425 : vector<16xf32>
        %parallel_loop3A_427 = arith.constant 80 : index
        %parallel_loop3A_428 = tpu.vector_load %arg9[%parallel_loop3A_427] {strides = array<i32>} : memref<128xf32, #tpu.memory_space<vmem>>, vector<16xf32>,
        %parallel_loop3A_429 = arith.mulf %parallel_loop3A_426, %parallel_loop3A_428 : vector<16xf32>
        %parallel_loop3A_430 = arith.index_cast %parallel_loop3A_345 : i32 to index
        %parallel_loop3A_431 = arith.constant 96 : index
        %parallel_loop3A_432 = tpu.vector_load %arg12[%parallel_loop3A_430, %parallel_loop3A_431] {strides = array<i32>} : memref<96x128xf32, #tpu.memory_space<vmem>>, vector<16xf32>,
        %parallel_loop3A_433 = arith.index_cast %parallel_loop3A_345 : i32 to index
        %parallel_loop3A_434 = arith.constant 96 : index
        %parallel_loop3A_435 = tpu.vector_load %arg13[%parallel_loop3A_433, %parallel_loop3A_434] {strides = array<i32>} : memref<96x128xf32, #tpu.memory_space<vmem>>, vector<16xf32>,
        %parallel_loop3A_436 = arith.addf %parallel_loop3A_432, %parallel_loop3A_435 : vector<16xf32>
        %parallel_loop3A_437 = arith.constant 2.000000e-01 : f32
        %parallel_loop3A_438 = vector.broadcast %parallel_loop3A_437 : f32 to vector<16xf32>
        %parallel_loop3A_439 = arith.mulf %parallel_loop3A_438, %parallel_loop3A_436 : vector<16xf32>
        %parallel_loop3A_440 = arith.maximumf %parallel_loop3A_436, %parallel_loop3A_439 : vector<16xf32>
        %parallel_loop3A_441 = arith.constant 96 : index
        %parallel_loop3A_442 = tpu.vector_load %arg9[%parallel_loop3A_441] {strides = array<i32>} : memref<128xf32, #tpu.memory_space<vmem>>, vector<16xf32>,
        %parallel_loop3A_443 = arith.mulf %parallel_loop3A_440, %parallel_loop3A_442 : vector<16xf32>
        %parallel_loop3A_444 = arith.index_cast %parallel_loop3A_345 : i32 to index
        %parallel_loop3A_445 = arith.constant 112 : index
        %parallel_loop3A_446 = tpu.vector_load %arg12[%parallel_loop3A_444, %parallel_loop3A_445] {strides = array<i32>} : memref<96x128xf32, #tpu.memory_space<vmem>>, vector<16xf32>,
        %parallel_loop3A_447 = arith.index_cast %parallel_loop3A_345 : i32 to index
        %parallel_loop3A_448 = arith.constant 112 : index
        %parallel_loop3A_449 = tpu.vector_load %arg13[%parallel_loop3A_447, %parallel_loop3A_448] {strides = array<i32>} : memref<96x128xf32, #tpu.memory_space<vmem>>, vector<16xf32>,
        %parallel_loop3A_450 = arith.addf %parallel_loop3A_446, %parallel_loop3A_449 : vector<16xf32>
        %parallel_loop3A_451 = arith.constant 2.000000e-01 : f32
        %parallel_loop3A_452 = vector.broadcast %parallel_loop3A_451 : f32 to vector<16xf32>
        %parallel_loop3A_453 = arith.mulf %parallel_loop3A_452, %parallel_loop3A_450 : vector<16xf32>
        %parallel_loop3A_454 = arith.maximumf %parallel_loop3A_450, %parallel_loop3A_453 : vector<16xf32>
        %parallel_loop3A_455 = arith.constant 112 : index
        %parallel_loop3A_456 = tpu.vector_load %arg9[%parallel_loop3A_455] {strides = array<i32>} : memref<128xf32, #tpu.memory_space<vmem>>, vector<16xf32>,
        %parallel_loop3A_457 = arith.mulf %parallel_loop3A_454, %parallel_loop3A_456 : vector<16xf32>
        %parallel_loop3A_458 = arith.addf %parallel_loop3A_359, %parallel_loop3A_373 : vector<16xf32>
        %parallel_loop3A_459 = arith.addf %parallel_loop3A_387, %parallel_loop3A_401 : vector<16xf32>
        %parallel_loop3A_460 = arith.addf %parallel_loop3A_458, %parallel_loop3A_459 : vector<16xf32>
        %parallel_loop3A_461 = arith.addf %parallel_loop3A_415, %parallel_loop3A_429 : vector<16xf32>
        %parallel_loop3A_462 = arith.addf %parallel_loop3A_443, %parallel_loop3A_457 : vector<16xf32>
        %parallel_loop3A_463 = arith.addf %parallel_loop3A_461, %parallel_loop3A_462 : vector<16xf32>
        %parallel_loop3A_464 = arith.addf %parallel_loop3A_460, %parallel_loop3A_463 : vector<16xf32>
        %parallel_loop3A_465 = arith.constant true
        %parallel_loop3A_466 = vector.broadcast %parallel_loop3A_465 : i1 to vector<16xi1>
        %parallel_loop3A_467 = tpu.scan <sum>, %parallel_loop3A_464 masked %parallel_loop3A_466 : vector<16xf32>, vector<16xi1> -> vector<16xf32>
        %parallel_loop3A_468 = vector.extract %parallel_loop3A_467[15] : f32 from vector<16xf32>
        %parallel_loop3A_469 = vector.broadcast %parallel_loop3A_468 : f32 to vector<16xf32>
        %parallel_loop3A_470 = math.exp %parallel_loop3A_469 : vector<16xf32>
        %parallel_loop3A_471 = arith.mulf %parallel_loop3A_348, %parallel_loop3A_470 : vector<16xf32>
        %parallel_loop3A_472 = arith.index_cast %parallel_loop3A_345 : i32 to index
        %parallel_loop3A_473 = arith.constant 0 : index
        %parallel_loop3A_474 = tpu.vector_load %arg12[%parallel_loop3A_472, %parallel_loop3A_473] {strides = array<i32>} : memref<96x128xf32, #tpu.memory_space<vmem>>, vector<16xf32>,
        tpu.vector_store %arg12[%parallel_loop3A_472, %parallel_loop3A_473], %parallel_loop3A_471 {strides = array<i32>} : memref<96x128xf32, #tpu.memory_space<vmem>>, vector<16xf32>,
        %parallel_loop3A_475 = arith.mulf %parallel_loop3A_362, %parallel_loop3A_470 : vector<16xf32>
        %parallel_loop3A_476 = arith.index_cast %parallel_loop3A_345 : i32 to index
        %parallel_loop3A_477 = arith.constant 16 : index
        %parallel_loop3A_478 = tpu.vector_load %arg12[%parallel_loop3A_476, %parallel_loop3A_477] {strides = array<i32>} : memref<96x128xf32, #tpu.memory_space<vmem>>, vector<16xf32>,
        tpu.vector_store %arg12[%parallel_loop3A_476, %parallel_loop3A_477], %parallel_loop3A_475 {strides = array<i32>} : memref<96x128xf32, #tpu.memory_space<vmem>>, vector<16xf32>,
        %parallel_loop3A_479 = arith.mulf %parallel_loop3A_376, %parallel_loop3A_470 : vector<16xf32>
        %parallel_loop3A_480 = arith.index_cast %parallel_loop3A_345 : i32 to index
        %parallel_loop3A_481 = arith.constant 32 : index
        %parallel_loop3A_482 = tpu.vector_load %arg12[%parallel_loop3A_480, %parallel_loop3A_481] {strides = array<i32>} : memref<96x128xf32, #tpu.memory_space<vmem>>, vector<16xf32>,
        tpu.vector_store %arg12[%parallel_loop3A_480, %parallel_loop3A_481], %parallel_loop3A_479 {strides = array<i32>} : memref<96x128xf32, #tpu.memory_space<vmem>>, vector<16xf32>,
        %parallel_loop3A_483 = arith.mulf %parallel_loop3A_390, %parallel_loop3A_470 : vector<16xf32>
        %parallel_loop3A_484 = arith.index_cast %parallel_loop3A_345 : i32 to index
        %parallel_loop3A_485 = arith.constant 48 : index
        %parallel_loop3A_486 = tpu.vector_load %arg12[%parallel_loop3A_484, %parallel_loop3A_485] {strides = array<i32>} : memref<96x128xf32, #tpu.memory_space<vmem>>, vector<16xf32>,
        tpu.vector_store %arg12[%parallel_loop3A_484, %parallel_loop3A_485], %parallel_loop3A_483 {strides = array<i32>} : memref<96x128xf32, #tpu.memory_space<vmem>>, vector<16xf32>,
        %parallel_loop3A_487 = arith.mulf %parallel_loop3A_404, %parallel_loop3A_470 : vector<16xf32>
        %parallel_loop3A_488 = arith.index_cast %parallel_loop3A_345 : i32 to index
        %parallel_loop3A_489 = arith.constant 64 : index
        %parallel_loop3A_490 = tpu.vector_load %arg12[%parallel_loop3A_488, %parallel_loop3A_489] {strides = array<i32>} : memref<96x128xf32, #tpu.memory_space<vmem>>, vector<16xf32>,
        tpu.vector_store %arg12[%parallel_loop3A_488, %parallel_loop3A_489], %parallel_loop3A_487 {strides = array<i32>} : memref<96x128xf32, #tpu.memory_space<vmem>>, vector<16xf32>,
        %parallel_loop3A_491 = arith.mulf %parallel_loop3A_418, %parallel_loop3A_470 : vector<16xf32>
        %parallel_loop3A_492 = arith.index_cast %parallel_loop3A_345 : i32 to index
        %parallel_loop3A_493 = arith.constant 80 : index
        %parallel_loop3A_494 = tpu.vector_load %arg12[%parallel_loop3A_492, %parallel_loop3A_493] {strides = array<i32>} : memref<96x128xf32, #tpu.memory_space<vmem>>, vector<16xf32>,
        tpu.vector_store %arg12[%parallel_loop3A_492, %parallel_loop3A_493], %parallel_loop3A_491 {strides = array<i32>} : memref<96x128xf32, #tpu.memory_space<vmem>>, vector<16xf32>,
        %parallel_loop3A_495 = arith.mulf %parallel_loop3A_432, %parallel_loop3A_470 : vector<16xf32>
        %parallel_loop3A_496 = arith.index_cast %parallel_loop3A_345 : i32 to index
        %parallel_loop3A_497 = arith.constant 96 : index
        %parallel_loop3A_498 = tpu.vector_load %arg12[%parallel_loop3A_496, %parallel_loop3A_497] {strides = array<i32>} : memref<96x128xf32, #tpu.memory_space<vmem>>, vector<16xf32>,
        tpu.vector_store %arg12[%parallel_loop3A_496, %parallel_loop3A_497], %parallel_loop3A_495 {strides = array<i32>} : memref<96x128xf32, #tpu.memory_space<vmem>>, vector<16xf32>,
        %parallel_loop3A_499 = arith.mulf %parallel_loop3A_446, %parallel_loop3A_470 : vector<16xf32>
        %parallel_loop3A_500 = arith.index_cast %parallel_loop3A_345 : i32 to index
        %parallel_loop3A_501 = arith.constant 112 : index
        %parallel_loop3A_502 = tpu.vector_load %arg12[%parallel_loop3A_500, %parallel_loop3A_501] {strides = array<i32>} : memref<96x128xf32, #tpu.memory_space<vmem>>, vector<16xf32>,
        tpu.vector_store %arg12[%parallel_loop3A_500, %parallel_loop3A_501], %parallel_loop3A_499 {strides = array<i32>} : memref<96x128xf32, #tpu.memory_space<vmem>>, vector<16xf32>,
        %parallel_loop3A_503 = arith.constant 0 : i32
        %parallel_loop3A_504 = vector.broadcast %parallel_loop3A_503 : i32 to vector<16xi32>
        %parallel_loop3A_505 = arith.cmpi eq, %iota3A, %parallel_loop3A_504 : vector<16xi32>
        %parallel_loop3A_506 = arith.constant 0.000000e+00 : f32
        %parallel_loop3A_507 = vector.broadcast %parallel_loop3A_506 : f32 to vector<16xf32>
        %parallel_loop3A_508 = arith.select %parallel_loop3A_505, %parallel_loop3A_470, %parallel_loop3A_507 : vector<16xi1>, vector<16xf32>
        %parallel_loop3A_509 = arith.index_cast %parallel_loop3A_345 : i32 to index
        %parallel_loop3A_510 = arith.constant 0 : index
        %parallel_loop3A_511 = tpu.vector_load %arg13[%parallel_loop3A_509, %parallel_loop3A_510] {strides = array<i32>} : memref<96x128xf32, #tpu.memory_space<vmem>>, vector<16xf32>,
        tpu.vector_store %arg13[%parallel_loop3A_509, %parallel_loop3A_510], %parallel_loop3A_508 {strides = array<i32>} : memref<96x128xf32, #tpu.memory_space<vmem>>, vector<16xf32>,
      } {sc.loop_unroll_factor = 4 : i64, sc.parallel_access}
      "tpu.region"() ({
        %run_scoped3A = tpu.sem_alloc : memref<!tpu.dma_semaphore, #tpu.memory_space<semaphore_mem>>
        %dma_start3A_345 = arith.constant 0 : i32
        %dma_start3A_346 = arith.constant 0 : i32
        %dma_start3A_347 = tpu.memref_slice %arg18[%dma_start3A_345, %dma_start3A_346] : memref<10112x128xf32, #tpu.memory_space<vmem_shared>> -> memref<10112x128xf32, #tpu.memory_space<vmem_shared>>
        tpu.enqueue_indirect_dma source(%arg12 : memref<96x128xf32, #tpu.memory_space<vmem>>) target(%dma_start3A_347 : memref<10112x128xf32, #tpu.memory_space<vmem_shared>>) offsets(%arg11 : memref<96xi32, #tpu.memory_space<vmem>>) semaphore(%run_scoped3A : memref<!tpu.dma_semaphore, #tpu.memory_space<semaphore_mem>>) {add = true}
        %dma_wait3A_348 = arith.constant 0 : i32
        %dma_wait3A_349 = arith.constant 0 : i32
        %dma_wait3A_350 = tpu.memref_slice %arg18[%dma_wait3A_348, %dma_wait3A_349] : memref<10112x128xf32, #tpu.memory_space<vmem_shared>> -> memref<10112x128xf32, #tpu.memory_space<vmem_shared>>
        tpu.wait_indirect_dma semaphore(%run_scoped3A : memref<!tpu.dma_semaphore, #tpu.memory_space<semaphore_mem>>) src(%arg12 : memref<96x128xf32, #tpu.memory_space<vmem>>) dst(%dma_wait3A_350 : memref<10112x128xf32, #tpu.memory_space<vmem_shared>>)
        tpu.yield
      }) : () -> ()
      %scan3A_337 = arith.constant 0 : i32
      %scan3A_338 = arith.constant 0 : i32
      %scan3A_339 = arith.constant 6 : i32
      %scan3A_340 = arith.addi %scan3A_338, %scan3A_339 : i32
      %scan3A_341 = arith.constant 1 : i32
      %scan3A_342 = scf.for %scan3A_345 = %scan3A_338 to %scan3A_340 step %scan3A_341 iter_args(%scan3A_346 = %scan3A_337) -> (i32)  : i32 {
        %mul3A_347 = arith.constant 16 : i32
        %mul3A_348 = arith.muli %scan3A_345, %mul3A_347 : i32
        %add3A_349 = vector.broadcast %mul3A_348 : i32 to vector<16xi32>
        %add3A_350 = arith.addi %iota3A, %add3A_349 : vector<16xi32>
        %mul3A_351 = arith.constant 16 : i32
        %mul3A_352 = arith.muli %scan3A_345, %mul3A_351 : i32
        %get3A = arith.index_cast %mul3A_352 : i32 to index
        %get3A_353 = tpu.vector_load %arg11[%get3A] {strides = array<i32>} : memref<96xi32, #tpu.memory_space<vmem>>, vector<16xi32>,
        %mul3A_354 = arith.constant 2 : i32
        %mul3A_355 = vector.broadcast %mul3A_354 : i32 to vector<16xi32>
        %mul3A_356 = arith.muli %get3A_353, %mul3A_355 : vector<16xi32>
        %broadcast_in_dim3A_357 = arith.constant 0 : i32
        %broadcast_in_dim3A_358 = vector.broadcast %broadcast_in_dim3A_357 : i32 to vector<16xi32>
        %gather3A = tpu.vector_load_idx %arg13[%add3A_350, %broadcast_in_dim3A_358] : memref<96x128xf32, #tpu.memory_space<vmem>>[vector<16xi32>, vector<16xi32>], vector<16xf32>,
        %shift_right_logical3A = arith.constant 7 : i32
        %shift_right_logical3A_359 = vector.broadcast %shift_right_logical3A : i32 to vector<16xi32>
        %shift_right_logical3A_360 = arith.shrui %mul3A_356, %shift_right_logical3A_359 : vector<16xi32>
        %and3A = arith.constant 127 : i32
        %and3A_361 = vector.broadcast %and3A : i32 to vector<16xi32>
        %and3A_362 = arith.andi %mul3A_356, %and3A_361 : vector<16xi32>
        tpu.vector_store_idx %arg15[%shift_right_logical3A_360, %and3A_362], %gather3A {add = true} : memref<160x128xf32, #tpu.memory_space<vmem>>[vector<16xi32>, vector<16xi32>], vector<16xf32>,
        %scan3A_363 = arith.constant 0 : i32
        scf.yield %scan3A_363 : i32
      }
      %scan3A_343 = arith.constant 6 : i32
      %scan3A_344 = arith.constant 0 : i32
      scf.yield %scan3A_344 : i32
    }
    %scan3A_303 = arith.constant 108 : i32
    %barrier3A_304 = arith.constant 0 : index
    tpu.barrier barrier_id(%barrier3A_304)
    "tpu.region"() ({
      %run_scoped3A = tpu.sem_alloc : memref<!tpu.dma_semaphore, #tpu.memory_space<semaphore_mem>>
      %dma_start3A = arith.constant 0 : i32
      %dma_start3A_310 = arith.constant 0 : i32
      %dma_start3A_311 = tpu.memref_slice %arg15[%dma_start3A, %dma_start3A_310] : memref<160x128xf32, #tpu.memory_space<vmem>> -> memref<128x128xf32, #tpu.memory_space<vmem>>
      %dma_start3A_312 = arith.constant 0 : i32
      %dma_start3A_313 = arith.constant 0 : i32
      %dma_start3A_314 = tpu.memref_slice %arg19[%dma_start3A_312, %dma_start3A_313] : memref<160x128xf32, #tpu.memory_space<vmem_shared>> -> memref<160x128xf32, #tpu.memory_space<vmem_shared>>
      tpu.enqueue_indirect_dma source(%dma_start3A_311 : memref<128x128xf32, #tpu.memory_space<vmem>>) target(%dma_start3A_314 : memref<160x128xf32, #tpu.memory_space<vmem_shared>>) offsets(%arg16 : memref<128xi32, #tpu.memory_space<vmem>>) semaphore(%run_scoped3A : memref<!tpu.dma_semaphore, #tpu.memory_space<semaphore_mem>>) {add = true}
      %dma_wait3A = arith.constant 0 : i32
      %dma_wait3A_315 = arith.constant 0 : i32
      %dma_wait3A_316 = tpu.memref_slice %arg15[%dma_wait3A, %dma_wait3A_315] : memref<160x128xf32, #tpu.memory_space<vmem>> -> memref<128x128xf32, #tpu.memory_space<vmem>>
      %dma_wait3A_317 = arith.constant 0 : i32
      %dma_wait3A_318 = arith.constant 0 : i32
      %dma_wait3A_319 = tpu.memref_slice %arg19[%dma_wait3A_317, %dma_wait3A_318] : memref<160x128xf32, #tpu.memory_space<vmem_shared>> -> memref<160x128xf32, #tpu.memory_space<vmem_shared>>
      tpu.wait_indirect_dma semaphore(%run_scoped3A : memref<!tpu.dma_semaphore, #tpu.memory_space<semaphore_mem>>) src(%dma_wait3A_316 : memref<128x128xf32, #tpu.memory_space<vmem>>) dst(%dma_wait3A_319 : memref<160x128xf32, #tpu.memory_space<vmem_shared>>)
      tpu.yield
    }) : () -> ()
    "tpu.region"() ({
      %run_scoped3A = tpu.sem_alloc : memref<!tpu.dma_semaphore, #tpu.memory_space<semaphore_mem>>
      %dma_start3A = arith.constant 128 : i32
      %dma_start3A_310 = arith.constant 0 : i32
      %dma_start3A_311 = tpu.memref_slice %arg15[%dma_start3A, %dma_start3A_310] : memref<160x128xf32, #tpu.memory_space<vmem>> -> memref<32x128xf32, #tpu.memory_space<vmem>>
      %dma_start3A_312 = arith.constant 0 : i32
      %dma_start3A_313 = arith.constant 0 : i32
      %dma_start3A_314 = tpu.memref_slice %arg19[%dma_start3A_312, %dma_start3A_313] : memref<160x128xf32, #tpu.memory_space<vmem_shared>> -> memref<160x128xf32, #tpu.memory_space<vmem_shared>>
      tpu.enqueue_indirect_dma source(%dma_start3A_311 : memref<32x128xf32, #tpu.memory_space<vmem>>) target(%dma_start3A_314 : memref<160x128xf32, #tpu.memory_space<vmem_shared>>) offsets(%arg17 : memref<32xi32, #tpu.memory_space<vmem>>) semaphore(%run_scoped3A : memref<!tpu.dma_semaphore, #tpu.memory_space<semaphore_mem>>) {add = true}
      %dma_wait3A = arith.constant 128 : i32
      %dma_wait3A_315 = arith.constant 0 : i32
      %dma_wait3A_316 = tpu.memref_slice %arg15[%dma_wait3A, %dma_wait3A_315] : memref<160x128xf32, #tpu.memory_space<vmem>> -> memref<32x128xf32, #tpu.memory_space<vmem>>
      %dma_wait3A_317 = arith.constant 0 : i32
      %dma_wait3A_318 = arith.constant 0 : i32
      %dma_wait3A_319 = tpu.memref_slice %arg19[%dma_wait3A_317, %dma_wait3A_318] : memref<160x128xf32, #tpu.memory_space<vmem_shared>> -> memref<160x128xf32, #tpu.memory_space<vmem_shared>>
      tpu.wait_indirect_dma semaphore(%run_scoped3A : memref<!tpu.dma_semaphore, #tpu.memory_space<semaphore_mem>>) src(%dma_wait3A_316 : memref<32x128xf32, #tpu.memory_space<vmem>>) dst(%dma_wait3A_319 : memref<160x128xf32, #tpu.memory_space<vmem_shared>>)
      tpu.yield
    }) : () -> ()
    %barrier3A_305 = arith.constant 0 : index
    tpu.barrier barrier_id(%barrier3A_305)
    "tpu.region"() ({
      %run_scoped3A = tpu.sem_alloc : memref<!tpu.dma_semaphore, #tpu.memory_space<semaphore_mem>>
      %dma_start3A = arith.constant 0 : i32
      %dma_start3A_310 = tpu.memref_slice %arg7[%arg0, %mul3A_258, %dma_start3A] : memref<2x10112x128xf32, #tpu.memory_space<hbm>> -> memref<1x632x128xf32, #tpu.memory_space<hbm>>
      %dma_start3A_311 = tpu.memref_squeeze %dma_start3A_310 : memref<1x632x128xf32, #tpu.memory_space<hbm>> -> memref<632x128xf32, #tpu.memory_space<hbm>>
      %dma_start3A_312 = arith.constant 0 : i32
      %dma_start3A_313 = tpu.memref_slice %arg18[%mul3A_258, %dma_start3A_312] : memref<10112x128xf32, #tpu.memory_space<vmem_shared>> -> memref<632x128xf32, #tpu.memory_space<vmem_shared>>
      tpu.enqueue_dma source(%dma_start3A_313 : memref<632x128xf32, #tpu.memory_space<vmem_shared>>) target(%dma_start3A_311 : memref<632x128xf32, #tpu.memory_space<hbm>>) target_semaphore(%run_scoped3A : memref<!tpu.dma_semaphore, #tpu.memory_space<semaphore_mem>>)
      %dma_wait3A = arith.constant 0 : i32
      %dma_wait3A_314 = tpu.memref_slice %arg7[%arg0, %mul3A_258, %dma_wait3A] : memref<2x10112x128xf32, #tpu.memory_space<hbm>> -> memref<1x632x128xf32, #tpu.memory_space<hbm>>
      %dma_wait3A_315 = tpu.memref_squeeze %dma_wait3A_314 : memref<1x632x128xf32, #tpu.memory_space<hbm>> -> memref<632x128xf32, #tpu.memory_space<hbm>>
      %dma_wait3A_316 = arith.constant 0 : i32
      %dma_wait3A_317 = tpu.memref_slice %arg18[%mul3A_258, %dma_wait3A_316] : memref<10112x128xf32, #tpu.memory_space<vmem_shared>> -> memref<632x128xf32, #tpu.memory_space<vmem_shared>>
      tpu.wait_dma2 semaphore(%run_scoped3A : memref<!tpu.dma_semaphore, #tpu.memory_space<semaphore_mem>>) src(%dma_wait3A_317 : memref<632x128xf32, #tpu.memory_space<vmem_shared>>) dst(%dma_wait3A_315 : memref<632x128xf32, #tpu.memory_space<hbm>>)
      tpu.yield
    }) : () -> ()
    %lt3A = arith.constant 10 : i32
    %lt3A_306 = arith.cmpi slt, %arg1, %lt3A : i32
    %convert_element_type3A_307 = arith.extui %lt3A_306 : i1 to i32
    %cond3A_308 = arith.constant 0 : i32
    %cond3A_309 = arith.cmpi ne, %convert_element_type3A_307, %cond3A_308 : i32
    scf.if %cond3A_309 {
      %mul3A_310 = arith.constant 16 : i32
      %mul3A_311 = arith.muli %arg1, %mul3A_310 : i32
      %mul3A_312 = arith.constant 16 : i32
      %mul3A_313 = arith.muli %arg1, %mul3A_312 : i32
      "tpu.region"() ({
        %run_scoped3A = tpu.sem_alloc : memref<!tpu.dma_semaphore, #tpu.memory_space<semaphore_mem>>
        %dma_start3A = arith.constant 0 : i32
        %dma_start3A_314 = tpu.memref_slice %arg8[%arg0, %mul3A_313, %dma_start3A] : memref<2x160x128xf32, #tpu.memory_space<hbm>> -> memref<1x16x128xf32, #tpu.memory_space<hbm>>
        %dma_start3A_315 = tpu.memref_squeeze %dma_start3A_314 : memref<1x16x128xf32, #tpu.memory_space<hbm>> -> memref<16x128xf32, #tpu.memory_space<hbm>>
        %dma_start3A_316 = arith.constant 0 : i32
        %dma_start3A_317 = tpu.memref_slice %arg19[%mul3A_311, %dma_start3A_316] : memref<160x128xf32, #tpu.memory_space<vmem_shared>> -> memref<16x128xf32, #tpu.memory_space<vmem_shared>>
        tpu.enqueue_dma source(%dma_start3A_317 : memref<16x128xf32, #tpu.memory_space<vmem_shared>>) target(%dma_start3A_315 : memref<16x128xf32, #tpu.memory_space<hbm>>) target_semaphore(%run_scoped3A : memref<!tpu.dma_semaphore, #tpu.memory_space<semaphore_mem>>)
        %dma_wait3A = arith.constant 0 : i32
        %dma_wait3A_318 = tpu.memref_slice %arg8[%arg0, %mul3A_313, %dma_wait3A] : memref<2x160x128xf32, #tpu.memory_space<hbm>> -> memref<1x16x128xf32, #tpu.memory_space<hbm>>
        %dma_wait3A_319 = tpu.memref_squeeze %dma_wait3A_318 : memref<1x16x128xf32, #tpu.memory_space<hbm>> -> memref<16x128xf32, #tpu.memory_space<hbm>>
        %dma_wait3A_320 = arith.constant 0 : i32
        %dma_wait3A_321 = tpu.memref_slice %arg19[%mul3A_311, %dma_wait3A_320] : memref<160x128xf32, #tpu.memory_space<vmem_shared>> -> memref<16x128xf32, #tpu.memory_space<vmem_shared>>
        tpu.wait_dma2 semaphore(%run_scoped3A : memref<!tpu.dma_semaphore, #tpu.memory_space<semaphore_mem>>) src(%dma_wait3A_321 : memref<16x128xf32, #tpu.memory_space<vmem_shared>>) dst(%dma_wait3A_319 : memref<16x128xf32, #tpu.memory_space<hbm>>)
        tpu.yield
      }) : () -> ()
    } else {
    }
    return
  }
}

module attributes {stable_mosaic.version = 14 : i64} {
  func.func @_proj_body(%arg0: i32, %arg1: memref<1264x128xf32, #tpu.memory_space<vmem>>, %arg2: memref<128x128xf32, #tpu.memory_space<vmem>>, %arg3: memref<128x128xf32, #tpu.memory_space<vmem>>, %arg4: memref<1264x128xf32, #tpu.memory_space<vmem>>, %arg5: memref<1264x128xf32, #tpu.memory_space<vmem>>) attributes {dimension_semantics = [#tpu.dimension_semantics<arbitrary>], iteration_bounds = array<i64: 8>, scalar_prefetch = 0 : i64, scratch_operands = 0 : i64, tpu.core_type = #tpu.core_type<tc>, window_params = [{transform_indices = @transform_0, window_bounds = array<i64: 1264, 128>}, {pipeline_mode = #tpu.pipeline_mode<synchronous>, transform_indices = @transform_1, window_bounds = array<i64: 128, 128>}, {pipeline_mode = #tpu.pipeline_mode<synchronous>, transform_indices = @transform_2, window_bounds = array<i64: 128, 128>}, {transform_indices = @transform_3, window_bounds = array<i64: 1264, 128>}, {transform_indices = @transform_4, window_bounds = array<i64: 1264, 128>}]} {
    %get3A = arith.constant 0 : index
    %get3A_0 = arith.constant 0 : index
    %get3A_1 = vector.load %arg1[%get3A, %get3A_0] : memref<1264x128xf32, #tpu.memory_space<vmem>>, vector<1264x128xf32>
    %get3A_2 = arith.constant 0 : index
    %get3A_3 = arith.constant 0 : index
    %get3A_4 = vector.load %arg2[%get3A_2, %get3A_3] : memref<128x128xf32, #tpu.memory_space<vmem>>, vector<128x128xf32>
    %dot_general3A = arith.constant dense<0.000000e+00> : vector<1264x128xf32>
    %dot_general3A_5 = tpu.matmul %get3A_1, %get3A_4, %dot_general3A {dimension_numbers = #tpu.dot_dimension_numbers<[1], [0], [0], [1], [0, 0, 1, 1], [], []>, transpose_lhs_hint = false} : vector<1264x128xf32>, vector<128x128xf32>, vector<1264x128xf32> -> vector<1264x128xf32>
    %swap3A = arith.constant 0 : index
    %swap3A_6 = arith.constant 0 : index
    %swap3A_7 = vector.load %arg4[%swap3A, %swap3A_6] : memref<1264x128xf32, #tpu.memory_space<vmem>>, vector<1264x128xf32>
    tpu.vector_store %arg4[%swap3A, %swap3A_6], %dot_general3A_5 {strides = array<i32>} : memref<1264x128xf32, #tpu.memory_space<vmem>>, vector<1264x128xf32>,
    %get3A_8 = arith.constant 0 : index
    %get3A_9 = arith.constant 0 : index
    %get3A_10 = vector.load %arg3[%get3A_8, %get3A_9] : memref<128x128xf32, #tpu.memory_space<vmem>>, vector<128x128xf32>
    %dot_general3A_11 = arith.constant dense<0.000000e+00> : vector<1264x128xf32>
    %dot_general3A_12 = tpu.matmul %get3A_1, %get3A_10, %dot_general3A_11 {dimension_numbers = #tpu.dot_dimension_numbers<[1], [0], [0], [1], [0, 0, 1, 1], [], []>, transpose_lhs_hint = false} : vector<1264x128xf32>, vector<128x128xf32>, vector<1264x128xf32> -> vector<1264x128xf32>
    %swap3A_13 = arith.constant 0 : index
    %swap3A_14 = arith.constant 0 : index
    %swap3A_15 = vector.load %arg5[%swap3A_13, %swap3A_14] : memref<1264x128xf32, #tpu.memory_space<vmem>>, vector<1264x128xf32>
    tpu.vector_store %arg5[%swap3A_13, %swap3A_14], %dot_general3A_12 {strides = array<i32>} : memref<1264x128xf32, #tpu.memory_space<vmem>>, vector<1264x128xf32>,
    return
  }
  func.func @transform_0(%arg0: i32) -> (i32, i32) {
    %c0_i32 = arith.constant 0 : i32
    %c0_i32_0 = arith.constant 0 : i32
    return %arg0, %c0_i32 : i32, i32
  }
  func.func @transform_1(%arg0: i32) -> (i32, i32) {
    %c0_i32 = arith.constant 0 : i32
    %c0_i32_0 = arith.constant 0 : i32
    %c0_i32_1 = arith.constant 0 : i32
    return %c0_i32, %c0_i32_0 : i32, i32
  }
  func.func @transform_2(%arg0: i32) -> (i32, i32) {
    %c0_i32 = arith.constant 0 : i32
    %c0_i32_0 = arith.constant 0 : i32
    %c0_i32_1 = arith.constant 0 : i32
    return %c0_i32, %c0_i32_0 : i32, i32
  }
  func.func @transform_3(%arg0: i32) -> (i32, i32) {
    %c0_i32 = arith.constant 0 : i32
    %c0_i32_0 = arith.constant 0 : i32
    return %arg0, %c0_i32 : i32, i32
  }
  func.func @transform_4(%arg0: i32) -> (i32, i32) {
    %c0_i32 = arith.constant 0 : i32
    %c0_i32_0 = arith.constant 0 : i32
    return %arg0, %c0_i32 : i32, i32
  }
}

module attributes {stable_mosaic.version = 14 : i64} {
  func.func @_mid_body(%arg0: i32, %arg1: memref<2x1264x128xf32, #tpu.memory_space<vmem>>, %arg2: memref<2x1264x2xf32, #tpu.memory_space<vmem>>, %arg3: memref<1x128xf32, #tpu.memory_space<vmem>>, %arg4: memref<1x128xf32, #tpu.memory_space<vmem>>, %arg5: memref<1x128xf32, #tpu.memory_space<vmem>>, %arg6: memref<128x128xf32, #tpu.memory_space<vmem>>, %arg7: memref<128x128xf32, #tpu.memory_space<vmem>>, %arg8: memref<1264x128xf32, #tpu.memory_space<vmem>>, %arg9: memref<1264x128xf32, #tpu.memory_space<vmem>>) attributes {dimension_semantics = [#tpu.dimension_semantics<arbitrary>], iteration_bounds = array<i64: 8>, scalar_prefetch = 0 : i64, scratch_operands = 0 : i64, tpu.core_type = #tpu.core_type<tc>, window_params = [{transform_indices = @transform_0, window_bounds = array<i64: 2, 1264, 128>}, {transform_indices = @transform_1, window_bounds = array<i64: 2, 1264, 2>}, {pipeline_mode = #tpu.pipeline_mode<synchronous>, transform_indices = @transform_2, window_bounds = array<i64: 1, 128>}, {pipeline_mode = #tpu.pipeline_mode<synchronous>, transform_indices = @transform_3, window_bounds = array<i64: 1, 128>}, {pipeline_mode = #tpu.pipeline_mode<synchronous>, transform_indices = @transform_4, window_bounds = array<i64: 1, 128>}, {pipeline_mode = #tpu.pipeline_mode<synchronous>, transform_indices = @transform_5, window_bounds = array<i64: 128, 128>}, {pipeline_mode = #tpu.pipeline_mode<synchronous>, transform_indices = @transform_6, window_bounds = array<i64: 128, 128>}, {transform_indices = @transform_7, window_bounds = array<i64: 1264, 128>}, {transform_indices = @transform_8, window_bounds = array<i64: 1264, 128>}]} {
    %get3A = arith.constant 0 : index
    %get3A_0 = arith.constant 0 : index
    %get3A_1 = arith.constant 0 : index
    %get3A_2 = vector.load %arg1[%get3A, %get3A_0, %get3A_1] : memref<2x1264x128xf32, #tpu.memory_space<vmem>>, vector<1x1264x128xf32>
    %get3A_3 = vector.shape_cast %get3A_2 : vector<1x1264x128xf32> to vector<1264x128xf32>
    %get3A_4 = arith.constant 1 : index
    %get3A_5 = arith.constant 0 : index
    %get3A_6 = arith.constant 0 : index
    %get3A_7 = vector.load %arg1[%get3A_4, %get3A_5, %get3A_6] : memref<2x1264x128xf32, #tpu.memory_space<vmem>>, vector<1x1264x128xf32>
    %get3A_8 = vector.shape_cast %get3A_7 : vector<1x1264x128xf32> to vector<1264x128xf32>
    %add3A = arith.addf %get3A_3, %get3A_8 : vector<1264x128xf32>
    %get3A_9 = arith.constant 0 : index
    %get3A_10 = arith.constant 0 : index
    %get3A_11 = arith.constant 0 : index
    %get3A_12 = vector.load %arg2[%get3A_9, %get3A_10, %get3A_11] : memref<2x1264x2xf32, #tpu.memory_space<vmem>>, vector<1x1264x2xf32>
    %get3A_13 = vector.shape_cast %get3A_12 : vector<1x1264x2xf32> to vector<1264x2xf32>
    %get3A_14 = arith.constant 1 : index
    %get3A_15 = arith.constant 0 : index
    %get3A_16 = arith.constant 0 : index
    %get3A_17 = vector.load %arg2[%get3A_14, %get3A_15, %get3A_16] : memref<2x1264x2xf32, #tpu.memory_space<vmem>>, vector<1x1264x2xf32>
    %get3A_18 = vector.shape_cast %get3A_17 : vector<1x1264x2xf32> to vector<1264x2xf32>
    %add3A_19 = arith.addf %get3A_13, %get3A_18 : vector<1264x2xf32>
    %slice3A = vector.extract_strided_slice %add3A_19 {offsets = [0, 0], sizes = [1264, 1], strides = [1, 1]} : vector<1264x2xf32> to vector<1264x1xf32>
    %broadcast_in_dim3A = vector.shape_cast %slice3A : vector<1264x1xf32> to vector<1264x1xf32>
    %broadcast_in_dim3A_20 = vector.broadcast %broadcast_in_dim3A : vector<1264x1xf32> to vector<1264x64xf32>
    %slice3A_21 = vector.extract_strided_slice %add3A_19 {offsets = [0, 1], sizes = [1264, 1], strides = [1, 1]} : vector<1264x2xf32> to vector<1264x1xf32>
    %broadcast_in_dim3A_22 = vector.shape_cast %slice3A_21 : vector<1264x1xf32> to vector<1264x1xf32>
    %broadcast_in_dim3A_23 = vector.broadcast %broadcast_in_dim3A_22 : vector<1264x1xf32> to vector<1264x64xf32>
    %concatenate3A = tpu.concatenate %broadcast_in_dim3A_20, %broadcast_in_dim3A_23 in 1 : vector<1264x64xf32>, vector<1264x64xf32> -> vector<1264x128xf32>
    %add3A_24 = arith.constant 1.000000e-16 : f32
    %add3A_25 = vector.broadcast %add3A_24 : f32 to vector<1264x128xf32>
    %add3A_26 = arith.addf %concatenate3A, %add3A_25 : vector<1264x128xf32>
    %div3A = arith.divf %add3A, %add3A_26 : vector<1264x128xf32>
    %get3A_27 = arith.constant 0 : index
    %get3A_28 = arith.constant 0 : index
    %get3A_29 = vector.load %arg3[%get3A_27, %get3A_28] : memref<1x128xf32, #tpu.memory_space<vmem>>, vector<1x128xf32>
    %add3A_30 = vector.broadcast %get3A_29 : vector<1x128xf32> to vector<1264x128xf32>
    %add3A_31 = arith.addf %div3A, %add3A_30 : vector<1264x128xf32>
    %reduce_sum3A = arith.constant dense<0.000000e+00> : vector<1264xf32>
    %reduce_sum3A_32 = vector.multi_reduction <add>, %add3A_31, %reduce_sum3A [1] : vector<1264x128xf32> to vector<1264xf32>
    %broadcast_in_dim3A_33 = vector.shape_cast %reduce_sum3A_32 : vector<1264xf32> to vector<1264x1xf32>
    %div3A_34 = arith.constant 1.280000e+02 : f32
    %div3A_35 = vector.broadcast %div3A_34 : f32 to vector<1264x1xf32>
    %div3A_36 = arith.divf %broadcast_in_dim3A_33, %div3A_35 : vector<1264x1xf32>
    %sub3A = vector.broadcast %div3A_36 : vector<1264x1xf32> to vector<1264x128xf32>
    %sub3A_37 = arith.subf %add3A_31, %sub3A : vector<1264x128xf32>
    %integer_pow3A = arith.mulf %sub3A_37, %sub3A_37 : vector<1264x128xf32>
    %reduce_sum3A_38 = arith.constant dense<0.000000e+00> : vector<1264xf32>
    %reduce_sum3A_39 = vector.multi_reduction <add>, %integer_pow3A, %reduce_sum3A_38 [1] : vector<1264x128xf32> to vector<1264xf32>
    %broadcast_in_dim3A_40 = vector.shape_cast %reduce_sum3A_39 : vector<1264xf32> to vector<1264x1xf32>
    %div3A_41 = arith.constant 1.280000e+02 : f32
    %div3A_42 = vector.broadcast %div3A_41 : f32 to vector<1264x1xf32>
    %div3A_43 = arith.divf %broadcast_in_dim3A_40, %div3A_42 : vector<1264x1xf32>
    %sub3A_44 = vector.broadcast %div3A_36 : vector<1264x1xf32> to vector<1264x128xf32>
    %sub3A_45 = arith.subf %add3A_31, %sub3A_44 : vector<1264x128xf32>
    %add3A_46 = arith.constant 9.99999974E-6 : f32
    %add3A_47 = vector.broadcast %add3A_46 : f32 to vector<1264x1xf32>
    %add3A_48 = arith.addf %div3A_43, %add3A_47 : vector<1264x1xf32>
    %sqrt3A = math.sqrt %add3A_48 : vector<1264x1xf32>
    %div3A_49 = vector.broadcast %sqrt3A : vector<1264x1xf32> to vector<1264x128xf32>
    %div3A_50 = arith.divf %sub3A_45, %div3A_49 : vector<1264x128xf32>
    %get3A_51 = arith.constant 0 : index
    %get3A_52 = arith.constant 0 : index
    %get3A_53 = vector.load %arg4[%get3A_51, %get3A_52] : memref<1x128xf32, #tpu.memory_space<vmem>>, vector<1x128xf32>
    %mul3A = vector.broadcast %get3A_53 : vector<1x128xf32> to vector<1264x128xf32>
    %mul3A_54 = arith.mulf %div3A_50, %mul3A : vector<1264x128xf32>
    %get3A_55 = arith.constant 0 : index
    %get3A_56 = arith.constant 0 : index
    %get3A_57 = vector.load %arg5[%get3A_55, %get3A_56] : memref<1x128xf32, #tpu.memory_space<vmem>>, vector<1x128xf32>
    %add3A_58 = vector.broadcast %get3A_57 : vector<1x128xf32> to vector<1264x128xf32>
    %add3A_59 = arith.addf %mul3A_54, %add3A_58 : vector<1264x128xf32>
    %gt3A = arith.constant 0.000000e+00 : f32
    %gt3A_60 = vector.broadcast %gt3A : f32 to vector<1264x128xf32>
    %gt3A_61 = arith.cmpf ogt, %add3A_59, %gt3A_60 : vector<1264x128xf32>
    %exp3A = math.exp %add3A_59 : vector<1264x128xf32>
    %sub3A_62 = arith.constant 1.000000e+00 : f32
    %sub3A_63 = vector.broadcast %sub3A_62 : f32 to vector<1264x128xf32>
    %sub3A_64 = arith.subf %exp3A, %sub3A_63 : vector<1264x128xf32>
    %select_n3A = arith.select %gt3A_61, %add3A_59, %sub3A_64 : vector<1264x128xi1>, vector<1264x128xf32>
    %get3A_65 = arith.constant 0 : index
    %get3A_66 = arith.constant 0 : index
    %get3A_67 = vector.load %arg6[%get3A_65, %get3A_66] : memref<128x128xf32, #tpu.memory_space<vmem>>, vector<128x128xf32>
    %dot_general3A = arith.constant dense<0.000000e+00> : vector<1264x128xf32>
    %dot_general3A_68 = tpu.matmul %select_n3A, %get3A_67, %dot_general3A {dimension_numbers = #tpu.dot_dimension_numbers<[1], [0], [0], [1], [0, 0, 1, 1], [], []>, transpose_lhs_hint = false} : vector<1264x128xf32>, vector<128x128xf32>, vector<1264x128xf32> -> vector<1264x128xf32>
    %swap3A = arith.constant 0 : index
    %swap3A_69 = arith.constant 0 : index
    %swap3A_70 = vector.load %arg8[%swap3A, %swap3A_69] : memref<1264x128xf32, #tpu.memory_space<vmem>>, vector<1264x128xf32>
    tpu.vector_store %arg8[%swap3A, %swap3A_69], %dot_general3A_68 {strides = array<i32>} : memref<1264x128xf32, #tpu.memory_space<vmem>>, vector<1264x128xf32>,
    %get3A_71 = arith.constant 0 : index
    %get3A_72 = arith.constant 0 : index
    %get3A_73 = vector.load %arg7[%get3A_71, %get3A_72] : memref<128x128xf32, #tpu.memory_space<vmem>>, vector<128x128xf32>
    %dot_general3A_74 = arith.constant dense<0.000000e+00> : vector<1264x128xf32>
    %dot_general3A_75 = tpu.matmul %select_n3A, %get3A_73, %dot_general3A_74 {dimension_numbers = #tpu.dot_dimension_numbers<[1], [0], [0], [1], [0, 0, 1, 1], [], []>, transpose_lhs_hint = false} : vector<1264x128xf32>, vector<128x128xf32>, vector<1264x128xf32> -> vector<1264x128xf32>
    %swap3A_76 = arith.constant 0 : index
    %swap3A_77 = arith.constant 0 : index
    %swap3A_78 = vector.load %arg9[%swap3A_76, %swap3A_77] : memref<1264x128xf32, #tpu.memory_space<vmem>>, vector<1264x128xf32>
    tpu.vector_store %arg9[%swap3A_76, %swap3A_77], %dot_general3A_75 {strides = array<i32>} : memref<1264x128xf32, #tpu.memory_space<vmem>>, vector<1264x128xf32>,
    return
  }
  func.func @transform_0(%arg0: i32) -> (i32, i32, i32) {
    %c0_i32 = arith.constant 0 : i32
    %c0_i32_0 = arith.constant 0 : i32
    %c0_i32_1 = arith.constant 0 : i32
    return %c0_i32, %arg0, %c0_i32_0 : i32, i32, i32
  }
  func.func @transform_1(%arg0: i32) -> (i32, i32, i32) {
    %c0_i32 = arith.constant 0 : i32
    %c0_i32_0 = arith.constant 0 : i32
    %c0_i32_1 = arith.constant 0 : i32
    return %c0_i32, %arg0, %c0_i32_0 : i32, i32, i32
  }
  func.func @transform_2(%arg0: i32) -> (i32, i32) {
    %c0_i32 = arith.constant 0 : i32
    %c0_i32_0 = arith.constant 0 : i32
    %c0_i32_1 = arith.constant 0 : i32
    return %c0_i32, %c0_i32_0 : i32, i32
  }
  func.func @transform_3(%arg0: i32) -> (i32, i32) {
    %c0_i32 = arith.constant 0 : i32
    %c0_i32_0 = arith.constant 0 : i32
    %c0_i32_1 = arith.constant 0 : i32
    return %c0_i32, %c0_i32_0 : i32, i32
  }
  func.func @transform_4(%arg0: i32) -> (i32, i32) {
    %c0_i32 = arith.constant 0 : i32
    %c0_i32_0 = arith.constant 0 : i32
    %c0_i32_1 = arith.constant 0 : i32
    return %c0_i32, %c0_i32_0 : i32, i32
  }
  func.func @transform_5(%arg0: i32) -> (i32, i32) {
    %c0_i32 = arith.constant 0 : i32
    %c0_i32_0 = arith.constant 0 : i32
    %c0_i32_1 = arith.constant 0 : i32
    return %c0_i32, %c0_i32_0 : i32, i32
  }
  func.func @transform_6(%arg0: i32) -> (i32, i32) {
    %c0_i32 = arith.constant 0 : i32
    %c0_i32_0 = arith.constant 0 : i32
    %c0_i32_1 = arith.constant 0 : i32
    return %c0_i32, %c0_i32_0 : i32, i32
  }
  func.func @transform_7(%arg0: i32) -> (i32, i32) {
    %c0_i32 = arith.constant 0 : i32
    %c0_i32_0 = arith.constant 0 : i32
    return %arg0, %c0_i32 : i32, i32
  }
  func.func @transform_8(%arg0: i32) -> (i32, i32) {
    %c0_i32 = arith.constant 0 : i32
    %c0_i32_0 = arith.constant 0 : i32
    return %arg0, %c0_i32 : i32, i32
  }
}

module attributes {stable_mosaic.version = 14 : i64} {
  func.func @_fin_body(%arg0: i32, %arg1: memref<2x1264x128xf32, #tpu.memory_space<vmem>>, %arg2: memref<2x1264x2xf32, #tpu.memory_space<vmem>>, %arg3: memref<1x128xf32, #tpu.memory_space<vmem>>, %arg4: memref<1264x128xf32, #tpu.memory_space<vmem>>, %arg5: memref<1x128xf32, #tpu.memory_space<vmem>>) attributes {dimension_semantics = [#tpu.dimension_semantics<arbitrary>], iteration_bounds = array<i64: 8>, scalar_prefetch = 0 : i64, scratch_operands = 0 : i64, tpu.core_type = #tpu.core_type<tc>, window_params = [{transform_indices = @transform_0, window_bounds = array<i64: 2, 1264, 128>}, {transform_indices = @transform_1, window_bounds = array<i64: 2, 1264, 2>}, {pipeline_mode = #tpu.pipeline_mode<synchronous>, transform_indices = @transform_2, window_bounds = array<i64: 1, 128>}, {transform_indices = @transform_3, window_bounds = array<i64: 1264, 128>}, {pipeline_mode = #tpu.pipeline_mode<synchronous>, transform_indices = @transform_4, window_bounds = array<i64: 1, 128>}]} {
    %get3A = arith.constant 0 : index
    %get3A_0 = arith.constant 0 : index
    %get3A_1 = arith.constant 0 : index
    %get3A_2 = vector.load %arg1[%get3A, %get3A_0, %get3A_1] : memref<2x1264x128xf32, #tpu.memory_space<vmem>>, vector<1x1264x128xf32>
    %get3A_3 = vector.shape_cast %get3A_2 : vector<1x1264x128xf32> to vector<1264x128xf32>
    %get3A_4 = arith.constant 1 : index
    %get3A_5 = arith.constant 0 : index
    %get3A_6 = arith.constant 0 : index
    %get3A_7 = vector.load %arg1[%get3A_4, %get3A_5, %get3A_6] : memref<2x1264x128xf32, #tpu.memory_space<vmem>>, vector<1x1264x128xf32>
    %get3A_8 = vector.shape_cast %get3A_7 : vector<1x1264x128xf32> to vector<1264x128xf32>
    %add3A = arith.addf %get3A_3, %get3A_8 : vector<1264x128xf32>
    %get3A_9 = arith.constant 0 : index
    %get3A_10 = arith.constant 0 : index
    %get3A_11 = arith.constant 0 : index
    %get3A_12 = vector.load %arg2[%get3A_9, %get3A_10, %get3A_11] : memref<2x1264x2xf32, #tpu.memory_space<vmem>>, vector<1x1264x2xf32>
    %get3A_13 = vector.shape_cast %get3A_12 : vector<1x1264x2xf32> to vector<1264x2xf32>
    %slice3A = vector.extract_strided_slice %get3A_13 {offsets = [0, 0], sizes = [1264, 1], strides = [1, 1]} : vector<1264x2xf32> to vector<1264x1xf32>
    %get3A_14 = arith.constant 1 : index
    %get3A_15 = arith.constant 0 : index
    %get3A_16 = arith.constant 0 : index
    %get3A_17 = vector.load %arg2[%get3A_14, %get3A_15, %get3A_16] : memref<2x1264x2xf32, #tpu.memory_space<vmem>>, vector<1x1264x2xf32>
    %get3A_18 = vector.shape_cast %get3A_17 : vector<1x1264x2xf32> to vector<1264x2xf32>
    %slice3A_19 = vector.extract_strided_slice %get3A_18 {offsets = [0, 0], sizes = [1264, 1], strides = [1, 1]} : vector<1264x2xf32> to vector<1264x1xf32>
    %add3A_20 = arith.addf %slice3A, %slice3A_19 : vector<1264x1xf32>
    %add3A_21 = arith.constant 1.000000e-16 : f32
    %add3A_22 = vector.broadcast %add3A_21 : f32 to vector<1264x1xf32>
    %add3A_23 = arith.addf %add3A_20, %add3A_22 : vector<1264x1xf32>
    %div3A = vector.broadcast %add3A_23 : vector<1264x1xf32> to vector<1264x128xf32>
    %div3A_24 = arith.divf %add3A, %div3A : vector<1264x128xf32>
    %get3A_25 = arith.constant 0 : index
    %get3A_26 = arith.constant 0 : index
    %get3A_27 = vector.load %arg3[%get3A_25, %get3A_26] : memref<1x128xf32, #tpu.memory_space<vmem>>, vector<1x128xf32>
    %add3A_28 = vector.broadcast %get3A_27 : vector<1x128xf32> to vector<1264x128xf32>
    %add3A_29 = arith.addf %div3A_24, %add3A_28 : vector<1264x128xf32>
    %swap3A = arith.constant 0 : index
    %swap3A_30 = arith.constant 0 : index
    %swap3A_31 = vector.load %arg4[%swap3A, %swap3A_30] : memref<1264x128xf32, #tpu.memory_space<vmem>>, vector<1264x128xf32>
    tpu.vector_store %arg4[%swap3A, %swap3A_30], %add3A_29 {strides = array<i32>} : memref<1264x128xf32, #tpu.memory_space<vmem>>, vector<1264x128xf32>,
    %mul3A = arith.constant 1264 : i32
    %mul3A_32 = arith.muli %arg0, %mul3A : i32
    %iota3A = tpu.iota {dimensions = array<i32: 0>} : vector<1264x1xi32>
    %add3A_33 = vector.broadcast %mul3A_32 : i32 to vector<1264x1xi32>
    %add3A_34 = arith.addi %add3A_33, %iota3A : vector<1264x1xi32>
    %lt3A = arith.constant 10000 : i32
    %lt3A_35 = vector.broadcast %lt3A : i32 to vector<1264x1xi32>
    %lt3A_36 = arith.cmpi slt, %add3A_34, %lt3A_35 : vector<1264x1xi32>
    %jit3A = arith.constant 0.000000e+00 : f32
    %broadcast_in_dim3A = vector.shape_cast %lt3A_36 : vector<1264x1xi1> to vector<1264x1xi1>
    %broadcast_in_dim3A_37 = vector.broadcast %broadcast_in_dim3A : vector<1264x1xi1> to vector<1264x128xi1>
    %broadcast_in_dim3A_38 = vector.broadcast %jit3A : f32 to vector<1264x128xf32>
    %select_n3A = arith.select %broadcast_in_dim3A_37, %add3A_29, %broadcast_in_dim3A_38 : vector<1264x128xi1>, vector<1264x128xf32>
    %reduce_sum3A = arith.constant dense<0.000000e+00> : vector<128xf32>
    %reduce_sum3A_39 = vector.multi_reduction <add>, %select_n3A, %reduce_sum3A [0] : vector<1264x128xf32> to vector<128xf32>
    %broadcast_in_dim3A_40 = vector.shape_cast %reduce_sum3A_39 : vector<128xf32> to vector<1x128xf32>
    %eq3A = arith.constant 0 : i32
    %eq3A_41 = arith.cmpi eq, %arg0, %eq3A : i32
    %get3A_42 = arith.constant 0 : index
    %get3A_43 = arith.constant 0 : index
    %get3A_44 = vector.load %arg5[%get3A_42, %get3A_43] : memref<1x128xf32, #tpu.memory_space<vmem>>, vector<1x128xf32>
    %jit3A_45 = arith.constant 0.000000e+00 : f32
    %broadcast_in_dim3A_46 = vector.broadcast %jit3A_45 : f32 to vector<1x128xf32>
    %select_n3A_47 = arith.select %eq3A_41, %broadcast_in_dim3A_46, %get3A_44 : vector<1x128xf32>
    %add3A_48 = arith.addf %select_n3A_47, %broadcast_in_dim3A_40 : vector<1x128xf32>
    %eq3A_49 = arith.constant 7 : i32
    %eq3A_50 = arith.cmpi eq, %arg0, %eq3A_49 : i32
    %mul3A_51 = arith.constant 9.99999974E-5 : f32
    %mul3A_52 = vector.broadcast %mul3A_51 : f32 to vector<1x128xf32>
    %mul3A_53 = arith.mulf %add3A_48, %mul3A_52 : vector<1x128xf32>
    %select_n3A_54 = arith.select %eq3A_50, %mul3A_53, %add3A_48 : vector<1x128xf32>
    %swap3A_55 = arith.constant 0 : index
    %swap3A_56 = arith.constant 0 : index
    %swap3A_57 = vector.load %arg5[%swap3A_55, %swap3A_56] : memref<1x128xf32, #tpu.memory_space<vmem>>, vector<1x128xf32>
    tpu.vector_store %arg5[%swap3A_55, %swap3A_56], %select_n3A_54 {strides = array<i32>} : memref<1x128xf32, #tpu.memory_space<vmem>>, vector<1x128xf32>,
    return
  }
  func.func @transform_0(%arg0: i32) -> (i32, i32, i32) {
    %c0_i32 = arith.constant 0 : i32
    %c0_i32_0 = arith.constant 0 : i32
    %c0_i32_1 = arith.constant 0 : i32
    return %c0_i32, %arg0, %c0_i32_0 : i32, i32, i32
  }
  func.func @transform_1(%arg0: i32) -> (i32, i32, i32) {
    %c0_i32 = arith.constant 0 : i32
    %c0_i32_0 = arith.constant 0 : i32
    %c0_i32_1 = arith.constant 0 : i32
    return %c0_i32, %arg0, %c0_i32_0 : i32, i32, i32
  }
  func.func @transform_2(%arg0: i32) -> (i32, i32) {
    %c0_i32 = arith.constant 0 : i32
    %c0_i32_0 = arith.constant 0 : i32
    %c0_i32_1 = arith.constant 0 : i32
    return %c0_i32, %c0_i32_0 : i32, i32
  }
  func.func @transform_3(%arg0: i32) -> (i32, i32) {
    %c0_i32 = arith.constant 0 : i32
    %c0_i32_0 = arith.constant 0 : i32
    return %arg0, %c0_i32 : i32, i32
  }
  func.func @transform_4(%arg0: i32) -> (i32, i32) {
    %c0_i32 = arith.constant 0 : i32
    %c0_i32_0 = arith.constant 0 : i32
    %c0_i32_1 = arith.constant 0 : i32
    return %c0_i32, %c0_i32_0 : i32, i32
  }
}

</mosaic_0001>

<sc_bundles>
// kernel: gat_edge_pass_h1.3.cloned.1.call-start
scs
__scs_entry_jumppad:
0x0: {  	(pc) =	sbr.rel $0x88, $3  }
0x1: {  	(tag) =	ssettag $0x0;
	lr =	simm.s32 $0x1  }
0x2: {  	[smem:$0x3F95] =	sst lr;
	_ =	strace $0xD0000000  }
0x3: {  	_ = 	snop  }
0x4: {  	_ = 	snop  }
0x5: {  	_ = 	snop  }
0x6: {  	_ = 	snop  }
0x7: {  	_ = 	snop  }
__scs_overlays_trampoline_lowered:
0x8: {  	[smem:$0x3FA4] =	sst s0  }
0x9: {  	[smem:$0x3FA5] =	sst s1  }
0xa: {  	[smem:$0x3FA6] =	sst s2  }
0xb: {  	[smem:$0x3FA7] =	sst s3  }
0xc: {  	[smem:$0x3FA8] =	sst s4  }
0xd: {  	[smem:$0x3FA9] =	sst s5  }
0xe: {  	[smem:$0x3FAA] =	sst s6  }
0xf: {  	[smem:$0x3FAB] =	sst s7  }
0x10: {  	[smem:$0x3FAC] =	sst s8  }
0x11: {  	[smem:$0x3FAD] =	sst s9;
	s0 =	simm.s32 @!p0 $0x0  }
0x12: {  	s1 =	sld [smem:$0x3F93];
	s0 =	simm.s32 @p0 $0x1  }
0x13: {  	[smem:$0x3FAE] =	sst s0;
	s0 =	simm.s32 @!p1 $0x0  }
0x14: {  	s2 =	sld [smem:$0x3F92];
	s0 =	simm.s32 @p1 $0x1  }
0x15: {  	[smem:$0x3FAF] =	sst s0;
	s0 =	simm.s32 @!p2 $0x0  }
0x16: {  	s3 =	sld [smem:$0x3FDB];
	s0 =	simm.s32 @p2 $0x1  }
0x17: {  	s4 =	simm.s32 $0x1BF5;
	[smem:$0x3FB1] =	sst s0  }
0x18: {  	s0 =	sld [smem:$0x3F94];
	_ =	swait.ge [sflag:s4], $0x0  }
0x19: {  	s7 =	sld [smem:$0x3F95]  }
0x1a: {  	s8 =	sadd.s32 $0xFFFFE003, lr  }
0x1b: {  	s9 =	sadd.s32 $0xFFFFFEF7, lr;
	s5 =	simm.s32 $0xFFFFFFFF;
	p2 =	slt.u32 s8, $0xFFFFF086  }
0x1c: {  	p1 =	slt.u32 s9, $0xF7A;
	s5 =	simm.s32 @!p2 $0x0  }
0x1d: {  	s5 =	simm.s32 @p1 $0x1;
	p0 =	seq.s32 s7, s2  }
0x1e: {  	s7 =	smul.u32 @!p0 $0xF7A, s2;
	p2 =	seq.s32 @!p0 s5, $0x0  }
0x1f: {  	s9 =	smul.u32 $0xF7A, s1;
	s8 =	simm.s32 @!p0 $0x1BF5;
	p2 =	por !p2, p0  }
0x20: {  	[sflag:s8] =	ssyncset.s32 @!p0 $0xFFFFF086;
	s6 =	sadd.s32 @!p0 s3, s7;
	s7 =	simm.s32 @!p0 $0x108  }
0x21: {  	s3 =	sadd.s32 s3, s9;
	s6 =	sadd.s32 @!p0 $0x88, s6;
	s7 =	simm.s32 @p2 $0x1082  }
0x22: {  	[simem:s7], [sflag:s8] =	dma.local @!p0 [hbm:s6], $0xF7A  }
0x23: {  	s9 =	sor.u32 $0xD0000000, s2;
	s6 =	simm.s32 $0x108;
	_ =	swait.ge @!p0 [sflag:s8], $0x0  }
0x24: {  	s3 =	sadd.s32 $0x88, s3;
	s6 =	simm.s32 @!p1 $0x1082;
	[sflag:s4] =	ssyncset.s32 $0xFFFFF086  }
0x25: {  	[simem:s6], [sflag:s4] =	dma.local [hbm:s3], $0xF7A  }
0x26: {  	[smem:$0x3F95] =	sst s1;
	(tag) =	ssettag s2;
	_ =	strace s9  }
0x27: {  	s1 =	sld [smem:$0x3FA5]  }
0x28: {  	s2 =	sld [smem:$0x3FA6]  }
0x29: {  	s4 =	sld [smem:$0x3FA8]  }
0x2a: {  	p0 =	seq.s32 s5, $0x0;
	s5 =	sld [smem:$0x3FA9]  }
0x2b: {  	s6 =	sld [smem:$0x3FAA]  }
0x2c: {  	s7 =	sld [smem:$0x3FAB]  }
0x2d: {  	s3 =	simm.s32 $0x108;
	s8 =	sld [smem:$0x3FAC]  }
0x2e: {  	s3 =	simm.s32 @!p0 $0x1082;
	s9 =	sld [smem:$0x3FAD]  }
0x2f: {  	lr =	sadd.s32 s0, s3;
	s0 =	sld [smem:$0x3FA4]  }
0x30: {  	s3 =	sld [smem:$0x3FA7]  }
0x31: {  	[smem:$0x3FB0] =	sst s10  }
0x32: {  	s10 =	sld [smem:$0x3FAE];
	_ =	sdelay $0x3  }
0x33: {  	p0 =	seq.s32 s10, $0x1;
	s10 =	sld [smem:$0x3FB0];
	_ =	sdelay $0x3  }
0x34: {  	[smem:$0x3FB0] =	sst s10  }
0x35: {  	s10 =	sld [smem:$0x3FAF];
	_ =	sdelay $0x3  }
0x36: {  	p1 =	seq.s32 s10, $0x1;
	s10 =	sld [smem:$0x3FB0];
	_ =	sdelay $0x3  }
0x37: {  	[smem:$0x3FB0] =	sst s10  }
0x38: {  	s10 =	sld [smem:$0x3FB1]  }
0x39: {  	_ = 	snop;
	(pc) =	sbr.ind lr, $3  }
0x3a: {  	_ = 	snop  }
0x3b: {  	_ = 	snop  }
0x3c: {  	p2 =	seq.s32 s10, $0x1;
	s10 =	sld [smem:$0x3FB0]  }
0x3d: {  	_ =	shalt  }
0x3e: {  	_ =	shalt  }
0x3f: {  	_ =	shalt  }
0x40: {  	_ =	shalt  }
0x41: {  	_ =	shalt  }
0x42: {  	_ =	shalt  }
0x43: {  	_ =	shalt  }
0x44: {  	_ =	shalt  }
0x45: {  	_ =	shalt  }
0x46: {  	_ =	shalt  }
0x47: {  	_ =	shalt  }
0x48: {  	_ =	shalt  }
0x49: {  	_ =	shalt  }
0x4a: {  	_ =	shalt  }
0x4b: {  	_ =	shalt  }
0x4c: {  	_ =	shalt  }
0x4d: {  	_ =	shalt  }
0x4e: {  	_ =	shalt  }
0x4f: {  	_ =	shalt  }
0x50: {  	_ =	shalt  }
0x51: {  	_ =	shalt  }
0x52: {  	_ =	shalt  }
0x53: {  	_ =	shalt  }
0x54: {  	_ =	shalt  }
0x55: {  	_ =	shalt  }
0x56: {  	_ =	shalt  }
0x57: {  	_ =	shalt  }
0x58: {  	_ =	shalt  }
0x59: {  	_ =	shalt  }
0x5a: {  	_ =	shalt  }
0x5b: {  	_ =	shalt  }
0x5c: {  	_ =	shalt  }
0x5d: {  	_ =	shalt  }
0x5e: {  	_ =	shalt  }
0x5f: {  	_ =	shalt  }
0x60: {  	_ =	shalt  }
0x61: {  	_ =	shalt  }
0x62: {  	_ =	shalt  }
0x63: {  	_ =	shalt  }
0x64: {  	_ =	shalt  }
0x65: {  	_ =	shalt  }
0x66: {  	_ =	shalt  }
0x67: {  	_ =	shalt  }
0x68: {  	_ =	shalt  }
0x69: {  	_ =	shalt  }
0x6a: {  	_ =	shalt  }
0x6b: {  	_ =	shalt  }
0x6c: {  	_ =	shalt  }
0x6d: {  	_ =	shalt  }
0x6e: {  	_ =	shalt  }
0x6f: {  	_ =	shalt  }
0x70: {  	_ =	shalt  }
0x71: {  	_ =	shalt  }
0x72: {  	_ =	shalt  }
0x73: {  	_ =	shalt  }
0x74: {  	_ =	shalt  }
0x75: {  	_ =	shalt  }
0x76: {  	_ =	shalt  }
0x77: {  	_ =	shalt  }
0x78: {  	_ =	shalt  }
0x79: {  	_ =	shalt  }
0x7a: {  	_ =	shalt  }
0x7b: {  	_ =	shalt  }
0x7c: {  	_ =	shalt  }
0x7d: {  	_ =	shalt  }
0x7e: {  	_ =	shalt  }
0x7f: {  	_ =	shalt  }
0x80: {  	_ =	shalt  }
0x81: {  	_ =	shalt  }
0x82: {  	_ =	shalt  }
0x83: {  	_ =	shalt  }
0x84: {  	_ =	shalt  }
0x85: {  	_ =	shalt  }
0x86: {  	_ =	shalt  }
0x87: {  	_ =	shalt  }
.Lfunc_end0:
.L_simem_size_0:
called_computation.1_lowered:
.L_overlay_start_0:
0x88: {  	s2 =	sld [smem:$0x3FD9]  }
0x89: {  	s3 =	sld [smem:$0x3FFE];
	_ =	sdelay $0x1  }
0x8a: {  	s1 =	srdreg.scid  }
0x8b: {  	s0 =	sand.u32 $0x1, s1  }
0x8c: {  	s14 =	sshll.u32 s0, $0xA;
	s2 =	sadd.s32 s3, s2  }
0x8d: {  	s2 =	sadd.s32 s2, s14  }
0x8e: {  	[smem:$0x3FBC] =	sst s2  }
0x8f: {  	_ = 	snop  }
0x90: {  	s2 =	sld [smem:$0x3FD0];
	_ =	sdelay $0x2  }
0x91: {  	s4 =	simm.s32 $0xA;
	s5 =	simm.s32 $0x10;
	s15 =	sld [smem:$0x3FBF]  }
0x92: {  	[smem:s5], [sflag:s4] =	dma.local [hbm:s2], $0x1  }
0x93: {  	_ =	swait.eq [sflag:s4], $0x1  }
0x94: {  	[sflag:s4] =	ssyncset.done $0x0  }
0x95: {  	[sflag:s4] =	ssyncadd.s32 $0xFFFFFFFF  }
0x96: {  	s16 =	sld [smem:$0x10];
	(tm) =	ssettm $0x1  }
0x97: {  	s17 =	sld [smem:$0x3FFB];
	_ =	sdelay $0x3  }
0x98: {  	_ =	strace s17  }
0x99: {  	s4 =	sld [smem:$0x3FFC];
	_ =	sdelay $0x3  }
0x9a: {  	_ =	strace s4  }
0x9b: {  	s4 =	sld [smem:$0x3FFD];
	_ =	sdelay $0x3  }
0x9c: {  	_ =	strace s4  }
0x9d: {  	_ =	strace $0x8FFFFFFF  }
0x9e: {  	s18 =	sld [smem:$0x3FDB];
	_ =	sdelay $0x1  }
0x9f: {  	s19 =	simm.s32 $_scs_section_size  }
0xa0: {  	s6 =	simm.s32 $_size__tile_overlayer_lowered;
	s7 =	simm.s32 $_tile_overlayer_lowered  }
0xa1: {  	s22 =	simm.s32 $0x1BFF;
	s21 =	sshll.u32 s7, $0x1;
	s4 =	sadd.s32 s19, s18  }
0xa2: {  	s8 =	simm.s32 $0x0;
	s20 =	sshll.u32 s6, $0x1;
	s6 =	sadd.s32 s21, s4  }
0xa3: {  	[timem:s8], [sflag:s22] =	dma.local [hbm:s6], s20  }
0xa4: {  	_ =	swait.ge [sflag:s22], s20  }
0xa5: {  	s5 =	ssub.s32 $0x0, s20;
	[sflag:s22] =	ssyncset.done $0x0  }
0xa6: {  	[sflag:s22] =	ssyncadd.s32 s5;
	_ =	sdelay $0x1  }
0xa7: {  	s23 =	simm.s32 $0x1B8B  }
0xa8: {  	_ =	swait.ge [sflag:s23], $0x1  }
0xa9: {  	[sflag:s23] =	ssyncset.done $0x0  }
0xaa: {  	s25 =	simm.s32 $0x1B8E;
	s24 =	sld [smem:$0x3FFE];
	[sflag:s23] =	ssyncadd.s32 $0xFFFFFFFF  }
0xab: {  	s26 =	simm.s32 $execute0_lowered;
	[smem:$0x3FD2] =	sst s25  }
0xac: {  	s6 =	sshll.u32 s26, $0x1;
	_ =	strace $0x80000049;
	[dreg:$0x1] =	wrdreg $0xFFFFFFFF  }
0xad: {  	s28 =	simm.s32 $_size_execute0_lowered;
	s4 =	sadd.s32 s4, s6;
	[dreg:$0x0] =	wrdreg $0x0  }
0xae: {  	s6 =	sshll.u32 s28, $0x1;
	[dreg:$0x2] =	wrdreg s4  }
0xaf: {  	[dreg:$0x3] =	wrdreg s6  }
0xb0: {  	[dreg:$0x4] =	wrdreg $0xC0  }
0xb1: {  	_ =	task [dreg:s8], $0x5FFFF  }
0xb2: {  	[dreg:$0x1] =	wrdreg $0xFFFFFFFF  }
0xb3: {  	[dreg:$0x0] =	wrdreg $0x60  }
0xb4: {  	[dreg:$0x2] =	wrdreg s24  }
0xb5: {  	[dreg:$0x3] =	wrdreg s16  }
0xb6: {  	[dreg:$0x4] =	wrdreg s15  }
0xb7: {  	[dreg:$0x5] =	wrdreg $0xB6800  }
0xb8: {  	[dreg:$0x6] =	wrdreg $0x1F2800  }
0xb9: {  	[dreg:$0x7] =	wrdreg $0x9  }
0xba: {  	_ =	task.clear_ibuf [dreg:s8], $0x8FFFF;
	_ =	strace $0x90000049  }
0xbb: {  	s29 =	simm.s32 $0x9;
	_ =	strace $0x8000004B  }
0xbc: {  	_ =	swait.ge [sflag:s29], $0x1  }
0xbd: {  	[sflag:s29] =	ssyncadd.s32 $0xFFFFFFFF  }
0xbe: {  	_ =	strace $0x9000004B  }
0xbf: {  	_ =	sfence  }
0xc0: {  	s30 =	sld [smem:$0x0];
	_ =	sdelay $0x2  }
0xc1: {  	s31 =	sshll.u32 s1, $0xD;
	s1 =	sshrl.u32 s1, $0x2  }
0xc2: {  	s3 =	sand.u32 $0x4000, s31;
	s1 =	sadd.s32 s1, s30  }
0xc3: {  	s0 =	sor.u32 s3, s0;
	s1 =	sshll.u32 s1, $0x11  }
0xc4: {  	s0 =	sor.u32 s1, s0  }
0xc5: {  	s0 =	sadd.s32 $0x8F2B, s0  }
0xc6: {  	[sflag:s0] =	ssyncadd.remote.s32 $0x1  }
0xc7: {  	_ =	sfence.sel $0xFFFF  }
0xc8: {  	[dreg:$0x0] =	wrdreg $0xFFFFFFFF;
	(pc) =	sbr.abs _section_cstart, $3  }
0xc9: {  	[dreg:$0x1] =	wrdreg $0xFFFFFFFF  }
0xca: {  	_ =	task.clear_ibuf [dreg:s8], $0x2FFFF;
	_ =	strace $0x9FFFFFFF  }
0xcb: {  	(tm) =	ssettm $0x7FFFFFFF  }
tec
execute0_lowered:
.L_overlay_start_1:
0x0: {  	(tag) =	ssettag $0x1  }
0x1: {  	s0 =	rddreg [dreg:$0x0]  }
0x2: {  	s1 =	rddreg [dreg:$0x1]  }
0x3: {  	s3 =	rddreg [dreg:$0x3]  }
0x4: {  	s4 =	rddreg [dreg:$0x4];
	s2 =	srdreg.scid  }
0x5: {  	s5 =	simm.s32 $0x0;
	s15 =	stileid.u32;
	s28 =	simm.s32 $0x3180  }
0x6: {  	s29 =	simm.s32 $0x6580;
	s2 =	sand.u32 $0x1, s2;
	[smem:$0x7FF] =	sst s5  }
0x7: {  	s10 =	smul.u32 $0x13C00, s15;
	s7 =	sadd.s32 $0xCE00, s0;
	s8 =	sadd.s32 $0x34600, s0  }
0x8: {  	s12 =	sshll.u32 s15, $0xB;
	s9 =	sadd.s32 $0x2C00, s0;
	s24 =	sadd.s32 $0x400, s4  }
0x9: {  	s25 =	sadd.s32 $0x800, s4;
	_ =	strace $0x8000004A;
	[dreg:$0x7] =	wrdreg s24  }
0xa: {  	s21 =	smul.u32 $0x4F000, s15;
	s26 =	sadd.s32 $0xC00, s4;
	[dreg:$0x8] =	wrdreg s25  }
0xb: {  	s30 =	sadd.s32 $0x1000, s4;
	s31 =	sadd.s32 $0x1400, s4;
	[dreg:$0x9] =	wrdreg s26  }
0xc: {  	s16 =	sadd.s32 $0x2000, s4;
	s17 =	sadd.s32 $0x2400, s4;
	[dreg:$0xa] =	wrdreg s30  }
0xd: {  	p1 =	sgt.u32 s15, $0x9;
	s18 =	sadd.s32 $0x2800, s4;
	[dreg:$0xb] =	wrdreg s31  }
0xe: {  	p0 =	sne.s32 s15, $0x0;
	s6 =	smul.u32 $0x13C000, s2;
	[dreg:$0xe] =	wrdreg s16  }
0xf: {  	s19 =	sadd.s32 $0x2C00, s4;
	s11 =	smul.u32 $0x5000, s2;
	[dreg:$0xf] =	wrdreg s17  }
0x10: {  	s22 =	ssub.s32 $0x2, s2;
	s2 =	sshll.u32 s2, $0x4;
	[dreg:$0x10] =	wrdreg s18  }
0x11: {  	[dreg:$0x11] =	wrdreg s19;
	s24 =	sadd.s32 $0x4000, s4;
	s26 =	sadd.s32 $0x4400, s4  }
0x12: {  	s30 =	sadd.s32 $0x4800, s4;
	s31 =	sadd.s32 $0x4C00, s4;
	[dreg:$0x16] =	wrdreg s24  }
0x13: {  	s18 =	simm.s32 $0x6180;
	s19 =	simm.s32 $0x3;
	[dreg:$0x17] =	wrdreg s26  }
0x14: {  	s16 =	simm.s32 $0x0;
	s13 =	sshrl.u32 s22, $0x1;
	[dreg:$0x18] =	wrdreg s30  }
0x15: {  	s2 =	sor.u32 s15, s2;
	[dreg:$0x19] =	wrdreg s31;
	s24 =	simm.s32 $0x180  }
0x16: {  	v0 =	vlaneseq.u32;
	s26 =	simm.s32 $0x2;
	s6 =	sadd.s32 s10, s6;
	s20 =	sadd.s32 s12, s11  }
0x17: {  	v2 =	vor.u32 $0x10, v0;
	s11 =	sshrl.u32 s21, $0x2;
	s14 =	ssub.s32 s22, s13;
	s21 =	sadd.s32 $0x3400, s4  }
0x18: {  	[tilespmem:$0x1FF70] =	vst v2;
	v2 =	vor.u32 $0x20, v0;
	s22 =	sadd.s32 $0x3800, s4;
	s6 =	sshrl.u32 s6, $0x3;
	s10 =	sshrl.u32 s20, $0x3  }
0x19: {  	[tilespmem:$0x1FF80] =	vst v2;
	v2 =	vor.u32 $0x30, v0;
	s14 =	smax.u32 s14, $0x1;
	s20 =	sadd.s32 $0x3000, s4;
	[dreg:$0x13] =	wrdreg s21  }
0x1a: {  	[tilespmem:$0x1FF90] =	vst v2;
	v2 =	vor.u32 $0x40, v0;
	[dreg:$0x14] =	wrdreg s22;
	s21 =	simm.s32 $0x100;
	s22 =	simm.s32 $0x1  }
0x1b: {  	[tilespmem:$0x1FFA0] =	vst v2;
	v2 =	vor.u32 $0x50, v0;
	s6 =	sadd.s32 s6, s0;
	s0 =	sadd.s32 s10, s0;
	s10 =	sadd.s32 s11, s3  }
0x1c: {  	s11 =	smul.u32 $0x2880, s2;
	[dreg:$0x12] =	wrdreg s20;
	[tilespmem:$0x1FFB0] =	vst v2;
	v2 =	vor.u32 $0x60, v0;
	s23 =	sadd.s32 $0x5D200, s6  }
0x1d: {  	s13 =	sadd.s32 $0x5BE00, s0;
	s6 =	sadd.s32 $0x1800, s4;
	[tilespmem:$0x1FFC0] =	vst v2;
	v2 =	vor.u32 $0x70, v0;
	[dreg:$0x6] =	wrdreg s23  }
0x1e: {  	s0 =	sadd.s32 s12, s4;
	s12 =	sadd.s32 $0x1C00, s4;
	[dreg:$0xc] =	wrdreg s6;
	[tilespmem:$0x1FFD0] =	vst v2;
	v2 =	vor.u32 $0x80, v0  }
0x1f: {  	s20 =	simm.s32 $0x80;
	[dreg:$0xd] =	wrdreg s12;
	s23 =	sadd.s32 $0x3C00, s4;
	v0 =	vor.u32 $0x90, v0;
	[tilespmem:$0x1FFE0] =	vst v2  }
0x20: {  	v1 =	vimm.f32 $0.0e+00;
	vm0 =	vmmov $0x1;
	s25 =	sshrl.u32 @!p1 s0, $0x3;
	[dreg:$0x15] =	wrdreg s23;
	s23 =	simm.s32 $0x60;
	[tilespmem:$0x1FFF0] =	vst v0  }
.LBB2_1:
0x21: {  	[tilespmem:$0x6180] =	vst v1  }
0x22: {  	[tilespmem:$0x6190] =	vst v1  }
0x23: {  	[tilespmem:$0x61A0] =	vst v1  }
0x24: {  	[tilespmem:$0x61B0] =	vst v1  }
0x25: {  	[tilespmem:$0x61C0] =	vst v1  }
0x26: {  	[tilespmem:$0x61D0] =	vst v1  }
0x27: {  	[tilespmem:$0x61E0] =	vst v1  }
0x28: {  	[tilespmem:$0x61F0] =	vst v1  }
0x29: {  	[tilespmem:$0x6200] =	vst v1  }
0x2a: {  	[tilespmem:$0x6210] =	vst v1  }
0x2b: {  	[tilespmem:$0x6220] =	vst v1  }
0x2c: {  	[tilespmem:$0x6230] =	vst v1  }
0x2d: {  	[tilespmem:$0x6240] =	vst v1  }
0x2e: {  	[tilespmem:$0x6250] =	vst v1  }
0x2f: {  	[tilespmem:$0x6260] =	vst v1  }
0x30: {  	[tilespmem:$0x6270] =	vst v1  }
0x31: {  	[tilespmem:$0x6280] =	vst v1  }
0x32: {  	[tilespmem:$0x6290] =	vst v1  }
0x33: {  	[tilespmem:$0x62A0] =	vst v1  }
0x34: {  	[tilespmem:$0x62B0] =	vst v1  }
0x35: {  	[tilespmem:$0x62C0] =	vst v1  }
0x36: {  	[tilespmem:$0x62D0] =	vst v1  }
0x37: {  	[tilespmem:$0x62E0] =	vst v1  }
0x38: {  	[tilespmem:$0x62F0] =	vst v1  }
0x39: {  	[tilespmem:$0x6300] =	vst v1  }
0x3a: {  	[tilespmem:$0x6310] =	vst v1  }
0x3b: {  	[tilespmem:$0x6320] =	vst v1  }
0x3c: {  	[tilespmem:$0x6330] =	vst v1  }
0x3d: {  	[tilespmem:$0x6340] =	vst v1  }
0x3e: {  	[tilespmem:$0x6350] =	vst v1  }
0x3f: {  	[tilespmem:$0x6360] =	vst v1  }
0x40: {  	[tilespmem:$0x6370] =	vst v1  }
0x41: {  	[tilespmem:$0x6380] =	vst v1  }
0x42: {  	[tilespmem:$0x6390] =	vst v1  }
0x43: {  	[tilespmem:$0x63A0] =	vst v1  }
0x44: {  	[tilespmem:$0x63B0] =	vst v1  }
0x45: {  	[tilespmem:$0x63C0] =	vst v1  }
0x46: {  	[tilespmem:$0x63D0] =	vst v1  }
0x47: {  	[tilespmem:$0x63E0] =	vst v1  }
0x48: {  	[tilespmem:$0x63F0] =	vst v1  }
0x49: {  	[tilespmem:$0x6400] =	vst v1  }
0x4a: {  	[tilespmem:$0x6410] =	vst v1  }
0x4b: {  	[tilespmem:$0x6420] =	vst v1  }
0x4c: {  	[tilespmem:$0x6430] =	vst v1  }
0x4d: {  	[tilespmem:$0x6440] =	vst v1  }
0x4e: {  	[tilespmem:$0x6450] =	vst v1  }
0x4f: {  	[tilespmem:$0x6460] =	vst v1  }
0x50: {  	[tilespmem:$0x6470] =	vst v1  }
0x51: {  	[tilespmem:$0x6480] =	vst v1  }
0x52: {  	[tilespmem:$0x6490] =	vst v1  }
0x53: {  	[tilespmem:$0x64A0] =	vst v1  }
0x54: {  	[tilespmem:$0x64B0] =	vst v1  }
0x55: {  	[tilespmem:$0x64C0] =	vst v1  }
0x56: {  	[tilespmem:$0x64D0] =	vst v1  }
0x57: {  	[tilespmem:$0x64E0] =	vst v1  }
0x58: {  	[tilespmem:$0x64F0] =	vst v1  }
0x59: {  	[tilespmem:$0x6500] =	vst v1  }
0x5a: {  	[tilespmem:$0x6510] =	vst v1  }
0x5b: {  	[tilespmem:$0x6520] =	vst v1  }
0x5c: {  	[tilespmem:$0x6530] =	vst v1  }
0x5d: {  	[tilespmem:$0x6540] =	vst v1  }
0x5e: {  	[tilespmem:$0x6550] =	vst v1  }
0x5f: {  	[tilespmem:$0x6560] =	vst v1  }
0x60: {  	[tilespmem:$0x6570] =	vst v1;
	s0 =	sadd.s32 $0x0, s10  }
0x61: {  	[spmem:s0] =	stream.linear.scatter [tilespmem:s18], [sflag:$0x3], $0x400, $0x38;
	[tilespmem:$0x1F780] =	vst v63  }
0x62: {  	s0 =	simm.s32 $0x1000;
	_ =	swait.ge [sflag:s19], $0x400  }
.LBB2_2:
0x63: {  	s2 =	sshra.s32 s0, $0x2;
	[sflag:s19] =	ssyncset.done $0x0;
	p2 =	sne.s32 s0, $0x4E000  }
.Ltmp0:
0x64: {  	s2 =	sadd.s32 s2, s10;
	[sflag:s19] =	ssyncadd.s32 $0xFFFFFC00;
	(pc) =	sbr.rel @p2 .LBB2_2-.Ltmp0, $3  }
0x65: {  	[spmem:s2] =	stream.linear.scatter [tilespmem:s18], [sflag:$0x3], $0x400, $0x38;
	[tilespmem:$0x1F780] =	vst v63  }
0x66: {  	s0 =	sadd.s32 $0x1000, s0;
	_ =	sdelay $0x1  }
0x67: {  	_ =	swait.ge [sflag:s19], $0x400  }
0x68: {  	[sflag:s19] =	ssyncset.done $0x0  }
0x69: {  	s0 =	simm.s32 $0x0;
	s2 =	simm.s32 $0x200;
	[sflag:s19] =	ssyncadd.s32 $0xFFFFFC00  }
.LBB2_4:
0x6a: {  	p2 =	sne.s32 s2, $0x13E00;
	[tilespmem:s0+$0x65F0] =	vst v1  }
0x6b: {  	[tilespmem:s0+$0x6580] =	vst v1  }
0x6c: {  	[tilespmem:s0+$0x6590] =	vst v1  }
.Ltmp1:
0x6d: {  	[tilespmem:s0+$0x65A0] =	vst v1;
	(pc) =	sbr.rel @p2 .LBB2_4-.Ltmp1, $4  }
0x6e: {  	[tilespmem:s0+$0x65B0] =	vst v1  }
0x6f: {  	[tilespmem:s0+$0x65C0] =	vst v1  }
0x70: {  	[tilespmem:s0+$0x65D0] =	vst v1  }
0x71: {  	[tilespmem:s0+$0x65E0] =	vst v1;
	s0 =	sshra.s32 s2, $0x2;
	s2 =	sadd.s32 $0x200, s2  }
0x72: {  	[tilespmem:s0+$0x65F0] =	vst v1  }
0x73: {  	[tilespmem:s0+$0x6580] =	vst v1  }
0x74: {  	[tilespmem:s0+$0x6590] =	vst v1  }
.Ltmp2:
0x75: {  	[tilespmem:s0+$0x65A0] =	vst v1;
	(pc) =	sbr.rel @p0 .LBB2_7-.Ltmp2, $4  }
0x76: {  	[tilespmem:s0+$0x65B0] =	vst v1  }
0x77: {  	[tilespmem:s0+$0x65C0] =	vst v1  }
0x78: {  	[tilespmem:s0+$0x65D0] =	vst v1  }
0x79: {  	[tilespmem:s0+$0x65E0] =	vst v1  }
0x7a: {  	[spmem:s4] =	stream.linear.scatter [tilespmem:s18], [sflag:$0x3], $0x400, $0x38;
	[tilespmem:$0x1F780] =	vst v63  }
0x7b: {  	_ =	swait.ge [sflag:s19], $0x400  }
0x7c: {  	[sflag:s19] =	ssyncset.done $0x0  }
0x7d: {  	s0 =	rddreg [dreg:$0x7];
	[sflag:s19] =	ssyncadd.s32 $0xFFFFFC00  }
0x7e: {  	[spmem:s0] =	stream.linear.scatter [tilespmem:s18], [sflag:$0x3], $0x400, $0x38;
	[tilespmem:$0x1F780] =	vst v63  }
0x7f: {  	_ =	swait.ge [sflag:s19], $0x400  }
0x80: {  	[sflag:s19] =	ssyncset.done $0x0  }
0x81: {  	s15 =	rddreg [dreg:$0x8];
	[sflag:s19] =	ssyncadd.s32 $0xFFFFFC00  }
0x82: {  	[spmem:s15] =	stream.linear.scatter [tilespmem:s18], [sflag:$0x3], $0x400, $0x38;
	[tilespmem:$0x1F780] =	vst v63  }
0x83: {  	_ =	swait.ge [sflag:s19], $0x400  }
0x84: {  	[sflag:s19] =	ssyncset.done $0x0  }
0x85: {  	s17 =	rddreg [dreg:$0x9];
	[sflag:s19] =	ssyncadd.s32 $0xFFFFFC00  }
0x86: {  	[spmem:s17] =	stream.linear.scatter [tilespmem:s18], [sflag:$0x3], $0x400, $0x38;
	[tilespmem:$0x1F780] =	vst v63  }
0x87: {  	_ =	swait.ge [sflag:s19], $0x400  }
0x88: {  	[sflag:s19] =	ssyncset.done $0x0  }
0x89: {  	s30 =	rddreg [dreg:$0xa];
	[sflag:s19] =	ssyncadd.s32 $0xFFFFFC00  }
0x8a: {  	[spmem:s30] =	stream.linear.scatter [tilespmem:s18], [sflag:$0x3], $0x400, $0x38;
	[tilespmem:$0x1F780] =	vst v63  }
0x8b: {  	_ =	swait.ge [sflag:s19], $0x400  }
0x8c: {  	[sflag:s19] =	ssyncset.done $0x0  }
0x8d: {  	s31 =	rddreg [dreg:$0xb];
	[sflag:s19] =	ssyncadd.s32 $0xFFFFFC00  }
0x8e: {  	[spmem:s31] =	stream.linear.scatter [tilespmem:s18], [sflag:$0x3], $0x400, $0x38;
	[tilespmem:$0x1F780] =	vst v63  }
0x8f: {  	_ =	swait.ge [sflag:s19], $0x400  }
0x90: {  	[sflag:s19] =	ssyncset.done $0x0  }
0x91: {  	s2 =	rddreg [dreg:$0xc];
	[sflag:s19] =	ssyncadd.s32 $0xFFFFFC00  }
0x92: {  	[spmem:s2] =	stream.linear.scatter [tilespmem:s18], [sflag:$0x3], $0x400, $0x38;
	[tilespmem:$0x1F780] =	vst v63  }
0x93: {  	_ =	swait.ge [sflag:s19], $0x400  }
0x94: {  	[sflag:s19] =	ssyncset.done $0x0  }
0x95: {  	s6 =	rddreg [dreg:$0xd];
	[sflag:s19] =	ssyncadd.s32 $0xFFFFFC00  }
0x96: {  	[spmem:s6] =	stream.linear.scatter [tilespmem:s18], [sflag:$0x3], $0x400, $0x38;
	[tilespmem:$0x1F780] =	vst v63  }
0x97: {  	_ =	swait.ge [sflag:s19], $0x400  }
0x98: {  	[sflag:s19] =	ssyncset.done $0x0  }
0x99: {  	s12 =	rddreg [dreg:$0xe];
	[sflag:s19] =	ssyncadd.s32 $0xFFFFFC00  }
0x9a: {  	[spmem:s12] =	stream.linear.scatter [tilespmem:s18], [sflag:$0x3], $0x400, $0x38;
	[tilespmem:$0x1F780] =	vst v63  }
0x9b: {  	_ =	swait.ge [sflag:s19], $0x400  }
0x9c: {  	[sflag:s19] =	ssyncset.done $0x0  }
0x9d: {  	s15 =	rddreg [dreg:$0xf];
	[sflag:s19] =	ssyncadd.s32 $0xFFFFFC00  }
0x9e: {  	[spmem:s15] =	stream.linear.scatter [tilespmem:s18], [sflag:$0x3], $0x400, $0x38;
	[tilespmem:$0x1F780] =	vst v63  }
0x9f: {  	_ =	swait.ge [sflag:s19], $0x400  }
0xa0: {  	[sflag:s19] =	ssyncset.done $0x0  }
0xa1: {  	s17 =	rddreg [dreg:$0x10];
	[sflag:s19] =	ssyncadd.s32 $0xFFFFFC00  }
0xa2: {  	[spmem:s17] =	stream.linear.scatter [tilespmem:s18], [sflag:$0x3], $0x400, $0x38;
	[tilespmem:$0x1F780] =	vst v63  }
0xa3: {  	_ =	swait.ge [sflag:s19], $0x400  }
0xa4: {  	[sflag:s19] =	ssyncset.done $0x0  }
0xa5: {  	s30 =	rddreg [dreg:$0x11];
	[sflag:s19] =	ssyncadd.s32 $0xFFFFFC00  }
0xa6: {  	[spmem:s30] =	stream.linear.scatter [tilespmem:s18], [sflag:$0x3], $0x400, $0x38;
	[tilespmem:$0x1F780] =	vst v63  }
0xa7: {  	_ =	swait.ge [sflag:s19], $0x400  }
0xa8: {  	[sflag:s19] =	ssyncset.done $0x0  }
0xa9: {  	s31 =	rddreg [dreg:$0x12];
	[sflag:s19] =	ssyncadd.s32 $0xFFFFFC00  }
0xaa: {  	[spmem:s31] =	stream.linear.scatter [tilespmem:s18], [sflag:$0x3], $0x400, $0x38;
	[tilespmem:$0x1F780] =	vst v63  }
0xab: {  	_ =	swait.ge [sflag:s19], $0x400  }
0xac: {  	[sflag:s19] =	ssyncset.done $0x0  }
0xad: {  	s2 =	rddreg [dreg:$0x13];
	[sflag:s19] =	ssyncadd.s32 $0xFFFFFC00  }
0xae: {  	[spmem:s2] =	stream.linear.scatter [tilespmem:s18], [sflag:$0x3], $0x400, $0x38;
	[tilespmem:$0x1F780] =	vst v63  }
0xaf: {  	_ =	swait.ge [sflag:s19], $0x400  }
0xb0: {  	[sflag:s19] =	ssyncset.done $0x0  }
0xb1: {  	s6 =	rddreg [dreg:$0x14];
	[sflag:s19] =	ssyncadd.s32 $0xFFFFFC00  }
0xb2: {  	[spmem:s6] =	stream.linear.scatter [tilespmem:s18], [sflag:$0x3], $0x400, $0x38;
	[tilespmem:$0x1F780] =	vst v63  }
0xb3: {  	_ =	swait.ge [sflag:s19], $0x400  }
0xb4: {  	[sflag:s19] =	ssyncset.done $0x0  }
0xb5: {  	s12 =	rddreg [dreg:$0x15];
	[sflag:s19] =	ssyncadd.s32 $0xFFFFFC00  }
0xb6: {  	[spmem:s12] =	stream.linear.scatter [tilespmem:s18], [sflag:$0x3], $0x400, $0x38;
	[tilespmem:$0x1F780] =	vst v63  }
0xb7: {  	_ =	swait.ge [sflag:s19], $0x400  }
0xb8: {  	[sflag:s19] =	ssyncset.done $0x0  }
0xb9: {  	s15 =	rddreg [dreg:$0x16];
	[sflag:s19] =	ssyncadd.s32 $0xFFFFFC00  }
0xba: {  	[spmem:s15] =	stream.linear.scatter [tilespmem:s18], [sflag:$0x3], $0x400, $0x38;
	[tilespmem:$0x1F780] =	vst v63  }
0xbb: {  	_ =	swait.ge [sflag:s19], $0x400  }
0xbc: {  	[sflag:s19] =	ssyncset.done $0x0  }
0xbd: {  	s17 =	rddreg [dreg:$0x17];
	[sflag:s19] =	ssyncadd.s32 $0xFFFFFC00  }
0xbe: {  	[spmem:s17] =	stream.linear.scatter [tilespmem:s18], [sflag:$0x3], $0x400, $0x38;
	[tilespmem:$0x1F780] =	vst v63  }
0xbf: {  	_ =	swait.ge [sflag:s19], $0x400  }
0xc0: {  	[sflag:s19] =	ssyncset.done $0x0  }
0xc1: {  	s30 =	rddreg [dreg:$0x18];
	[sflag:s19] =	ssyncadd.s32 $0xFFFFFC00  }
0xc2: {  	[spmem:s30] =	stream.linear.scatter [tilespmem:s18], [sflag:$0x3], $0x400, $0x38;
	[tilespmem:$0x1F780] =	vst v63  }
0xc3: {  	_ =	swait.ge [sflag:s19], $0x400  }
0xc4: {  	[sflag:s19] =	ssyncset.done $0x0  }
0xc5: {  	s31 =	rddreg [dreg:$0x19];
	[sflag:s19] =	ssyncadd.s32 $0xFFFFFC00  }
0xc6: {  	[spmem:s31] =	stream.linear.scatter [tilespmem:s18], [sflag:$0x3], $0x400, $0x38;
	[tilespmem:$0x1F780] =	vst v63  }
0xc7: {  	_ =	swait.ge [sflag:s19], $0x400  }
0xc8: {  	[sflag:s19] =	ssyncset.done $0x0  }
0xc9: {  	[sflag:s19] =	ssyncadd.s32 $0xFFFFFC00  }
.LBB2_7:
0xca: {  	v55 =	vld [tilespmem:$0x1FF70]  }
0xcb: {  	v56 =	vld [tilespmem:$0x1FF80]  }
0xcc: {  	v57 =	vld [tilespmem:$0x1FF90]  }
0xcd: {  	v0 =	vlaneseq.u32;
	v58 =	vld [tilespmem:$0x1FFA0]  }
0xce: {  	v59 =	vld [tilespmem:$0x1FFB0];
	[tilespmem:$0xB580] =	vst v0  }
0xcf: {  	v60 =	vld [tilespmem:$0x1FFC0];
	[tilespmem:$0xB590] =	vst v55  }
0xd0: {  	v61 =	vld [tilespmem:$0x1FFD0];
	[tilespmem:$0xB5A0] =	vst v56  }
0xd1: {  	v62 =	vld [tilespmem:$0x1FFE0];
	[tilespmem:$0xB5B0] =	vst v57  }
0xd2: {  	v63 =	vld [tilespmem:$0x1FFF0];
	[tilespmem:$0xB5C0] =	vst v58  }
0xd3: {  	[tilespmem:$0xB5D0] =	vst v59  }
0xd4: {  	[tilespmem:$0xB5E0] =	vst v60  }
0xd5: {  	[tilespmem:$0xB5F0] =	vst v61  }
0xd6: {  	[tilespmem:$0xB600] =	vst v62  }
0xd7: {  	s17 =	simm.s32 $0x0;
	s0 =	rddreg [dreg:$0x2];
	[tilespmem:$0xB610] =	vst v63  }
0xd8: {  	[tilespmem:s17], [sflag:$0x3] =	stream.linear.gather [hbm4b:s0+s17], $0x80, $0x38;
	[tilespmem:$0x1F780] =	vst v63  }
0xd9: {  	_ =	swait.ge [sflag:s19], $0x80  }
0xda: {  	[sflag:s19] =	ssyncset.done $0x0  }
0xdb: {  	[sflag:s19] =	ssyncadd.s32 $0xFFFFFF80  }
0xdc: {  	[bflag:$0x0] =	sbarrier.arrive $0xFFFF  }
.LBB2_8:
0xdd: {  	s0 =	smul.u32 $0x60, s17;
	_ =	sdelay $0x1  }
0xde: {  	s0 =	sadd.s32 s11, s0  }
0xdf: {  	s0 =	sshrl.u32 s0, $0x3  }
0xe0: {  	s2 =	sadd.s32 s1, s0  }
0xe1: {  	[tilespmem:s20], [sflag:$0x1] =	stream.linear.gather [hbm4b:s2+s5], $0x60, $0x38;
	[tilespmem:$0x1F780] =	vst v63  }
0xe2: {  	s0 =	sadd.s32 s9, s0  }
0xe3: {  	[tilespmem:s21], [sflag:$0x2] =	stream.linear.gather [hbm4b:s0+s5], $0x60, $0x38;
	[tilespmem:$0x1F780] =	vst v63  }
0xe4: {  	_ =	swait.ge [sflag:s22], $0x60  }
0xe5: {  	[sflag:s22] =	ssyncset.done $0x0  }
0xe6: {  	[sflag:s22] =	ssyncadd.s32 $0xFFFFFFA0  }
0xe7: {  	[tilespmem:s24], [sflag:$0x1] =	stream.indirect.gather [hbm4b:s7+s23], $0x80, s20, s23, $0xb8;
	[tilespmem:$0x1F780] =	vst v63  }
0xe8: {  	_ =	swait.ge [sflag:s26], $0x60  }
0xe9: {  	[sflag:s26] =	ssyncset.done $0x0  }
0xea: {  	[sflag:s26] =	ssyncadd.s32 $0xFFFFFFA0  }
0xeb: {  	[tilespmem:s28], [sflag:$0x2] =	stream.indirect.gather [hbm4b:s8+s23], $0x80, s21, s23, $0xb8;
	[tilespmem:$0x1F780] =	vst v63  }
0xec: {  	_ =	swait.ge [sflag:s22], $0x3000  }
0xed: {  	[sflag:s22] =	ssyncset.done $0x0  }
0xee: {  	[sflag:s22] =	ssyncadd.s32 $0xFFFFD000  }
0xef: {  	_ =	swait.ge [sflag:s26], $0x3000  }
0xf0: {  	[sflag:s26] =	ssyncset.done $0x0  }
0xf1: {  	[sflag:s26] =	ssyncadd.s32 $0xFFFFD000  }
0xf2: {  	s30 =	simm.s32 $0x280;
	v5 =	vld [tilespmem:$0x0]  }
0xf3: {  	s2 =	simm.s32 $0x3280;
	v49 =	vld [tilespmem:s30+$0x80]  }
0xf4: {  	v1 =	vld [tilespmem:s2+$0x80]  }
0xf5: {  	v47 =	vld [tilespmem:s30+$0x90]  }
0xf6: {  	v2 =	vld [tilespmem:s2+$0x90]  }
0xf7: {  	v43 =	vld [tilespmem:s30+$0xA0]  }
0xf8: {  	v3 =	vld [tilespmem:s2+$0xA0]  }
0xf9: {  	v45 =	vld [tilespmem:s30+$0xB0]  }
0xfa: {  	v11 =	vld [tilespmem:s2+$0xB0]  }
0xfb: {  	v44 =	vld [tilespmem:s30+$0xC0]  }
0xfc: {  	v12 =	vld [tilespmem:s2+$0xC0]  }
0xfd: {  	v50 =	vld [tilespmem:s30+$0xD0]  }
0xfe: {  	v13 =	vld [tilespmem:s2+$0xD0]  }
0xff: {  	v51 =	vld [tilespmem:s30+$0xE0]  }
0x100: {  	v14 =	vld [tilespmem:s2+$0xE0]  }
0x101: {  	v52 =	vld [tilespmem:s30+$0xF0]  }
0x102: {  	v15 =	vld [tilespmem:s2+$0xF0]  }
0x103: {  	v0 =	vld [tilespmem:$0x10]  }
0x104: {  	v4 =	vld [tilespmem:$0x20]  }
0x105: {  	v6 =	vld [tilespmem:$0x30]  }
0x106: {  	v8 =	vld [tilespmem:$0x40]  }
0x107: {  	v27 =	vld [tilespmem:$0x50]  }
0x108: {  	v36 =	vld [tilespmem:s30+$0xFFFFFF20]  }
0x109: {  	v9 =	vld [tilespmem:$0x60]  }
0x10a: {  	v10 =	vld [tilespmem:$0x70]  }
0x10b: {  	v7 =	vld [tilespmem:s2+$0xFFFFFF00]  }
0x10c: {  	v53 =	vld [tilespmem:s30+$0xFFFFFF10]  }
0x10d: {  	v16 =	vld [tilespmem:s2+$0xFFFFFF10];
	[tilespmem:$0x1FF10] =	vst v36  }
0x10e: {  	v35 =	vld [tilespmem:s30+$0xFFFFFF30];
	_ =	sdelay $0x4  }
0x10f: {  	v18 =	vld [tilespmem:s2+$0xFFFFFF20];
	[tilespmem:$0x1FF20] =	vst v35  }
0x110: {  	v33 =	vld [tilespmem:s30+$0xFFFFFF40];
	_ =	sdelay $0x4  }
0x111: {  	v19 =	vld [tilespmem:s2+$0xFFFFFF30];
	[tilespmem:$0x1FF30] =	vst v33  }
0x112: {  	v34 =	vld [tilespmem:s30+$0xFFFFFF50];
	_ =	sdelay $0x4  }
0x113: {  	v20 =	vld [tilespmem:s2+$0xFFFFFF40];
	[tilespmem:$0x1FF40] =	vst v34  }
0x114: {  	v37 =	vld [tilespmem:s30+$0xFFFFFF70]  }
0x115: {  	v1 =	vadd.f32 v1, v49  }
0x116: {  	v2 =	vadd.f32 v2, v47;
	v3 =	vadd.f32 v3, v43  }
0x117: {  	v11 =	vadd.f32 v11, v45;
	v12 =	vadd.f32 v12, v44;
	v21 =	vld [tilespmem:s2+$0xFFFFFF50]  }
0x118: {  	v13 =	vadd.f32 v13, v50;
	v17 =	vmul.f32 $2.000000030e-01, v1;
	v23 =	vmul.f32 $2.000000030e-01, v2;
	v55 =	vld [tilespmem:s30+$0xFFFFFF60]  }
0x119: {  	v14 =	vadd.f32 v14, v51;
	v24 =	vmul.f32 $2.000000030e-01, v3;
	v26 =	vmul.f32 $2.000000030e-01, v11;
	v22 =	vld [tilespmem:s2+$0xFFFFFF60];
	[tilespmem:$0x1FF50] =	vst v37  }
0x11a: {  	v15 =	vadd.f32 v15, v52;
	v28 =	vmul.f32 $2.000000030e-01, v12;
	v29 =	vmul.f32 $2.000000030e-01, v13;
	v25 =	vld [tilespmem:s2+$0xFFFFFF70]  }
0x11b: {  	v30 =	vmul.f32 $2.000000030e-01, v14;
	v1 =	vmax.f32 v1, v17;
	v2 =	vmax.f32 v2, v23;
	v46 =	vld [tilespmem:s30+$0xFFFFFF80]  }
0x11c: {  	v17 =	vmul.f32 $2.000000030e-01, v15;
	v3 =	vmax.f32 v3, v24;
	v11 =	vmax.f32 v11, v26;
	v31 =	vld [tilespmem:s2+$0xFFFFFF80]  }
0x11d: {  	v12 =	vmax.f32 v12, v28;
	v1 =	vmul.f32 v1, v5;
	v2 =	vmul.f32 v2, v0;
	v32 =	vld [tilespmem:s30+$0xFFFFFF90]  }
0x11e: {  	v24 =	vmax.f32 v13, v29;
	v3 =	vmul.f32 v3, v4;
	v11 =	vmul.f32 v11, v6;
	v23 =	vld [tilespmem:s2+$0xFFFFFF90]  }
0x11f: {  	v14 =	vmax.f32 v14, v30;
	v12 =	vmul.f32 v12, v8;
	v24 =	vmul.f32 v24, v27;
	v13 =	vld [tilespmem:s30+$0xFFFFFFA0]  }
0x120: {  	v14 =	vmul.f32 v14, v9;
	v15 =	vmax.f32 v15, v17;
	v1 =	vadd.f32 v2, v1;
	v26 =	vld [tilespmem:s2+$0xFFFFFFA0]  }
0x121: {  	v28 =	vmul.f32 v15, v10;
	v2 =	vadd.f32 v16, v53;
	v3 =	vadd.f32 v11, v3;
	v38 =	vld [tilespmem:s30+$0xFFFFFFB0]  }
0x122: {  	v11 =	vadd.f32 v18, v36;
	v16 =	vadd.f32 v24, v12;
	v29 =	vld [tilespmem:s2+$0xFFFFFFB0]  }
0x123: {  	v14 =	vadd.f32 v28, v14;
	v19 =	vadd.f32 v19, v35;
	v17 =	vld [tilespmem:s30+$0xFFFFFFC0]  }
0x124: {  	v18 =	vmul.f32 $2.000000030e-01, v2;
	v28 =	vmul.f32 $2.000000030e-01, v11;
	v24 =	vld [tilespmem:s2+$0xFFFFFFC0]  }
0x125: {  	v3 =	vadd.f32 v3, v1;
	v30 =	vadd.f32 v14, v16;
	v16 =	vmul.f32 $2.000000030e-01, v19;
	v12 =	vld [tilespmem:s30+$0xFFFFFFD0]  }
0x126: {  	v1 =	vmax.f32 v2, v18;
	v18 =	vadd.f32 v20, v33;
	v2 =	vld [tilespmem:s2+$0xFFFFFFD0]  }
0x127: {  	v11 =	vmax.f32 v11, v28;
	v28 =	vadd.f32 v30, v3;
	v19 =	vmax.f32 v19, v16;
	v60 =	vld [tilespmem:s2+$0xFFFFFFE0]  }
0x128: {  	v20 =	vadd.f32 v21, v34;
	v21 =	vmul.f32 $2.000000030e-01, v18;
	v22 =	vadd.f32 v22, v55;
	v30 =	vld [tilespmem:s2+$0xFFFFFFF0]  }
0x129: {  	v11 =	vmul.f32 v11, v4;
	v3 =	vmul.f32 v19, v6;
	v62 =	vld [tilespmem:s2+$0x0]  }
0x12a: {  	v41 =	vld [tilespmem:s30+$0x10];
	v19 =	vmul.f32 $2.000000030e-01, v20;
	v21 =	vmax.f32 v18, v21;
	v61 =	vmul.f32 $2.000000030e-01, v22  }
0x12b: {  	v11 =	vadd.f32 v3, v11;
	v63 =	vld [tilespmem:s2+$0x10];
	v21 =	vmul.f32 v21, v8  }
0x12c: {  	v48 =	vld [tilespmem:s2+$0x20];
	v3 =	vmax.f32 v20, v19;
	v20 =	vmax.f32 v22, v61;
	v25 =	vadd.f32 v25, v37  }
0x12d: {  	v19 =	vld [tilespmem:s30+$0x20];
	v3 =	vmul.f32 v3, v27;
	v33 =	vmul.f32 v20, v9;
	v31 =	vadd.f32 v31, v46  }
0x12e: {  	v15 =	vmovc v13;
	v14 =	vmovc v32;
	v13 =	vld [tilespmem:s30+$0xFFFFFFE0];
	v29 =	vadd.f32 v29, v38;
	v24 =	vadd.f32 v24, v17;
	v22 =	vmul.f32 $2.000000030e-01, v25  }
0x12f: {  	v18 =	vld [tilespmem:s30+$0x0];
	v16 =	vmovc v12;
	v23 =	vadd.f32 v23, v14;
	v3 =	vadd.f32 v3, v21;
	v42 =	vmul.f32 $2.000000030e-01, v31  }
0x130: {  	v12 =	vld [tilespmem:s30+$0xFFFFFFF0];
	[tilespmem:$0x1FEB0] =	vst v38;
	v2 =	vadd.f32 v2, v16;
	v22 =	vmax.f32 v25, v22;
	v25 =	vadd.f32 v26, v15  }
0x131: {  	v21 =	vld [tilespmem:s30+$0x30];
	[tilespmem:$0x1FEC0] =	vst v17;
	v26 =	vmul.f32 $2.000000030e-01, v23;
	v31 =	vmax.f32 v31, v42;
	v22 =	vmul.f32 v22, v10  }
0x132: {  	v56 =	vld [tilespmem:s2+$0x30];
	v37 =	vadd.f32 v48, v19;
	v31 =	vmul.f32 v31, v5;
	v54 =	vmul.f32 $2.000000030e-01, v25  }
0x133: {  	v20 =	vld [tilespmem:s30+$0x40];
	v32 =	vadd.f32 v60, v13;
	v23 =	vmax.f32 v23, v26;
	v26 =	vmul.f32 $2.000000030e-01, v29  }
0x134: {  	v57 =	vld [tilespmem:s2+$0x40];
	v33 =	vadd.f32 v22, v33;
	v39 =	vmul.f32 v23, v0;
	v25 =	vmax.f32 v25, v54  }
0x135: {  	v40 =	vld [tilespmem:s2+$0x50];
	v26 =	vmax.f32 v29, v26;
	v29 =	vmul.f32 $2.000000030e-01, v2;
	v25 =	vmul.f32 v25, v4  }
0x136: {  	v17 =	vld [tilespmem:s30+$0x70];
	v48 =	vmul.f32 $2.000000030e-01, v37;
	v33 =	vadd.f32 v33, v3;
	v3 =	vmul.f32 $2.000000030e-01, v24  }
0x137: {  	v35 =	vld [tilespmem:s2+$0x70];
	v26 =	vmul.f32 v26, v6;
	v31 =	vadd.f32 v39, v31;
	v2 =	vmax.f32 v2, v29  }
0x138: {  	v60 =	vld [tilespmem:s30+$0xFFFFFF00];
	v23 =	vmovc v12;
	v3 =	vmax.f32 v24, v3;
	v54 =	vmul.f32 v2, v27;
	v2 =	vadd.f32 v62, v18  }
0x139: {  	v12 =	vld [tilespmem:s30+$0x50];
	v39 =	vmul.f32 v3, v8;
	v3 =	vadd.f32 v26, v25;
	v26 =	vadd.f32 v30, v23;
	v25 =	vmovc v41  }
0x13a: {  	v29 =	vld [tilespmem:s2+$0x60];
	v30 =	vmul.f32 $2.000000030e-01, v32;
	v59 =	vmul.f32 $2.000000030e-01, v2;
	v58 =	vadd.f32 v63, v25  }
0x13b: {  	s31 =	simm.s32 $0x480;
	v38 =	vadd.f32 v56, v21;
	v24 =	vmovc v13;
	v13 =	vld [tilespmem:s30+$0x60];
	v31 =	vadd.f32 v3, v31;
	v3 =	vmul.f32 $2.000000030e-01, v26  }
0x13c: {  	v30 =	vmax.f32 v32, v30;
	v32 =	vmax.f32 v2, v59;
	v2 =	vld [tilespmem:s31+$0x80];
	v42 =	vmul.f32 $2.000000030e-01, v58  }
0x13d: {  	s0 =	simm.s32 $0x3480;
	v1 =	vmul.f32 v1, v0;
	v37 =	vmax.f32 v37, v48;
	v3 =	vmax.f32 v26, v3;
	v26 =	vld [tilespmem:$0x0]  }
0x13e: {  	v36 =	vadd.f32 v57, v20;
	v63 =	vmul.f32 $2.000000030e-01, v38;
	v34 =	vmax.f32 v58, v42;
	v42 =	vld [tilespmem:s0+$0x80]  }
0x13f: {  	v35 =	vadd.f32 v35, v17;
	v30 =	vmul.f32 v30, v9;
	v61 =	vmul.f32 v3, v10;
	v58 =	vld [tilespmem:s31+$0x90]  }
0x140: {  	v56 =	vadd.f32 v7, v60;
	v0 =	vmul.f32 v34, v0;
	v34 =	vmul.f32 v37, v4;
	v37 =	vld [tilespmem:s0+$0x90];
	[tilespmem:$0x1FED0] =	vst v12  }
0x141: {  	v39 =	vadd.f32 v54, v39;
	v54 =	vmul.f32 $2.000000030e-01, v36;
	v40 =	vadd.f32 v40, v12;
	v3 =	vld [tilespmem:s31+$0xA0]  }
0x142: {  	v59 =	vmul.f32 $2.000000030e-01, v56;
	v29 =	vadd.f32 v29, v13;
	v30 =	vadd.f32 v61, v30;
	v61 =	vld [tilespmem:s0+$0xA0];
	[tilespmem:$0x1FEE0] =	vst v17  }
0x143: {  	v38 =	vmax.f32 v38, v63;
	v7 =	vmul.f32 $2.000000030e-01, v40;
	v63 =	vmul.f32 $2.000000030e-01, v35;
	v17 =	vld [tilespmem:s31+$0xB0]  }
0x144: {  	v32 =	vmul.f32 v32, v5;
	v57 =	vmax.f32 v36, v54;
	v62 =	vmul.f32 $2.000000030e-01, v29;
	v41 =	vld [tilespmem:s0+$0xB0]  }
0x145: {  	v38 =	vmul.f32 v38, v6;
	v40 =	vmax.f32 v40, v7;
	v35 =	vmax.f32 v35, v63;
	v4 =	vld [tilespmem:s31+$0xC0]  }
0x146: {  	v10 =	vmul.f32 v35, v10;
	v29 =	vmax.f32 v29, v62;
	v0 =	vadd.f32 v0, v32;
	v6 =	vld [tilespmem:s31+$0xF0]  }
0x147: {  	v32 =	vmul.f32 v57, v8;
	v8 =	vmax.f32 v56, v59;
	v36 =	vld [tilespmem:s0+$0xC0];
	v29 =	vmul.f32 v29, v9  }
0x148: {  	v27 =	vmul.f32 v40, v27;
	v57 =	vld [tilespmem:s31+$0xD0];
	v5 =	vmul.f32 v8, v5  }
0x149: {  	v30 =	vadd.f32 v30, v39;
	v48 =	vld [tilespmem:s0+$0xD0];
	v10 =	vadd.f32 v10, v29  }
0x14a: {  	v56 =	vld [tilespmem:s31+$0xE0];
	v1 =	vadd.f32 v1, v5;
	v5 =	vadd.f32 v27, v32  }
0x14b: {  	v34 =	vadd.f32 v38, v34;
	v29 =	vadd.f32 v30, v31;
	v27 =	vld [tilespmem:s0+$0xE0];
	[tilespmem:$0x1FF60] =	vst v6  }
0x14c: {  	v30 =	vadd.f32 v42, v2;
	v5 =	vadd.f32 v10, v5;
	v10 =	vld [tilespmem:s0+$0xF0]  }
0x14d: {  	v31 =	vadd.f32 v37, v58;
	v32 =	vadd.f32 v61, v3;
	v63 =	vld [tilespmem:$0x10]  }
0x14e: {  	v0 =	vadd.f32 v34, v0;
	v34 =	vmul.f32 $2.000000030e-01, v30;
	v1 =	vadd.f32 v11, v1;
	v59 =	vld [tilespmem:$0x20]  }
0x14f: {  	v40 =	vadd.f32 v36, v4;
	v54 =	vmul.f32 $2.000000030e-01, v31;
	v39 =	vld [tilespmem:$0x30];
	v42 =	vmul.f32 $2.000000030e-01, v32  }
0x150: {  	v36 =	vld [tilespmem:$0x40];
	v30 =	vmax.f32 v30, v34;
	v1 =	vadd.f32 v33, v1;
	v33 =	vadd.f32 v41, v17  }
0x151: {  	v37 =	vld [tilespmem:$0x50];
	v41 =	vadd.f32 v48, v57;
	v61 =	vmul.f32 $2.000000030e-01, v40;
	v31 =	vmax.f32 v31, v54  }
0x152: {  	(xrf2) =	vadd.scan.msk.f32 $0xffff, v28;
	v38 =	vld [tilespmem:$0x60];
	v28 =	vmul.f32 v30, v26;
	v27 =	vadd.f32 v27, v56;
	v32 =	vmax.f32 v32, v42  }
0x153: {  	v35 =	vld [tilespmem:$0x70];
	v48 =	vmul.f32 $2.000000030e-01, v33;
	v54 =	vmul.f32 $2.000000030e-01, v41;
	v10 =	vadd.f32 v10, v6  }
0x154: {  	v40 =	vmax.f32 v40, v61;
	v42 =	vmul.f32 $2.000000030e-01, v27;
	v30 =	vmul.f32 v31, v63  }
0x155: {  	(xrf2) =	vadd.scan.msk.f32 $0xffff, v29;
	v33 =	vmax.f32 v33, v48;
	v29 =	vmul.f32 v32, v59;
	v61 =	vmul.f32 $2.000000030e-01, v10  }
0x156: {  	(xrf2) =	vadd.scan.msk.f32 $0xffff, v1;
	v31 =	vmax.f32 v41, v54;
	v1 =	vmul.f32 v40, v36;
	v54 =	vmul.f32 v33, v39  }
0x157: {  	v27 =	vmax.f32 v27, v42;
	v31 =	vmul.f32 v31, v37;
	v10 =	vmax.f32 v10, v61  }
0x158: {  	v0 =	vadd.f32 v5, v0;
	v5 =	vmul.f32 v27, v38;
	v10 =	vmul.f32 v10, v35  }
0x159: {  	v12 =	vmov v2;
	v2 =	vld [tilespmem:s31+$0xFFFFFF10];
	v30 =	vadd.f32 v30, v28;
	v29 =	vadd.f32 v54, v29  }
0x15a: {  	v22 =	vmovc v13;
	v13 =	vmov v3;
	v3 =	vld [tilespmem:s31+$0xFFFFFF20];
	(xrf2) =	vadd.scan.msk.f32 $0xffff, v0;
	v0 =	vadd.f32 v31, v1;
	v1 =	vadd.f32 v10, v5  }
0x15b: {  	v62 =	vmov v4;
	v4 =	vld [tilespmem:s31+$0xFFFFFF30];
	v10 =	vadd.f32 v29, v30  }
0x15c: {  	v5 =	vld [tilespmem:s0+$0xFFFFFF10];
	v0 =	vadd.f32 v1, v0  }
0x15d: {  	v7 =	vld [tilespmem:s31+$0xFFFFFF40]  }
0x15e: {  	v34 =	vld [tilespmem:s0+$0xFFFFFF40];
	v0 =	vadd.f32 v0, v10  }
0x15f: {  	v1 =	vld [tilespmem:s0+$0xFFFFFF20];
	v10, _, _ =	vpop (xrf2)  }
0x160: {  	v61 =	vld [tilespmem:s0+$0xFFFFFF30];
	v10 =	vmul.f32 $1.442695020e+00, v10;
	v30, _, _ =	vpop (xrf2);
	(xrf2) =	vadd.scan.msk.f32 $0xffff, v0  }
0x161: {  	v6 =	vld [tilespmem:s31+$0xFFFFFF50];
	v5 =	vadd.f32 v5, v2;
	v42 =	vmul.f32 $1.442695020e+00, v30  }
0x162: {  	v41 =	vld [tilespmem:s0+$0xFFFFFF50];
	[tilespmem:$0x1FEF0] =	vst v2;
	v10 =	vbroadcast v10, $0xF  }
0x163: {  	v9 =	vld [tilespmem:s31+$0xFFFFFF60];
	v54 =	vmul.f32 $2.000000030e-01, v5;
	v0, _, _ =	vpop (xrf2);
	v48 =	vbroadcast v42, $0xF  }
0x164: {  	v40 =	vld [tilespmem:s0+$0xFFFFFF60];
	[tilespmem:$0x1FF00] =	vst v4;
	v1 =	vadd.f32 v1, v3;
	v0 =	vmul.f32 $1.442695020e+00, v0;
	(erf) = vpow2.f32 v10  }
0x165: {  	v11 =	vld [tilespmem:s31+$0xFFFFFF70];
	(erf) = vpow2.f32 v48;
	v48 =	vadd.f32 v61, v4  }
0x166: {  	v8 =	vld [tilespmem:s0+$0xFFFFFF70];
	v2 =	vmul.f32 $2.000000030e-01, v1;
	v54 =	vmax.f32 v5, v54;
	v10, _, _ =	vpop (xrf2);
	v0 =	vbroadcast v0, $0xF  }
0x167: {  	v30 =	vmovc v3;
	v5 =	vadd.f32 v41, v6;
	v10 =	vmul.f32 $1.442695020e+00, v10;
	v3 =	vmul.f32 $2.000000030e-01, v48  }
0x168: {  	v42 =	vld [tilespmem:s31+$0xFFFFFF90];
	v4 =	vmax.f32 v1, v2;
	(erf) = vpow2.f32 v0;
	v0 =	vadd.f32 v34, v7  }
0x169: {  	v32 =	vmovc v6;
	v1 =	vadd.f32 v40, v9;
	v40 =	vld [tilespmem:s31+$0xFFFFFFA0];
	v61 =	vbroadcast v10, $0xF;
	v6 =	vmax.f32 v48, v3  }
0x16a: {  	v34 =	vld [tilespmem:s31+$0xFFFFFF80];
	v3 =	vmul.f32 $2.000000030e-01, v0;
	v6 =	vmul.f32 v6, v39;
	v48, _, _ =	vpop (xrf2)  }
0x16b: {  	v33 =	vmovc v7;
	v8 =	vadd.f32 v8, v11;
	v7 =	vld [tilespmem:s0+$0xFFFFFFA0];
	v41 =	vmul.f32 $1.442695020e+00, v48;
	v48 =	vmul.f32 $2.000000030e-01, v5  }
0x16c: {  	(erf) = vpow2.f32 v61;
	v61 =	vld [tilespmem:s0+$0xFFFFFF80];
	v2 =	vmax.f32 v0, v3;
	v0 =	vmul.f32 $2.000000030e-01, v1  }
0x16d: {  	v29 =	vmovc v9;
	v9 =	vld [tilespmem:s0+$0xFFFFFF90];
	v3 =	vmul.f32 v4, v59;
	v2 =	vmul.f32 v2, v36;
	v4 =	vmax.f32 v5, v48  }
0x16e: {  	v5 =	vbroadcast v41, $0xF;
	v41 =	vld [tilespmem:s31+$0xFFFFFFB0];
	v0 =	vmax.f32 v1, v0;
	v1 =	vpop (erf);
	v4 =	vmul.f32 v4, v37  }
0x16f: {  	v48 =	vadd.f32 v6, v3;
	v3 =	vld [tilespmem:s0+$0xFFFFFFB0];
	v6 =	vmul.f32 v1, v47;
	v47 =	vmul.f32 v1, v43  }
0x170: {  	v7 =	vadd.f32 v7, v40;
	(erf) = vpow2.f32 v5;
	v5 =	vmul.f32 $2.000000030e-01, v8  }
0x171: {  	v61 =	vadd.f32 v61, v34;
	v2 =	vadd.f32 v4, v2;
	v4 =	vmul.f32 v1, v49  }
0x172: {  	v0 =	vmul.f32 v0, v38;
	v49 =	vmul.f32 $2.000000030e-01, v7  }
0x173: {  	v43 =	vld [tilespmem:s31+$0xFFFFFFC0];
	v5 =	vmax.f32 v8, v5;
	[tilespmem:s30+$0x80] =	vst v4;
	v4 =	vadd.f32 v9, v42;
	v9 =	vmul.f32 $2.000000030e-01, v61  }
0x174: {  	[tilespmem:s30+$0x90] =	vst v6;
	v6 =	vld [tilespmem:s0+$0xFFFFFFC0];
	v8 =	vmul.f32 v1, v45;
	v5 =	vmul.f32 v5, v35;
	v3 =	vadd.f32 v3, v41  }
0x175: {  	[tilespmem:s30+$0xA0] =	vst v47;
	v45 =	vmul.f32 v1, v44;
	v9 =	vmax.f32 v61, v9;
	v47 =	vmul.f32 $2.000000030e-01, v4  }
0x176: {  	[tilespmem:s30+$0xB0] =	vst v8;
	v0 =	vadd.f32 v5, v0;
	v5 =	vmul.f32 v1, v50;
	v61 =	vmul.f32 $2.000000030e-01, v3  }
0x177: {  	v7 =	vmax.f32 v7, v49;
	v49 =	vmul.f32 v1, v51;
	[tilespmem:s30+$0xC0] =	vst v45  }
0x178: {  	[tilespmem:s30+$0xD0] =	vst v5;
	v5 =	vadd.f32 v0, v2;
	v2 =	vmul.f32 v1, v52  }
0x179: {  	[tilespmem:s30+$0xE0] =	vst v49;
	v6 =	vadd.f32 v6, v43;
	v4 =	vmax.f32 v4, v47;
	v47 =	vpop (erf)  }
0x17a: {  	v0 =	vmax.f32 v3, v61;
	v1 =	vnsel vm0, $0x0, v1;
	[tilespmem:s30+$0xF0] =	vst v2;
	v61 =	vpop (erf);
	v3 =	vmul.f32 v47, v46  }
0x17b: {  	v4 =	vmul.f32 v4, v63;
	[tilespmem:s2+$0x80] =	vst v1;
	v50 =	vmul.f32 v61, v60  }
0x17c: {  	v44 =	vld [tilespmem:s31+$0xFFFFFFD0];
	v2 =	vmul.f32 v9, v26;
	v9 =	vmul.f32 $2.000000030e-01, v6;
	[tilespmem:s30+$0xFFFFFF80] =	vst v3  }
0x17d: {  	v8 =	vld [tilespmem:s0+$0xFFFFFFD0];
	[tilespmem:s30+$0xFFFFFF00] =	vst v50  }
0x17e: {  	v2 =	vadd.f32 v4, v2;
	v4 =	vmax.f32 v6, v9;
	v6 =	vld [tilespmem:$0x1FF10];
	_ =	sdelay $0x3  }
0x17f: {  	v8 =	vadd.f32 v8, v44;
	v1 =	vmul.f32 v61, v53  }
0x180: {  	v6 =	vmul.f32 v61, v6  }
0x181: {  	v3 =	vmul.f32 v7, v59;
	v7 =	vmul.f32 $2.000000030e-01, v8;
	[tilespmem:s30+$0xFFFFFF10] =	vst v1  }
0x182: {  	v1 =	vld [tilespmem:$0x1FF20];
	[tilespmem:s30+$0xFFFFFF20] =	vst v6  }
0x183: {  	v6 =	vmax.f32 v8, v7;
	v7 =	vld [tilespmem:$0x1FF30]  }
0x184: {  	v8 =	vld [tilespmem:$0x1FF40];
	_ =	sdelay $0x1  }
0x185: {  	v31 =	vmov v11;
	v11 =	vld [tilespmem:s0+$0x20]  }
0x186: {  	v45 =	vld [tilespmem:s31+$0xFFFFFFE0];
	v1 =	vmul.f32 v61, v1  }
0x187: {  	v0 =	vmul.f32 v0, v39;
	v60 =	vld [tilespmem:s0+$0xFFFFFFE0];
	v7 =	vmul.f32 v61, v7  }
0x188: {  	v52 =	vld [tilespmem:s0+$0x10];
	[tilespmem:s30+$0xFFFFFF30] =	vst v1;
	v8 =	vmul.f32 v61, v8  }
0x189: {  	v46 =	vld [tilespmem:s31+$0x10];
	v0 =	vadd.f32 v0, v3;
	[tilespmem:s30+$0xFFFFFF40] =	vst v7  }
0x18a: {  	v49 =	vld [tilespmem:s31+$0xFFFFFFF0];
	[tilespmem:s30+$0xFFFFFF50] =	vst v8  }
0x18b: {  	v0 =	vadd.f32 v0, v2;
	v2 =	vld [tilespmem:$0x1FF50]  }
0x18c: {  	v10 =	vmul.f32 v4, v36;
	v50 =	vld [tilespmem:s31+$0x20];
	v3 =	vadd.f32 v60, v45  }
0x18d: {  	v53 =	vld [tilespmem:s31+$0x0];
	v51 =	vpop (erf);
	v1 =	vmul.f32 v61, v55;
	v6 =	vmul.f32 v6, v37  }
0x18e: {  	v9 =	vpop (erf);
	v4 =	vadd.f32 v52, v46;
	v60 =	vld [tilespmem:s0+$0xFFFFFFF0];
	v52 =	vmul.f32 $2.000000030e-01, v3  }
0x18f: {  	v55 =	vld [tilespmem:s0+$0x0];
	[tilespmem:s30+$0xFFFFFF60] =	vst v1;
	v1 =	vadd.f32 v6, v10;
	v6 =	vmul.f32 v9, v12  }
0x190: {  	v27 =	vmax.f32 v3, v52;
	v3 =	vmul.f32 v61, v2;
	v2 =	vmul.f32 $2.000000030e-01, v4  }
0x191: {  	v10 =	vadd.f32 v11, v50  }
0x192: {  	[tilespmem:s31+$0x80] =	vst v6;
	v7 =	vmax.f32 v4, v2;
	v4 =	vmul.f32 v9, v58  }
0x193: {  	v6 =	vadd.f32 v60, v49;
	v60 =	vmul.f32 v9, v13;
	[tilespmem:s30+$0xFFFFFF70] =	vst v3;
	v3 =	vmul.f32 $2.000000030e-01, v10  }
0x194: {  	[tilespmem:s31+$0x90] =	vst v4;
	v4 =	vmul.f32 v7, v63;
	v7 =	vadd.f32 v55, v53;
	v55 =	vmul.f32 v9, v17  }
0x195: {  	v52 =	vld [tilespmem:s31+$0x30];
	[tilespmem:s31+$0xA0] =	vst v60;
	v8 =	vmax.f32 v10, v3;
	v10 =	vmul.f32 v9, v62  }
0x196: {  	v11 =	vld [tilespmem:s0+$0x30];
	[tilespmem:s31+$0xB0] =	vst v55;
	v55 =	vmul.f32 v9, v57  }
0x197: {  	v12 =	vld [tilespmem:s0+$0x50];
	v3 =	vmul.f32 $2.000000030e-01, v6;
	v57 =	vmul.f32 $2.000000030e-01, v7;
	[tilespmem:s31+$0xC0] =	vst v10  }
0x198: {  	v2 =	vmul.f32 v54, v63;
	v54 =	vld [tilespmem:s31+$0x40];
	[tilespmem:s31+$0xD0] =	vst v55  }
0x199: {  	v62 =	vmax.f32 v6, v3;
	v6 =	vmul.f32 v8, v59;
	v59 =	vmax.f32 v7, v57;
	v7 =	vld [tilespmem:$0x1FF60]  }
0x19a: {  	v63 =	vld [tilespmem:s0+$0x40]  }
0x19b: {  	v60 =	vld [tilespmem:s31+$0x50]  }
0x19c: {  	v11 =	vadd.f32 v11, v52;
	v58 =	vld [tilespmem:s0+$0xFFFFFF00]  }
0x19d: {  	v8 =	vmul.f32 v9, v56;
	v3 =	vld [tilespmem:s31+$0x60]  }
0x19e: {  	v56 =	vmul.f32 $2.000000030e-01, v11;
	v57 =	vld [tilespmem:s0+$0x60];
	v7 =	vmul.f32 v9, v7  }
0x19f: {  	v10 =	vnsel vm0, $0x0, v61;
	v62 =	vmul.f32 v62, v35;
	[tilespmem:s31+$0xE0] =	vst v8;
	v61 =	vadd.f32 v63, v54;
	v8 =	vld [tilespmem:s31+$0x70]  }
0x1a0: {  	v55 =	vmul.f32 v27, v38;
	v63 =	vmax.f32 v11, v56;
	v56 =	vld [tilespmem:s31+$0xFFFFFF00];
	v9 =	vnsel vm0, $0x0, v9;
	[tilespmem:s31+$0xF0] =	vst v7  }
0x1a1: {  	s12 =	simm.s32 $0x4;
	s15 =	simm.s32 $0x480;
	s6 =	simm.s32 $0x3480;
	v59 =	vmul.f32 v59, v26;
	v11 =	vmul.f32 $2.000000030e-01, v61;
	v7 =	vld [tilespmem:s0+$0x70];
	[tilespmem:s0+$0x80] =	vst v9;
	v9 =	vadd.f32 v12, v60  }
.LBB2_9:
0x1a2: {  	v12 =	vld [tilespmem:$0x0];
	s31 =	sadd.s32 $0x200, s31  }
0x1a3: {  	v62 =	vadd.f32 v62, v55;
	s0 =	sadd.s32 $0x200, s0;
	v55 =	vld [tilespmem:s31+$0x80]  }
0x1a4: {  	v13 =	vld [tilespmem:s0+$0x80]  }
0x1a5: {  	v39 =	vmul.f32 v63, v39;
	v4 =	vadd.f32 v4, v59;
	v59 =	vld [tilespmem:s31+$0xA0]  }
0x1a6: {  	[tilespmem:s2+$0xFFFFFF00] =	vst v10;
	v18 =	vmul.f32 v51, v18;
	v10 =	vmax.f32 v61, v11;
	v11 =	vmul.f32 $2.000000030e-01, v9;
	v63 =	vld [tilespmem:s31+$0xD0]  }
0x1a7: {  	v19 =	vmul.f32 v51, v19;
	v10 =	vmul.f32 v10, v36;
	v36 =	vld [tilespmem:s0+$0x90]  }
0x1a8: {  	v21 =	vmul.f32 v51, v21;
	v1 =	vadd.f32 v62, v1;
	v62 =	vld [tilespmem:s31+$0xC0];
	v9 =	vmax.f32 v9, v11  }
0x1a9: {  	v6 =	vadd.f32 v39, v6;
	v61 =	vadd.f32 v57, v3;
	v57 =	vld [tilespmem:s31+$0x90];
	v9 =	vmul.f32 v9, v37  }
0x1aa: {  	[tilespmem:s30+$0x0] =	vst v18;
	v7 =	vadd.f32 v7, v8;
	v0 =	vadd.f32 v1, v0;
	v18 =	vmov v53;
	v53 =	vld [tilespmem:s0+$0xFFFFFF40]  }
0x1ab: {  	v39 =	vadd.f32 v58, v56;
	v11 =	vmul.f32 $2.000000030e-01, v61;
	v9 =	vadd.f32 v9, v10;
	v10 =	vld [tilespmem:s0+$0xB0]  }
0x1ac: {  	v6 =	vadd.f32 v6, v4;
	v4 =	vmul.f32 $2.000000030e-01, v7;
	(xrf2) =	vadd.scan.msk.f32 $0xffff, v0;
	v0 =	vmul.f32 v47, v14;
	v14 =	vld [tilespmem:$0x1FEB0]  }
0x1ad: {  	[tilespmem:s30+$0x20] =	vst v19;
	v1 =	vmax.f32 v61, v11;
	v11 =	vld [tilespmem:s0+$0xA0]  }
0x1ae: {  	[tilespmem:s30+$0x30] =	vst v21;
	v58 =	vmul.f32 $2.000000030e-01, v39;
	v61 =	vld [tilespmem:s31+$0xB0];
	v4 =	vmax.f32 v7, v4;
	v7 =	vmul.f32 v47, v15  }
0x1af: {  	[tilespmem:s30+$0xFFFFFF90] =	vst v0;
	v0 =	vld [tilespmem:$0x1FEC0];
	v1 =	vmul.f32 v1, v38;
	v4 =	vmul.f32 v4, v35  }
0x1b0: {  	v28 =	vmov v40;
	v37 =	vmax.f32 v39, v58;
	v58 =	vld [tilespmem:s0+$0xD0];
	[tilespmem:s30+$0xFFFFFFA0] =	vst v7  }
0x1b1: {  	v39 =	vld [tilespmem:$0x30];
	v7 =	vmul.f32 v47, v16;
	v17 =	vmul.f32 v47, v14;
	v14 =	vmovc v42;
	v1 =	vadd.f32 v4, v1  }
0x1b2: {  	v40 =	vadd.f32 v36, v57;
	v36 =	vld [tilespmem:$0x40];
	v16 =	vmul.f32 v47, v23;
	v42 =	vmul.f32 v37, v26;
	[tilespmem:$0x1FEA0] =	vst v14  }
0x1b3: {  	v26 =	vmov v12;
	v12 =	vld [tilespmem:s0+$0xC0];
	[tilespmem:s30+$0xFFFFFFD0] =	vst v7;
	v1 =	vadd.f32 v1, v9  }
0x1b4: {  	v4 =	vld [tilespmem:s31+$0xE0];
	v14 =	vmul.f32 v47, v24;
	[tilespmem:s30+$0xFFFFFFF0] =	vst v16;
	v2 =	vadd.f32 v2, v42  }
0x1b5: {  	v13 =	vadd.f32 v13, v55;
	v0 =	vmul.f32 v47, v0;
	[tilespmem:s30+$0xFFFFFFB0] =	vst v17;
	v1 =	vadd.f32 v1, v6;
	v6 =	vld [tilespmem:$0x1FED0]  }
0x1b6: {  	v42 =	vmul.f32 v51, v20;
	v20 =	vld [tilespmem:s0+$0xE0];
	v9 =	vmov v41;
	[tilespmem:s30+$0xFFFFFFE0] =	vst v14;
	v2 =	vadd.f32 v48, v2  }
0x1b7: {  	v11 =	vadd.f32 v11, v59;
	v41 =	vadd.f32 v58, v63;
	[tilespmem:$0x1FEB0] =	vst v9;
	v9 =	vld [tilespmem:$0x20]  }
0x1b8: {  	v58 =	vmul.f32 $2.000000030e-01, v40;
	v7 =	vmovc v43;
	[tilespmem:s30+$0xFFFFFFC0] =	vst v0;
	v48 =	vmul.f32 v51, v22;
	v22 =	vld [tilespmem:s0+$0xF0];
	v14 =	vadd.f32 v5, v2  }
0x1b9: {  	v27 =	vmovc v44;
	v15 =	vnsel vm0, $0x0, v47;
	v0 =	vmul.f32 v51, v25;
	[tilespmem:$0x1FEC0] =	vst v7;
	v44 =	vmul.f32 $2.000000030e-01, v11;
	v5 =	vld [tilespmem:$0x1FEE0]  }
0x1ba: {  	v19 =	vmovc v50;
	[tilespmem:s30+$0x40] =	vst v42;
	v12 =	vadd.f32 v12, v62;
	(xrf2) =	vadd.scan.msk.f32 $0xffff, v14;
	v47 =	vmul.f32 v51, v6;
	v6 =	vld [tilespmem:s31+$0xF0]  }
0x1bb: {  	v38 =	vld [tilespmem:$0x60];
	v24 =	vmovc v45;
	v10 =	vadd.f32 v10, v61;
	v25 =	vmovc v46;
	v50 =	vmul.f32 $2.000000030e-01, v41;
	[tilespmem:s30+$0x10] =	vst v0;
	v0 =	vmul.f32 $2.000000030e-01, v13  }
0x1bc: {  	v37 =	vld [tilespmem:$0x50];
	v11 =	vmax.f32 v11, v44;
	v45 =	vadd.f32 v20, v4;
	v46 =	vmul.f32 $2.000000030e-01, v12;
	v2, _, _ =	vpop (xrf2);
	(xrf2) =	vadd.scan.msk.f32 $0xffff, v1  }
0x1bd: {  	v35 =	vld [tilespmem:$0x70];
	[tilespmem:s2+$0xFFFFFF80] =	vst v15;
	v0 =	vmax.f32 v13, v0;
	v11 =	vmul.f32 v11, v9;
	v2 =	vmul.f32 $1.442695020e+00, v2  }
0x1be: {  	v21 =	vmovc v52;
	v23 =	vmovc v49;
	v7 =	vld [tilespmem:$0x10];
	[tilespmem:s30+$0x60] =	vst v48;
	v13 =	vmax.f32 v41, v50;
	v1 =	vmul.f32 $2.000000030e-01, v10;
	v52 =	vmul.f32 $2.000000030e-01, v45  }
0x1bf: {  	v43 =	vld [tilespmem:s0+$0xFFFFFF80];
	v0 =	vmul.f32 v0, v26;
	v14 =	vmovc v60;
	v5 =	vmul.f32 v51, v5;
	v49 =	vadd.f32 v22, v6  }
0x1c0: {  	[tilespmem:$0x1FED0] =	vst v14;
	v1 =	vmax.f32 v10, v1;
	v10 =	vmax.f32 v12, v46;
	v12 =	vld [tilespmem:s31+$0xFFFFFF10];
	v50 =	vmax.f32 v45, v52  }
0x1c1: {  	v51 =	vnsel vm0, $0x0, v51;
	v14 =	vmul.f32 v13, v37;
	[tilespmem:s30+$0x70] =	vst v5;
	v5 =	vld [tilespmem:s0+$0xFFFFFF10];
	v22 =	vmovc v3;
	v3 =	vmovc v8;
	v8 =	vmul.f32 $2.000000030e-01, v49  }
0x1c2: {  	v45 =	vld [tilespmem:s31+$0xFFFFFF20];
	v2 =	vbroadcast v2, $0xF;
	v1 =	vmul.f32 v1, v39;
	[tilespmem:$0x1FEE0] =	vst v3;
	v3 =	vmax.f32 v40, v58  }
0x1c3: {  	[tilespmem:s30+$0x50] =	vst v47;
	v52 =	vld [tilespmem:s0+$0xFFFFFF20];
	v10 =	vmul.f32 v10, v36;
	v3 =	vmul.f32 v3, v7;
	v8 =	vmax.f32 v49, v8  }
0x1c4: {  	v46 =	vld [tilespmem:s31+$0xFFFFFF30];
	[tilespmem:s2+$0x0] =	vst v51;
	v1 =	vadd.f32 v1, v11;
	v40 =	vmul.f32 v50, v38;
	v51, _, _ =	vpop (xrf2);
	v8 =	vmul.f32 v8, v35  }
0x1c5: {  	v20 =	vmovc v54;
	v11 =	vld [tilespmem:s0+$0xFFFFFF30];
	v10 =	vadd.f32 v14, v10;
	v0 =	vadd.f32 v3, v0;
	v3 =	vmul.f32 $1.442695020e+00, v51  }
0x1c6: {  	v54 =	vld [tilespmem:s0+$0xFFFFFF70];
	(erf) = vpow2.f32 v2;
	v5 =	vadd.f32 v5, v12;
	v13, _, _ =	vpop (xrf2);
	v8 =	vadd.f32 v8, v40  }
0x1c7: {  	v49 =	vld [tilespmem:s31+$0xFFFFFF40];
	v13 =	vmul.f32 $1.442695020e+00, v13;
	v0 =	vadd.f32 v1, v0;
	v3 =	vbroadcast v3, $0xF  }
0x1c8: {  	v50 =	vld [tilespmem:s31+$0xFFFFFF50];
	v2 =	vmul.f32 $2.000000030e-01, v5;
	v1 =	vadd.f32 v8, v10;
	v8 =	vadd.f32 v52, v45  }
0x1c9: {  	v10 =	vbroadcast v13, $0xF;
	v13 =	vld [tilespmem:s0+$0xFFFFFF50];
	(erf) = vpow2.f32 v3  }
0x1ca: {  	v2 =	vmax.f32 v5, v2;
	v5 =	vadd.f32 v11, v46;
	v11 =	vld [tilespmem:s0+$0xFFFFFF60];
	v3 =	vmul.f32 $2.000000030e-01, v8  }
0x1cb: {  	v1 =	vadd.f32 v1, v0;
	v0 =	vld [tilespmem:s31+$0xFFFFFF60];
	(erf) = vpow2.f32 v10  }
0x1cc: {  	v41 =	vld [tilespmem:s31+$0xFFFFFF80];
	v10 =	vadd.f32 v53, v49;
	v3 =	vmax.f32 v8, v3;
	v8 =	vmul.f32 $2.000000030e-01, v5  }
0x1cd: {  	v14 =	vld [tilespmem:$0x1FEF0];
	(xrf2) =	vadd.scan.msk.f32 $0xffff, v1  }
0x1ce: {  	v15 =	vmovc v12;
	v1 =	vld [tilespmem:s31+$0xFFFFFF70];
	v13 =	vadd.f32 v13, v50;
	v5 =	vmax.f32 v5, v8;
	v8 =	vmul.f32 $2.000000030e-01, v10  }
0x1cf: {  	[tilespmem:$0x1FEF0] =	vst v15;
	v15 =	vld [tilespmem:$0x1FF00];
	v3 =	vmul.f32 v3, v9;
	v5 =	vmul.f32 v5, v39  }
0x1d0: {  	v42 =	vld [tilespmem:s31+$0xFFFFFF90];
	v47 =	vpop (erf);
	v11 =	vadd.f32 v11, v0;
	v8 =	vmax.f32 v10, v8;
	v10 =	vmul.f32 $2.000000030e-01, v13  }
0x1d1: {  	v40 =	vld [tilespmem:s31+$0xFFFFFFA0];
	v2 =	vmul.f32 v2, v7;
	v48 =	vadd.f32 v5, v3;
	v5 =	vmul.f32 v47, v34  }
0x1d2: {  	s30 =	smov.u32 s15;
	v8 =	vmul.f32 v8, v36;
	v3 =	vld [tilespmem:s0+$0xFFFFFF90];
	v52 =	vpop (erf);
	v10 =	vmax.f32 v13, v10;
	v13 =	vmul.f32 $2.000000030e-01, v11  }
0x1d3: {  	v44 =	vadd.f32 v54, v1;
	v54 =	vld [tilespmem:s0+$0xFFFFFFA0];
	v56 =	vmul.f32 v52, v56;
	v60 =	vmul.f32 v10, v37;
	[tilespmem:s30+$0xFFFFFF80] =	vst v5  }
0x1d4: {  	v17 =	vmovc v46;
	v34 =	vmov v41;
	v15 =	vmul.f32 v52, v15;
	v46 =	vmul.f32 v52, v33;
	v41 =	vld [tilespmem:s31+$0xFFFFFFB0]  }
0x1d5: {  	v5 =	vmax.f32 v11, v13;
	v11 =	vmul.f32 $2.000000030e-01, v44;
	v13 =	vadd.f32 v43, v34;
	v53 =	vld [tilespmem:s0+$0xFFFFFFB0]  }
0x1d6: {  	v58 =	vld [tilespmem:s0+$0xFFFFFF00];
	[tilespmem:s30+$0xFFFFFF00] =	vst v56;
	v56 =	vmul.f32 v52, v14;
	v5 =	vmul.f32 v5, v38  }
0x1d7: {  	v43 =	vld [tilespmem:s31+$0xFFFFFFC0];
	v8 =	vadd.f32 v60, v8;
	v14 =	vmul.f32 $2.000000030e-01, v13;
	v3 =	vadd.f32 v3, v42;
	v60, _, _ =	vpop (xrf2)  }
0x1d8: {  	v12 =	vld [tilespmem:s0+$0xFFFFFFC0];
	v11 =	vmax.f32 v44, v11;
	[tilespmem:s30+$0xFFFFFF10] =	vst v56;
	v56 =	vmul.f32 v52, v30;
	v60 =	vmul.f32 $1.442695020e+00, v60  }
0x1d9: {  	v54 =	vadd.f32 v54, v40;
	v44 =	vld [tilespmem:s31+$0xFFFFFFD0];
	v11 =	vmul.f32 v11, v35;
	v16 =	vmul.f32 $2.000000030e-01, v3  }
0x1da: {  	v13 =	vmax.f32 v13, v14;
	v14 =	vld [tilespmem:s0+$0xFFFFFFD0];
	v53 =	vadd.f32 v53, v41;
	v60 =	vbroadcast v60, $0xF  }
0x1db: {  	v33 =	vmov v49;
	v49 =	vld [tilespmem:s31+$0xFFFFFFF0];
	v51 =	vpop (erf);
	[tilespmem:s30+$0xFFFFFF20] =	vst v56;
	v56 =	vmul.f32 $2.000000030e-01, v54;
	v5 =	vadd.f32 v11, v5  }
0x1dc: {  	v30 =	vmovc v45;
	v45 =	vld [tilespmem:s31+$0xFFFFFFE0];
	v3 =	vmax.f32 v3, v16;
	v16 =	vmul.f32 $2.000000030e-01, v53;
	(erf) = vpow2.f32 v60  }
0x1dd: {  	v11 =	vmul.f32 v13, v26;
	v13 =	vld [tilespmem:s0+$0xFFFFFFE0];
	v12 =	vadd.f32 v12, v43;
	v3 =	vmul.f32 v3, v7  }
0x1de: {  	[tilespmem:s30+$0xFFFFFF30] =	vst v15;
	v15 =	vmax.f32 v54, v56;
	v5 =	vadd.f32 v5, v8;
	v16 =	vmax.f32 v53, v16;
	v53 =	vld [tilespmem:s31+$0x0]  }
0x1df: {  	v8 =	vmul.f32 v15, v9;
	v14 =	vadd.f32 v14, v44;
	v3 =	vadd.f32 v3, v11;
	v11 =	vld [tilespmem:s0+$0x0]  }
0x1e0: {  	[tilespmem:s30+$0xFFFFFF40] =	vst v46;
	v15 =	vld [tilespmem:s0+$0xFFFFFFF0];
	v46 =	vmul.f32 $2.000000030e-01, v12;
	v16 =	vmul.f32 v16, v39  }
0x1e1: {  	v60 =	vmul.f32 v52, v32;
	v32 =	vmov v50;
	v50 =	vmul.f32 $2.000000030e-01, v14  }
0x1e2: {  	v54 =	vld [tilespmem:s31+$0x40];
	v12 =	vmax.f32 v12, v46;
	v13 =	vadd.f32 v13, v45;
	v8 =	vadd.f32 v16, v8  }
0x1e3: {  	v46 =	vld [tilespmem:s31+$0x10];
	v12 =	vmul.f32 v12, v36;
	[tilespmem:s30+$0xFFFFFF50] =	vst v60;
	v60 =	vmul.f32 v52, v29;
	v14 =	vmax.f32 v14, v50  }
0x1e4: {  	v29 =	vmovc v0;
	v16 =	vld [tilespmem:s0+$0x10];
	v0 =	vadd.f32 v8, v3;
	v8 =	vmul.f32 v52, v31;
	v11 =	vadd.f32 v11, v53  }
0x1e5: {  	[tilespmem:$0x1FF00] =	vst v17;
	v56 =	vmul.f32 $2.000000030e-01, v13;
	v15 =	vadd.f32 v15, v49;
	v50 =	vld [tilespmem:s31+$0x20];
	v14 =	vmul.f32 v14, v37;
	v17 =	vpop (erf)  }
0x1e6: {  	v10 =	vnsel vm0, $0x0, v52;
	v3 =	vld [tilespmem:s0+$0x20];
	[tilespmem:s30+$0xFFFFFF70] =	vst v8;
	v8 =	vmul.f32 $2.000000030e-01, v11;
	v55 =	vmul.f32 v17, v55  }
0x1e7: {  	[tilespmem:s30+$0xFFFFFF60] =	vst v60;
	v60 =	vmul.f32 $2.000000030e-01, v15;
	v52 =	vld [tilespmem:s31+$0x30];
	v31 =	vmovc v1;
	v1 =	vadd.f32 v14, v12;
	v14 =	vmul.f32 v17, v57  }
0x1e8: {  	v13 =	vmax.f32 v13, v56;
	v12 =	vld [tilespmem:s0+$0x30];
	v56 =	vmul.f32 v17, v59;
	v8 =	vmax.f32 v11, v8;
	[tilespmem:s31+$0x80] =	vst v55  }
0x1e9: {  	v16 =	vadd.f32 v16, v46;
	v11 =	vmul.f32 v17, v63;
	v59 =	vmul.f32 v8, v26;
	v8 =	vld [tilespmem:s31+$0x70];
	[tilespmem:s31+$0x90] =	vst v14  }
0x1ea: {  	v55 =	vmul.f32 v13, v38;
	v13 =	vmax.f32 v15, v60;
	v15 =	vld [tilespmem:s0+$0x40];
	v14 =	vmul.f32 v17, v61;
	[tilespmem:s31+$0xA0] =	vst v56  }
0x1eb: {  	s12 =	sadd.s32 $0x4, s12;
	v57 =	vmul.f32 $2.000000030e-01, v16;
	v61 =	vadd.f32 v3, v50;
	v60 =	vld [tilespmem:s31+$0x50];
	v56 =	vmul.f32 v17, v62;
	[tilespmem:s31+$0xD0] =	vst v11  }
0x1ec: {  	p2 =	slt.u32 s12, $0x5C;
	v4 =	vmul.f32 v17, v4;
	v62 =	vmul.f32 v13, v35;
	v13 =	vld [tilespmem:s0+$0x50];
	[tilespmem:s31+$0xB0] =	vst v14  }
.Ltmp3:
0x1ed: {  	v3 =	vld [tilespmem:s31+$0x60];
	v12 =	vadd.f32 v12, v52;
	v14 =	vmul.f32 $2.000000030e-01, v61;
	[tilespmem:s31+$0xC0] =	vst v56;
	v56 =	vmax.f32 v16, v57;
	(pc) =	sbr.rel @p2 .LBB2_9-.Ltmp3, $4  }
0x1ee: {  	v11 =	vmul.f32 v17, v6;
	[tilespmem:s31+$0xE0] =	vst v4;
	v57 =	vld [tilespmem:s0+$0x60];
	v4 =	vmul.f32 v56, v7  }
0x1ef: {  	v7 =	vld [tilespmem:s0+$0x70];
	v6 =	vmax.f32 v61, v14;
	v14 =	vmul.f32 $2.000000030e-01, v12;
	v61 =	vadd.f32 v15, v54  }
0x1f0: {  	v17 =	vnsel vm0, $0x0, v17;
	v16 =	vmov v27;
	[tilespmem:s31+$0xF0] =	vst v11;
	v56 =	vld [tilespmem:s31+$0xFFFFFF00];
	v6 =	vmul.f32 v6, v9  }
0x1f1: {  	s15 =	smov.u32 s31;
	s2 =	smov.u32 s6;
	s6 =	smov.u32 s0;
	[tilespmem:s0+$0x80] =	vst v17;
	v15 =	vmovc v28;
	v63 =	vmax.f32 v12, v14;
	v14 =	vld [tilespmem:$0x1FEA0];
	v9 =	vadd.f32 v13, v60;
	v11 =	vmul.f32 $2.000000030e-01, v61  }
0x1f2: {  	_ =	sdelay $0x1  }
0x1f3: {  	v62 =	vadd.f32 v62, v55  }
0x1f4: {  	v12 =	vadd.f32 v58, v56  }
0x1f5: {  	v28 =	vmul.f32 v63, v39;
	v1 =	vadd.f32 v62, v1  }
0x1f6: {  	v63 =	vmul.f32 v47, v16;
	v13 =	vmul.f32 $2.000000030e-01, v12  }
0x1f7: {  	v16 =	vmul.f32 v51, v25;
	v17 =	vadd.f32 v57, v3;
	v0 =	vadd.f32 v1, v0  }
0x1f8: {  	[tilespmem:s2+$0xFFFFFF00] =	vst v10;
	v57 =	vmul.f32 v47, v15;
	v55 =	vmul.f32 v47, v14;
	v12 =	vmax.f32 v12, v13  }
0x1f9: {  	v11 =	vmax.f32 v61, v11;
	(xrf2) =	vadd.scan.msk.f32 $0xffff, v0;
	v12 =	vmul.f32 v12, v26;
	v26 =	vmul.f32 $2.000000030e-01, v9  }
0x1fa: {  	v15 =	vmul.f32 v51, v18;
	v18 =	vmul.f32 v51, v21;
	v27 =	vadd.f32 v7, v8;
	v58 =	vld [tilespmem:$0x1FEB0];
	[tilespmem:s30+$0xFFFFFF90] =	vst v55  }
0x1fb: {  	v39 =	vmul.f32 $2.000000030e-01, v17;
	v61 =	vld [tilespmem:$0x1FEC0];
	[tilespmem:s30+$0xFFFFFFA0] =	vst v57;
	v2 =	vadd.f32 v2, v12;
	v1 =	vmax.f32 v9, v26  }
0x1fc: {  	v11 =	vmul.f32 v11, v36;
	[tilespmem:s30+$0xFFFFFFD0] =	vst v63;
	v1 =	vmul.f32 v1, v37  }
0x1fd: {  	v0 =	vmax.f32 v17, v39;
	[tilespmem:s30+$0x0] =	vst v15;
	v2 =	vadd.f32 v48, v2;
	v48 =	vmul.f32 $2.000000030e-01, v27  }
0x1fe: {  	v17 =	vmul.f32 v51, v19;
	v0 =	vmul.f32 v0, v38;
	[tilespmem:s30+$0x10] =	vst v16;
	v1 =	vadd.f32 v1, v11  }
0x1ff: {  	[tilespmem:s30+$0x30] =	vst v18;
	v11 =	vmul.f32 v47, v24;
	v13 =	vadd.f32 v5, v2;
	v2 =	vmax.f32 v27, v48  }
0x200: {  	[tilespmem:s30+$0x20] =	vst v17;
	v5 =	vadd.f32 v28, v6;
	v6 =	vmul.f32 v47, v58;
	v2 =	vmul.f32 v2, v35  }
0x201: {  	[tilespmem:s30+$0xFFFFFFE0] =	vst v11;
	(xrf2) =	vadd.scan.msk.f32 $0xffff, v13;
	v13 =	vmul.f32 v47, v23  }
0x202: {  	[tilespmem:s30+$0xFFFFFFB0] =	vst v6;
	v0 =	vadd.f32 v2, v0;
	v2 =	vmul.f32 v47, v61  }
0x203: {  	v4 =	vadd.f32 v4, v59;
	v59, _, _ =	vpop (xrf2);
	[tilespmem:s30+$0xFFFFFFF0] =	vst v13  }
0x204: {  	v14 =	vnsel vm0, $0x0, v47;
	v7 =	vmul.f32 $1.442695020e+00, v59;
	[tilespmem:s30+$0xFFFFFFC0] =	vst v2  }
0x205: {  	[tilespmem:s2+$0xFFFFFF80] =	vst v14  }
0x206: {  	v0 =	vadd.f32 v0, v1;
	v12 =	vbroadcast v7, $0xF;
	v1 =	vld [tilespmem:$0x1FED0];
	_ =	sdelay $0x1  }
0x207: {  	(erf) = vpow2.f32 v12;
	_ =	sdelay $0x1  }
0x208: {  	v19 =	vmul.f32 v51, v20  }
0x209: {  	v1 =	vmul.f32 v51, v1  }
0x20a: {  	[tilespmem:s30+$0x40] =	vst v19;
	v62, _, _ =	vpop (xrf2)  }
0x20b: {  	v10 =	vmul.f32 $1.442695020e+00, v62;
	[tilespmem:s30+$0x50] =	vst v1  }
0x20c: {  	v1 =	vld [tilespmem:$0x1FEE0]  }
0x20d: {  	v4 =	vadd.f32 v5, v4;
	v6 =	vbroadcast v10, $0xF;
	_ =	sdelay $0x1  }
0x20e: {  	v20 =	vmul.f32 v51, v22;
	v0 =	vadd.f32 v0, v4;
	v21 =	vpop (erf);
	(erf) = vpow2.f32 v6  }
0x20f: {  	v23 =	vmul.f32 v21, v34  }
0x210: {  	(xrf2) =	vadd.scan.msk.f32 $0xffff, v0;
	[tilespmem:s30+$0x60] =	vst v20;
	v1 =	vmul.f32 v51, v1  }
0x211: {  	[tilespmem:s15+$0xFFFFFF80] =	vst v23  }
0x212: {  	v22 =	vnsel vm0, $0x0, v51;
	[tilespmem:s30+$0x70] =	vst v1  }
0x213: {  	[tilespmem:s2+$0x0] =	vst v22  }
0x214: {  	v1 =	vld [tilespmem:$0x1FEF0];
	_ =	sdelay $0x2  }
0x215: {  	v24 =	vpop (erf)  }
0x216: {  	v25 =	vmul.f32 v24, v56  }
0x217: {  	v1 =	vmul.f32 v24, v1  }
0x218: {  	v26, _, _ =	vpop (xrf2);
	v27 =	vmul.f32 v24, v30;
	[tilespmem:s15+$0xFFFFFF00] =	vst v25  }
0x219: {  	v28 =	vmul.f32 $1.442695020e+00, v26;
	v34 =	vmul.f32 v24, v33;
	[tilespmem:s15+$0xFFFFFF10] =	vst v1  }
0x21a: {  	v35 =	vmul.f32 v24, v32;
	v30 =	vld [tilespmem:$0x1FF00];
	[tilespmem:s15+$0xFFFFFF20] =	vst v27  }
0x21b: {  	v36 =	vmul.f32 v24, v29;
	v1 =	vbroadcast v28, $0xF;
	[tilespmem:s15+$0xFFFFFF40] =	vst v34  }
0x21c: {  	v37 =	vmul.f32 v24, v31;
	[tilespmem:s15+$0xFFFFFF50] =	vst v35  }
0x21d: {  	v39 =	vmul.f32 v21, v42;
	[tilespmem:s15+$0xFFFFFF60] =	vst v36;
	(erf) = vpow2.f32 v1  }
0x21e: {  	v40 =	vmul.f32 v21, v40;
	[tilespmem:s15+$0xFFFFFF70] =	vst v37  }
0x21f: {  	v41 =	vmul.f32 v21, v41;
	[tilespmem:s15+$0xFFFFFF90] =	vst v39  }
0x220: {  	v42 =	vmul.f32 v21, v43;
	[tilespmem:s15+$0xFFFFFFA0] =	vst v40  }
0x221: {  	v43 =	vmul.f32 v21, v44;
	[tilespmem:s15+$0xFFFFFFB0] =	vst v41  }
0x222: {  	v44 =	vmul.f32 v21, v45;
	[tilespmem:s15+$0xFFFFFFC0] =	vst v42  }
0x223: {  	v45 =	vmul.f32 v21, v49;
	[tilespmem:s15+$0xFFFFFFD0] =	vst v43  }
0x224: {  	[tilespmem:s15+$0xFFFFFFE0] =	vst v44  }
0x225: {  	v0 =	vnsel vm0, $0x0, v21;
	[tilespmem:s15+$0xFFFFFFF0] =	vst v45;
	v2 =	vmul.f32 v24, v30  }
0x226: {  	[tilespmem:s6+$0xFFFFFF80] =	vst v0;
	v47 =	vpop (erf)  }
0x227: {  	v38 =	vnsel vm0, $0x0, v24;
	[tilespmem:s15+$0xFFFFFF30] =	vst v2;
	v48 =	vmul.f32 v47, v53  }
0x228: {  	[tilespmem:s6+$0xFFFFFF00] =	vst v38;
	v49 =	vmul.f32 v47, v46  }
0x229: {  	v51 =	vmul.f32 v47, v50;
	[tilespmem:s15+$0x0] =	vst v48  }
0x22a: {  	v52 =	vmul.f32 v47, v52;
	[tilespmem:s15+$0x10] =	vst v49  }
0x22b: {  	v53 =	vmul.f32 v47, v54;
	[tilespmem:s15+$0x20] =	vst v51  }
0x22c: {  	v54 =	vmul.f32 v47, v60;
	[tilespmem:s15+$0x30] =	vst v52  }
0x22d: {  	v55 =	vmul.f32 v47, v3;
	[tilespmem:s15+$0x40] =	vst v53  }
0x22e: {  	v56 =	vmul.f32 v47, v8;
	[tilespmem:s15+$0x50] =	vst v54  }
0x22f: {  	[tilespmem:s15+$0x60] =	vst v55  }
0x230: {  	v1 =	vnsel vm0, $0x0, v47;
	[tilespmem:s15+$0x70] =	vst v56  }
0x231: {  	[tilespmem:s6+$0x0] =	vst v1  }
0x232: {  	[spmem:s3] =	stream.indirect.scatter.add.f32 [tilespmem:s24], [sflag:$0x3], $0x80, s21, s23, $0xb8;
	[tilespmem:$0x1F780] =	vst v63  }
0x233: {  	_ =	swait.ge [sflag:s19], $0x3000  }
0x234: {  	v57 =	vlaneseq.u32;
	[sflag:s19] =	ssyncset.done $0x0  }
0x235: {  	v0 =	vmul.u32 $0x80, v57;
	[sflag:s19] =	ssyncadd.s32 $0xFFFFD000  }
0x236: {  	v58 =	vld [tilespmem:$0x100];
	_ =	sdelay $0x4  }
0x237: {  	v59 =	vld.idx.msk [tilespmem:v0+s28+$0x0], $0xffff;
	v1 =	vshll.u32 v58, $0x1;
	_ =	sdelay $0x4  }
0x238: {  	[tilespmem:v1+s29+$0x0] =	vst.idx.add.f32.msk $0xffff, v59  }
0x239: {  	v60 =	vor.u32 $0x800, v0;
	v1 =	vld [tilespmem:$0x110];
	_ =	sdelay $0x4  }
0x23a: {  	v2 =	vld.idx.msk [tilespmem:v60+s28+$0x0], $0xffff;
	v1 =	vshll.u32 v1, $0x1;
	_ =	sdelay $0x4  }
0x23b: {  	[tilespmem:v1+s29+$0x0] =	vst.idx.add.f32.msk $0xffff, v2  }
0x23c: {  	v61 =	vor.u32 $0x1000, v0;
	v1 =	vld [tilespmem:$0x120];
	_ =	sdelay $0x4  }
0x23d: {  	v2 =	vld.idx.msk [tilespmem:v61+s28+$0x0], $0xffff;
	v1 =	vshll.u32 v1, $0x1;
	_ =	sdelay $0x4  }
0x23e: {  	[tilespmem:v1+s29+$0x0] =	vst.idx.add.f32.msk $0xffff, v2  }
0x23f: {  	v62 =	vor.u32 $0x1800, v0;
	v1 =	vld [tilespmem:$0x130];
	_ =	sdelay $0x4  }
0x240: {  	v2 =	vld.idx.msk [tilespmem:v62+s28+$0x0], $0xffff;
	v1 =	vshll.u32 v1, $0x1;
	_ =	sdelay $0x4  }
0x241: {  	[tilespmem:v1+s29+$0x0] =	vst.idx.add.f32.msk $0xffff, v2  }
0x242: {  	v63 =	vor.u32 $0x2000, v0;
	v1 =	vld [tilespmem:$0x140];
	_ =	sdelay $0x4  }
0x243: {  	v2 =	vld.idx.msk [tilespmem:v63+s28+$0x0], $0xffff;
	v1 =	vshll.u32 v1, $0x1;
	_ =	sdelay $0x4  }
0x244: {  	[tilespmem:v1+s29+$0x0] =	vst.idx.add.f32.msk $0xffff, v2  }
0x245: {  	v0 =	vor.u32 $0x2800, v0;
	v1 =	vld [tilespmem:$0x150];
	_ =	sdelay $0x3  }
0x246: {  	s17 =	sadd.s32 $0x1, s17  }
0x247: {  	p2 =	sne.s32 s17, $0x6C;
	v0 =	vld.idx.msk [tilespmem:v0+s28+$0x0], $0xffff;
	v1 =	vshll.u32 v1, $0x1  }
.Ltmp4:
0x248: {  	_ = 	snop;
	(pc) =	sbr.rel @p2 .LBB2_8-.Ltmp4, $2  }
0x249: {  	_ =	sdelay $0x2  }
0x24a: {  	[tilespmem:v1+s29+$0x0] =	vst.idx.add.f32.msk $0xffff, v0  }
0x24b: {  	[bflag:$0x0] =	sbarrier.arrive $0xFFFF;
	s0 =	simm.s32 $0xB580  }
0x24c: {  	[spmem:s4] =	stream.indirect.scatter.add.f32 [tilespmem:s29], [sflag:$0x3], $0x80, s0, s20, $0xb8;
	[tilespmem:$0x1F780] =	vst v63  }
0x24d: {  	_ =	swait.ge [sflag:s19], $0x4000  }
0x24e: {  	s15 =	simm.s32 $0x20;
	[sflag:s19] =	ssyncset.done $0x0  }
0x24f: {  	s2 =	simm.s32 $0xB600;
	s6 =	simm.s32 $0xA580;
	[sflag:s19] =	ssyncadd.s32 $0xFFFFC000  }
0x250: {  	[spmem:s4] =	stream.indirect.scatter.add.f32 [tilespmem:s6], [sflag:$0x3], $0x80, s2, s15, $0xb8;
	[tilespmem:$0x1F780] =	vst v63  }
0x251: {  	_ =	swait.ge [sflag:s19], $0x1000  }
0x252: {  	[sflag:s19] =	ssyncset.done $0x0  }
0x253: {  	s17 =	stileid.u32;
	[sflag:s19] =	ssyncadd.s32 $0xFFFFF000  }
0x254: {  	s0 =	sshll.u32 s17, $0x6;
	[bflag:$0x0] =	sbarrier.arrive $0xFFFF  }
0x255: {  	s30 =	sshrl.u32 s10, $0x3;
	s0 =	sor.u32 $0x1C03, s0;
	s31 =	rddreg [dreg:$0x6]  }
0x256: {  	[hbm:s31], [sflag:s0] =	dma.local [spmem:s30], $0x2780  }
0x257: {  	_ =	swait.ge [sflag:s19], $0x2780  }
0x258: {  	s16 =	sadd.s32 $0x1, s16;
	[sflag:s19] =	ssyncset.done $0x0  }
0x259: {  	p2 =	sne.s32 s16, s14;
	[sflag:s19] =	ssyncadd.s32 $0xFFFFD880  }
0x25a: {  	[hbm:s13], [sflag:s0] =	dma.local @!p1 [spmem:s25], $0x100  }
.Ltmp5:
0x25b: {  	_ = 	snop;
	(pc) =	sbr.rel @p2 .LBB2_1-.Ltmp5, $4  }
0x25c: {  	s0 =	simm.s32 @!p1 $0x3  }
0x25d: {  	_ =	swait.ge @!p1 [sflag:s0], $0x100  }
0x25e: {  	[sflag:s0] =	ssyncset.done @!p1 $0x0  }
0x25f: {  	v1 =	vimm.f32 $0.0e+00;
	[sflag:s0] =	ssyncadd.s32 @!p1 $0xFFFFFF00  }
0x260: {  	_ =	sfence.sel $0x180000  }
0x261: {  	[bflag:$0x0] =	sbarrier.arrive $0xFFFF  }
0x262: {  	_ =	strace $0x9000004A  }
0x263: {  	[bflag:$0x2] =	sbarrier.arrive $0xFFFF  }
0x264: {  	s0 =	rddreg [dreg:$0x5]  }
0x265: {  	s0 =	sadd.s32 @!p0 $0x100000, s0  }
0x266: {  	[sflag:s0] =	ssyncadd.tile.s32 @!p0 $0x1;
	_ =	shalt  }
.Lfunc_end2:
_tile_overlayer_lowered:
.L_overlay_start_2:
0x267: {  	(tag) =	ssettag $0x2  }
0x268: {  	s0 =	rddreg [dreg:$0x0];
	s2 =	stileid.u32  }
0x269: {  	s1 =	rddreg [dreg:$0x1];
	p0 =	sne.s32 s2, $0x0  }
0x26a: {  	s3 =	rddreg [dreg:$0x2];
	[bflag:$0x3] =	sbarrier.arrive $0xFFFF;
	s2 =	simm.s32 @!p0 $0x1C03  }
0x26b: {  	[timem:s3], [sflag:s2] =	dma.local @!p0 [hbm:s0], s1  }
0x26c: {  	s0 =	simm.s32 @!p0 $0x3  }
0x26d: {  	_ =	swait.ge @!p0 [sflag:s0], s1  }
0x26e: {  	s1 =	ssub.s32 @!p0 $0x0, s1;
	[sflag:s0] =	ssyncset.done @!p0 $0x0  }
0x26f: {  	[sflag:s0] =	ssyncadd.s32 @!p0 s1  }
0x270: {  	[bflag:$0x3] =	sbarrier.arrive $0xFFFF  }
0x271: {  	_ =	shalt  }

// kernel: gat_edge_pass_h2.3.cloned.1.call-start
scs
__scs_entry_jumppad:
0x0: {  	(pc) =	sbr.rel $0x88, $3  }
0x1: {  	(tag) =	ssettag $0x0;
	lr =	simm.s32 $0x1  }
0x2: {  	[smem:$0x3F95] =	sst lr;
	_ =	strace $0xD0000000  }
0x3: {  	_ = 	snop  }
0x4: {  	_ = 	snop  }
0x5: {  	_ = 	snop  }
0x6: {  	_ = 	snop  }
0x7: {  	_ = 	snop  }
__scs_overlays_trampoline_lowered:
0x8: {  	[smem:$0x3FA4] =	sst s0  }
0x9: {  	[smem:$0x3FA5] =	sst s1  }
0xa: {  	[smem:$0x3FA6] =	sst s2  }
0xb: {  	[smem:$0x3FA7] =	sst s3  }
0xc: {  	[smem:$0x3FA8] =	sst s4  }
0xd: {  	[smem:$0x3FA9] =	sst s5  }
0xe: {  	[smem:$0x3FAA] =	sst s6  }
0xf: {  	[smem:$0x3FAB] =	sst s7  }
0x10: {  	[smem:$0x3FAC] =	sst s8  }
0x11: {  	[smem:$0x3FAD] =	sst s9;
	s0 =	simm.s32 @!p0 $0x0  }
0x12: {  	s1 =	sld [smem:$0x3F93];
	s0 =	simm.s32 @p0 $0x1  }
0x13: {  	[smem:$0x3FAE] =	sst s0;
	s0 =	simm.s32 @!p1 $0x0  }
0x14: {  	s2 =	sld [smem:$0x3F92];
	s0 =	simm.s32 @p1 $0x1  }
0x15: {  	[smem:$0x3FAF] =	sst s0;
	s0 =	simm.s32 @!p2 $0x0  }
0x16: {  	s3 =	sld [smem:$0x3FDB];
	s0 =	simm.s32 @p2 $0x1  }
0x17: {  	s4 =	simm.s32 $0x1BF5;
	[smem:$0x3FB1] =	sst s0  }
0x18: {  	s0 =	sld [smem:$0x3F94];
	_ =	swait.ge [sflag:s4], $0x0  }
0x19: {  	s7 =	sld [smem:$0x3F95]  }
0x1a: {  	s8 =	sadd.s32 $0xFFFFE003, lr  }
0x1b: {  	s9 =	sadd.s32 $0xFFFFFEF7, lr;
	s5 =	simm.s32 $0xFFFFFFFF;
	p2 =	slt.u32 s8, $0xFFFFF086  }
0x1c: {  	p1 =	slt.u32 s9, $0xF7A;
	s5 =	simm.s32 @!p2 $0x0  }
0x1d: {  	s5 =	simm.s32 @p1 $0x1;
	p0 =	seq.s32 s7, s2  }
0x1e: {  	s7 =	smul.u32 @!p0 $0xF7A, s2;
	p2 =	seq.s32 @!p0 s5, $0x0  }
0x1f: {  	s9 =	smul.u32 $0xF7A, s1;
	s8 =	simm.s32 @!p0 $0x1BF5;
	p2 =	por !p2, p0  }
0x20: {  	[sflag:s8] =	ssyncset.s32 @!p0 $0xFFFFF086;
	s6 =	sadd.s32 @!p0 s3, s7;
	s7 =	simm.s32 @!p0 $0x108  }
0x21: {  	s3 =	sadd.s32 s3, s9;
	s6 =	sadd.s32 @!p0 $0x88, s6;
	s7 =	simm.s32 @p2 $0x1082  }
0x22: {  	[simem:s7], [sflag:s8] =	dma.local @!p0 [hbm:s6], $0xF7A  }
0x23: {  	s9 =	sor.u32 $0xD0000000, s2;
	s6 =	simm.s32 $0x108;
	_ =	swait.ge @!p0 [sflag:s8], $0x0  }
0x24: {  	s3 =	sadd.s32 $0x88, s3;
	s6 =	simm.s32 @!p1 $0x1082;
	[sflag:s4] =	ssyncset.s32 $0xFFFFF086  }
0x25: {  	[simem:s6], [sflag:s4] =	dma.local [hbm:s3], $0xF7A  }
0x26: {  	[smem:$0x3F95] =	sst s1;
	(tag) =	ssettag s2;
	_ =	strace s9  }
0x27: {  	s1 =	sld [smem:$0x3FA5]  }
0x28: {  	s2 =	sld [smem:$0x3FA6]  }
0x29: {  	s4 =	sld [smem:$0x3FA8]  }
0x2a: {  	p0 =	seq.s32 s5, $0x0;
	s5 =	sld [smem:$0x3FA9]  }
0x2b: {  	s6 =	sld [smem:$0x3FAA]  }
0x2c: {  	s7 =	sld [smem:$0x3FAB]  }
0x2d: {  	s3 =	simm.s32 $0x108;
	s8 =	sld [smem:$0x3FAC]  }
0x2e: {  	s3 =	simm.s32 @!p0 $0x1082;
	s9 =	sld [smem:$0x3FAD]  }
0x2f: {  	lr =	sadd.s32 s0, s3;
	s0 =	sld [smem:$0x3FA4]  }
0x30: {  	s3 =	sld [smem:$0x3FA7]  }
0x31: {  	[smem:$0x3FB0] =	sst s10  }
0x32: {  	s10 =	sld [smem:$0x3FAE];
	_ =	sdelay $0x3  }
0x33: {  	p0 =	seq.s32 s10, $0x1;
	s10 =	sld [smem:$0x3FB0];
	_ =	sdelay $0x3  }
0x34: {  	[smem:$0x3FB0] =	sst s10  }
0x35: {  	s10 =	sld [smem:$0x3FAF];
	_ =	sdelay $0x3  }
0x36: {  	p1 =	seq.s32 s10, $0x1;
	s10 =	sld [smem:$0x3FB0];
	_ =	sdelay $0x3  }
0x37: {  	[smem:$0x3FB0] =	sst s10  }
0x38: {  	s10 =	sld [smem:$0x3FB1]  }
0x39: {  	_ = 	snop;
	(pc) =	sbr.ind lr, $3  }
0x3a: {  	_ = 	snop  }
0x3b: {  	_ = 	snop  }
0x3c: {  	p2 =	seq.s32 s10, $0x1;
	s10 =	sld [smem:$0x3FB0]  }
0x3d: {  	_ =	shalt  }
0x3e: {  	_ =	shalt  }
0x3f: {  	_ =	shalt  }
0x40: {  	_ =	shalt  }
0x41: {  	_ =	shalt  }
0x42: {  	_ =	shalt  }
0x43: {  	_ =	shalt  }
0x44: {  	_ =	shalt  }
0x45: {  	_ =	shalt  }
0x46: {  	_ =	shalt  }
0x47: {  	_ =	shalt  }
0x48: {  	_ =	shalt  }
0x49: {  	_ =	shalt  }
0x4a: {  	_ =	shalt  }
0x4b: {  	_ =	shalt  }
0x4c: {  	_ =	shalt  }
0x4d: {  	_ =	shalt  }
0x4e: {  	_ =	shalt  }
0x4f: {  	_ =	shalt  }
0x50: {  	_ =	shalt  }
0x51: {  	_ =	shalt  }
0x52: {  	_ =	shalt  }
0x53: {  	_ =	shalt  }
0x54: {  	_ =	shalt  }
0x55: {  	_ =	shalt  }
0x56: {  	_ =	shalt  }
0x57: {  	_ =	shalt  }
0x58: {  	_ =	shalt  }
0x59: {  	_ =	shalt  }
0x5a: {  	_ =	shalt  }
0x5b: {  	_ =	shalt  }
0x5c: {  	_ =	shalt  }
0x5d: {  	_ =	shalt  }
0x5e: {  	_ =	shalt  }
0x5f: {  	_ =	shalt  }
0x60: {  	_ =	shalt  }
0x61: {  	_ =	shalt  }
0x62: {  	_ =	shalt  }
0x63: {  	_ =	shalt  }
0x64: {  	_ =	shalt  }
0x65: {  	_ =	shalt  }
0x66: {  	_ =	shalt  }
0x67: {  	_ =	shalt  }
0x68: {  	_ =	shalt  }
0x69: {  	_ =	shalt  }
0x6a: {  	_ =	shalt  }
0x6b: {  	_ =	shalt  }
0x6c: {  	_ =	shalt  }
0x6d: {  	_ =	shalt  }
0x6e: {  	_ =	shalt  }
0x6f: {  	_ =	shalt  }
0x70: {  	_ =	shalt  }
0x71: {  	_ =	shalt  }
0x72: {  	_ =	shalt  }
0x73: {  	_ =	shalt  }
0x74: {  	_ =	shalt  }
0x75: {  	_ =	shalt  }
0x76: {  	_ =	shalt  }
0x77: {  	_ =	shalt  }
0x78: {  	_ =	shalt  }
0x79: {  	_ =	shalt  }
0x7a: {  	_ =	shalt  }
0x7b: {  	_ =	shalt  }
0x7c: {  	_ =	shalt  }
0x7d: {  	_ =	shalt  }
0x7e: {  	_ =	shalt  }
0x7f: {  	_ =	shalt  }
0x80: {  	_ =	shalt  }
0x81: {  	_ =	shalt  }
0x82: {  	_ =	shalt  }
0x83: {  	_ =	shalt  }
0x84: {  	_ =	shalt  }
0x85: {  	_ =	shalt  }
0x86: {  	_ =	shalt  }
0x87: {  	_ =	shalt  }
.Lfunc_end0:
.L_simem_size_0:
called_computation_lowered:
.L_overlay_start_0:
0x88: {  	s2 =	sld [smem:$0x3FD9]  }
0x89: {  	s3 =	sld [smem:$0x3FFE];
	_ =	sdelay $0x1  }
0x8a: {  	s1 =	srdreg.scid  }
0x8b: {  	s0 =	sand.u32 $0x1, s1  }
0x8c: {  	s14 =	sshll.u32 s0, $0xA;
	s2 =	sadd.s32 s3, s2  }
0x8d: {  	s2 =	sadd.s32 s2, s14  }
0x8e: {  	[smem:$0x3FBC] =	sst s2  }
0x8f: {  	_ = 	snop  }
0x90: {  	s2 =	sld [smem:$0x3FD0];
	_ =	sdelay $0x2  }
0x91: {  	s15 =	simm.s32 $0xA;
	s4 =	simm.s32 $0x10  }
0x92: {  	[smem:s4], [sflag:s15] =	dma.local [hbm:s2], $0x1  }
0x93: {  	_ =	swait.eq [sflag:s15], $0x1  }
0x94: {  	[sflag:s15] =	ssyncset.done $0x0  }
0x95: {  	s16 =	sld [smem:$0x10];
	[sflag:s15] =	ssyncadd.s32 $0xFFFFFFFF  }
0x96: {  	s17 =	sld [smem:$0x11];
	(tm) =	ssettm $0x1  }
0x97: {  	s18 =	sld [smem:$0x3FFB];
	_ =	sdelay $0x3  }
0x98: {  	_ =	strace s18  }
0x99: {  	s4 =	sld [smem:$0x3FFC];
	_ =	sdelay $0x3  }
0x9a: {  	_ =	strace s4  }
0x9b: {  	s4 =	sld [smem:$0x3FFD];
	_ =	sdelay $0x3  }
0x9c: {  	_ =	strace s4  }
0x9d: {  	_ =	strace $0x8FFFFFFF  }
0x9e: {  	s19 =	sld [smem:$0x3FDB];
	_ =	sdelay $0x1  }
0x9f: {  	s5 =	simm.s32 $_scs_section_size  }
0xa0: {  	s6 =	simm.s32 $_size__tile_overlayer_lowered;
	s7 =	simm.s32 $_tile_overlayer_lowered  }
0xa1: {  	s22 =	simm.s32 $0x1BFF;
	s21 =	sshll.u32 s7, $0x1;
	s4 =	sadd.s32 s5, s19  }
0xa2: {  	s8 =	simm.s32 $0x0;
	s20 =	sshll.u32 s6, $0x1;
	s6 =	sadd.s32 s21, s4  }
0xa3: {  	[timem:s8], [sflag:s22] =	dma.local [hbm:s6], s20  }
0xa4: {  	_ =	swait.ge [sflag:s22], s20  }
0xa5: {  	s5 =	ssub.s32 $0x0, s20;
	[sflag:s22] =	ssyncset.done $0x0  }
0xa6: {  	[sflag:s22] =	ssyncadd.s32 s5;
	_ =	sdelay $0x1  }
0xa7: {  	s23 =	simm.s32 $0x1B8B  }
0xa8: {  	_ =	swait.ge [sflag:s23], $0x1  }
0xa9: {  	[sflag:s23] =	ssyncset.done $0x0  }
0xaa: {  	s25 =	simm.s32 $0x1B8E;
	s24 =	sld [smem:$0x3FFE];
	[sflag:s23] =	ssyncadd.s32 $0xFFFFFFFF  }
0xab: {  	s26 =	simm.s32 $execute0_lowered;
	[smem:$0x3FD2] =	sst s25  }
0xac: {  	s6 =	sshll.u32 s26, $0x1;
	_ =	strace $0x80000046;
	[dreg:$0x1] =	wrdreg $0xFFFFFFFF  }
0xad: {  	s28 =	simm.s32 $_size_execute0_lowered;
	s4 =	sadd.s32 s4, s6;
	[dreg:$0x0] =	wrdreg $0x0  }
0xae: {  	s6 =	sshll.u32 s28, $0x1;
	[dreg:$0x2] =	wrdreg s4  }
0xaf: {  	[dreg:$0x3] =	wrdreg s6  }
0xb0: {  	[dreg:$0x4] =	wrdreg $0xC0  }
0xb1: {  	_ =	task [dreg:s8], $0x5FFFF  }
0xb2: {  	[dreg:$0x1] =	wrdreg $0xFFFFFFFF  }
0xb3: {  	[dreg:$0x0] =	wrdreg $0x60  }
0xb4: {  	[dreg:$0x2] =	wrdreg s24  }
0xb5: {  	[dreg:$0x3] =	wrdreg s16  }
0xb6: {  	[dreg:$0x4] =	wrdreg s17  }
0xb7: {  	[dreg:$0x5] =	wrdreg $0xB6800  }
0xb8: {  	[dreg:$0x6] =	wrdreg $0x1F2800  }
0xb9: {  	[dreg:$0x7] =	wrdreg $0x9  }
0xba: {  	_ =	task.clear_ibuf [dreg:s8], $0x8FFFF;
	_ =	strace $0x90000046  }
0xbb: {  	s29 =	simm.s32 $0x9;
	_ =	strace $0x80000048  }
0xbc: {  	_ =	swait.ge [sflag:s29], $0x1  }
0xbd: {  	[sflag:s29] =	ssyncadd.s32 $0xFFFFFFFF  }
0xbe: {  	_ =	strace $0x90000048  }
0xbf: {  	_ =	sfence  }
0xc0: {  	s30 =	sld [smem:$0x0];
	_ =	sdelay $0x2  }
0xc1: {  	s31 =	sshll.u32 s1, $0xD;
	s1 =	sshrl.u32 s1, $0x2  }
0xc2: {  	s3 =	sand.u32 $0x4000, s31;
	s1 =	sadd.s32 s1, s30  }
0xc3: {  	s0 =	sor.u32 s3, s0;
	s1 =	sshll.u32 s1, $0x11  }
0xc4: {  	s0 =	sor.u32 s1, s0  }
0xc5: {  	s0 =	sadd.s32 $0x8F2B, s0  }
0xc6: {  	[sflag:s0] =	ssyncadd.remote.s32 $0x1  }
0xc7: {  	_ =	sfence.sel $0xFFFF  }
0xc8: {  	[dreg:$0x0] =	wrdreg $0xFFFFFFFF;
	(pc) =	sbr.abs _section_cstart, $3  }
0xc9: {  	[dreg:$0x1] =	wrdreg $0xFFFFFFFF  }
0xca: {  	_ =	task.clear_ibuf [dreg:s8], $0x2FFFF;
	_ =	strace $0x9FFFFFFF  }
0xcb: {  	(tm) =	ssettm $0x7FFFFFFF  }
tec
execute0_lowered:
.L_overlay_start_1:
0x0: {  	(tag) =	ssettag $0x1  }
0x1: {  	s0 =	rddreg [dreg:$0x0]  }
0x2: {  	s1 =	rddreg [dreg:$0x1]  }
0x3: {  	s3 =	rddreg [dreg:$0x3]  }
0x4: {  	s4 =	rddreg [dreg:$0x4];
	s2 =	srdreg.scid  }
0x5: {  	s5 =	simm.s32 $0x0;
	s15 =	stileid.u32;
	s28 =	simm.s32 $0x3180  }
0x6: {  	s29 =	simm.s32 $0x6580;
	s2 =	sand.u32 $0x1, s2;
	[smem:$0x7FF] =	sst s5  }
0x7: {  	s10 =	smul.u32 $0x13C00, s15;
	s7 =	sadd.s32 $0xCE00, s0;
	s8 =	sadd.s32 $0x34600, s0  }
0x8: {  	s12 =	sshll.u32 s15, $0xB;
	s9 =	sadd.s32 $0x2C00, s0;
	s24 =	sadd.s32 $0x400, s4  }
0x9: {  	s25 =	sadd.s32 $0x800, s4;
	_ =	strace $0x80000047;
	[dreg:$0x7] =	wrdreg s24  }
0xa: {  	s21 =	smul.u32 $0x4F000, s15;
	s26 =	sadd.s32 $0xC00, s4;
	[dreg:$0x8] =	wrdreg s25  }
0xb: {  	s30 =	sadd.s32 $0x1000, s4;
	s31 =	sadd.s32 $0x1400, s4;
	[dreg:$0x9] =	wrdreg s26  }
0xc: {  	s16 =	sadd.s32 $0x2000, s4;
	s17 =	sadd.s32 $0x2400, s4;
	[dreg:$0xa] =	wrdreg s30  }
0xd: {  	p1 =	sgt.u32 s15, $0x9;
	s18 =	sadd.s32 $0x2800, s4;
	[dreg:$0xb] =	wrdreg s31  }
0xe: {  	p0 =	sne.s32 s15, $0x0;
	s6 =	smul.u32 $0x13C000, s2;
	[dreg:$0xe] =	wrdreg s16  }
0xf: {  	s19 =	sadd.s32 $0x2C00, s4;
	s11 =	smul.u32 $0x5000, s2;
	[dreg:$0xf] =	wrdreg s17  }
0x10: {  	s22 =	ssub.s32 $0x2, s2;
	s2 =	sshll.u32 s2, $0x4;
	[dreg:$0x10] =	wrdreg s18  }
0x11: {  	[dreg:$0x11] =	wrdreg s19;
	s24 =	sadd.s32 $0x4000, s4;
	s26 =	sadd.s32 $0x4400, s4  }
0x12: {  	s30 =	sadd.s32 $0x4800, s4;
	s31 =	sadd.s32 $0x4C00, s4;
	[dreg:$0x16] =	wrdreg s24  }
0x13: {  	s18 =	simm.s32 $0x6180;
	s19 =	simm.s32 $0x3;
	[dreg:$0x17] =	wrdreg s26  }
0x14: {  	s16 =	simm.s32 $0x0;
	s13 =	sshrl.u32 s22, $0x1;
	[dreg:$0x18] =	wrdreg s30  }
0x15: {  	s2 =	sor.u32 s15, s2;
	[dreg:$0x19] =	wrdreg s31;
	s24 =	simm.s32 $0x180  }
0x16: {  	v0 =	vlaneseq.u32;
	s26 =	simm.s32 $0x2;
	s6 =	sadd.s32 s10, s6;
	s20 =	sadd.s32 s12, s11  }
0x17: {  	v2 =	vor.u32 $0x10, v0;
	s11 =	sshrl.u32 s21, $0x2;
	s14 =	ssub.s32 s22, s13;
	s21 =	sadd.s32 $0x3400, s4  }
0x18: {  	[tilespmem:$0x1FF70] =	vst v2;
	v2 =	vor.u32 $0x20, v0;
	s22 =	sadd.s32 $0x3800, s4;
	s6 =	sshrl.u32 s6, $0x3;
	s10 =	sshrl.u32 s20, $0x3  }
0x19: {  	[tilespmem:$0x1FF80] =	vst v2;
	v2 =	vor.u32 $0x30, v0;
	s14 =	smax.u32 s14, $0x1;
	s20 =	sadd.s32 $0x3000, s4;
	[dreg:$0x13] =	wrdreg s21  }
0x1a: {  	[tilespmem:$0x1FF90] =	vst v2;
	v2 =	vor.u32 $0x40, v0;
	[dreg:$0x14] =	wrdreg s22;
	s21 =	simm.s32 $0x100;
	s22 =	simm.s32 $0x1  }
0x1b: {  	[tilespmem:$0x1FFA0] =	vst v2;
	v2 =	vor.u32 $0x50, v0;
	s6 =	sadd.s32 s6, s0;
	s0 =	sadd.s32 s10, s0;
	s10 =	sadd.s32 s11, s3  }
0x1c: {  	s11 =	smul.u32 $0x2880, s2;
	[dreg:$0x12] =	wrdreg s20;
	[tilespmem:$0x1FFB0] =	vst v2;
	v2 =	vor.u32 $0x60, v0;
	s23 =	sadd.s32 $0x5D200, s6  }
0x1d: {  	s13 =	sadd.s32 $0x5BE00, s0;
	s6 =	sadd.s32 $0x1800, s4;
	[tilespmem:$0x1FFC0] =	vst v2;
	v2 =	vor.u32 $0x70, v0;
	[dreg:$0x6] =	wrdreg s23  }
0x1e: {  	s0 =	sadd.s32 s12, s4;
	s12 =	sadd.s32 $0x1C00, s4;
	[dreg:$0xc] =	wrdreg s6;
	[tilespmem:$0x1FFD0] =	vst v2;
	v2 =	vor.u32 $0x80, v0  }
0x1f: {  	s20 =	simm.s32 $0x80;
	[dreg:$0xd] =	wrdreg s12;
	s23 =	sadd.s32 $0x3C00, s4;
	v0 =	vor.u32 $0x90, v0;
	[tilespmem:$0x1FFE0] =	vst v2  }
0x20: {  	v1 =	vimm.f32 $0.0e+00;
	vm0 =	vcmask $0x3F08;
	vm1 =	vmmov $0x1;
	s25 =	sshrl.u32 @!p1 s0, $0x3;
	[dreg:$0x15] =	wrdreg s23;
	s23 =	simm.s32 $0x60;
	[tilespmem:$0x1FFF0] =	vst v0  }
.LBB2_1:
0x21: {  	[tilespmem:$0x6180] =	vst v1  }
0x22: {  	[tilespmem:$0x6190] =	vst v1  }
0x23: {  	[tilespmem:$0x61A0] =	vst v1  }
0x24: {  	[tilespmem:$0x61B0] =	vst v1  }
0x25: {  	[tilespmem:$0x61C0] =	vst v1  }
0x26: {  	[tilespmem:$0x61D0] =	vst v1  }
0x27: {  	[tilespmem:$0x61E0] =	vst v1  }
0x28: {  	[tilespmem:$0x61F0] =	vst v1  }
0x29: {  	[tilespmem:$0x6200] =	vst v1  }
0x2a: {  	[tilespmem:$0x6210] =	vst v1  }
0x2b: {  	[tilespmem:$0x6220] =	vst v1  }
0x2c: {  	[tilespmem:$0x6230] =	vst v1  }
0x2d: {  	[tilespmem:$0x6240] =	vst v1  }
0x2e: {  	[tilespmem:$0x6250] =	vst v1  }
0x2f: {  	[tilespmem:$0x6260] =	vst v1  }
0x30: {  	[tilespmem:$0x6270] =	vst v1  }
0x31: {  	[tilespmem:$0x6280] =	vst v1  }
0x32: {  	[tilespmem:$0x6290] =	vst v1  }
0x33: {  	[tilespmem:$0x62A0] =	vst v1  }
0x34: {  	[tilespmem:$0x62B0] =	vst v1  }
0x35: {  	[tilespmem:$0x62C0] =	vst v1  }
0x36: {  	[tilespmem:$0x62D0] =	vst v1  }
0x37: {  	[tilespmem:$0x62E0] =	vst v1  }
0x38: {  	[tilespmem:$0x62F0] =	vst v1  }
0x39: {  	[tilespmem:$0x6300] =	vst v1  }
0x3a: {  	[tilespmem:$0x6310] =	vst v1  }
0x3b: {  	[tilespmem:$0x6320] =	vst v1  }
0x3c: {  	[tilespmem:$0x6330] =	vst v1  }
0x3d: {  	[tilespmem:$0x6340] =	vst v1  }
0x3e: {  	[tilespmem:$0x6350] =	vst v1  }
0x3f: {  	[tilespmem:$0x6360] =	vst v1  }
0x40: {  	[tilespmem:$0x6370] =	vst v1  }
0x41: {  	[tilespmem:$0x6380] =	vst v1  }
0x42: {  	[tilespmem:$0x6390] =	vst v1  }
0x43: {  	[tilespmem:$0x63A0] =	vst v1  }
0x44: {  	[tilespmem:$0x63B0] =	vst v1  }
0x45: {  	[tilespmem:$0x63C0] =	vst v1  }
0x46: {  	[tilespmem:$0x63D0] =	vst v1  }
0x47: {  	[tilespmem:$0x63E0] =	vst v1  }
0x48: {  	[tilespmem:$0x63F0] =	vst v1  }
0x49: {  	[tilespmem:$0x6400] =	vst v1  }
0x4a: {  	[tilespmem:$0x6410] =	vst v1  }
0x4b: {  	[tilespmem:$0x6420] =	vst v1  }
0x4c: {  	[tilespmem:$0x6430] =	vst v1  }
0x4d: {  	[tilespmem:$0x6440] =	vst v1  }
0x4e: {  	[tilespmem:$0x6450] =	vst v1  }
0x4f: {  	[tilespmem:$0x6460] =	vst v1  }
0x50: {  	[tilespmem:$0x6470] =	vst v1  }
0x51: {  	[tilespmem:$0x6480] =	vst v1  }
0x52: {  	[tilespmem:$0x6490] =	vst v1  }
0x53: {  	[tilespmem:$0x64A0] =	vst v1  }
0x54: {  	[tilespmem:$0x64B0] =	vst v1  }
0x55: {  	[tilespmem:$0x64C0] =	vst v1  }
0x56: {  	[tilespmem:$0x64D0] =	vst v1  }
0x57: {  	[tilespmem:$0x64E0] =	vst v1  }
0x58: {  	[tilespmem:$0x64F0] =	vst v1  }
0x59: {  	[tilespmem:$0x6500] =	vst v1  }
0x5a: {  	[tilespmem:$0x6510] =	vst v1  }
0x5b: {  	[tilespmem:$0x6520] =	vst v1  }
0x5c: {  	[tilespmem:$0x6530] =	vst v1  }
0x5d: {  	[tilespmem:$0x6540] =	vst v1  }
0x5e: {  	[tilespmem:$0x6550] =	vst v1  }
0x5f: {  	[tilespmem:$0x6560] =	vst v1  }
0x60: {  	[tilespmem:$0x6570] =	vst v1;
	s0 =	sadd.s32 $0x0, s10  }
0x61: {  	[spmem:s0] =	stream.linear.scatter [tilespmem:s18], [sflag:$0x3], $0x400, $0x38;
	[tilespmem:$0x1F780] =	vst v63  }
0x62: {  	s0 =	simm.s32 $0x1000;
	_ =	swait.ge [sflag:s19], $0x400  }
.LBB2_2:
0x63: {  	s2 =	sshra.s32 s0, $0x2;
	[sflag:s19] =	ssyncset.done $0x0;
	p2 =	sne.s32 s0, $0x4E000  }
.Ltmp0:
0x64: {  	s2 =	sadd.s32 s2, s10;
	[sflag:s19] =	ssyncadd.s32 $0xFFFFFC00;
	(pc) =	sbr.rel @p2 .LBB2_2-.Ltmp0, $3  }
0x65: {  	[spmem:s2] =	stream.linear.scatter [tilespmem:s18], [sflag:$0x3], $0x400, $0x38;
	[tilespmem:$0x1F780] =	vst v63  }
0x66: {  	s0 =	sadd.s32 $0x1000, s0;
	_ =	sdelay $0x1  }
0x67: {  	_ =	swait.ge [sflag:s19], $0x400  }
0x68: {  	[sflag:s19] =	ssyncset.done $0x0  }
0x69: {  	s0 =	simm.s32 $0x0;
	s2 =	simm.s32 $0x200;
	[sflag:s19] =	ssyncadd.s32 $0xFFFFFC00  }
.LBB2_4:
0x6a: {  	p2 =	sne.s32 s2, $0x13E00;
	[tilespmem:s0+$0x65F0] =	vst v1  }
0x6b: {  	[tilespmem:s0+$0x6580] =	vst v1  }
0x6c: {  	[tilespmem:s0+$0x6590] =	vst v1  }
.Ltmp1:
0x6d: {  	[tilespmem:s0+$0x65A0] =	vst v1;
	(pc) =	sbr.rel @p2 .LBB2_4-.Ltmp1, $4  }
0x6e: {  	[tilespmem:s0+$0x65B0] =	vst v1  }
0x6f: {  	[tilespmem:s0+$0x65C0] =	vst v1  }
0x70: {  	[tilespmem:s0+$0x65D0] =	vst v1  }
0x71: {  	[tilespmem:s0+$0x65E0] =	vst v1;
	s0 =	sshra.s32 s2, $0x2;
	s2 =	sadd.s32 $0x200, s2  }
0x72: {  	[tilespmem:s0+$0x65F0] =	vst v1  }
0x73: {  	[tilespmem:s0+$0x6580] =	vst v1  }
0x74: {  	[tilespmem:s0+$0x6590] =	vst v1  }
.Ltmp2:
0x75: {  	[tilespmem:s0+$0x65A0] =	vst v1;
	(pc) =	sbr.rel @p0 .LBB2_7-.Ltmp2, $4  }
0x76: {  	[tilespmem:s0+$0x65B0] =	vst v1  }
0x77: {  	[tilespmem:s0+$0x65C0] =	vst v1  }
0x78: {  	[tilespmem:s0+$0x65D0] =	vst v1  }
0x79: {  	[tilespmem:s0+$0x65E0] =	vst v1  }
0x7a: {  	[spmem:s4] =	stream.linear.scatter [tilespmem:s18], [sflag:$0x3], $0x400, $0x38;
	[tilespmem:$0x1F780] =	vst v63  }
0x7b: {  	_ =	swait.ge [sflag:s19], $0x400  }
0x7c: {  	[sflag:s19] =	ssyncset.done $0x0  }
0x7d: {  	s0 =	rddreg [dreg:$0x7];
	[sflag:s19] =	ssyncadd.s32 $0xFFFFFC00  }
0x7e: {  	[spmem:s0] =	stream.linear.scatter [tilespmem:s18], [sflag:$0x3], $0x400, $0x38;
	[tilespmem:$0x1F780] =	vst v63  }
0x7f: {  	_ =	swait.ge [sflag:s19], $0x400  }
0x80: {  	[sflag:s19] =	ssyncset.done $0x0  }
0x81: {  	s15 =	rddreg [dreg:$0x8];
	[sflag:s19] =	ssyncadd.s32 $0xFFFFFC00  }
0x82: {  	[spmem:s15] =	stream.linear.scatter [tilespmem:s18], [sflag:$0x3], $0x400, $0x38;
	[tilespmem:$0x1F780] =	vst v63  }
0x83: {  	_ =	swait.ge [sflag:s19], $0x400  }
0x84: {  	[sflag:s19] =	ssyncset.done $0x0  }
0x85: {  	s17 =	rddreg [dreg:$0x9];
	[sflag:s19] =	ssyncadd.s32 $0xFFFFFC00  }
0x86: {  	[spmem:s17] =	stream.linear.scatter [tilespmem:s18], [sflag:$0x3], $0x400, $0x38;
	[tilespmem:$0x1F780] =	vst v63  }
0x87: {  	_ =	swait.ge [sflag:s19], $0x400  }
0x88: {  	[sflag:s19] =	ssyncset.done $0x0  }
0x89: {  	s30 =	rddreg [dreg:$0xa];
	[sflag:s19] =	ssyncadd.s32 $0xFFFFFC00  }
0x8a: {  	[spmem:s30] =	stream.linear.scatter [tilespmem:s18], [sflag:$0x3], $0x400, $0x38;
	[tilespmem:$0x1F780] =	vst v63  }
0x8b: {  	_ =	swait.ge [sflag:s19], $0x400  }
0x8c: {  	[sflag:s19] =	ssyncset.done $0x0  }
0x8d: {  	s31 =	rddreg [dreg:$0xb];
	[sflag:s19] =	ssyncadd.s32 $0xFFFFFC00  }
0x8e: {  	[spmem:s31] =	stream.linear.scatter [tilespmem:s18], [sflag:$0x3], $0x400, $0x38;
	[tilespmem:$0x1F780] =	vst v63  }
0x8f: {  	_ =	swait.ge [sflag:s19], $0x400  }
0x90: {  	[sflag:s19] =	ssyncset.done $0x0  }
0x91: {  	s2 =	rddreg [dreg:$0xc];
	[sflag:s19] =	ssyncadd.s32 $0xFFFFFC00  }
0x92: {  	[spmem:s2] =	stream.linear.scatter [tilespmem:s18], [sflag:$0x3], $0x400, $0x38;
	[tilespmem:$0x1F780] =	vst v63  }
0x93: {  	_ =	swait.ge [sflag:s19], $0x400  }
0x94: {  	[sflag:s19] =	ssyncset.done $0x0  }
0x95: {  	s6 =	rddreg [dreg:$0xd];
	[sflag:s19] =	ssyncadd.s32 $0xFFFFFC00  }
0x96: {  	[spmem:s6] =	stream.linear.scatter [tilespmem:s18], [sflag:$0x3], $0x400, $0x38;
	[tilespmem:$0x1F780] =	vst v63  }
0x97: {  	_ =	swait.ge [sflag:s19], $0x400  }
0x98: {  	[sflag:s19] =	ssyncset.done $0x0  }
0x99: {  	s12 =	rddreg [dreg:$0xe];
	[sflag:s19] =	ssyncadd.s32 $0xFFFFFC00  }
0x9a: {  	[spmem:s12] =	stream.linear.scatter [tilespmem:s18], [sflag:$0x3], $0x400, $0x38;
	[tilespmem:$0x1F780] =	vst v63  }
0x9b: {  	_ =	swait.ge [sflag:s19], $0x400  }
0x9c: {  	[sflag:s19] =	ssyncset.done $0x0  }
0x9d: {  	s15 =	rddreg [dreg:$0xf];
	[sflag:s19] =	ssyncadd.s32 $0xFFFFFC00  }
0x9e: {  	[spmem:s15] =	stream.linear.scatter [tilespmem:s18], [sflag:$0x3], $0x400, $0x38;
	[tilespmem:$0x1F780] =	vst v63  }
0x9f: {  	_ =	swait.ge [sflag:s19], $0x400  }
0xa0: {  	[sflag:s19] =	ssyncset.done $0x0  }
0xa1: {  	s17 =	rddreg [dreg:$0x10];
	[sflag:s19] =	ssyncadd.s32 $0xFFFFFC00  }
0xa2: {  	[spmem:s17] =	stream.linear.scatter [tilespmem:s18], [sflag:$0x3], $0x400, $0x38;
	[tilespmem:$0x1F780] =	vst v63  }
0xa3: {  	_ =	swait.ge [sflag:s19], $0x400  }
0xa4: {  	[sflag:s19] =	ssyncset.done $0x0  }
0xa5: {  	s30 =	rddreg [dreg:$0x11];
	[sflag:s19] =	ssyncadd.s32 $0xFFFFFC00  }
0xa6: {  	[spmem:s30] =	stream.linear.scatter [tilespmem:s18], [sflag:$0x3], $0x400, $0x38;
	[tilespmem:$0x1F780] =	vst v63  }
0xa7: {  	_ =	swait.ge [sflag:s19], $0x400  }
0xa8: {  	[sflag:s19] =	ssyncset.done $0x0  }
0xa9: {  	s31 =	rddreg [dreg:$0x12];
	[sflag:s19] =	ssyncadd.s32 $0xFFFFFC00  }
0xaa: {  	[spmem:s31] =	stream.linear.scatter [tilespmem:s18], [sflag:$0x3], $0x400, $0x38;
	[tilespmem:$0x1F780] =	vst v63  }
0xab: {  	_ =	swait.ge [sflag:s19], $0x400  }
0xac: {  	[sflag:s19] =	ssyncset.done $0x0  }
0xad: {  	s2 =	rddreg [dreg:$0x13];
	[sflag:s19] =	ssyncadd.s32 $0xFFFFFC00  }
0xae: {  	[spmem:s2] =	stream.linear.scatter [tilespmem:s18], [sflag:$0x3], $0x400, $0x38;
	[tilespmem:$0x1F780] =	vst v63  }
0xaf: {  	_ =	swait.ge [sflag:s19], $0x400  }
0xb0: {  	[sflag:s19] =	ssyncset.done $0x0  }
0xb1: {  	s6 =	rddreg [dreg:$0x14];
	[sflag:s19] =	ssyncadd.s32 $0xFFFFFC00  }
0xb2: {  	[spmem:s6] =	stream.linear.scatter [tilespmem:s18], [sflag:$0x3], $0x400, $0x38;
	[tilespmem:$0x1F780] =	vst v63  }
0xb3: {  	_ =	swait.ge [sflag:s19], $0x400  }
0xb4: {  	[sflag:s19] =	ssyncset.done $0x0  }
0xb5: {  	s12 =	rddreg [dreg:$0x15];
	[sflag:s19] =	ssyncadd.s32 $0xFFFFFC00  }
0xb6: {  	[spmem:s12] =	stream.linear.scatter [tilespmem:s18], [sflag:$0x3], $0x400, $0x38;
	[tilespmem:$0x1F780] =	vst v63  }
0xb7: {  	_ =	swait.ge [sflag:s19], $0x400  }
0xb8: {  	[sflag:s19] =	ssyncset.done $0x0  }
0xb9: {  	s15 =	rddreg [dreg:$0x16];
	[sflag:s19] =	ssyncadd.s32 $0xFFFFFC00  }
0xba: {  	[spmem:s15] =	stream.linear.scatter [tilespmem:s18], [sflag:$0x3], $0x400, $0x38;
	[tilespmem:$0x1F780] =	vst v63  }
0xbb: {  	_ =	swait.ge [sflag:s19], $0x400  }
0xbc: {  	[sflag:s19] =	ssyncset.done $0x0  }
0xbd: {  	s17 =	rddreg [dreg:$0x17];
	[sflag:s19] =	ssyncadd.s32 $0xFFFFFC00  }
0xbe: {  	[spmem:s17] =	stream.linear.scatter [tilespmem:s18], [sflag:$0x3], $0x400, $0x38;
	[tilespmem:$0x1F780] =	vst v63  }
0xbf: {  	_ =	swait.ge [sflag:s19], $0x400  }
0xc0: {  	[sflag:s19] =	ssyncset.done $0x0  }
0xc1: {  	s30 =	rddreg [dreg:$0x18];
	[sflag:s19] =	ssyncadd.s32 $0xFFFFFC00  }
0xc2: {  	[spmem:s30] =	stream.linear.scatter [tilespmem:s18], [sflag:$0x3], $0x400, $0x38;
	[tilespmem:$0x1F780] =	vst v63  }
0xc3: {  	_ =	swait.ge [sflag:s19], $0x400  }
0xc4: {  	[sflag:s19] =	ssyncset.done $0x0  }
0xc5: {  	s31 =	rddreg [dreg:$0x19];
	[sflag:s19] =	ssyncadd.s32 $0xFFFFFC00  }
0xc6: {  	[spmem:s31] =	stream.linear.scatter [tilespmem:s18], [sflag:$0x3], $0x400, $0x38;
	[tilespmem:$0x1F780] =	vst v63  }
0xc7: {  	_ =	swait.ge [sflag:s19], $0x400  }
0xc8: {  	[sflag:s19] =	ssyncset.done $0x0  }
0xc9: {  	[sflag:s19] =	ssyncadd.s32 $0xFFFFFC00  }
.LBB2_7:
0xca: {  	v55 =	vld [tilespmem:$0x1FF70]  }
0xcb: {  	v56 =	vld [tilespmem:$0x1FF80]  }
0xcc: {  	v57 =	vld [tilespmem:$0x1FF90]  }
0xcd: {  	v0 =	vlaneseq.u32;
	v58 =	vld [tilespmem:$0x1FFA0]  }
0xce: {  	v59 =	vld [tilespmem:$0x1FFB0];
	[tilespmem:$0xB580] =	vst v0  }
0xcf: {  	v60 =	vld [tilespmem:$0x1FFC0];
	[tilespmem:$0xB590] =	vst v55  }
0xd0: {  	v61 =	vld [tilespmem:$0x1FFD0];
	[tilespmem:$0xB5A0] =	vst v56  }
0xd1: {  	v62 =	vld [tilespmem:$0x1FFE0];
	[tilespmem:$0xB5B0] =	vst v57  }
0xd2: {  	v63 =	vld [tilespmem:$0x1FFF0];
	[tilespmem:$0xB5C0] =	vst v58  }
0xd3: {  	[tilespmem:$0xB5D0] =	vst v59  }
0xd4: {  	[tilespmem:$0xB5E0] =	vst v60  }
0xd5: {  	[tilespmem:$0xB5F0] =	vst v61  }
0xd6: {  	[tilespmem:$0xB600] =	vst v62  }
0xd7: {  	s17 =	simm.s32 $0x0;
	s0 =	rddreg [dreg:$0x2];
	[tilespmem:$0xB610] =	vst v63  }
0xd8: {  	[tilespmem:s17], [sflag:$0x3] =	stream.linear.gather [hbm4b:s0+s17], $0x80, $0x38;
	[tilespmem:$0x1F780] =	vst v63  }
0xd9: {  	_ =	swait.ge [sflag:s19], $0x80  }
0xda: {  	[sflag:s19] =	ssyncset.done $0x0  }
0xdb: {  	[sflag:s19] =	ssyncadd.s32 $0xFFFFFF80  }
0xdc: {  	[bflag:$0x0] =	sbarrier.arrive $0xFFFF  }
.LBB2_8:
0xdd: {  	s0 =	smul.u32 $0x60, s17;
	_ =	sdelay $0x1  }
0xde: {  	s0 =	sadd.s32 s11, s0  }
0xdf: {  	s0 =	sshrl.u32 s0, $0x3  }
0xe0: {  	s2 =	sadd.s32 s1, s0  }
0xe1: {  	[tilespmem:s20], [sflag:$0x1] =	stream.linear.gather [hbm4b:s2+s5], $0x60, $0x38;
	[tilespmem:$0x1F780] =	vst v63  }
0xe2: {  	s0 =	sadd.s32 s9, s0  }
0xe3: {  	[tilespmem:s21], [sflag:$0x2] =	stream.linear.gather [hbm4b:s0+s5], $0x60, $0x38;
	[tilespmem:$0x1F780] =	vst v63  }
0xe4: {  	_ =	swait.ge [sflag:s22], $0x60  }
0xe5: {  	[sflag:s22] =	ssyncset.done $0x0  }
0xe6: {  	[sflag:s22] =	ssyncadd.s32 $0xFFFFFFA0  }
0xe7: {  	[tilespmem:s24], [sflag:$0x1] =	stream.indirect.gather [hbm4b:s7+s23], $0x80, s20, s23, $0xb8;
	[tilespmem:$0x1F780] =	vst v63  }
0xe8: {  	_ =	swait.ge [sflag:s26], $0x60  }
0xe9: {  	[sflag:s26] =	ssyncset.done $0x0  }
0xea: {  	[sflag:s26] =	ssyncadd.s32 $0xFFFFFFA0  }
0xeb: {  	[tilespmem:s28], [sflag:$0x2] =	stream.indirect.gather [hbm4b:s8+s23], $0x80, s21, s23, $0xb8;
	[tilespmem:$0x1F780] =	vst v63  }
0xec: {  	_ =	swait.ge [sflag:s22], $0x3000  }
0xed: {  	[sflag:s22] =	ssyncset.done $0x0  }
0xee: {  	[sflag:s22] =	ssyncadd.s32 $0xFFFFD000  }
0xef: {  	_ =	swait.ge [sflag:s26], $0x3000  }
0xf0: {  	[sflag:s26] =	ssyncset.done $0x0  }
0xf1: {  	[sflag:s26] =	ssyncadd.s32 $0xFFFFD000  }
0xf2: {  	s2 =	simm.s32 $0x280;
	v8 =	vld [tilespmem:$0x0]  }
0xf3: {  	s30 =	simm.s32 $0x3280;
	v19 =	vld [tilespmem:s2+$0x80]  }
0xf4: {  	v2 =	vld [tilespmem:s30+$0x80]  }
0xf5: {  	v21 =	vld [tilespmem:s2+$0x90]  }
0xf6: {  	v3 =	vld [tilespmem:s30+$0x90]  }
0xf7: {  	v20 =	vld [tilespmem:s2+$0xA0]  }
0xf8: {  	v4 =	vld [tilespmem:s30+$0xA0]  }
0xf9: {  	v42 =	vld [tilespmem:s2+$0xB0]  }
0xfa: {  	v5 =	vld [tilespmem:s30+$0xB0]  }
0xfb: {  	v7 =	vld [tilespmem:s2+$0xC0]  }
0xfc: {  	v11 =	vld [tilespmem:s30+$0xC0]  }
0xfd: {  	v23 =	vld [tilespmem:s2+$0xD0]  }
0xfe: {  	v12 =	vld [tilespmem:s30+$0xD0]  }
0xff: {  	v25 =	vld [tilespmem:s2+$0xE0]  }
0x100: {  	v13 =	vld [tilespmem:s30+$0xE0]  }
0x101: {  	v26 =	vld [tilespmem:s2+$0xF0]  }
0x102: {  	v14 =	vld [tilespmem:s30+$0xF0]  }
0x103: {  	v36 =	vld [tilespmem:$0x10]  }
0x104: {  	v6 =	vld [tilespmem:$0x20]  }
0x105: {  	v34 =	vld [tilespmem:$0x30]  }
0x106: {  	v1 =	vld [tilespmem:s2+$0xFFFFFF10]  }
0x107: {  	v33 =	vld [tilespmem:$0x40]  }
0x108: {  	v32 =	vld [tilespmem:$0x50]  }
0x109: {  	v28 =	vld [tilespmem:$0x60]  }
0x10a: {  	v24 =	vld [tilespmem:$0x70]  }
0x10b: {  	v35 =	vld [tilespmem:s30+$0xFFFFFF00];
	[tilespmem:$0x1FEF0] =	vst v1  }
0x10c: {  	v0 =	vld [tilespmem:s2+$0xFFFFFF20];
	_ =	sdelay $0x4  }
0x10d: {  	v15 =	vld [tilespmem:s30+$0xFFFFFF10];
	[tilespmem:$0x1FF60] =	vst v0  }
0x10e: {  	v10 =	vld [tilespmem:s2+$0xFFFFFF40];
	_ =	sdelay $0x2  }
0x10f: {  	v29 =	vld [tilespmem:s30+$0xFFFFFF20]  }
0x110: {  	v17 =	vadd.f32 v11, v7;
	v11 =	vld [tilespmem:s2+$0xFFFFFF30]  }
0x111: {  	v2 =	vadd.f32 v2, v19;
	v3 =	vadd.f32 v3, v21;
	v40 =	vld [tilespmem:s30+$0xFFFFFF30];
	[tilespmem:$0x1FE90] =	vst v10  }
0x112: {  	v4 =	vadd.f32 v4, v20;
	v5 =	vadd.f32 v5, v42;
	v44 =	vld [tilespmem:s2+$0xFFFFFF50]  }
0x113: {  	v12 =	vadd.f32 v12, v23;
	v16 =	vmul.f32 $2.000000030e-01, v2;
	v18 =	vmul.f32 $2.000000030e-01, v3  }
0x114: {  	v13 =	vadd.f32 v13, v25;
	v22 =	vmul.f32 $2.000000030e-01, v4;
	v30 =	vmul.f32 $2.000000030e-01, v5  }
0x115: {  	v14 =	vadd.f32 v14, v26;
	v37 =	vmul.f32 $2.000000030e-01, v17;
	v38 =	vmul.f32 $2.000000030e-01, v12  }
0x116: {  	v39 =	vmul.f32 $2.000000030e-01, v13;
	v2 =	vmax.f32 v2, v16;
	v3 =	vmax.f32 v3, v18  }
0x117: {  	v4 =	vmax.f32 v4, v22;
	v5 =	vmax.f32 v5, v30;
	v18 =	vmul.f32 $2.000000030e-01, v14;
	v16 =	vld [tilespmem:s30+$0xFFFFFF40];
	[tilespmem:$0x1FEA0] =	vst v44  }
0x118: {  	v17 =	vmax.f32 v17, v37;
	v2 =	vmul.f32 v2, v8;
	v3 =	vmul.f32 v3, v36;
	v9 =	vld [tilespmem:s2+$0xFFFFFF70]  }
0x119: {  	v13 =	vmax.f32 v13, v39;
	v4 =	vmul.f32 v4, v6;
	v5 =	vmul.f32 v5, v34  }
0x11a: {  	v12 =	vmax.f32 v12, v38;
	v13 =	vmul.f32 v13, v28;
	v2 =	vadd.f32 v3, v2  }
0x11b: {  	v3 =	vadd.f32 v5, v4;
	v5 =	vmul.f32 v12, v32;
	v12 =	vmax.f32 v14, v18;
	v22 =	vld [tilespmem:s30+$0xFFFFFF50]  }
0x11c: {  	v4 =	vmul.f32 v17, v33;
	v12 =	vmul.f32 v12, v24;
	v48 =	vld [tilespmem:s2+$0xFFFFFF60]  }
0x11d: {  	v2 =	vadd.f32 v3, v2;
	v14 =	vld [tilespmem:s30+$0xFFFFFF60];
	[tilespmem:$0x1FEB0] =	vst v9  }
0x11e: {  	v3 =	vadd.f32 v5, v4;
	v4 =	vadd.f32 v12, v13;
	v17 =	vld [tilespmem:s30+$0xFFFFFF70]  }
0x11f: {  	v27 =	vld [tilespmem:s2+$0xFFFFFF80]  }
0x120: {  	(xrf2) =	vadd.scan.msk.f32 $0xffff, v2;
	v2 =	vadd.f32 v4, v3;
	v18 =	vld [tilespmem:s30+$0xFFFFFF80]  }
0x121: {  	v31 =	vld [tilespmem:s2+$0xFFFFFF90]  }
0x122: {  	(xrf2) =	vadd.scan.msk.f32 $0xffff, v2;
	v2 =	vld [tilespmem:s2+$0xFFFFFFC0]  }
0x123: {  	v30 =	vld [tilespmem:s30+$0xFFFFFF90]  }
0x124: {  	v46 =	vld [tilespmem:s2+$0xFFFFFFA0]  }
0x125: {  	v12 =	vadd.f32 v29, v0;
	v29 =	vld [tilespmem:s30+$0xFFFFFFA0]  }
0x126: {  	v13 =	vadd.f32 v15, v1;
	v15 =	vadd.f32 v40, v11;
	v43 =	vld [tilespmem:s2+$0xFFFFFFB0]  }
0x127: {  	v62 =	vmul.f32 $2.000000030e-01, v12;
	v63 =	vld [tilespmem:s30+$0xFFFFFFB0];
	[tilespmem:$0x1FEC0] =	vst v2  }
0x128: {  	v40 =	vmul.f32 $2.000000030e-01, v15;
	v3 =	vld [tilespmem:s2+$0xFFFFFFD0]  }
0x129: {  	v12 =	vmax.f32 v12, v62  }
0x12a: {  	v37 =	vmul.f32 v12, v6;
	v12 =	vmax.f32 v15, v40  }
0x12b: {  	v58 =	vmul.f32 $2.000000030e-01, v13;
	_ =	sdelay $0x1  }
0x12c: {  	v13 =	vmax.f32 v13, v58;
	v16 =	vadd.f32 v16, v10;
	v40 =	vmul.f32 v12, v34;
	v12, _, _ =	vpop (xrf2);
	v41 =	vld [tilespmem:s30+$0xFFFFFFC0];
	[tilespmem:$0x1FED0] =	vst v3  }
0x12d: {  	v38 =	vmul.f32 v13, v36;
	v13 =	vmul.f32 $1.442695020e+00, v12;
	v45 =	vld [tilespmem:s30+$0xFFFFFFD0]  }
0x12e: {  	v15 =	vmul.f32 $2.000000030e-01, v16;
	v22 =	vadd.f32 v22, v44;
	v12 =	vld [tilespmem:s2+$0xFFFFFFE0]  }
0x12f: {  	v37 =	vadd.f32 v40, v37;
	v51 =	vbroadcast v13, $0xF;
	v40 =	vld [tilespmem:s30+$0xFFFFFFE0]  }
0x130: {  	v15 =	vmax.f32 v16, v15;
	v14 =	vadd.f32 v14, v48;
	v52, _, _ =	vpop (xrf2);
	v49 =	vmul.f32 $2.000000030e-01, v22;
	v13 =	vld [tilespmem:s2+$0xFFFFFFF0]  }
0x131: {  	v59 =	vmul.f32 $1.442695020e+00, v52;
	(erf) = vpow2.f32 v51;
	v17 =	vadd.f32 v17, v9;
	v52 =	vld [tilespmem:s30+$0xFFFFFFF0]  }
0x132: {  	v53 =	vmul.f32 v15, v33;
	v16 =	vmul.f32 $2.000000030e-01, v14;
	v22 =	vmax.f32 v22, v49;
	v15 =	vld [tilespmem:s2+$0x0]  }
0x133: {  	v49 =	vbroadcast v59, $0xF;
	v54 =	vadd.f32 v18, v27;
	v18 =	vmul.f32 $2.000000030e-01, v17;
	v51 =	vld [tilespmem:s30+$0x0]  }
0x134: {  	v14 =	vmax.f32 v14, v16;
	v22 =	vmul.f32 v22, v32;
	v30 =	vadd.f32 v30, v31;
	v1 =	vld [tilespmem:s2+$0x10]  }
0x135: {  	v14 =	vmul.f32 v14, v28;
	v0 =	vmul.f32 $2.000000030e-01, v54;
	v18 =	vmax.f32 v17, v18;
	v56 =	vld [tilespmem:s30+$0x10]  }
0x136: {  	v29 =	vadd.f32 v29, v46;
	v55 =	vmul.f32 $2.000000030e-01, v30;
	v60 =	vmul.f32 v18, v24;
	v17 =	vld [tilespmem:s2+$0x20]  }
0x137: {  	(erf) = vpow2.f32 v49;
	v22 =	vadd.f32 v22, v53;
	v0 =	vmax.f32 v54, v0;
	v54 =	vld [tilespmem:s30+$0x20]  }
0x138: {  	v61 =	vmul.f32 $2.000000030e-01, v29;
	v30 =	vmax.f32 v30, v55;
	v62 =	vadd.f32 v60, v14;
	v14 =	vld [tilespmem:s2+$0x30]  }
0x139: {  	v55 =	vadd.f32 v63, v43;
	v63 =	vmul.f32 v0, v8;
	v30 =	vmul.f32 v30, v36;
	v53 =	vld [tilespmem:s30+$0x30]  }
0x13a: {  	v0 =	vmax.f32 v29, v61;
	v39 =	vpop (erf);
	v61 =	vld [tilespmem:s30+$0x40]  }
0x13b: {  	v59 =	vadd.f32 v30, v63;
	v30 =	vmul.f32 v39, v20;
	v20 =	vld [tilespmem:s2+$0x60]  }
0x13c: {  	v10 =	vld [tilespmem:s30+$0x70]  }
0x13d: {  	v41 =	vadd.f32 v41, v2;
	v29 =	vmul.f32 $2.000000030e-01, v55;
	v5 =	vld [tilespmem:s2+$0xFFFFFF00]  }
0x13e: {  	v57 =	vadd.f32 v62, v22;
	v62 =	vld [tilespmem:s30+$0x50];
	v60 =	vadd.f32 v45, v3  }
0x13f: {  	v44 =	vmax.f32 v55, v29;
	v29 =	vmul.f32 v39, v21;
	v22 =	vmul.f32 $2.000000030e-01, v41;
	v18 =	vmovc v1;
	v1 =	vld [tilespmem:s2+$0x40]  }
0x140: {  	v45 =	vmul.f32 v39, v19;
	v19 =	vld [tilespmem:s2+$0x50];
	v55 =	vadd.f32 v40, v12;
	v40 =	vpop (erf);
	v21 =	vmul.f32 $2.000000030e-01, v60  }
0x141: {  	v22 =	vmax.f32 v41, v22;
	v49 =	vmul.f32 v40, v7;
	v7 =	vadd.f32 v51, v15;
	v51 =	vld [tilespmem:s30+$0x60]  }
0x142: {  	s31 =	simm.s32 $0x480;
	v9 =	vmul.f32 v22, v33;
	v22 =	vmax.f32 v60, v21;
	v21 =	vld [tilespmem:s2+$0x70];
	[tilespmem:$0x1FEE0] =	vst v5  }
0x143: {  	v3 =	vld [tilespmem:s31+$0x80]  }
0x144: {  	v56 =	vadd.f32 v56, v18;
	_ =	sdelay $0x1  }
0x145: {  	v47 =	vmul.f32 $2.000000030e-01, v55;
	v50 =	vmul.f32 $2.000000030e-01, v56  }
0x146: {  	v58 =	vmul.f32 v0, v6;
	v0 =	vmul.f32 v22, v32  }
0x147: {  	v41 =	vadd.f32 v52, v13;
	v52 =	vmax.f32 v55, v47;
	v22 =	vld [tilespmem:$0x0];
	v55 =	vmax.f32 v56, v50;
	[tilespmem:$0x1FF00] =	vst v3  }
0x148: {  	v16 =	vmovc v1;
	v0 =	vadd.f32 v0, v9;
	v9 =	vmul.f32 v55, v36;
	v55 =	vadd.f32 v61, v1;
	v1 =	vld [tilespmem:s31+$0xA0]  }
0x149: {  	v63 =	vmul.f32 v44, v34;
	v47 =	vmul.f32 $2.000000030e-01, v7  }
0x14a: {  	s0 =	simm.s32 $0x3480  }
0x14b: {  	v58 =	vadd.f32 v63, v58;
	v44 =	vmul.f32 $2.000000030e-01, v41;
	v7 =	vmax.f32 v7, v47;
	v63 =	vld [tilespmem:s0+$0x80]  }
0x14c: {  	(xrf2) =	vadd.scan.msk.f32 $0xffff, v57;
	v54 =	vadd.f32 v54, v17;
	v60 =	vmul.f32 v7, v8;
	v7 =	vld [tilespmem:s31+$0x90]  }
0x14d: {  	v57 =	vadd.f32 v53, v14;
	v41 =	vmax.f32 v41, v44;
	v2 =	vmul.f32 v52, v28;
	v56 =	vld [tilespmem:s0+$0x90];
	[tilespmem:$0x1FF10] =	vst v1  }
0x14e: {  	v44 =	vadd.f32 v58, v59;
	v41 =	vmul.f32 v41, v24;
	v52 =	vmul.f32 $2.000000030e-01, v54;
	v4 =	vld [tilespmem:s31+$0xB0]  }
0x14f: {  	v35 =	vadd.f32 v35, v5;
	v50 =	vmul.f32 $2.000000030e-01, v57  }
0x150: {  	(xrf2) =	vadd.scan.msk.f32 $0xffff, v44;
	v44 =	vadd.f32 v51, v20;
	v2 =	vadd.f32 v41, v2;
	v47 =	vmax.f32 v54, v52  }
0x151: {  	v61 =	vmax.f32 v57, v50;
	v57 =	vadd.f32 v62, v19;
	v41 =	vmul.f32 v47, v6  }
0x152: {  	v0 =	vadd.f32 v2, v0;
	v54 =	vmul.f32 $2.000000030e-01, v55;
	v10 =	vadd.f32 v10, v21  }
0x153: {  	v34 =	vmul.f32 v61, v34;
	v9 =	vadd.f32 v9, v60;
	v47 =	vmul.f32 $2.000000030e-01, v57;
	v2 =	vld [tilespmem:s0+$0xA0];
	[tilespmem:$0x1FF20] =	vst v4  }
0x154: {  	v55 =	vmax.f32 v55, v54;
	v54 =	vmul.f32 $2.000000030e-01, v44;
	(xrf2) =	vadd.scan.msk.f32 $0xffff, v0;
	v0 =	vmul.f32 $2.000000030e-01, v10;
	v50 =	vld [tilespmem:s0+$0xB0]  }
0x155: {  	v36 =	vmax.f32 v57, v47;
	v33 =	vmul.f32 v55, v33;
	v55 =	vmul.f32 $2.000000030e-01, v35;
	v6 =	vld [tilespmem:s31+$0xC0]  }
0x156: {  	v32 =	vmul.f32 v36, v32;
	v61 =	vmax.f32 v44, v54;
	v0 =	vmax.f32 v10, v0;
	v58 =	vld [tilespmem:s31+$0xD0]  }
0x157: {  	v10, _, _ =	vpop (xrf2);
	v28 =	vmul.f32 v61, v28;
	v35 =	vmax.f32 v35, v55;
	v0 =	vmul.f32 v0, v24;
	v24 =	vld [tilespmem:s0+$0xD0]  }
0x158: {  	v34 =	vadd.f32 v34, v41;
	v10 =	vmul.f32 $1.442695020e+00, v10;
	v8 =	vmul.f32 v35, v8;
	v57 =	vld [tilespmem:s31+$0xE0]  }
0x159: {  	v61 =	vmul.f32 v40, v23;
	v23 =	vadd.f32 v32, v33;
	v0 =	vadd.f32 v0, v28;
	v28 =	vld [tilespmem:s0+$0xE0]  }
0x15a: {  	v9 =	vadd.f32 v34, v9;
	v10 =	vbroadcast v10, $0xF;
	v41 =	vadd.f32 v38, v8;
	v53 =	vld [tilespmem:s31+$0xF0]  }
0x15b: {  	v36, _, _ =	vpop (xrf2);
	v0 =	vadd.f32 v0, v23;
	v23 =	vadd.f32 v63, v3;
	v54 =	vld [tilespmem:$0x10]  }
0x15c: {  	v55 =	vmovc v7;
	(erf) = vpow2.f32 v10;
	v10 =	vadd.f32 v56, v7;
	v2 =	vadd.f32 v2, v1;
	v7 =	vld [tilespmem:$0x20]  }
0x15d: {  	v8 =	vmul.f32 $1.442695020e+00, v36;
	v33 =	vadd.f32 v37, v41;
	v35 =	vmul.f32 $2.000000030e-01, v23;
	v47 =	vld [tilespmem:s0+$0xF0]  }
0x15e: {  	(xrf2) =	vadd.scan.msk.f32 $0xffff, v9;
	v44, _, _ =	vpop (xrf2);
	v1 =	vld [tilespmem:$0x30];
	v51 =	vmul.f32 $2.000000030e-01, v2;
	v34 =	vadd.f32 v50, v4  }
0x15f: {  	v32 =	vbroadcast v8, $0xF;
	(xrf2) =	vadd.scan.msk.f32 $0xffff, v33;
	v9 =	vmul.f32 $1.442695020e+00, v44;
	v23 =	vmax.f32 v23, v35;
	v62 =	vld [tilespmem:s0+$0xC0]  }
0x160: {  	(xrf2) =	vadd.scan.msk.f32 $0xffff, v0;
	v2 =	vmax.f32 v2, v51;
	v50 =	vmul.f32 $2.000000030e-01, v10;
	v59 =	vmul.f32 $2.000000030e-01, v34  }
0x161: {  	v36 =	vld [tilespmem:$0x40];
	v23 =	vmul.f32 v23, v22;
	[tilespmem:$0x1FF30] =	vst v54;
	v0 =	vadd.f32 v24, v58;
	v2 =	vmul.f32 v2, v7  }
0x162: {  	v44 =	vadd.f32 v47, v53;
	v33 =	vld [tilespmem:$0x70];
	v10 =	vmax.f32 v10, v50;
	v41 =	vmax.f32 v34, v59  }
0x163: {  	v28 =	vadd.f32 v28, v57;
	v10 =	vmul.f32 v10, v54;
	v34 =	vld [tilespmem:$0x60];
	v24 =	vmul.f32 v41, v1  }
0x164: {  	(erf) = vpow2.f32 v32;
	v52 =	vadd.f32 v62, v6;
	v35 =	vld [tilespmem:$0x50];
	v51 =	vmul.f32 $2.000000030e-01, v44  }
0x165: {  	v50 =	vmul.f32 $2.000000030e-01, v28;
	v10 =	vadd.f32 v10, v23;
	v2 =	vadd.f32 v24, v2  }
0x166: {  	v47 =	vmul.f32 $2.000000030e-01, v52;
	v32 =	vmax.f32 v44, v51;
	v24 =	vmul.f32 $2.000000030e-01, v0  }
0x167: {  	v28 =	vmax.f32 v28, v50;
	v41 =	vmul.f32 v32, v33;
	v2 =	vadd.f32 v2, v10  }
0x168: {  	v10 =	vmax.f32 v52, v47;
	v0 =	vmax.f32 v0, v24;
	v28 =	vmul.f32 v28, v34  }
0x169: {  	v3 =	vld [tilespmem:s31+$0xFFFFFF20];
	v10 =	vmul.f32 v10, v36;
	v0 =	vmul.f32 v0, v35  }
0x16a: {  	v9 =	vbroadcast v9, $0xF;
	v56 =	vmovc v6;
	v6 =	vmov v1;
	v1 =	vld [tilespmem:s31+$0xFFFFFF10];
	(xrf2) =	vadd.scan.msk.f32 $0xffff, v2  }
0x16b: {  	v52 =	vld [tilespmem:s0+$0xFFFFFF10];
	v0 =	vadd.f32 v0, v10;
	v10 =	vadd.f32 v41, v28;
	v2, _, _ =	vpop (xrf2)  }
0x16c: {  	(erf) = vpow2.f32 v9;
	v59 =	vld [tilespmem:s0+$0xFFFFFF20];
	v2 =	vmul.f32 $1.442695020e+00, v2  }
0x16d: {  	v47 =	vmul.f32 v40, v25;
	v25, _, _ =	vpop (xrf2);
	v0 =	vadd.f32 v10, v0  }
0x16e: {  	v25 =	vmul.f32 $1.442695020e+00, v25;
	v2 =	vbroadcast v2, $0xF  }
0x16f: {  	v63 =	vmul.f32 v40, v26;
	v37 =	vld [tilespmem:s31+$0xFFFFFF40];
	(xrf2) =	vadd.scan.msk.f32 $0xffff, v0;
	v0 =	vsel vm0, $0x0, v40  }
0x170: {  	v32 =	vld [tilespmem:s31+$0xFFFFFF30];
	v26, _, _ =	vpop (xrf2);
	v25 =	vbroadcast v25, $0xF;
	(erf) = vpow2.f32 v2;
	v2 =	vadd.f32 v52, v1  }
0x171: {  	v50 =	vadd.f32 v59, v3;
	v28 =	vld [tilespmem:s0+$0xFFFFFF30];
	[tilespmem:$0x1FE70] =	vst v1;
	v26 =	vmul.f32 $1.442695020e+00, v26  }
0x172: {  	v62 =	vpop (erf);
	v10 =	vld [tilespmem:s0+$0xFFFFFF40];
	[tilespmem:$0x1FE80] =	vst v3;
	v51 =	vmul.f32 $2.000000030e-01, v2  }
0x173: {  	v38 =	vld [tilespmem:s31+$0xFFFFFF50];
	v8 =	vsel vm1, v39, v0;
	v26 =	vbroadcast v26, $0xF;
	v52 =	vmul.f32 $2.000000030e-01, v50;
	v0 =	vpop (erf)  }
0x174: {  	v42 =	vmul.f32 v39, v42;
	v3 =	vld [tilespmem:s0+$0xFFFFFF50];
	(erf) = vpow2.f32 v25;
	v25, _, _ =	vpop (xrf2);
	v1 =	vmax.f32 v2, v51  }
0x175: {  	v39 =	vld [tilespmem:s31+$0xFFFFFF60];
	(erf) = vpow2.f32 v26;
	v60 =	vmax.f32 v50, v52;
	v40 =	vpop (erf);
	v26 =	vmul.f32 $1.442695020e+00, v25;
	[tilespmem:$0x1FF40] =	vst v1  }
0x176: {  	v50 =	vmul.f32 v0, v27;
	v27 =	vadd.f32 v28, v32;
	v28 =	vsel vm0, $0x0, v40;
	v5 =	vld [tilespmem:s0+$0xFFFFFF60];
	[tilespmem:s2+$0x80] =	vst v45  }
0x177: {  	v41 =	vsel vm1, v0, v28;
	v28 =	vbroadcast v26, $0xF;
	v26 =	vld [tilespmem:s31+$0xFFFFFF80];
	[tilespmem:s2+$0x90] =	vst v29  }
0x178: {  	v4 =	vld [tilespmem:s0+$0xFFFFFF80];
	[tilespmem:s2+$0xA0] =	vst v30  }
0x179: {  	[tilespmem:s2+$0xB0] =	vst v42  }
0x17a: {  	v2 =	vmul.f32 $2.000000030e-01, v27;
	[tilespmem:s2+$0xC0] =	vst v49  }
0x17b: {  	v10 =	vadd.f32 v10, v37;
	[tilespmem:s2+$0xD0] =	vst v61;
	v5 =	vadd.f32 v5, v39  }
0x17c: {  	v52 =	vmul.f32 v0, v43;
	v43 =	vmul.f32 v60, v7;
	v2 =	vmax.f32 v27, v2;
	v1 =	vld [tilespmem:$0x1FE90]  }
0x17d: {  	v24 =	vmovc v7;
	v25 =	vld [tilespmem:s31+$0xFFFFFF70];
	v7 =	vmul.f32 v2, v6;
	v4 =	vadd.f32 v4, v26;
	v2 =	vmul.f32 $2.000000030e-01, v5  }
0x17e: {  	v44 =	vmul.f32 v0, v31;
	v3 =	vadd.f32 v3, v38;
	v59 =	vmul.f32 $2.000000030e-01, v10;
	v31 =	vld [tilespmem:s0+$0xFFFFFF70]  }
0x17f: {  	v27 =	vld [tilespmem:s31+$0xFFFFFF90];
	v2 =	vmax.f32 v5, v2;
	v5 =	vmul.f32 $2.000000030e-01, v4  }
0x180: {  	v10 =	vmax.f32 v10, v59;
	v59 =	vmul.f32 $2.000000030e-01, v3;
	v60 =	vld [tilespmem:s0+$0xFFFFFF90]  }
0x181: {  	v51 =	vmul.f32 v0, v46;
	v0, _, _ =	vpop (xrf2);
	v4 =	vmax.f32 v4, v5;
	v5 =	vmul.f32 v62, v1;
	v1 =	vld [tilespmem:$0x1FEA0]  }
0x182: {  	v23 =	vmov v6;
	v6 =	vmax.f32 v3, v59;
	v3 =	vmul.f32 $1.442695020e+00, v0  }
0x183: {  	v29 =	vld [tilespmem:s31+$0xFFFFFFB0];
	v31 =	vadd.f32 v31, v25  }
0x184: {  	v59 =	vld [tilespmem:s0+$0xFFFFFFA0];
	v3 =	vbroadcast v3, $0xF;
	[tilespmem:s2+$0xE0] =	vst v47  }
0x185: {  	(erf) = vpow2.f32 v28;
	v28 =	vld [tilespmem:s31+$0xFFFFFFA0];
	v0 =	vmul.f32 $2.000000030e-01, v31;
	[tilespmem:s2+$0xF0] =	vst v63  }
0x186: {  	v30 =	vld [tilespmem:s31+$0xFFFFFFC0];
	(erf) = vpow2.f32 v3;
	v3 =	vadd.f32 v60, v27;
	[tilespmem:s30+$0x80] =	vst v8;
	v42 =	vmul.f32 v62, v1  }
0x187: {  	v10 =	vmul.f32 v10, v36;
	v49 =	vld [tilespmem:s31+$0xFFFFFFE0];
	v6 =	vmul.f32 v6, v35;
	v45 =	vadd.f32 v7, v43;
	[tilespmem:s2+$0xFFFFFF40] =	vst v5  }
0x188: {  	v7 =	vld [tilespmem:s0+$0xFFFFFFB0];
	v43 =	vmul.f32 v62, v48;
	v0 =	vmax.f32 v31, v0;
	v61 =	vmul.f32 $2.000000030e-01, v3;
	[tilespmem:s2+$0xFFFFFF50] =	vst v42  }
0x189: {  	v2 =	vmul.f32 v2, v34;
	v0 =	vmul.f32 v0, v33;
	v1 =	vld [tilespmem:$0x1FEB0]  }
0x18a: {  	v48 =	vld [tilespmem:s0+$0xFFFFFFD0];
	v6 =	vadd.f32 v6, v10;
	v46 =	vadd.f32 v59, v28;
	v3 =	vmax.f32 v3, v61  }
0x18b: {  	v10 =	vld [tilespmem:s0+$0xFFFFFFC0];
	v4 =	vmul.f32 v4, v22;
	v0 =	vadd.f32 v0, v2;
	v2 =	vmul.f32 v3, v54  }
0x18c: {  	v59 =	vld [tilespmem:s0+$0xFFFFFFE0];
	v8 =	vmul.f32 $2.000000030e-01, v46  }
0x18d: {  	v31 =	vld [tilespmem:s31+$0xFFFFFFD0];
	v54 =	vadd.f32 v0, v6;
	v0 =	vadd.f32 v2, v4  }
0x18e: {  	v47 =	vld [tilespmem:s31+$0xFFFFFFF0];
	v5 =	vmax.f32 v46, v8;
	[tilespmem:s2+$0xFFFFFF60] =	vst v43;
	v8 =	vmul.f32 v62, v1  }
0x18f: {  	v42 =	vld [tilespmem:s0+$0xFFFFFFF0];
	[tilespmem:$0x1FF50] =	vst v0  }
0x190: {  	[tilespmem:s2+$0xFFFFFF70] =	vst v8  }
0x191: {  	v0 =	vld [tilespmem:$0x1FEC0];
	_ =	sdelay $0x3  }
0x192: {  	[tilespmem:s2+$0xFFFFFF80] =	vst v50  }
0x193: {  	v4 =	vmul.f32 v40, v0;
	v0 =	vld [tilespmem:$0x1FED0];
	_ =	sdelay $0x4  }
0x194: {  	v8 =	vmul.f32 v40, v0;
	v0 =	vld [tilespmem:$0x1FEE0];
	_ =	sdelay $0x2  }
0x195: {  	v43 =	vpop (erf)  }
0x196: {  	v7 =	vadd.f32 v7, v29;
	v6 =	vadd.f32 v48, v31;
	v48 =	vpop (erf);
	[tilespmem:s2+$0xFFFFFF90] =	vst v44  }
0x197: {  	v61 =	vmul.f32 v48, v0;
	v0 =	vld [tilespmem:$0x1FEF0]  }
0x198: {  	v10 =	vadd.f32 v10, v30;
	v3 =	vmul.f32 $2.000000030e-01, v7;
	[tilespmem:s2+$0xFFFFFFA0] =	vst v51  }
0x199: {  	[tilespmem:s2+$0xFFFFFFB0] =	vst v52  }
0x19a: {  	v9 =	vmax.f32 v7, v3;
	v7 =	vmul.f32 $2.000000030e-01, v10;
	v1 =	vld [tilespmem:$0x1FF00]  }
0x19b: {  	[tilespmem:s2+$0xFFFFFFC0] =	vst v4  }
0x19c: {  	v60 =	vadd.f32 v59, v49;
	v59 =	vmax.f32 v10, v7;
	[tilespmem:s2+$0xFFFFFFD0] =	vst v8;
	v10 =	vmul.f32 v48, v0  }
0x19d: {  	v2 =	vmul.f32 $2.000000030e-01, v6;
	v44 =	vpop (erf);
	[tilespmem:s2+$0xFFFFFF00] =	vst v61  }
0x19e: {  	v51 =	vpop (erf);
	[tilespmem:s2+$0xFFFFFF10] =	vst v10  }
0x19f: {  	v7 =	vmul.f32 v5, v24;
	v5 =	vmax.f32 v6, v2;
	v6 =	vmul.f32 v51, v1;
	v1 =	vld [tilespmem:$0x1FF10];
	_ =	sdelay $0x4  }
0x1a0: {  	v10 =	vmul.f32 v51, v1;
	v1 =	vld [tilespmem:$0x1FF20]  }
0x1a1: {  	v46 =	vld [tilespmem:s31+$0x0]  }
0x1a2: {  	v3 =	vld [tilespmem:s0+$0x10];
	v2 =	vmul.f32 v51, v55;
	v4 =	vmul.f32 v9, v23;
	v9 =	vpop (erf)  }
0x1a3: {  	v50 =	vld [tilespmem:s31+$0x10];
	v8 =	vmul.f32 v9, v56;
	[tilespmem:s31+$0x80] =	vst v6  }
0x1a4: {  	v63 =	vld [tilespmem:s0+$0x0];
	[tilespmem:s31+$0x90] =	vst v2  }
0x1a5: {  	[tilespmem:s31+$0xC0] =	vst v8;
	v61 =	vmul.f32 v51, v1  }
0x1a6: {  	[tilespmem:s31+$0xA0] =	vst v10  }
0x1a7: {  	v52 =	vld [tilespmem:s31+$0x20];
	[tilespmem:s31+$0xB0] =	vst v61  }
0x1a8: {  	v42 =	vadd.f32 v42, v47;
	v3 =	vadd.f32 v3, v50;
	v1 =	vld [tilespmem:$0x1FF30]  }
0x1a9: {  	v63 =	vadd.f32 v63, v46;
	v56 =	vmul.f32 v9, v58;
	v0 =	vmul.f32 $2.000000030e-01, v60;
	v8 =	vld [tilespmem:$0x1FF40]  }
0x1aa: {  	v58 =	vmul.f32 v9, v53;
	v53 =	vld [tilespmem:s31+$0x30];
	v4 =	vadd.f32 v4, v7;
	v7 =	vmul.f32 $2.000000030e-01, v3  }
0x1ab: {  	v57 =	vmul.f32 v9, v57;
	v55 =	vmax.f32 v60, v0;
	v60 =	vmul.f32 $2.000000030e-01, v42;
	v0 =	vld [tilespmem:s0+$0x20]  }
0x1ac: {  	v3 =	vmax.f32 v3, v7;
	v7 =	vmul.f32 v55, v34;
	v55 =	vld [tilespmem:s31+$0x50];
	[tilespmem:s31+$0xD0] =	vst v56  }
0x1ad: {  	(xrf2) =	vadd.scan.msk.f32 $0xffff, v54;
	v54 =	vmul.f32 $2.000000030e-01, v63;
	v42 =	vmax.f32 v42, v60;
	v60 =	vld [tilespmem:s0+$0x30];
	[tilespmem:s31+$0xE0] =	vst v57  }
0x1ae: {  	v61 =	vmul.f32 v8, v1;
	v8 =	vmul.f32 v3, v1;
	v1 =	vld [tilespmem:$0x1FF50]  }
0x1af: {  	v5 =	vmul.f32 v5, v35;
	v9 =	vsel vm0, $0x0, v9;
	v6 =	vmax.f32 v63, v54;
	v54 =	vld [tilespmem:s31+$0x40]  }
0x1b0: {  	v9 =	vsel vm1, v51, v9;
	v0 =	vadd.f32 v0, v52;
	v2 =	vmul.f32 v59, v36;
	v51 =	vld [tilespmem:s0+$0x40]  }
0x1b1: {  	v59 =	vld [tilespmem:s0+$0x50];
	v10 =	vmul.f32 v42, v33  }
0x1b2: {  	v5 =	vadd.f32 v5, v2;
	v42 =	vadd.f32 v60, v53;
	v2 =	vmul.f32 $2.000000030e-01, v0;
	v60 =	vld [tilespmem:s31+$0x60];
	[tilespmem:s31+$0xF0] =	vst v58  }
0x1b3: {  	v63 =	vadd.f32 v4, v1;
	v1 =	vld [tilespmem:$0x1FF60]  }
0x1b4: {  	v7 =	vadd.f32 v10, v7;
	v10 =	vld [tilespmem:s0+$0x60];
	v0 =	vmax.f32 v0, v2  }
0x1b5: {  	v56 =	vmul.f32 $2.000000030e-01, v42;
	v3 =	vmul.f32 v0, v24;
	v0 =	vadd.f32 v51, v54  }
0x1b6: {  	v6 =	vmul.f32 v6, v22;
	v57 =	vadd.f32 v7, v5  }
0x1b7: {  	v5 =	vld [tilespmem:s0+$0x70];
	v51 =	vmax.f32 v42, v56;
	v42 =	vsel vm0, $0x0, v62;
	v7 =	vmul.f32 $2.000000030e-01, v0  }
0x1b8: {  	v58 =	vld [tilespmem:s0+$0xFFFFFF00];
	v2 =	vadd.f32 v8, v6;
	v4 =	vadd.f32 v59, v55;
	v8 =	vmul.f32 v48, v1  }
0x1b9: {  	s15 =	simm.s32 $0x480;
	s6 =	simm.s32 $0x3480;
	v56 =	vmul.f32 v51, v23;
	v6 =	vld [tilespmem:s31+$0x70];
	v62 =	vmax.f32 v0, v7;
	v7 =	vadd.f32 v10, v60;
	[tilespmem:s0+$0x80] =	vst v9;
	v9, _, _ =	vpop (xrf2)  }
0x1ba: {  	s12 =	simm.s32 $0x4;
	v51 =	vld [tilespmem:s31+$0xFFFFFF00];
	v59 =	vmul.f32 $1.442695020e+00, v9;
	(xrf2) =	vadd.scan.msk.f32 $0xffff, v63;
	[tilespmem:s2+$0xFFFFFF20] =	vst v8;
	v8 =	vmul.f32 $2.000000030e-01, v4  }
.LBB2_9:
0x1bb: {  	v10 =	vmul.f32 v62, v36  }
0x1bc: {  	v0 =	vld [tilespmem:$0x0];
	s31 =	sadd.s32 $0x200, s31;
	v13 =	vmul.f32 v40, v13;
	v15 =	vmul.f32 v43, v15;
	(xrf2) =	vadd.scan.msk.f32 $0xffff, v57  }
0x1bd: {  	s0 =	sadd.s32 $0x200, s0;
	v24 =	vmovc v47;
	v47 =	vmul.f32 v44, v19;
	v9 =	vbroadcast v59, $0xF;
	v3 =	vadd.f32 v56, v3;
	v56 =	vld [tilespmem:s31+$0x80]  }
0x1be: {  	v4 =	vmax.f32 v4, v8;
	v8 =	vmul.f32 $2.000000030e-01, v7;
	v36 =	vld [tilespmem:s0+$0x80];
	v5 =	vadd.f32 v5, v6  }
0x1bf: {  	v57 =	vld [tilespmem:s31+$0x90];
	v4 =	vmul.f32 v4, v35;
	v2 =	vadd.f32 v3, v2;
	v58 =	vadd.f32 v58, v51  }
0x1c0: {  	v1 =	vmovc v49;
	v59 =	vld [tilespmem:s31+$0xA0];
	v3 =	vmax.f32 v7, v8;
	(erf) = vpow2.f32 v9;
	v7 =	vmul.f32 $2.000000030e-01, v5  }
0x1c1: {  	[tilespmem:$0x1FE60] =	vst v1;
	v62 =	vld [tilespmem:s31+$0xB0];
	v3 =	vmul.f32 v3, v34;
	v4 =	vadd.f32 v4, v10;
	v8 =	vmul.f32 $2.000000030e-01, v58  }
0x1c2: {  	v9 =	vld [tilespmem:s0+$0x90];
	v23 =	vmul.f32 v48, v11;
	v34 =	vmul.f32 v43, v14;
	(xrf2) =	vadd.scan.msk.f32 $0xffff, v2;
	v2 =	vmax.f32 v5, v7  }
0x1c3: {  	[tilespmem:s2+$0xFFFFFFF0] =	vst v13;
	v10 =	vld [tilespmem:s0+$0xA0];
	v7 =	vmul.f32 v40, v12;
	v8 =	vmax.f32 v58, v8;
	v58 =	vsel vm0, $0x0, v44  }
0x1c4: {  	[tilespmem:s2+$0x0] =	vst v15;
	v2 =	vmul.f32 v2, v33;
	v8 =	vmul.f32 v8, v22;
	v22 =	vmov v0;
	v0 =	vld [tilespmem:s0+$0xB0];
	v5, _, _ =	vpop (xrf2)  }
0x1c5: {  	[tilespmem:s2+$0x50] =	vst v47;
	v11 =	vmovc v32;
	v33 =	vmul.f32 v43, v17;
	v32 =	vsel vm1, v43, v58;
	v17 =	vmul.f32 $1.442695020e+00, v5;
	v5 =	vld [tilespmem:s31+$0xD0]  }
0x1c6: {  	[tilespmem:s2+$0xFFFFFFE0] =	vst v7;
	v7 =	vmul.f32 v43, v18;
	v43 =	vld [tilespmem:s0+$0xF0];
	v3 =	vadd.f32 v2, v3;
	v8 =	vadd.f32 v61, v8;
	v14, _, _ =	vpop (xrf2)  }
0x1c7: {  	[tilespmem:$0x1FE50] =	vst v11;
	v40 =	vmul.f32 v44, v16;
	v2 =	vld [tilespmem:s31+$0xC0];
	v1 =	vmul.f32 $1.442695020e+00, v14  }
0x1c8: {  	v61 =	vld [tilespmem:s0+$0xC0];
	[tilespmem:s30+$0xFFFFFF80] =	vst v41;
	v3 =	vadd.f32 v3, v4;
	v4 =	vadd.f32 v45, v8;
	v8 =	vbroadcast v17, $0xF  }
0x1c9: {  	v16 =	vsel vm1, v48, v42;
	v41 =	vpop (erf);
	[tilespmem:s2+$0x10] =	vst v7;
	v7 =	vld [tilespmem:s31+$0xE0];
	v45 =	vmul.f32 v44, v20;
	v44 =	vmul.f32 v44, v21  }
0x1ca: {  	[tilespmem:s2+$0xFFFFFF30] =	vst v23;
	v20 =	vld [tilespmem:s0+$0xD0];
	v11 =	vmul.f32 v41, v37;
	v63 =	vmul.f32 v41, v39;
	v39 =	vadd.f32 v36, v56  }
0x1cb: {  	[tilespmem:s30+$0xFFFFFF00] =	vst v16;
	v21 =	vld [tilespmem:s0+$0xE0];
	v12 =	vmul.f32 v41, v38;
	(xrf2) =	vadd.scan.msk.f32 $0xffff, v4;
	v4 =	vbroadcast v1, $0xF  }
0x1cc: {  	v23 =	vmovc v46;
	v9 =	vadd.f32 v9, v57;
	(erf) = vpow2.f32 v8;
	v8 =	vld [tilespmem:s31+$0xF0];
	[tilespmem:s15+$0xFFFFFF40] =	vst v11;
	v46 =	vmul.f32 $2.000000030e-01, v39  }
0x1cd: {  	[tilespmem:s2+$0x30] =	vst v34;
	(erf) = vpow2.f32 v4;
	v4 =	vld [tilespmem:$0x10]  }
0x1ce: {  	v58 =	vmul.f32 $2.000000030e-01, v9;
	v14, _, _ =	vpop (xrf2);
	[tilespmem:s15+$0xFFFFFF50] =	vst v12;
	v11 =	vmax.f32 v39, v46;
	v46 =	vld [tilespmem:s31+$0xFFFFFF10]  }
0x1cf: {  	v10 =	vadd.f32 v10, v59;
	v49 =	vmul.f32 $1.442695020e+00, v14;
	(xrf2) =	vadd.scan.msk.f32 $0xffff, v3;
	v3 =	vld [tilespmem:$0x20];
	[tilespmem:s15+$0xFFFFFF60] =	vst v63  }
0x1d0: {  	[tilespmem:s2+$0x40] =	vst v40;
	v9 =	vmax.f32 v9, v58;
	v0 =	vadd.f32 v0, v62;
	v48 =	vadd.f32 v61, v2;
	v63 =	vld [tilespmem:$0x30]  }
0x1d1: {  	v15 =	vmovc v53;
	[tilespmem:s2+$0x20] =	vst v33;
	v1 =	vmul.f32 $2.000000030e-01, v10;
	v38 =	vbroadcast v49, $0xF;
	v49 =	vadd.f32 v20, v5;
	v36 =	vld [tilespmem:$0x40]  }
0x1d2: {  	v17 =	vmovc v52;
	[tilespmem:s2+$0x60] =	vst v45;
	v52 =	vadd.f32 v21, v7;
	v21 =	vmovc v6;
	v6 =	vmul.f32 $2.000000030e-01, v0;
	v53 =	vmul.f32 $2.000000030e-01, v48;
	v35 =	vld [tilespmem:$0x50]  }
0x1d3: {  	v16 =	vmovc v54;
	[tilespmem:s2+$0x70] =	vst v44;
	v10 =	vmax.f32 v10, v1;
	v1 =	vmul.f32 v11, v22;
	v34 =	vld [tilespmem:$0x60];
	v54 =	vmul.f32 $2.000000030e-01, v49  }
0x1d4: {  	[tilespmem:s30+$0x0] =	vst v32;
	v20 =	vmovc v60;
	v33 =	vld [tilespmem:$0x70];
	v60 =	vmul.f32 $2.000000030e-01, v52;
	v43 =	vadd.f32 v43, v8;
	v0 =	vmax.f32 v0, v6  }
0x1d5: {  	v11 =	vld [tilespmem:s0+$0x0];
	v9 =	vmul.f32 v9, v4;
	v49 =	vmax.f32 v49, v54;
	v6 =	vmul.f32 v10, v3  }
0x1d6: {  	v19 =	vmovc v55;
	v47 =	vld [tilespmem:s0+$0xFFFFFF10];
	v10 =	vmax.f32 v48, v53;
	v53 =	vmul.f32 $2.000000030e-01, v43;
	v0 =	vmul.f32 v0, v63  }
0x1d7: {  	v18 =	vmovc v50;
	v45 =	vld [tilespmem:s0+$0xFFFFFF20];
	v54 =	vmax.f32 v52, v60;
	v9 =	vadd.f32 v9, v1;
	v10 =	vmul.f32 v10, v36  }
0x1d8: {  	v32 =	vld [tilespmem:s31+$0xFFFFFF30];
	v50 =	vpop (erf);
	v44 =	vmul.f32 v49, v35;
	v43 =	vmax.f32 v43, v53;
	v0 =	vadd.f32 v0, v6  }
0x1d9: {  	v42 =	vsel vm0, $0x0, v41;
	v48 =	vmul.f32 v54, v34;
	v61, _, _ =	vpop (xrf2);
	v6 =	vld [tilespmem:s31+$0xFFFFFF20];
	v43 =	vmul.f32 v43, v33  }
0x1da: {  	v25 =	vmul.f32 v41, v25;
	v37 =	vld [tilespmem:s31+$0xFFFFFF40];
	v26 =	vmul.f32 v50, v26;
	v40 =	vpop (erf);
	v0 =	vadd.f32 v0, v9  }
0x1db: {  	v55, _, _ =	vpop (xrf2);
	v10 =	vadd.f32 v44, v10;
	v9 =	vmul.f32 $1.442695020e+00, v61;
	v61 =	vld [tilespmem:s0+$0xFFFFFF30];
	v43 =	vadd.f32 v43, v48  }
0x1dc: {  	v49 =	vld [tilespmem:s0+$0xFFFFFF40];
	(erf) = vpow2.f32 v38;
	v39 =	vsel vm0, $0x0, v40;
	v60 =	vmul.f32 $1.442695020e+00, v55;
	(xrf2) =	vadd.scan.msk.f32 $0xffff, v0  }
0x1dd: {  	s2 =	smov.u32 s15;
	v58 =	vld [tilespmem:s0+$0xFFFFFF00];
	v0 =	vadd.f32 v47, v46;
	v9 =	vbroadcast v9, $0xF;
	v10 =	vadd.f32 v43, v10  }
0x1de: {  	v38 =	vld [tilespmem:s31+$0xFFFFFF50];
	[tilespmem:s2+$0xFFFFFF80] =	vst v26;
	v26 =	vmul.f32 v50, v28;
	v48 =	vbroadcast v60, $0xF;
	v45 =	vadd.f32 v45, v6  }
0x1df: {  	v41 =	vsel vm1, v50, v39;
	v53 =	vmul.f32 $2.000000030e-01, v0;
	(erf) = vpow2.f32 v9;
	v9 =	vld [tilespmem:s0+$0xFFFFFF50];
	(xrf2) =	vadd.scan.msk.f32 $0xffff, v10  }
0x1e0: {  	v39 =	vld [tilespmem:s31+$0xFFFFFF60];
	v10 =	vmul.f32 v50, v27;
	[tilespmem:s2+$0xFFFFFF70] =	vst v25;
	v27 =	vmul.f32 $2.000000030e-01, v45;
	v54 =	vadd.f32 v61, v32  }
0x1e1: {  	v44 =	vadd.f32 v49, v37;
	(erf) = vpow2.f32 v48;
	v25 =	vld [tilespmem:s31+$0xFFFFFF70];
	v0 =	vmax.f32 v0, v53  }
0x1e2: {  	[tilespmem:s2+$0xFFFFFFA0] =	vst v26;
	v61 =	vmul.f32 v0, v4;
	v0 =	vld [tilespmem:s0+$0xFFFFFF60];
	v27 =	vmax.f32 v45, v27;
	v28 =	vmul.f32 $2.000000030e-01, v54  }
0x1e3: {  	v47 =	vld [tilespmem:s0+$0xFFFFFF70];
	[tilespmem:s2+$0xFFFFFF90] =	vst v10;
	v10 =	vmul.f32 v27, v3;
	v27 =	vmul.f32 v50, v29  }
0x1e4: {  	v26 =	vld [tilespmem:s31+$0xFFFFFF80];
	v29 =	vmul.f32 $2.000000030e-01, v44;
	v28 =	vmax.f32 v54, v28;
	v9 =	vadd.f32 v9, v38  }
0x1e5: {  	v49 =	vld [tilespmem:s0+$0xFFFFFF80];
	v28 =	vmul.f32 v28, v63;
	[tilespmem:s2+$0xFFFFFFB0] =	vst v27  }
0x1e6: {  	v30 =	vmul.f32 v40, v30;
	v29 =	vmax.f32 v44, v29;
	v50 =	vmul.f32 $2.000000030e-01, v9;
	v27 =	vld [tilespmem:s31+$0xFFFFFF90];
	v55, _, _ =	vpop (xrf2)  }
0x1e7: {  	v0 =	vadd.f32 v0, v39;
	v45 =	vadd.f32 v28, v10;
	v10 =	vld [tilespmem:s0+$0xFFFFFF90];
	v60 =	vmul.f32 $1.442695020e+00, v55  }
0x1e8: {  	v1 =	vld [tilespmem:$0x1FE70];
	v43 =	vpop (erf);
	v53 =	vmul.f32 v29, v36;
	[tilespmem:s2+$0xFFFFFFC0] =	vst v30;
	v30 =	vmul.f32 v40, v31  }
0x1e9: {  	v48 =	vpop (erf);
	v28 =	vld [tilespmem:s31+$0xFFFFFFA0];
	v9 =	vmax.f32 v9, v50;
	v31 =	vmul.f32 $2.000000030e-01, v0;
	v52 =	vbroadcast v60, $0xF  }
0x1ea: {  	v47 =	vadd.f32 v47, v25;
	v50 =	vld [tilespmem:s0+$0xFFFFFFA0];
	v54, _, _ =	vpop (xrf2);
	[tilespmem:s2+$0xFFFFFFD0] =	vst v30;
	v9 =	vmul.f32 v9, v35;
	v60 =	vmul.f32 v48, v51  }
0x1eb: {  	v49 =	vadd.f32 v49, v26;
	v44 =	vpop (erf);
	v29 =	vld [tilespmem:s31+$0xFFFFFFB0];
	v54 =	vmul.f32 $1.442695020e+00, v54;
	(erf) = vpow2.f32 v52  }
0x1ec: {  	v30 =	vld [tilespmem:s31+$0xFFFFFFC0];
	v0 =	vmax.f32 v0, v31;
	v31 =	vmul.f32 $2.000000030e-01, v47;
	v10 =	vadd.f32 v10, v27  }
0x1ed: {  	v9 =	vadd.f32 v9, v53;
	v52 =	vld [tilespmem:s0+$0xFFFFFFB0];
	[tilespmem:s2+$0xFFFFFF00] =	vst v60;
	v60 =	vmul.f32 $2.000000030e-01, v49;
	v54 =	vbroadcast v54, $0xF  }
0x1ee: {  	v53 =	vld [tilespmem:s0+$0xFFFFFFC0];
	v0 =	vmul.f32 v0, v34;
	v47 =	vmax.f32 v47, v31;
	v55 =	vmul.f32 $2.000000030e-01, v10  }
0x1ef: {  	v50 =	vadd.f32 v50, v28;
	v31 =	vld [tilespmem:s31+$0xFFFFFFD0];
	(erf) = vpow2.f32 v54;
	v47 =	vmul.f32 v47, v33  }
0x1f0: {  	v51 =	vmax.f32 v49, v60;
	v54 =	vld [tilespmem:s0+$0xFFFFFFD0];
	v60 =	vmul.f32 v48, v1  }
0x1f1: {  	v1 =	vmovc v46;
	v49 =	vld [tilespmem:s31+$0xFFFFFFE0];
	v46 =	vmul.f32 $2.000000030e-01, v50;
	v10 =	vmax.f32 v10, v55;
	v0 =	vadd.f32 v47, v0  }
0x1f2: {  	[tilespmem:$0x1FE70] =	vst v1;
	v1 =	vmul.f32 v51, v22;
	v47 =	vld [tilespmem:s31+$0xFFFFFFF0];
	v52 =	vadd.f32 v52, v29;
	v10 =	vmul.f32 v10, v4  }
0x1f3: {  	[tilespmem:s2+$0xFFFFFF10] =	vst v60;
	v53 =	vadd.f32 v53, v30;
	v60 =	vld [tilespmem:s0+$0xFFFFFFF0];
	v46 =	vmax.f32 v50, v46;
	v0 =	vadd.f32 v0, v9  }
0x1f4: {  	v55 =	vld [tilespmem:s0+$0xFFFFFFE0];
	v9 =	vmul.f32 v46, v3;
	v50 =	vmul.f32 $2.000000030e-01, v52;
	v10 =	vadd.f32 v10, v1;
	v51 =	vpop (erf)  }
0x1f5: {  	v13 =	vmovc v6;
	v46 =	vld [tilespmem:s31+$0x0];
	v1 =	vmul.f32 $2.000000030e-01, v53;
	v54 =	vadd.f32 v54, v31;
	v56 =	vmul.f32 v51, v56  }
0x1f6: {  	(xrf2) =	vadd.scan.msk.f32 $0xffff, v0;
	v0 =	vld [tilespmem:$0x1FE80];
	[tilespmem:$0x1FE80] =	vst v13;
	v52 =	vmax.f32 v52, v50;
	v14 =	vmul.f32 v51, v57  }
0x1f7: {  	v12 =	vmul.f32 $2.000000030e-01, v54;
	v50 =	vld [tilespmem:s31+$0x10];
	v1 =	vmax.f32 v53, v1;
	v53 =	vmul.f32 v51, v62;
	[tilespmem:s31+$0x80] =	vst v56  }
0x1f8: {  	v60 =	vadd.f32 v60, v47;
	v6 =	vmul.f32 v52, v63;
	v52 =	vld [tilespmem:s31+$0x20];
	v57 =	vpop (erf);
	v56 =	vmul.f32 v51, v59;
	[tilespmem:s31+$0x90] =	vst v14  }
0x1f9: {  	v55 =	vadd.f32 v55, v49;
	v1 =	vmul.f32 v1, v36;
	v59 =	vld [tilespmem:s0+$0x10];
	v2 =	vmul.f32 v57, v2;
	[tilespmem:s31+$0xB0] =	vst v53  }
0x1fa: {  	v12 =	vmax.f32 v54, v12;
	v13 =	vmul.f32 $2.000000030e-01, v60;
	v54 =	vld [tilespmem:s31+$0x40];
	v5 =	vmul.f32 v57, v5;
	[tilespmem:s31+$0xA0] =	vst v56  }
0x1fb: {  	v62 =	vmul.f32 $2.000000030e-01, v55;
	v11 =	vadd.f32 v11, v46;
	v56 =	vld [tilespmem:s0+$0x20];
	[tilespmem:s31+$0xC0] =	vst v2;
	v2 =	vmul.f32 v57, v7  }
0x1fc: {  	v53 =	vld [tilespmem:s31+$0x30];
	v0 =	vmul.f32 v48, v0;
	v13 =	vmax.f32 v60, v13;
	[tilespmem:s31+$0xD0] =	vst v5;
	v5 =	vmul.f32 v57, v8  }
0x1fd: {  	v7 =	vmul.f32 v12, v35;
	v12 =	vmax.f32 v55, v62;
	v62 =	vld [tilespmem:s0+$0x30];
	[tilespmem:s31+$0xE0] =	vst v2;
	v2 =	vsel vm0, $0x0, v57  }
0x1fe: {  	v60 =	vld [tilespmem:s31+$0x60];
	v8 =	vmul.f32 $2.000000030e-01, v11;
	[tilespmem:s31+$0xF0] =	vst v5;
	v59 =	vadd.f32 v59, v50;
	v2 =	vsel vm1, v51, v2  }
0x1ff: {  	v12 =	vmul.f32 v12, v34;
	v57 =	vld [tilespmem:s0+$0x40];
	[tilespmem:s0+$0x80] =	vst v2;
	v2 =	vmul.f32 v13, v33  }
0x200: {  	v55 =	vld [tilespmem:s31+$0x50];
	v5 =	vmax.f32 v11, v8;
	v8 =	vmul.f32 $2.000000030e-01, v59;
	v11 =	vadd.f32 v56, v52  }
0x201: {  	v1 =	vadd.f32 v7, v1;
	v13 =	vmul.f32 v5, v22;
	v56 =	vld [tilespmem:s0+$0x50];
	v7 =	vadd.f32 v2, v12  }
0x202: {  	s12 =	sadd.s32 $0x4, s12;
	[tilespmem:s2+$0xFFFFFF20] =	vst v0;
	v12 =	vld [tilespmem:s0+$0x60];
	v0 =	vmax.f32 v59, v8;
	v5 =	vmul.f32 $2.000000030e-01, v11;
	v8 =	vadd.f32 v62, v53  }
0x203: {  	p2 =	slt.u32 s12, $0x5C;
	v9 =	vadd.f32 v6, v9;
	v0 =	vmul.f32 v0, v4  }
.Ltmp3:
0x204: {  	v6 =	vld [tilespmem:s31+$0x70];
	v2 =	vmax.f32 v11, v5;
	v4 =	vmul.f32 $2.000000030e-01, v8;
	v11 =	vadd.f32 v57, v54;
	(pc) =	sbr.rel @p2 .LBB2_9-.Ltmp3, $4  }
0x205: {  	v9 =	vadd.f32 v9, v10;
	v51 =	vld [tilespmem:s31+$0xFFFFFF00];
	v3 =	vmul.f32 v2, v3;
	v2 =	vadd.f32 v0, v13  }
0x206: {  	v14, _, _ =	vpop (xrf2);
	v5 =	vld [tilespmem:s0+$0x70];
	v0 =	vmax.f32 v8, v4;
	v8 =	vmul.f32 $2.000000030e-01, v11;
	v4 =	vadd.f32 v56, v55  }
0x207: {  	(xrf2) =	vadd.scan.msk.f32 $0xffff, v9;
	v59 =	vmul.f32 $1.442695020e+00, v14;
	v14 =	vmovc v15;
	v57 =	vadd.f32 v7, v1;
	v7 =	vadd.f32 v12, v60;
	v12 =	vld [tilespmem:$0x1FE60]  }
0x208: {  	s30 =	smov.u32 s6;
	s6 =	smov.u32 s0;
	s15 =	smov.u32 s31;
	v15 =	vmovc v23;
	v13 =	vmovc v24;
	v56 =	vmul.f32 v0, v63;
	v62 =	vmax.f32 v11, v8;
	v11 =	vld [tilespmem:$0x1FE50];
	v8 =	vmul.f32 $2.000000030e-01, v4  }
0x209: {  	_ = 	snop  }
0x20a: {  	v0 =	vadd.f32 v58, v51;
	_ =	sdelay $0x1  }
0x20b: {  	(xrf2) =	vadd.scan.msk.f32 $0xffff, v57;
	v1 =	vmul.f32 $2.000000030e-01, v0  }
0x20c: {  	v58 =	vbroadcast v59, $0xF  }
0x20d: {  	v23 =	vmul.f32 v40, v13;
	v0 =	vmax.f32 v0, v1  }
0x20e: {  	v4 =	vmax.f32 v4, v8;
	(erf) = vpow2.f32 v58;
	v0 =	vmul.f32 v0, v22  }
0x20f: {  	v56 =	vadd.f32 v56, v3;
	v4 =	vmul.f32 v4, v35;
	v35 =	vmul.f32 v43, v18  }
0x210: {  	[tilespmem:s2+$0xFFFFFFF0] =	vst v23;
	v18 =	vmul.f32 v44, v20;
	v0 =	vadd.f32 v61, v0  }
0x211: {  	v59 =	vmul.f32 v62, v36;
	[tilespmem:s2+$0x10] =	vst v35;
	v1 =	vadd.f32 v56, v2  }
0x212: {  	v62 =	vmul.f32 $2.000000030e-01, v7;
	v63 =	vmul.f32 v48, v11;
	[tilespmem:s2+$0x60] =	vst v18;
	v9, _, _ =	vpop (xrf2);
	v0 =	vadd.f32 v45, v0  }
0x213: {  	v22 =	vmul.f32 v40, v12;
	(xrf2) =	vadd.scan.msk.f32 $0xffff, v1;
	v61 =	vadd.f32 v5, v6;
	v24 =	vmul.f32 $1.442695020e+00, v9  }
0x214: {  	[tilespmem:s2+$0xFFFFFF30] =	vst v63;
	v40 =	vmul.f32 v43, v17;
	v12 =	vmul.f32 v43, v14;
	(xrf2) =	vadd.scan.msk.f32 $0xffff, v0  }
0x215: {  	[tilespmem:s2+$0xFFFFFFE0] =	vst v22;
	v5 =	vmul.f32 $2.000000030e-01, v61;
	v36, _, _ =	vpop (xrf2);
	v3 =	vbroadcast v24, $0xF  }
0x216: {  	v56 =	vsel vm1, v48, v42;
	v17 =	vmul.f32 v44, v19;
	[tilespmem:s30+$0xFFFFFF80] =	vst v41;
	v41 =	vmul.f32 $1.442695020e+00, v36  }
0x217: {  	[tilespmem:s30+$0xFFFFFF00] =	vst v56;
	v0 =	vmax.f32 v7, v62;
	v2 =	vmax.f32 v61, v5;
	v45 =	vpop (erf);
	(erf) = vpow2.f32 v3  }
0x218: {  	[tilespmem:s2+$0x20] =	vst v40;
	v0 =	vmul.f32 v0, v34;
	v2 =	vmul.f32 v2, v33  }
0x219: {  	v19 =	vmul.f32 v44, v21;
	[tilespmem:s2+$0x30] =	vst v12;
	v5 =	vbroadcast v41, $0xF  }
0x21a: {  	v1 =	vadd.f32 v4, v59;
	[tilespmem:s2+$0x50] =	vst v17;
	v34 =	vmul.f32 v43, v15;
	v0 =	vadd.f32 v2, v0  }
0x21b: {  	[tilespmem:s2+$0x70] =	vst v19;
	v57 =	vmul.f32 v45, v37;
	(erf) = vpow2.f32 v5  }
0x21c: {  	v58 =	vmul.f32 v45, v38;
	[tilespmem:s2+$0x0] =	vst v34;
	v0 =	vadd.f32 v0, v1  }
0x21d: {  	v61 =	vmul.f32 v45, v39;
	[tilespmem:s15+$0xFFFFFF40] =	vst v57;
	v59, _, _ =	vpop (xrf2)  }
0x21e: {  	v15 =	vmul.f32 v44, v16;
	[tilespmem:s15+$0xFFFFFF50] =	vst v58;
	v62 =	vmul.f32 $1.442695020e+00, v59;
	(xrf2) =	vadd.scan.msk.f32 $0xffff, v0;
	v63, _, _ =	vpop (xrf2)  }
0x21f: {  	v22 =	vmul.f32 v45, v25;
	[tilespmem:s15+$0xFFFFFF60] =	vst v61;
	v13 =	vmul.f32 $1.442695020e+00, v63  }
0x220: {  	v20 =	vsel vm0, $0x0, v44;
	[tilespmem:s2+$0x40] =	vst v15;
	v14 =	vbroadcast v62, $0xF;
	v21 =	vpop (erf)  }
0x221: {  	v2 =	vsel vm1, v43, v20;
	[tilespmem:s15+$0xFFFFFF70] =	vst v22;
	v23 =	vmul.f32 v21, v26;
	v16 =	vbroadcast v13, $0xF  }
0x222: {  	[tilespmem:s30+$0x0] =	vst v2;
	(erf) = vpow2.f32 v14;
	v24 =	vmul.f32 v21, v27  }
0x223: {  	v26 =	vmul.f32 v21, v28;
	[tilespmem:s15+$0xFFFFFF80] =	vst v23;
	(erf) = vpow2.f32 v16  }
0x224: {  	v28 =	vmul.f32 v21, v29;
	v25 =	vpop (erf);
	[tilespmem:s15+$0xFFFFFF90] =	vst v24  }
0x225: {  	[tilespmem:s15+$0xFFFFFFA0] =	vst v26;
	v30 =	vmul.f32 v25, v30  }
0x226: {  	[tilespmem:s15+$0xFFFFFFB0] =	vst v28;
	v33 =	vmul.f32 v25, v31  }
0x227: {  	[tilespmem:s15+$0xFFFFFFC0] =	vst v30  }
0x228: {  	[tilespmem:s15+$0xFFFFFFD0] =	vst v33;
	v27, _, _ =	vpop (xrf2)  }
0x229: {  	v3 =	vld [tilespmem:$0x1FE70];
	v4 =	vmul.f32 $1.442695020e+00, v27;
	_ =	sdelay $0x1  }
0x22a: {  	v29 =	vpop (erf);
	v4 =	vbroadcast v4, $0xF  }
0x22b: {  	v34 =	vpop (erf)  }
0x22c: {  	(erf) = vpow2.f32 v4;
	v35 =	vmul.f32 v34, v51  }
0x22d: {  	v3 =	vmul.f32 v34, v3  }
0x22e: {  	v37 =	vmul.f32 v34, v32;
	[tilespmem:s15+$0xFFFFFF00] =	vst v35  }
0x22f: {  	v38 =	vmul.f32 v25, v49;
	v36 =	vld [tilespmem:$0x1FE80];
	[tilespmem:s15+$0xFFFFFF10] =	vst v3  }
0x230: {  	v39 =	vmul.f32 v25, v47;
	[tilespmem:s15+$0xFFFFFF30] =	vst v37  }
0x231: {  	v40 =	vmul.f32 v29, v46;
	[tilespmem:s15+$0xFFFFFFE0] =	vst v38  }
0x232: {  	v41 =	vmul.f32 v29, v50;
	[tilespmem:s15+$0xFFFFFFF0] =	vst v39  }
0x233: {  	v43 =	vmul.f32 v29, v52;
	[tilespmem:s15+$0x0] =	vst v40  }
0x234: {  	v42 =	vsel vm0, $0x0, v45;
	v45 =	vmul.f32 v29, v53;
	[tilespmem:s15+$0x10] =	vst v41  }
0x235: {  	v1 =	vsel vm0, $0x0, v25;
	[tilespmem:s15+$0x20] =	vst v43;
	v44 =	vpop (erf)  }
0x236: {  	v0 =	vsel vm1, v21, v1;
	[tilespmem:s15+$0x30] =	vst v45;
	v46 =	vmul.f32 v44, v54  }
0x237: {  	[tilespmem:s6+$0xFFFFFF80] =	vst v0;
	v47 =	vmul.f32 v44, v55  }
0x238: {  	v48 =	vmul.f32 v44, v60;
	[tilespmem:s15+$0x40] =	vst v46  }
0x239: {  	v49 =	vmul.f32 v44, v6;
	[tilespmem:s15+$0x50] =	vst v47  }
0x23a: {  	v4 =	vmul.f32 v34, v36;
	[tilespmem:s15+$0x60] =	vst v48  }
0x23b: {  	v50 =	vsel vm0, $0x0, v44;
	[tilespmem:s15+$0x70] =	vst v49  }
0x23c: {  	v1 =	vsel vm1, v29, v50;
	[tilespmem:s15+$0xFFFFFF20] =	vst v4  }
0x23d: {  	v0 =	vsel vm1, v34, v42;
	[tilespmem:s6+$0x0] =	vst v1  }
0x23e: {  	[tilespmem:s6+$0xFFFFFF00] =	vst v0  }
0x23f: {  	[spmem:s3] =	stream.indirect.scatter.add.f32 [tilespmem:s24], [sflag:$0x3], $0x80, s21, s23, $0xb8;
	[tilespmem:$0x1F780] =	vst v63  }
0x240: {  	_ =	swait.ge [sflag:s19], $0x3000  }
0x241: {  	v51 =	vlaneseq.u32;
	[sflag:s19] =	ssyncset.done $0x0  }
0x242: {  	v0 =	vmul.u32 $0x80, v51;
	[sflag:s19] =	ssyncadd.s32 $0xFFFFD000  }
0x243: {  	v52 =	vld [tilespmem:$0x100];
	_ =	sdelay $0x4  }
0x244: {  	v53 =	vld.idx.msk [tilespmem:v0+s28+$0x0], $0xffff;
	v1 =	vshll.u32 v52, $0x1  }
0x245: {  	v54 =	vor.u32 $0x1, v0;
	_ =	sdelay $0x3  }
0x246: {  	[tilespmem:v1+s29+$0x0] =	vst.idx.add.f32.msk $0xffff, v53  }
0x247: {  	v1 =	vor.u32 $0x1, v1;
	v2 =	vld.idx.msk [tilespmem:v54+s28+$0x0], $0xffff;
	_ =	sdelay $0x4  }
0x248: {  	[tilespmem:v1+s29+$0x0] =	vst.idx.add.f32.msk $0xffff, v2  }
0x249: {  	v55 =	vor.u32 $0x800, v0;
	v1 =	vld [tilespmem:$0x110];
	_ =	sdelay $0x4  }
0x24a: {  	v2 =	vld.idx.msk [tilespmem:v55+s28+$0x0], $0xffff;
	v1 =	vshll.u32 v1, $0x1  }
0x24b: {  	v56 =	vor.u32 $0x801, v0;
	_ =	sdelay $0x3  }
0x24c: {  	[tilespmem:v1+s29+$0x0] =	vst.idx.add.f32.msk $0xffff, v2  }
0x24d: {  	v1 =	vor.u32 $0x1, v1;
	v2 =	vld.idx.msk [tilespmem:v56+s28+$0x0], $0xffff;
	_ =	sdelay $0x4  }
0x24e: {  	[tilespmem:v1+s29+$0x0] =	vst.idx.add.f32.msk $0xffff, v2  }
0x24f: {  	v57 =	vor.u32 $0x1000, v0;
	v1 =	vld [tilespmem:$0x120];
	_ =	sdelay $0x4  }
0x250: {  	v2 =	vld.idx.msk [tilespmem:v57+s28+$0x0], $0xffff;
	v1 =	vshll.u32 v1, $0x1  }
0x251: {  	v58 =	vor.u32 $0x1001, v0;
	_ =	sdelay $0x3  }
0x252: {  	[tilespmem:v1+s29+$0x0] =	vst.idx.add.f32.msk $0xffff, v2  }
0x253: {  	v1 =	vor.u32 $0x1, v1;
	v2 =	vld.idx.msk [tilespmem:v58+s28+$0x0], $0xffff;
	_ =	sdelay $0x4  }
0x254: {  	[tilespmem:v1+s29+$0x0] =	vst.idx.add.f32.msk $0xffff, v2  }
0x255: {  	v59 =	vor.u32 $0x1800, v0;
	v1 =	vld [tilespmem:$0x130];
	_ =	sdelay $0x4  }
0x256: {  	v2 =	vld.idx.msk [tilespmem:v59+s28+$0x0], $0xffff;
	v1 =	vshll.u32 v1, $0x1  }
0x257: {  	v60 =	vor.u32 $0x1801, v0;
	_ =	sdelay $0x3  }
0x258: {  	[tilespmem:v1+s29+$0x0] =	vst.idx.add.f32.msk $0xffff, v2  }
0x259: {  	v1 =	vor.u32 $0x1, v1;
	v2 =	vld.idx.msk [tilespmem:v60+s28+$0x0], $0xffff;
	_ =	sdelay $0x4  }
0x25a: {  	[tilespmem:v1+s29+$0x0] =	vst.idx.add.f32.msk $0xffff, v2  }
0x25b: {  	v61 =	vor.u32 $0x2000, v0;
	v1 =	vld [tilespmem:$0x140];
	_ =	sdelay $0x4  }
0x25c: {  	v2 =	vld.idx.msk [tilespmem:v61+s28+$0x0], $0xffff;
	v1 =	vshll.u32 v1, $0x1  }
0x25d: {  	v62 =	vor.u32 $0x2001, v0;
	_ =	sdelay $0x3  }
0x25e: {  	[tilespmem:v1+s29+$0x0] =	vst.idx.add.f32.msk $0xffff, v2  }
0x25f: {  	v1 =	vor.u32 $0x1, v1;
	v2 =	vld.idx.msk [tilespmem:v62+s28+$0x0], $0xffff;
	_ =	sdelay $0x4  }
0x260: {  	[tilespmem:v1+s29+$0x0] =	vst.idx.add.f32.msk $0xffff, v2  }
0x261: {  	v63 =	vor.u32 $0x2800, v0;
	v1 =	vld [tilespmem:$0x150];
	_ =	sdelay $0x4  }
0x262: {  	v2 =	vld.idx.msk [tilespmem:v63+s28+$0x0], $0xffff;
	v1 =	vshll.u32 v1, $0x1  }
0x263: {  	v0 =	vor.u32 $0x2801, v0;
	_ =	sdelay $0x3  }
0x264: {  	s17 =	sadd.s32 $0x1, s17;
	[tilespmem:v1+s29+$0x0] =	vst.idx.add.f32.msk $0xffff, v2  }
0x265: {  	p2 =	sne.s32 s17, $0x6C;
	v1 =	vor.u32 $0x1, v1;
	v0 =	vld.idx.msk [tilespmem:v0+s28+$0x0], $0xffff  }
.Ltmp4:
0x266: {  	_ = 	snop;
	(pc) =	sbr.rel @p2 .LBB2_8-.Ltmp4, $2  }
0x267: {  	_ =	sdelay $0x2  }
0x268: {  	[tilespmem:v1+s29+$0x0] =	vst.idx.add.f32.msk $0xffff, v0  }
0x269: {  	[bflag:$0x0] =	sbarrier.arrive $0xFFFF;
	s0 =	simm.s32 $0xB580  }
0x26a: {  	[spmem:s4] =	stream.indirect.scatter.add.f32 [tilespmem:s29], [sflag:$0x3], $0x80, s0, s20, $0xb8;
	[tilespmem:$0x1F780] =	vst v63  }
0x26b: {  	_ =	swait.ge [sflag:s19], $0x4000  }
0x26c: {  	s15 =	simm.s32 $0x20;
	[sflag:s19] =	ssyncset.done $0x0  }
0x26d: {  	s2 =	simm.s32 $0xB600;
	s6 =	simm.s32 $0xA580;
	[sflag:s19] =	ssyncadd.s32 $0xFFFFC000  }
0x26e: {  	[spmem:s4] =	stream.indirect.scatter.add.f32 [tilespmem:s6], [sflag:$0x3], $0x80, s2, s15, $0xb8;
	[tilespmem:$0x1F780] =	vst v63  }
0x26f: {  	_ =	swait.ge [sflag:s19], $0x1000  }
0x270: {  	[sflag:s19] =	ssyncset.done $0x0  }
0x271: {  	s17 =	stileid.u32;
	[sflag:s19] =	ssyncadd.s32 $0xFFFFF000  }
0x272: {  	s0 =	sshll.u32 s17, $0x6;
	[bflag:$0x0] =	sbarrier.arrive $0xFFFF  }
0x273: {  	s30 =	sshrl.u32 s10, $0x3;
	s0 =	sor.u32 $0x1C03, s0;
	s31 =	rddreg [dreg:$0x6]  }
0x274: {  	[hbm:s31], [sflag:s0] =	dma.local [spmem:s30], $0x2780  }
0x275: {  	_ =	swait.ge [sflag:s19], $0x2780  }
0x276: {  	s16 =	sadd.s32 $0x1, s16;
	[sflag:s19] =	ssyncset.done $0x0  }
0x277: {  	p2 =	sne.s32 s16, s14;
	[sflag:s19] =	ssyncadd.s32 $0xFFFFD880  }
0x278: {  	[hbm:s13], [sflag:s0] =	dma.local @!p1 [spmem:s25], $0x100  }
.Ltmp5:
0x279: {  	_ = 	snop;
	(pc) =	sbr.rel @p2 .LBB2_1-.Ltmp5, $4  }
0x27a: {  	s0 =	simm.s32 @!p1 $0x3  }
0x27b: {  	_ =	swait.ge @!p1 [sflag:s0], $0x100  }
0x27c: {  	[sflag:s0] =	ssyncset.done @!p1 $0x0  }
0x27d: {  	v1 =	vimm.f32 $0.0e+00;
	[sflag:s0] =	ssyncadd.s32 @!p1 $0xFFFFFF00  }
0x27e: {  	_ =	sfence.sel $0x180000  }
0x27f: {  	[bflag:$0x0] =	sbarrier.arrive $0xFFFF  }
0x280: {  	_ =	strace $0x90000047  }
0x281: {  	[bflag:$0x2] =	sbarrier.arrive $0xFFFF  }
0x282: {  	s0 =	rddreg [dreg:$0x5]  }
0x283: {  	s0 =	sadd.s32 @!p0 $0x100000, s0  }
0x284: {  	[sflag:s0] =	ssyncadd.tile.s32 @!p0 $0x1;
	_ =	shalt  }
.Lfunc_end2:
_tile_overlayer_lowered:
.L_overlay_start_2:
0x285: {  	(tag) =	ssettag $0x2  }
0x286: {  	s0 =	rddreg [dreg:$0x0];
	s2 =	stileid.u32  }
0x287: {  	s1 =	rddreg [dreg:$0x1];
	p0 =	sne.s32 s2, $0x0  }
0x288: {  	s3 =	rddreg [dreg:$0x2];
	[bflag:$0x3] =	sbarrier.arrive $0xFFFF;
	s2 =	simm.s32 @!p0 $0x1C03  }
0x289: {  	[timem:s3], [sflag:s2] =	dma.local @!p0 [hbm:s0], s1  }
0x28a: {  	s0 =	simm.s32 @!p0 $0x3  }
0x28b: {  	_ =	swait.ge @!p0 [sflag:s0], s1  }
0x28c: {  	s1 =	ssub.s32 @!p0 $0x0, s1;
	[sflag:s0] =	ssyncset.done @!p0 $0x0  }
0x28d: {  	[sflag:s0] =	ssyncadd.s32 @!p0 s1  }
0x28e: {  	[bflag:$0x3] =	sbarrier.arrive $0xFFFF  }
0x28f: {  	_ =	shalt  }

</sc_bundles>
